<compile_context>
chip_gen: v7x
topology: tpu7x:2x2x1
jax: 0.10.2.dev20260603
libtpu: 0.0.44.dev20260713+nightly
codegen_flags: <defaults>
</compile_context>

<pallas_src>
import functools

import jax
import jax.numpy as jnp
from jax import lax
from jax.experimental import pallas as pl
from jax.experimental.pallas import tpu as pltpu
from jax.experimental.pallas import tpu_sc as plsc

NC, NS = 2, 16
NW = NC * NS
BATCH, SEQ = 4096, 200
POS_DIM = 64
VOCAB = 50
B = BATCH * SEQ
BPW = B // NW
L = 16

_mesh = plsc.VectorSubcoreMesh(
    core_axis_name="c", subcore_axis_name="s", num_cores=NC, num_subcores=NS
)


@functools.partial(
    pl.kernel,
    out_type=jax.ShapeDtypeStruct((SEQ, 8, NW, 1024), jnp.float32),
    mesh=_mesh,
    scratch_types=[
        pltpu.VMEM((BPW,), jnp.int32),
        pltpu.VMEM((VOCAB * POS_DIM,), jnp.float32),
        pltpu.VMEM((POS_DIM * 64,), jnp.float32),
        pltpu.VMEM((128,), jnp.int32),
        [pltpu.VMEM((8 * 1024,), jnp.float32) for _ in range(2)],
        [pltpu.SemaphoreType.DMA for _ in range(2)],
    ],
    compiler_params=pltpu.CompilerParams(use_tc_tiling_on_sc=False,
                                         needs_layout_passes=False),
)
def _pos2vec(idx_hbm, tab_hbm, out_hbm, idx_v, tab_v, tabx_v, idxbuf,
             outv, sems):
    wid = lax.axis_index("s") * NC + lax.axis_index("c")

    pltpu.sync_copy(idx_hbm.at[pl.ds(wid * BPW, BPW)], idx_v)
    pltpu.sync_copy(tab_hbm, tab_v)

    lanes = jnp.arange(L, dtype=jnp.int32)
    for vv in range(4):
        vcl = jnp.minimum(lanes + vv * L, VOCAB - 1) * POS_DIM
        for k in range(POS_DIM):
            tabx_v[pl.ds(k * 64 + vv * L, L)] = plsc.load_gather(tab_v,
                                                                 [vcl + k])

    sbase = [(lanes + bbv * L) * SEQ for bbv in range(8)]

    def emit(s, p):
        sv = jnp.zeros((L,), jnp.int32) + s
        for bbv in range(8):
            idxbuf[pl.ds(bbv * L, L)] = plsc.load_gather(idx_v,
                                                         [sbase[bbv] + sv])

        @plsc.parallel_loop(0, 512, unroll=64)
        def _(j):
            iv = idxbuf[pl.ds((j & 7) * L, L)]
            g = plsc.load_gather(tabx_v, [iv + (j >> 3) * POS_DIM])
            outv[p][pl.ds(j * L, L)] = g

        for co in range(8):
            pltpu.async_copy(outv[p].at[pl.ds(co * 1024, 1024)],
                             out_hbm.at[s, co, wid], sems[p])

    def drain(p):
        for co in range(8):
            pltpu.make_async_copy(outv[p].at[pl.ds(co * 1024, 1024)],
                                  out_hbm.at[0, co, wid], sems[p]).wait()

    def body(s2, carry):
        for p in range(2):
            @pl.when(s2 >= 1)
            def _():
                drain(p)
            emit(2 * s2 + p, p)
        return carry

    lax.fori_loop(0, SEQ // 2, body, 0, unroll=False)
    drain(0)
    drain(1)


def kernel(indices, table):
    flat = indices.reshape(-1).astype(jnp.int32)
    t5 = _pos2vec(flat, table.reshape(-1))
    return (t5.reshape(SEQ, 8, NW, 8, 128)
              .transpose(2, 4, 0, 1, 3)
              .reshape(BATCH, SEQ, POS_DIM))

# --- scband reference (transcript-rebuilt; emitter-appended) ---
"""Pipeline reference for scband-pos2-vec-26714696581186 (READ-ONLY COPY).

The authoritative reference and input builder live on the scoring server;
editing this copy changes nothing except your own understanding.
"""

import jax, jax.numpy as jnp
import numpy as np

VOCAB = 50
POS_DIM = 64
BATCH = 4096
SEQ = 200

def setup_inputs(seed: int = 0) -> dict:
    key = jax.random.key(seed)
    k_idx, k_tab = jax.random.split(key)
    indices = jax.random.randint(k_idx, (BATCH, SEQ), 0, VOCAB, dtype=jnp.int64 if jax.config.jax_enable_x64 else jnp.int32)
    table = jax.random.normal(k_tab, (VOCAB, POS_DIM), dtype=jnp.float32)
    return {"indices": indices, "table": table}

def reference(indices, table):
    # Pos2Vec.forward: pad_sequence(indices).T -> [batch, seq]; embedding lookup; dropout (p=0.0 -> identity)
    out = jnp.take(table, indices, axis=0)  # [batch, seq, pos_dim]
    return out

if __name__ == "__main__":
    import jax
    _d = setup_inputs()
    print(jax.jit(kernel)(*tuple(_d.values())))

</pallas_src>

<mosaic_0001>
#map = affine_map<(d0, d1) -> (0)>
#map1 = affine_map<(d0, d1) -> (0, 0, 0, 0)>
module attributes {stable_mosaic.version = 14 : i64} {
  func.func @_pos2vec(%arg0: i32, %arg1: i32, %arg2: memref<819200xi32, #tpu.memory_space<hbm>>, %arg3: memref<3200xf32, #tpu.memory_space<hbm>>, %arg4: memref<200x8x32x1024xf32, #tpu.memory_space<hbm>>, %arg5: memref<25600xi32, #tpu.memory_space<vmem>>, %arg6: memref<3200xf32, #tpu.memory_space<vmem>>, %arg7: memref<4096xf32, #tpu.memory_space<vmem>>, %arg8: memref<128xi32, #tpu.memory_space<vmem>>, %arg9: memref<8192xf32, #tpu.memory_space<vmem>>, %arg10: memref<8192xf32, #tpu.memory_space<vmem>>, %arg11: memref<!tpu.dma_semaphore, #tpu.memory_space<semaphore_mem>>, %arg12: memref<!tpu.dma_semaphore, #tpu.memory_space<semaphore_mem>>) attributes {dimension_semantics = [#tpu.dimension_semantics<core_parallel>, #tpu.dimension_semantics<subcore_parallel>], iteration_bounds = array<i64: 2, 16>, scalar_prefetch = 0 : i64, scratch_operands = 8 : i64, tpu.core_type = #tpu.core_type<sc_vector_subcore>, window_params = [{transform_indices = #map}, {transform_indices = #map}, {transform_indices = #map1}]} {
    %mul3A = arith.constant 2 : i32
    %mul3A_0 = arith.muli %arg1, %mul3A : i32
    %add3A = arith.addi %mul3A_0, %arg0 : i32
    %mul3A_1 = arith.constant 25600 : i32
    %mul3A_2 = arith.muli %add3A, %mul3A_1 : i32
    "tpu.region"() ({
      %run_scoped3A = tpu.sem_alloc : memref<!tpu.dma_semaphore, #tpu.memory_space<semaphore_mem>>
      %dma_start3A = tpu.memref_slice %arg2[%mul3A_2] : memref<819200xi32, #tpu.memory_space<hbm>> -> memref<25600xi32, #tpu.memory_space<hbm>>
      %dma_start3A_1816 = tpu.memref_slice %arg2[%mul3A_2] : memref<819200xi32, #tpu.memory_space<hbm>> -> memref<25600xi32, #tpu.memory_space<hbm>>
      tpu.enqueue_dma source(%dma_start3A_1816 : memref<25600xi32, #tpu.memory_space<hbm>>) target(%arg5 : memref<25600xi32, #tpu.memory_space<vmem>>) target_semaphore(%run_scoped3A : memref<!tpu.dma_semaphore, #tpu.memory_space<semaphore_mem>>)
      %dma_wait3A_1817 = tpu.memref_slice %arg2[%mul3A_2] : memref<819200xi32, #tpu.memory_space<hbm>> -> memref<25600xi32, #tpu.memory_space<hbm>>
      %dma_wait3A_1818 = tpu.memref_slice %arg2[%mul3A_2] : memref<819200xi32, #tpu.memory_space<hbm>> -> memref<25600xi32, #tpu.memory_space<hbm>>
      tpu.wait_dma2 semaphore(%run_scoped3A : memref<!tpu.dma_semaphore, #tpu.memory_space<semaphore_mem>>) src(%dma_wait3A_1818 : memref<25600xi32, #tpu.memory_space<hbm>>) dst(%arg5 : memref<25600xi32, #tpu.memory_space<vmem>>)
      tpu.yield
    }) : () -> ()
    "tpu.region"() ({
      %run_scoped3A = tpu.sem_alloc : memref<!tpu.dma_semaphore, #tpu.memory_space<semaphore_mem>>
      tpu.enqueue_dma source(%arg3 : memref<3200xf32, #tpu.memory_space<hbm>>) target(%arg6 : memref<3200xf32, #tpu.memory_space<vmem>>) target_semaphore(%run_scoped3A : memref<!tpu.dma_semaphore, #tpu.memory_space<semaphore_mem>>)
      tpu.wait_dma2 semaphore(%run_scoped3A : memref<!tpu.dma_semaphore, #tpu.memory_space<semaphore_mem>>) src(%arg3 : memref<3200xf32, #tpu.memory_space<hbm>>) dst(%arg6 : memref<3200xf32, #tpu.memory_space<vmem>>)
      tpu.yield
    }) : () -> ()
    %iota3A = tpu.iota {dimensions = array<i32: 0>} : vector<16xi32>
    %add3A_3 = arith.constant 0 : i32
    %add3A_4 = vector.broadcast %add3A_3 : i32 to vector<16xi32>
    %add3A_5 = arith.addi %iota3A, %add3A_4 : vector<16xi32>
    %min3A = arith.constant 49 : i32
    %min3A_6 = vector.broadcast %min3A : i32 to vector<16xi32>
    %min3A_7 = arith.minsi %add3A_5, %min3A_6 : vector<16xi32>
    %mul3A_8 = arith.constant 64 : i32
    %mul3A_9 = vector.broadcast %mul3A_8 : i32 to vector<16xi32>
    %mul3A_10 = arith.muli %min3A_7, %mul3A_9 : vector<16xi32>
    %add3A_11 = arith.constant 0 : i32
    %add3A_12 = vector.broadcast %add3A_11 : i32 to vector<16xi32>
    %add3A_13 = arith.addi %mul3A_10, %add3A_12 : vector<16xi32>
    %gather3A = tpu.vector_load_idx %arg6[%add3A_13] : memref<3200xf32, #tpu.memory_space<vmem>>[vector<16xi32>], vector<16xf32>,
    %swap3A = arith.constant 0 : index
    %swap3A_14 = tpu.vector_load %arg7[%swap3A] {strides = array<i32>} : memref<4096xf32, #tpu.memory_space<vmem>>, vector<16xf32>,
    tpu.vector_store %arg7[%swap3A], %gather3A {strides = array<i32>} : memref<4096xf32, #tpu.memory_space<vmem>>, vector<16xf32>,
    %add3A_15 = arith.constant 1 : i32
    %add3A_16 = vector.broadcast %add3A_15 : i32 to vector<16xi32>
    %add3A_17 = arith.addi %mul3A_10, %add3A_16 : vector<16xi32>
    %gather3A_18 = tpu.vector_load_idx %arg6[%add3A_17] : memref<3200xf32, #tpu.memory_space<vmem>>[vector<16xi32>], vector<16xf32>,
    %swap3A_19 = arith.constant 64 : index
    %swap3A_20 = tpu.vector_load %arg7[%swap3A_19] {strides = array<i32>} : memref<4096xf32, #tpu.memory_space<vmem>>, vector<16xf32>,
    tpu.vector_store %arg7[%swap3A_19], %gather3A_18 {strides = array<i32>} : memref<4096xf32, #tpu.memory_space<vmem>>, vector<16xf32>,
    %add3A_21 = arith.constant 2 : i32
    %add3A_22 = vector.broadcast %add3A_21 : i32 to vector<16xi32>
    %add3A_23 = arith.addi %mul3A_10, %add3A_22 : vector<16xi32>
    %gather3A_24 = tpu.vector_load_idx %arg6[%add3A_23] : memref<3200xf32, #tpu.memory_space<vmem>>[vector<16xi32>], vector<16xf32>,
    %swap3A_25 = arith.constant 128 : index
    %swap3A_26 = tpu.vector_load %arg7[%swap3A_25] {strides = array<i32>} : memref<4096xf32, #tpu.memory_space<vmem>>, vector<16xf32>,
    tpu.vector_store %arg7[%swap3A_25], %gather3A_24 {strides = array<i32>} : memref<4096xf32, #tpu.memory_space<vmem>>, vector<16xf32>,
    %add3A_27 = arith.constant 3 : i32
    %add3A_28 = vector.broadcast %add3A_27 : i32 to vector<16xi32>
    %add3A_29 = arith.addi %mul3A_10, %add3A_28 : vector<16xi32>
    %gather3A_30 = tpu.vector_load_idx %arg6[%add3A_29] : memref<3200xf32, #tpu.memory_space<vmem>>[vector<16xi32>], vector<16xf32>,
    %swap3A_31 = arith.constant 192 : index
    %swap3A_32 = tpu.vector_load %arg7[%swap3A_31] {strides = array<i32>} : memref<4096xf32, #tpu.memory_space<vmem>>, vector<16xf32>,
    tpu.vector_store %arg7[%swap3A_31], %gather3A_30 {strides = array<i32>} : memref<4096xf32, #tpu.memory_space<vmem>>, vector<16xf32>,
    %add3A_33 = arith.constant 4 : i32
    %add3A_34 = vector.broadcast %add3A_33 : i32 to vector<16xi32>
    %add3A_35 = arith.addi %mul3A_10, %add3A_34 : vector<16xi32>
    %gather3A_36 = tpu.vector_load_idx %arg6[%add3A_35] : memref<3200xf32, #tpu.memory_space<vmem>>[vector<16xi32>], vector<16xf32>,
    %swap3A_37 = arith.constant 256 : index
    %swap3A_38 = tpu.vector_load %arg7[%swap3A_37] {strides = array<i32>} : memref<4096xf32, #tpu.memory_space<vmem>>, vector<16xf32>,
    tpu.vector_store %arg7[%swap3A_37], %gather3A_36 {strides = array<i32>} : memref<4096xf32, #tpu.memory_space<vmem>>, vector<16xf32>,
    %add3A_39 = arith.constant 5 : i32
    %add3A_40 = vector.broadcast %add3A_39 : i32 to vector<16xi32>
    %add3A_41 = arith.addi %mul3A_10, %add3A_40 : vector<16xi32>
    %gather3A_42 = tpu.vector_load_idx %arg6[%add3A_41] : memref<3200xf32, #tpu.memory_space<vmem>>[vector<16xi32>], vector<16xf32>,
    %swap3A_43 = arith.constant 320 : index
    %swap3A_44 = tpu.vector_load %arg7[%swap3A_43] {strides = array<i32>} : memref<4096xf32, #tpu.memory_space<vmem>>, vector<16xf32>,
    tpu.vector_store %arg7[%swap3A_43], %gather3A_42 {strides = array<i32>} : memref<4096xf32, #tpu.memory_space<vmem>>, vector<16xf32>,
    %add3A_45 = arith.constant 6 : i32
    %add3A_46 = vector.broadcast %add3A_45 : i32 to vector<16xi32>
    %add3A_47 = arith.addi %mul3A_10, %add3A_46 : vector<16xi32>
    %gather3A_48 = tpu.vector_load_idx %arg6[%add3A_47] : memref<3200xf32, #tpu.memory_space<vmem>>[vector<16xi32>], vector<16xf32>,
    %swap3A_49 = arith.constant 384 : index
    %swap3A_50 = tpu.vector_load %arg7[%swap3A_49] {strides = array<i32>} : memref<4096xf32, #tpu.memory_space<vmem>>, vector<16xf32>,
    tpu.vector_store %arg7[%swap3A_49], %gather3A_48 {strides = array<i32>} : memref<4096xf32, #tpu.memory_space<vmem>>, vector<16xf32>,
    %add3A_51 = arith.constant 7 : i32
    %add3A_52 = vector.broadcast %add3A_51 : i32 to vector<16xi32>
    %add3A_53 = arith.addi %mul3A_10, %add3A_52 : vector<16xi32>
    %gather3A_54 = tpu.vector_load_idx %arg6[%add3A_53] : memref<3200xf32, #tpu.memory_space<vmem>>[vector<16xi32>], vector<16xf32>,
    %swap3A_55 = arith.constant 448 : index
    %swap3A_56 = tpu.vector_load %arg7[%swap3A_55] {strides = array<i32>} : memref<4096xf32, #tpu.memory_space<vmem>>, vector<16xf32>,
    tpu.vector_store %arg7[%swap3A_55], %gather3A_54 {strides = array<i32>} : memref<4096xf32, #tpu.memory_space<vmem>>, vector<16xf32>,
    %add3A_57 = arith.constant 8 : i32
    %add3A_58 = vector.broadcast %add3A_57 : i32 to vector<16xi32>
    %add3A_59 = arith.addi %mul3A_10, %add3A_58 : vector<16xi32>
    %gather3A_60 = tpu.vector_load_idx %arg6[%add3A_59] : memref<3200xf32, #tpu.memory_space<vmem>>[vector<16xi32>], vector<16xf32>,
    %swap3A_61 = arith.constant 512 : index
    %swap3A_62 = tpu.vector_load %arg7[%swap3A_61] {strides = array<i32>} : memref<4096xf32, #tpu.memory_space<vmem>>, vector<16xf32>,
    tpu.vector_store %arg7[%swap3A_61], %gather3A_60 {strides = array<i32>} : memref<4096xf32, #tpu.memory_space<vmem>>, vector<16xf32>,
    %add3A_63 = arith.constant 9 : i32
    %add3A_64 = vector.broadcast %add3A_63 : i32 to vector<16xi32>
    %add3A_65 = arith.addi %mul3A_10, %add3A_64 : vector<16xi32>
    %gather3A_66 = tpu.vector_load_idx %arg6[%add3A_65] : memref<3200xf32, #tpu.memory_space<vmem>>[vector<16xi32>], vector<16xf32>,
    %swap3A_67 = arith.constant 576 : index
    %swap3A_68 = tpu.vector_load %arg7[%swap3A_67] {strides = array<i32>} : memref<4096xf32, #tpu.memory_space<vmem>>, vector<16xf32>,
    tpu.vector_store %arg7[%swap3A_67], %gather3A_66 {strides = array<i32>} : memref<4096xf32, #tpu.memory_space<vmem>>, vector<16xf32>,
    %add3A_69 = arith.constant 10 : i32
    %add3A_70 = vector.broadcast %add3A_69 : i32 to vector<16xi32>
    %add3A_71 = arith.addi %mul3A_10, %add3A_70 : vector<16xi32>
    %gather3A_72 = tpu.vector_load_idx %arg6[%add3A_71] : memref<3200xf32, #tpu.memory_space<vmem>>[vector<16xi32>], vector<16xf32>,
    %swap3A_73 = arith.constant 640 : index
    %swap3A_74 = tpu.vector_load %arg7[%swap3A_73] {strides = array<i32>} : memref<4096xf32, #tpu.memory_space<vmem>>, vector<16xf32>,
    tpu.vector_store %arg7[%swap3A_73], %gather3A_72 {strides = array<i32>} : memref<4096xf32, #tpu.memory_space<vmem>>, vector<16xf32>,
    %add3A_75 = arith.constant 11 : i32
    %add3A_76 = vector.broadcast %add3A_75 : i32 to vector<16xi32>
    %add3A_77 = arith.addi %mul3A_10, %add3A_76 : vector<16xi32>
    %gather3A_78 = tpu.vector_load_idx %arg6[%add3A_77] : memref<3200xf32, #tpu.memory_space<vmem>>[vector<16xi32>], vector<16xf32>,
    %swap3A_79 = arith.constant 704 : index
    %swap3A_80 = tpu.vector_load %arg7[%swap3A_79] {strides = array<i32>} : memref<4096xf32, #tpu.memory_space<vmem>>, vector<16xf32>,
    tpu.vector_store %arg7[%swap3A_79], %gather3A_78 {strides = array<i32>} : memref<4096xf32, #tpu.memory_space<vmem>>, vector<16xf32>,
    %add3A_81 = arith.constant 12 : i32
    %add3A_82 = vector.broadcast %add3A_81 : i32 to vector<16xi32>
    %add3A_83 = arith.addi %mul3A_10, %add3A_82 : vector<16xi32>
    %gather3A_84 = tpu.vector_load_idx %arg6[%add3A_83] : memref<3200xf32, #tpu.memory_space<vmem>>[vector<16xi32>], vector<16xf32>,
    %swap3A_85 = arith.constant 768 : index
    %swap3A_86 = tpu.vector_load %arg7[%swap3A_85] {strides = array<i32>} : memref<4096xf32, #tpu.memory_space<vmem>>, vector<16xf32>,
    tpu.vector_store %arg7[%swap3A_85], %gather3A_84 {strides = array<i32>} : memref<4096xf32, #tpu.memory_space<vmem>>, vector<16xf32>,
    %add3A_87 = arith.constant 13 : i32
    %add3A_88 = vector.broadcast %add3A_87 : i32 to vector<16xi32>
    %add3A_89 = arith.addi %mul3A_10, %add3A_88 : vector<16xi32>
    %gather3A_90 = tpu.vector_load_idx %arg6[%add3A_89] : memref<3200xf32, #tpu.memory_space<vmem>>[vector<16xi32>], vector<16xf32>,
    %swap3A_91 = arith.constant 832 : index
    %swap3A_92 = tpu.vector_load %arg7[%swap3A_91] {strides = array<i32>} : memref<4096xf32, #tpu.memory_space<vmem>>, vector<16xf32>,
    tpu.vector_store %arg7[%swap3A_91], %gather3A_90 {strides = array<i32>} : memref<4096xf32, #tpu.memory_space<vmem>>, vector<16xf32>,
    %add3A_93 = arith.constant 14 : i32
    %add3A_94 = vector.broadcast %add3A_93 : i32 to vector<16xi32>
    %add3A_95 = arith.addi %mul3A_10, %add3A_94 : vector<16xi32>
    %gather3A_96 = tpu.vector_load_idx %arg6[%add3A_95] : memref<3200xf32, #tpu.memory_space<vmem>>[vector<16xi32>], vector<16xf32>,
    %swap3A_97 = arith.constant 896 : index
    %swap3A_98 = tpu.vector_load %arg7[%swap3A_97] {strides = array<i32>} : memref<4096xf32, #tpu.memory_space<vmem>>, vector<16xf32>,
    tpu.vector_store %arg7[%swap3A_97], %gather3A_96 {strides = array<i32>} : memref<4096xf32, #tpu.memory_space<vmem>>, vector<16xf32>,
    %add3A_99 = arith.constant 15 : i32
    %add3A_100 = vector.broadcast %add3A_99 : i32 to vector<16xi32>
    %add3A_101 = arith.addi %mul3A_10, %add3A_100 : vector<16xi32>
    %gather3A_102 = tpu.vector_load_idx %arg6[%add3A_101] : memref<3200xf32, #tpu.memory_space<vmem>>[vector<16xi32>], vector<16xf32>,
    %swap3A_103 = arith.constant 960 : index
    %swap3A_104 = tpu.vector_load %arg7[%swap3A_103] {strides = array<i32>} : memref<4096xf32, #tpu.memory_space<vmem>>, vector<16xf32>,
    tpu.vector_store %arg7[%swap3A_103], %gather3A_102 {strides = array<i32>} : memref<4096xf32, #tpu.memory_space<vmem>>, vector<16xf32>,
    %add3A_105 = arith.constant 16 : i32
    %add3A_106 = vector.broadcast %add3A_105 : i32 to vector<16xi32>
    %add3A_107 = arith.addi %mul3A_10, %add3A_106 : vector<16xi32>
    %gather3A_108 = tpu.vector_load_idx %arg6[%add3A_107] : memref<3200xf32, #tpu.memory_space<vmem>>[vector<16xi32>], vector<16xf32>,
    %swap3A_109 = arith.constant 1024 : index
    %swap3A_110 = tpu.vector_load %arg7[%swap3A_109] {strides = array<i32>} : memref<4096xf32, #tpu.memory_space<vmem>>, vector<16xf32>,
    tpu.vector_store %arg7[%swap3A_109], %gather3A_108 {strides = array<i32>} : memref<4096xf32, #tpu.memory_space<vmem>>, vector<16xf32>,
    %add3A_111 = arith.constant 17 : i32
    %add3A_112 = vector.broadcast %add3A_111 : i32 to vector<16xi32>
    %add3A_113 = arith.addi %mul3A_10, %add3A_112 : vector<16xi32>
    %gather3A_114 = tpu.vector_load_idx %arg6[%add3A_113] : memref<3200xf32, #tpu.memory_space<vmem>>[vector<16xi32>], vector<16xf32>,
    %swap3A_115 = arith.constant 1088 : index
    %swap3A_116 = tpu.vector_load %arg7[%swap3A_115] {strides = array<i32>} : memref<4096xf32, #tpu.memory_space<vmem>>, vector<16xf32>,
    tpu.vector_store %arg7[%swap3A_115], %gather3A_114 {strides = array<i32>} : memref<4096xf32, #tpu.memory_space<vmem>>, vector<16xf32>,
    %add3A_117 = arith.constant 18 : i32
    %add3A_118 = vector.broadcast %add3A_117 : i32 to vector<16xi32>
    %add3A_119 = arith.addi %mul3A_10, %add3A_118 : vector<16xi32>
    %gather3A_120 = tpu.vector_load_idx %arg6[%add3A_119] : memref<3200xf32, #tpu.memory_space<vmem>>[vector<16xi32>], vector<16xf32>,
    %swap3A_121 = arith.constant 1152 : index
    %swap3A_122 = tpu.vector_load %arg7[%swap3A_121] {strides = array<i32>} : memref<4096xf32, #tpu.memory_space<vmem>>, vector<16xf32>,
    tpu.vector_store %arg7[%swap3A_121], %gather3A_120 {strides = array<i32>} : memref<4096xf32, #tpu.memory_space<vmem>>, vector<16xf32>,
    %add3A_123 = arith.constant 19 : i32
    %add3A_124 = vector.broadcast %add3A_123 : i32 to vector<16xi32>
    %add3A_125 = arith.addi %mul3A_10, %add3A_124 : vector<16xi32>
    %gather3A_126 = tpu.vector_load_idx %arg6[%add3A_125] : memref<3200xf32, #tpu.memory_space<vmem>>[vector<16xi32>], vector<16xf32>,
    %swap3A_127 = arith.constant 1216 : index
    %swap3A_128 = tpu.vector_load %arg7[%swap3A_127] {strides = array<i32>} : memref<4096xf32, #tpu.memory_space<vmem>>, vector<16xf32>,
    tpu.vector_store %arg7[%swap3A_127], %gather3A_126 {strides = array<i32>} : memref<4096xf32, #tpu.memory_space<vmem>>, vector<16xf32>,
    %add3A_129 = arith.constant 20 : i32
    %add3A_130 = vector.broadcast %add3A_129 : i32 to vector<16xi32>
    %add3A_131 = arith.addi %mul3A_10, %add3A_130 : vector<16xi32>
    %gather3A_132 = tpu.vector_load_idx %arg6[%add3A_131] : memref<3200xf32, #tpu.memory_space<vmem>>[vector<16xi32>], vector<16xf32>,
    %swap3A_133 = arith.constant 1280 : index
    %swap3A_134 = tpu.vector_load %arg7[%swap3A_133] {strides = array<i32>} : memref<4096xf32, #tpu.memory_space<vmem>>, vector<16xf32>,
    tpu.vector_store %arg7[%swap3A_133], %gather3A_132 {strides = array<i32>} : memref<4096xf32, #tpu.memory_space<vmem>>, vector<16xf32>,
    %add3A_135 = arith.constant 21 : i32
    %add3A_136 = vector.broadcast %add3A_135 : i32 to vector<16xi32>
    %add3A_137 = arith.addi %mul3A_10, %add3A_136 : vector<16xi32>
    %gather3A_138 = tpu.vector_load_idx %arg6[%add3A_137] : memref<3200xf32, #tpu.memory_space<vmem>>[vector<16xi32>], vector<16xf32>,
    %swap3A_139 = arith.constant 1344 : index
    %swap3A_140 = tpu.vector_load %arg7[%swap3A_139] {strides = array<i32>} : memref<4096xf32, #tpu.memory_space<vmem>>, vector<16xf32>,
    tpu.vector_store %arg7[%swap3A_139], %gather3A_138 {strides = array<i32>} : memref<4096xf32, #tpu.memory_space<vmem>>, vector<16xf32>,
    %add3A_141 = arith.constant 22 : i32
    %add3A_142 = vector.broadcast %add3A_141 : i32 to vector<16xi32>
    %add3A_143 = arith.addi %mul3A_10, %add3A_142 : vector<16xi32>
    %gather3A_144 = tpu.vector_load_idx %arg6[%add3A_143] : memref<3200xf32, #tpu.memory_space<vmem>>[vector<16xi32>], vector<16xf32>,
    %swap3A_145 = arith.constant 1408 : index
    %swap3A_146 = tpu.vector_load %arg7[%swap3A_145] {strides = array<i32>} : memref<4096xf32, #tpu.memory_space<vmem>>, vector<16xf32>,
    tpu.vector_store %arg7[%swap3A_145], %gather3A_144 {strides = array<i32>} : memref<4096xf32, #tpu.memory_space<vmem>>, vector<16xf32>,
    %add3A_147 = arith.constant 23 : i32
    %add3A_148 = vector.broadcast %add3A_147 : i32 to vector<16xi32>
    %add3A_149 = arith.addi %mul3A_10, %add3A_148 : vector<16xi32>
    %gather3A_150 = tpu.vector_load_idx %arg6[%add3A_149] : memref<3200xf32, #tpu.memory_space<vmem>>[vector<16xi32>], vector<16xf32>,
    %swap3A_151 = arith.constant 1472 : index
    %swap3A_152 = tpu.vector_load %arg7[%swap3A_151] {strides = array<i32>} : memref<4096xf32, #tpu.memory_space<vmem>>, vector<16xf32>,
    tpu.vector_store %arg7[%swap3A_151], %gather3A_150 {strides = array<i32>} : memref<4096xf32, #tpu.memory_space<vmem>>, vector<16xf32>,
    %add3A_153 = arith.constant 24 : i32
    %add3A_154 = vector.broadcast %add3A_153 : i32 to vector<16xi32>
    %add3A_155 = arith.addi %mul3A_10, %add3A_154 : vector<16xi32>
    %gather3A_156 = tpu.vector_load_idx %arg6[%add3A_155] : memref<3200xf32, #tpu.memory_space<vmem>>[vector<16xi32>], vector<16xf32>,
    %swap3A_157 = arith.constant 1536 : index
    %swap3A_158 = tpu.vector_load %arg7[%swap3A_157] {strides = array<i32>} : memref<4096xf32, #tpu.memory_space<vmem>>, vector<16xf32>,
    tpu.vector_store %arg7[%swap3A_157], %gather3A_156 {strides = array<i32>} : memref<4096xf32, #tpu.memory_space<vmem>>, vector<16xf32>,
    %add3A_159 = arith.constant 25 : i32
    %add3A_160 = vector.broadcast %add3A_159 : i32 to vector<16xi32>
    %add3A_161 = arith.addi %mul3A_10, %add3A_160 : vector<16xi32>
    %gather3A_162 = tpu.vector_load_idx %arg6[%add3A_161] : memref<3200xf32, #tpu.memory_space<vmem>>[vector<16xi32>], vector<16xf32>,
    %swap3A_163 = arith.constant 1600 : index
    %swap3A_164 = tpu.vector_load %arg7[%swap3A_163] {strides = array<i32>} : memref<4096xf32, #tpu.memory_space<vmem>>, vector<16xf32>,
    tpu.vector_store %arg7[%swap3A_163], %gather3A_162 {strides = array<i32>} : memref<4096xf32, #tpu.memory_space<vmem>>, vector<16xf32>,
    %add3A_165 = arith.constant 26 : i32
    %add3A_166 = vector.broadcast %add3A_165 : i32 to vector<16xi32>
    %add3A_167 = arith.addi %mul3A_10, %add3A_166 : vector<16xi32>
    %gather3A_168 = tpu.vector_load_idx %arg6[%add3A_167] : memref<3200xf32, #tpu.memory_space<vmem>>[vector<16xi32>], vector<16xf32>,
    %swap3A_169 = arith.constant 1664 : index
    %swap3A_170 = tpu.vector_load %arg7[%swap3A_169] {strides = array<i32>} : memref<4096xf32, #tpu.memory_space<vmem>>, vector<16xf32>,
    tpu.vector_store %arg7[%swap3A_169], %gather3A_168 {strides = array<i32>} : memref<4096xf32, #tpu.memory_space<vmem>>, vector<16xf32>,
    %add3A_171 = arith.constant 27 : i32
    %add3A_172 = vector.broadcast %add3A_171 : i32 to vector<16xi32>
    %add3A_173 = arith.addi %mul3A_10, %add3A_172 : vector<16xi32>
    %gather3A_174 = tpu.vector_load_idx %arg6[%add3A_173] : memref<3200xf32, #tpu.memory_space<vmem>>[vector<16xi32>], vector<16xf32>,
    %swap3A_175 = arith.constant 1728 : index
    %swap3A_176 = tpu.vector_load %arg7[%swap3A_175] {strides = array<i32>} : memref<4096xf32, #tpu.memory_space<vmem>>, vector<16xf32>,
    tpu.vector_store %arg7[%swap3A_175], %gather3A_174 {strides = array<i32>} : memref<4096xf32, #tpu.memory_space<vmem>>, vector<16xf32>,
    %add3A_177 = arith.constant 28 : i32
    %add3A_178 = vector.broadcast %add3A_177 : i32 to vector<16xi32>
    %add3A_179 = arith.addi %mul3A_10, %add3A_178 : vector<16xi32>
    %gather3A_180 = tpu.vector_load_idx %arg6[%add3A_179] : memref<3200xf32, #tpu.memory_space<vmem>>[vector<16xi32>], vector<16xf32>,
    %swap3A_181 = arith.constant 1792 : index
    %swap3A_182 = tpu.vector_load %arg7[%swap3A_181] {strides = array<i32>} : memref<4096xf32, #tpu.memory_space<vmem>>, vector<16xf32>,
    tpu.vector_store %arg7[%swap3A_181], %gather3A_180 {strides = array<i32>} : memref<4096xf32, #tpu.memory_space<vmem>>, vector<16xf32>,
    %add3A_183 = arith.constant 29 : i32
    %add3A_184 = vector.broadcast %add3A_183 : i32 to vector<16xi32>
    %add3A_185 = arith.addi %mul3A_10, %add3A_184 : vector<16xi32>
    %gather3A_186 = tpu.vector_load_idx %arg6[%add3A_185] : memref<3200xf32, #tpu.memory_space<vmem>>[vector<16xi32>], vector<16xf32>,
    %swap3A_187 = arith.constant 1856 : index
    %swap3A_188 = tpu.vector_load %arg7[%swap3A_187] {strides = array<i32>} : memref<4096xf32, #tpu.memory_space<vmem>>, vector<16xf32>,
    tpu.vector_store %arg7[%swap3A_187], %gather3A_186 {strides = array<i32>} : memref<4096xf32, #tpu.memory_space<vmem>>, vector<16xf32>,
    %add3A_189 = arith.constant 30 : i32
    %add3A_190 = vector.broadcast %add3A_189 : i32 to vector<16xi32>
    %add3A_191 = arith.addi %mul3A_10, %add3A_190 : vector<16xi32>
    %gather3A_192 = tpu.vector_load_idx %arg6[%add3A_191] : memref<3200xf32, #tpu.memory_space<vmem>>[vector<16xi32>], vector<16xf32>,
    %swap3A_193 = arith.constant 1920 : index
    %swap3A_194 = tpu.vector_load %arg7[%swap3A_193] {strides = array<i32>} : memref<4096xf32, #tpu.memory_space<vmem>>, vector<16xf32>,
    tpu.vector_store %arg7[%swap3A_193], %gather3A_192 {strides = array<i32>} : memref<4096xf32, #tpu.memory_space<vmem>>, vector<16xf32>,
    %add3A_195 = arith.constant 31 : i32
    %add3A_196 = vector.broadcast %add3A_195 : i32 to vector<16xi32>
    %add3A_197 = arith.addi %mul3A_10, %add3A_196 : vector<16xi32>
    %gather3A_198 = tpu.vector_load_idx %arg6[%add3A_197] : memref<3200xf32, #tpu.memory_space<vmem>>[vector<16xi32>], vector<16xf32>,
    %swap3A_199 = arith.constant 1984 : index
    %swap3A_200 = tpu.vector_load %arg7[%swap3A_199] {strides = array<i32>} : memref<4096xf32, #tpu.memory_space<vmem>>, vector<16xf32>,
    tpu.vector_store %arg7[%swap3A_199], %gather3A_198 {strides = array<i32>} : memref<4096xf32, #tpu.memory_space<vmem>>, vector<16xf32>,
    %add3A_201 = arith.constant 32 : i32
    %add3A_202 = vector.broadcast %add3A_201 : i32 to vector<16xi32>
    %add3A_203 = arith.addi %mul3A_10, %add3A_202 : vector<16xi32>
    %gather3A_204 = tpu.vector_load_idx %arg6[%add3A_203] : memref<3200xf32, #tpu.memory_space<vmem>>[vector<16xi32>], vector<16xf32>,
    %swap3A_205 = arith.constant 2048 : index
    %swap3A_206 = tpu.vector_load %arg7[%swap3A_205] {strides = array<i32>} : memref<4096xf32, #tpu.memory_space<vmem>>, vector<16xf32>,
    tpu.vector_store %arg7[%swap3A_205], %gather3A_204 {strides = array<i32>} : memref<4096xf32, #tpu.memory_space<vmem>>, vector<16xf32>,
    %add3A_207 = arith.constant 33 : i32
    %add3A_208 = vector.broadcast %add3A_207 : i32 to vector<16xi32>
    %add3A_209 = arith.addi %mul3A_10, %add3A_208 : vector<16xi32>
    %gather3A_210 = tpu.vector_load_idx %arg6[%add3A_209] : memref<3200xf32, #tpu.memory_space<vmem>>[vector<16xi32>], vector<16xf32>,
    %swap3A_211 = arith.constant 2112 : index
    %swap3A_212 = tpu.vector_load %arg7[%swap3A_211] {strides = array<i32>} : memref<4096xf32, #tpu.memory_space<vmem>>, vector<16xf32>,
    tpu.vector_store %arg7[%swap3A_211], %gather3A_210 {strides = array<i32>} : memref<4096xf32, #tpu.memory_space<vmem>>, vector<16xf32>,
    %add3A_213 = arith.constant 34 : i32
    %add3A_214 = vector.broadcast %add3A_213 : i32 to vector<16xi32>
    %add3A_215 = arith.addi %mul3A_10, %add3A_214 : vector<16xi32>
    %gather3A_216 = tpu.vector_load_idx %arg6[%add3A_215] : memref<3200xf32, #tpu.memory_space<vmem>>[vector<16xi32>], vector<16xf32>,
    %swap3A_217 = arith.constant 2176 : index
    %swap3A_218 = tpu.vector_load %arg7[%swap3A_217] {strides = array<i32>} : memref<4096xf32, #tpu.memory_space<vmem>>, vector<16xf32>,
    tpu.vector_store %arg7[%swap3A_217], %gather3A_216 {strides = array<i32>} : memref<4096xf32, #tpu.memory_space<vmem>>, vector<16xf32>,
    %add3A_219 = arith.constant 35 : i32
    %add3A_220 = vector.broadcast %add3A_219 : i32 to vector<16xi32>
    %add3A_221 = arith.addi %mul3A_10, %add3A_220 : vector<16xi32>
    %gather3A_222 = tpu.vector_load_idx %arg6[%add3A_221] : memref<3200xf32, #tpu.memory_space<vmem>>[vector<16xi32>], vector<16xf32>,
    %swap3A_223 = arith.constant 2240 : index
    %swap3A_224 = tpu.vector_load %arg7[%swap3A_223] {strides = array<i32>} : memref<4096xf32, #tpu.memory_space<vmem>>, vector<16xf32>,
    tpu.vector_store %arg7[%swap3A_223], %gather3A_222 {strides = array<i32>} : memref<4096xf32, #tpu.memory_space<vmem>>, vector<16xf32>,
    %add3A_225 = arith.constant 36 : i32
    %add3A_226 = vector.broadcast %add3A_225 : i32 to vector<16xi32>
    %add3A_227 = arith.addi %mul3A_10, %add3A_226 : vector<16xi32>
    %gather3A_228 = tpu.vector_load_idx %arg6[%add3A_227] : memref<3200xf32, #tpu.memory_space<vmem>>[vector<16xi32>], vector<16xf32>,
    %swap3A_229 = arith.constant 2304 : index
    %swap3A_230 = tpu.vector_load %arg7[%swap3A_229] {strides = array<i32>} : memref<4096xf32, #tpu.memory_space<vmem>>, vector<16xf32>,
    tpu.vector_store %arg7[%swap3A_229], %gather3A_228 {strides = array<i32>} : memref<4096xf32, #tpu.memory_space<vmem>>, vector<16xf32>,
    %add3A_231 = arith.constant 37 : i32
    %add3A_232 = vector.broadcast %add3A_231 : i32 to vector<16xi32>
    %add3A_233 = arith.addi %mul3A_10, %add3A_232 : vector<16xi32>
    %gather3A_234 = tpu.vector_load_idx %arg6[%add3A_233] : memref<3200xf32, #tpu.memory_space<vmem>>[vector<16xi32>], vector<16xf32>,
    %swap3A_235 = arith.constant 2368 : index
    %swap3A_236 = tpu.vector_load %arg7[%swap3A_235] {strides = array<i32>} : memref<4096xf32, #tpu.memory_space<vmem>>, vector<16xf32>,
    tpu.vector_store %arg7[%swap3A_235], %gather3A_234 {strides = array<i32>} : memref<4096xf32, #tpu.memory_space<vmem>>, vector<16xf32>,
    %add3A_237 = arith.constant 38 : i32
    %add3A_238 = vector.broadcast %add3A_237 : i32 to vector<16xi32>
    %add3A_239 = arith.addi %mul3A_10, %add3A_238 : vector<16xi32>
    %gather3A_240 = tpu.vector_load_idx %arg6[%add3A_239] : memref<3200xf32, #tpu.memory_space<vmem>>[vector<16xi32>], vector<16xf32>,
    %swap3A_241 = arith.constant 2432 : index
    %swap3A_242 = tpu.vector_load %arg7[%swap3A_241] {strides = array<i32>} : memref<4096xf32, #tpu.memory_space<vmem>>, vector<16xf32>,
    tpu.vector_store %arg7[%swap3A_241], %gather3A_240 {strides = array<i32>} : memref<4096xf32, #tpu.memory_space<vmem>>, vector<16xf32>,
    %add3A_243 = arith.constant 39 : i32
    %add3A_244 = vector.broadcast %add3A_243 : i32 to vector<16xi32>
    %add3A_245 = arith.addi %mul3A_10, %add3A_244 : vector<16xi32>
    %gather3A_246 = tpu.vector_load_idx %arg6[%add3A_245] : memref<3200xf32, #tpu.memory_space<vmem>>[vector<16xi32>], vector<16xf32>,
    %swap3A_247 = arith.constant 2496 : index
    %swap3A_248 = tpu.vector_load %arg7[%swap3A_247] {strides = array<i32>} : memref<4096xf32, #tpu.memory_space<vmem>>, vector<16xf32>,
    tpu.vector_store %arg7[%swap3A_247], %gather3A_246 {strides = array<i32>} : memref<4096xf32, #tpu.memory_space<vmem>>, vector<16xf32>,
    %add3A_249 = arith.constant 40 : i32
    %add3A_250 = vector.broadcast %add3A_249 : i32 to vector<16xi32>
    %add3A_251 = arith.addi %mul3A_10, %add3A_250 : vector<16xi32>
    %gather3A_252 = tpu.vector_load_idx %arg6[%add3A_251] : memref<3200xf32, #tpu.memory_space<vmem>>[vector<16xi32>], vector<16xf32>,
    %swap3A_253 = arith.constant 2560 : index
    %swap3A_254 = tpu.vector_load %arg7[%swap3A_253] {strides = array<i32>} : memref<4096xf32, #tpu.memory_space<vmem>>, vector<16xf32>,
    tpu.vector_store %arg7[%swap3A_253], %gather3A_252 {strides = array<i32>} : memref<4096xf32, #tpu.memory_space<vmem>>, vector<16xf32>,
    %add3A_255 = arith.constant 41 : i32
    %add3A_256 = vector.broadcast %add3A_255 : i32 to vector<16xi32>
    %add3A_257 = arith.addi %mul3A_10, %add3A_256 : vector<16xi32>
    %gather3A_258 = tpu.vector_load_idx %arg6[%add3A_257] : memref<3200xf32, #tpu.memory_space<vmem>>[vector<16xi32>], vector<16xf32>,
    %swap3A_259 = arith.constant 2624 : index
    %swap3A_260 = tpu.vector_load %arg7[%swap3A_259] {strides = array<i32>} : memref<4096xf32, #tpu.memory_space<vmem>>, vector<16xf32>,
    tpu.vector_store %arg7[%swap3A_259], %gather3A_258 {strides = array<i32>} : memref<4096xf32, #tpu.memory_space<vmem>>, vector<16xf32>,
    %add3A_261 = arith.constant 42 : i32
    %add3A_262 = vector.broadcast %add3A_261 : i32 to vector<16xi32>
    %add3A_263 = arith.addi %mul3A_10, %add3A_262 : vector<16xi32>
    %gather3A_264 = tpu.vector_load_idx %arg6[%add3A_263] : memref<3200xf32, #tpu.memory_space<vmem>>[vector<16xi32>], vector<16xf32>,
    %swap3A_265 = arith.constant 2688 : index
    %swap3A_266 = tpu.vector_load %arg7[%swap3A_265] {strides = array<i32>} : memref<4096xf32, #tpu.memory_space<vmem>>, vector<16xf32>,
    tpu.vector_store %arg7[%swap3A_265], %gather3A_264 {strides = array<i32>} : memref<4096xf32, #tpu.memory_space<vmem>>, vector<16xf32>,
    %add3A_267 = arith.constant 43 : i32
    %add3A_268 = vector.broadcast %add3A_267 : i32 to vector<16xi32>
    %add3A_269 = arith.addi %mul3A_10, %add3A_268 : vector<16xi32>
    %gather3A_270 = tpu.vector_load_idx %arg6[%add3A_269] : memref<3200xf32, #tpu.memory_space<vmem>>[vector<16xi32>], vector<16xf32>,
    %swap3A_271 = arith.constant 2752 : index
    %swap3A_272 = tpu.vector_load %arg7[%swap3A_271] {strides = array<i32>} : memref<4096xf32, #tpu.memory_space<vmem>>, vector<16xf32>,
    tpu.vector_store %arg7[%swap3A_271], %gather3A_270 {strides = array<i32>} : memref<4096xf32, #tpu.memory_space<vmem>>, vector<16xf32>,
    %add3A_273 = arith.constant 44 : i32
    %add3A_274 = vector.broadcast %add3A_273 : i32 to vector<16xi32>
    %add3A_275 = arith.addi %mul3A_10, %add3A_274 : vector<16xi32>
    %gather3A_276 = tpu.vector_load_idx %arg6[%add3A_275] : memref<3200xf32, #tpu.memory_space<vmem>>[vector<16xi32>], vector<16xf32>,
    %swap3A_277 = arith.constant 2816 : index
    %swap3A_278 = tpu.vector_load %arg7[%swap3A_277] {strides = array<i32>} : memref<4096xf32, #tpu.memory_space<vmem>>, vector<16xf32>,
    tpu.vector_store %arg7[%swap3A_277], %gather3A_276 {strides = array<i32>} : memref<4096xf32, #tpu.memory_space<vmem>>, vector<16xf32>,
    %add3A_279 = arith.constant 45 : i32
    %add3A_280 = vector.broadcast %add3A_279 : i32 to vector<16xi32>
    %add3A_281 = arith.addi %mul3A_10, %add3A_280 : vector<16xi32>
    %gather3A_282 = tpu.vector_load_idx %arg6[%add3A_281] : memref<3200xf32, #tpu.memory_space<vmem>>[vector<16xi32>], vector<16xf32>,
    %swap3A_283 = arith.constant 2880 : index
    %swap3A_284 = tpu.vector_load %arg7[%swap3A_283] {strides = array<i32>} : memref<4096xf32, #tpu.memory_space<vmem>>, vector<16xf32>,
    tpu.vector_store %arg7[%swap3A_283], %gather3A_282 {strides = array<i32>} : memref<4096xf32, #tpu.memory_space<vmem>>, vector<16xf32>,
    %add3A_285 = arith.constant 46 : i32
    %add3A_286 = vector.broadcast %add3A_285 : i32 to vector<16xi32>
    %add3A_287 = arith.addi %mul3A_10, %add3A_286 : vector<16xi32>
    %gather3A_288 = tpu.vector_load_idx %arg6[%add3A_287] : memref<3200xf32, #tpu.memory_space<vmem>>[vector<16xi32>], vector<16xf32>,
    %swap3A_289 = arith.constant 2944 : index
    %swap3A_290 = tpu.vector_load %arg7[%swap3A_289] {strides = array<i32>} : memref<4096xf32, #tpu.memory_space<vmem>>, vector<16xf32>,
    tpu.vector_store %arg7[%swap3A_289], %gather3A_288 {strides = array<i32>} : memref<4096xf32, #tpu.memory_space<vmem>>, vector<16xf32>,
    %add3A_291 = arith.constant 47 : i32
    %add3A_292 = vector.broadcast %add3A_291 : i32 to vector<16xi32>
    %add3A_293 = arith.addi %mul3A_10, %add3A_292 : vector<16xi32>
    %gather3A_294 = tpu.vector_load_idx %arg6[%add3A_293] : memref<3200xf32, #tpu.memory_space<vmem>>[vector<16xi32>], vector<16xf32>,
    %swap3A_295 = arith.constant 3008 : index
    %swap3A_296 = tpu.vector_load %arg7[%swap3A_295] {strides = array<i32>} : memref<4096xf32, #tpu.memory_space<vmem>>, vector<16xf32>,
    tpu.vector_store %arg7[%swap3A_295], %gather3A_294 {strides = array<i32>} : memref<4096xf32, #tpu.memory_space<vmem>>, vector<16xf32>,
    %add3A_297 = arith.constant 48 : i32
    %add3A_298 = vector.broadcast %add3A_297 : i32 to vector<16xi32>
    %add3A_299 = arith.addi %mul3A_10, %add3A_298 : vector<16xi32>
    %gather3A_300 = tpu.vector_load_idx %arg6[%add3A_299] : memref<3200xf32, #tpu.memory_space<vmem>>[vector<16xi32>], vector<16xf32>,
    %swap3A_301 = arith.constant 3072 : index
    %swap3A_302 = tpu.vector_load %arg7[%swap3A_301] {strides = array<i32>} : memref<4096xf32, #tpu.memory_space<vmem>>, vector<16xf32>,
    tpu.vector_store %arg7[%swap3A_301], %gather3A_300 {strides = array<i32>} : memref<4096xf32, #tpu.memory_space<vmem>>, vector<16xf32>,
    %add3A_303 = arith.constant 49 : i32
    %add3A_304 = vector.broadcast %add3A_303 : i32 to vector<16xi32>
    %add3A_305 = arith.addi %mul3A_10, %add3A_304 : vector<16xi32>
    %gather3A_306 = tpu.vector_load_idx %arg6[%add3A_305] : memref<3200xf32, #tpu.memory_space<vmem>>[vector<16xi32>], vector<16xf32>,
    %swap3A_307 = arith.constant 3136 : index
    %swap3A_308 = tpu.vector_load %arg7[%swap3A_307] {strides = array<i32>} : memref<4096xf32, #tpu.memory_space<vmem>>, vector<16xf32>,
    tpu.vector_store %arg7[%swap3A_307], %gather3A_306 {strides = array<i32>} : memref<4096xf32, #tpu.memory_space<vmem>>, vector<16xf32>,
    %add3A_309 = arith.constant 50 : i32
    %add3A_310 = vector.broadcast %add3A_309 : i32 to vector<16xi32>
    %add3A_311 = arith.addi %mul3A_10, %add3A_310 : vector<16xi32>
    %gather3A_312 = tpu.vector_load_idx %arg6[%add3A_311] : memref<3200xf32, #tpu.memory_space<vmem>>[vector<16xi32>], vector<16xf32>,
    %swap3A_313 = arith.constant 3200 : index
    %swap3A_314 = tpu.vector_load %arg7[%swap3A_313] {strides = array<i32>} : memref<4096xf32, #tpu.memory_space<vmem>>, vector<16xf32>,
    tpu.vector_store %arg7[%swap3A_313], %gather3A_312 {strides = array<i32>} : memref<4096xf32, #tpu.memory_space<vmem>>, vector<16xf32>,
    %add3A_315 = arith.constant 51 : i32
    %add3A_316 = vector.broadcast %add3A_315 : i32 to vector<16xi32>
    %add3A_317 = arith.addi %mul3A_10, %add3A_316 : vector<16xi32>
    %gather3A_318 = tpu.vector_load_idx %arg6[%add3A_317] : memref<3200xf32, #tpu.memory_space<vmem>>[vector<16xi32>], vector<16xf32>,
    %swap3A_319 = arith.constant 3264 : index
    %swap3A_320 = tpu.vector_load %arg7[%swap3A_319] {strides = array<i32>} : memref<4096xf32, #tpu.memory_space<vmem>>, vector<16xf32>,
    tpu.vector_store %arg7[%swap3A_319], %gather3A_318 {strides = array<i32>} : memref<4096xf32, #tpu.memory_space<vmem>>, vector<16xf32>,
    %add3A_321 = arith.constant 52 : i32
    %add3A_322 = vector.broadcast %add3A_321 : i32 to vector<16xi32>
    %add3A_323 = arith.addi %mul3A_10, %add3A_322 : vector<16xi32>
    %gather3A_324 = tpu.vector_load_idx %arg6[%add3A_323] : memref<3200xf32, #tpu.memory_space<vmem>>[vector<16xi32>], vector<16xf32>,
    %swap3A_325 = arith.constant 3328 : index
    %swap3A_326 = tpu.vector_load %arg7[%swap3A_325] {strides = array<i32>} : memref<4096xf32, #tpu.memory_space<vmem>>, vector<16xf32>,
    tpu.vector_store %arg7[%swap3A_325], %gather3A_324 {strides = array<i32>} : memref<4096xf32, #tpu.memory_space<vmem>>, vector<16xf32>,
    %add3A_327 = arith.constant 53 : i32
    %add3A_328 = vector.broadcast %add3A_327 : i32 to vector<16xi32>
    %add3A_329 = arith.addi %mul3A_10, %add3A_328 : vector<16xi32>
    %gather3A_330 = tpu.vector_load_idx %arg6[%add3A_329] : memref<3200xf32, #tpu.memory_space<vmem>>[vector<16xi32>], vector<16xf32>,
    %swap3A_331 = arith.constant 3392 : index
    %swap3A_332 = tpu.vector_load %arg7[%swap3A_331] {strides = array<i32>} : memref<4096xf32, #tpu.memory_space<vmem>>, vector<16xf32>,
    tpu.vector_store %arg7[%swap3A_331], %gather3A_330 {strides = array<i32>} : memref<4096xf32, #tpu.memory_space<vmem>>, vector<16xf32>,
    %add3A_333 = arith.constant 54 : i32
    %add3A_334 = vector.broadcast %add3A_333 : i32 to vector<16xi32>
    %add3A_335 = arith.addi %mul3A_10, %add3A_334 : vector<16xi32>
    %gather3A_336 = tpu.vector_load_idx %arg6[%add3A_335] : memref<3200xf32, #tpu.memory_space<vmem>>[vector<16xi32>], vector<16xf32>,
    %swap3A_337 = arith.constant 3456 : index
    %swap3A_338 = tpu.vector_load %arg7[%swap3A_337] {strides = array<i32>} : memref<4096xf32, #tpu.memory_space<vmem>>, vector<16xf32>,
    tpu.vector_store %arg7[%swap3A_337], %gather3A_336 {strides = array<i32>} : memref<4096xf32, #tpu.memory_space<vmem>>, vector<16xf32>,
    %add3A_339 = arith.constant 55 : i32
    %add3A_340 = vector.broadcast %add3A_339 : i32 to vector<16xi32>
    %add3A_341 = arith.addi %mul3A_10, %add3A_340 : vector<16xi32>
    %gather3A_342 = tpu.vector_load_idx %arg6[%add3A_341] : memref<3200xf32, #tpu.memory_space<vmem>>[vector<16xi32>], vector<16xf32>,
    %swap3A_343 = arith.constant 3520 : index
    %swap3A_344 = tpu.vector_load %arg7[%swap3A_343] {strides = array<i32>} : memref<4096xf32, #tpu.memory_space<vmem>>, vector<16xf32>,
    tpu.vector_store %arg7[%swap3A_343], %gather3A_342 {strides = array<i32>} : memref<4096xf32, #tpu.memory_space<vmem>>, vector<16xf32>,
    %add3A_345 = arith.constant 56 : i32
    %add3A_346 = vector.broadcast %add3A_345 : i32 to vector<16xi32>
    %add3A_347 = arith.addi %mul3A_10, %add3A_346 : vector<16xi32>
    %gather3A_348 = tpu.vector_load_idx %arg6[%add3A_347] : memref<3200xf32, #tpu.memory_space<vmem>>[vector<16xi32>], vector<16xf32>,
    %swap3A_349 = arith.constant 3584 : index
    %swap3A_350 = tpu.vector_load %arg7[%swap3A_349] {strides = array<i32>} : memref<4096xf32, #tpu.memory_space<vmem>>, vector<16xf32>,
    tpu.vector_store %arg7[%swap3A_349], %gather3A_348 {strides = array<i32>} : memref<4096xf32, #tpu.memory_space<vmem>>, vector<16xf32>,
    %add3A_351 = arith.constant 57 : i32
    %add3A_352 = vector.broadcast %add3A_351 : i32 to vector<16xi32>
    %add3A_353 = arith.addi %mul3A_10, %add3A_352 : vector<16xi32>
    %gather3A_354 = tpu.vector_load_idx %arg6[%add3A_353] : memref<3200xf32, #tpu.memory_space<vmem>>[vector<16xi32>], vector<16xf32>,
    %swap3A_355 = arith.constant 3648 : index
    %swap3A_356 = tpu.vector_load %arg7[%swap3A_355] {strides = array<i32>} : memref<4096xf32, #tpu.memory_space<vmem>>, vector<16xf32>,
    tpu.vector_store %arg7[%swap3A_355], %gather3A_354 {strides = array<i32>} : memref<4096xf32, #tpu.memory_space<vmem>>, vector<16xf32>,
    %add3A_357 = arith.constant 58 : i32
    %add3A_358 = vector.broadcast %add3A_357 : i32 to vector<16xi32>
    %add3A_359 = arith.addi %mul3A_10, %add3A_358 : vector<16xi32>
    %gather3A_360 = tpu.vector_load_idx %arg6[%add3A_359] : memref<3200xf32, #tpu.memory_space<vmem>>[vector<16xi32>], vector<16xf32>,
    %swap3A_361 = arith.constant 3712 : index
    %swap3A_362 = tpu.vector_load %arg7[%swap3A_361] {strides = array<i32>} : memref<4096xf32, #tpu.memory_space<vmem>>, vector<16xf32>,
    tpu.vector_store %arg7[%swap3A_361], %gather3A_360 {strides = array<i32>} : memref<4096xf32, #tpu.memory_space<vmem>>, vector<16xf32>,
    %add3A_363 = arith.constant 59 : i32
    %add3A_364 = vector.broadcast %add3A_363 : i32 to vector<16xi32>
    %add3A_365 = arith.addi %mul3A_10, %add3A_364 : vector<16xi32>
    %gather3A_366 = tpu.vector_load_idx %arg6[%add3A_365] : memref<3200xf32, #tpu.memory_space<vmem>>[vector<16xi32>], vector<16xf32>,
    %swap3A_367 = arith.constant 3776 : index
    %swap3A_368 = tpu.vector_load %arg7[%swap3A_367] {strides = array<i32>} : memref<4096xf32, #tpu.memory_space<vmem>>, vector<16xf32>,
    tpu.vector_store %arg7[%swap3A_367], %gather3A_366 {strides = array<i32>} : memref<4096xf32, #tpu.memory_space<vmem>>, vector<16xf32>,
    %add3A_369 = arith.constant 60 : i32
    %add3A_370 = vector.broadcast %add3A_369 : i32 to vector<16xi32>
    %add3A_371 = arith.addi %mul3A_10, %add3A_370 : vector<16xi32>
    %gather3A_372 = tpu.vector_load_idx %arg6[%add3A_371] : memref<3200xf32, #tpu.memory_space<vmem>>[vector<16xi32>], vector<16xf32>,
    %swap3A_373 = arith.constant 3840 : index
    %swap3A_374 = tpu.vector_load %arg7[%swap3A_373] {strides = array<i32>} : memref<4096xf32, #tpu.memory_space<vmem>>, vector<16xf32>,
    tpu.vector_store %arg7[%swap3A_373], %gather3A_372 {strides = array<i32>} : memref<4096xf32, #tpu.memory_space<vmem>>, vector<16xf32>,
    %add3A_375 = arith.constant 61 : i32
    %add3A_376 = vector.broadcast %add3A_375 : i32 to vector<16xi32>
    %add3A_377 = arith.addi %mul3A_10, %add3A_376 : vector<16xi32>
    %gather3A_378 = tpu.vector_load_idx %arg6[%add3A_377] : memref<3200xf32, #tpu.memory_space<vmem>>[vector<16xi32>], vector<16xf32>,
    %swap3A_379 = arith.constant 3904 : index
    %swap3A_380 = tpu.vector_load %arg7[%swap3A_379] {strides = array<i32>} : memref<4096xf32, #tpu.memory_space<vmem>>, vector<16xf32>,
    tpu.vector_store %arg7[%swap3A_379], %gather3A_378 {strides = array<i32>} : memref<4096xf32, #tpu.memory_space<vmem>>, vector<16xf32>,
    %add3A_381 = arith.constant 62 : i32
    %add3A_382 = vector.broadcast %add3A_381 : i32 to vector<16xi32>
    %add3A_383 = arith.addi %mul3A_10, %add3A_382 : vector<16xi32>
    %gather3A_384 = tpu.vector_load_idx %arg6[%add3A_383] : memref<3200xf32, #tpu.memory_space<vmem>>[vector<16xi32>], vector<16xf32>,
    %swap3A_385 = arith.constant 3968 : index
    %swap3A_386 = tpu.vector_load %arg7[%swap3A_385] {strides = array<i32>} : memref<4096xf32, #tpu.memory_space<vmem>>, vector<16xf32>,
    tpu.vector_store %arg7[%swap3A_385], %gather3A_384 {strides = array<i32>} : memref<4096xf32, #tpu.memory_space<vmem>>, vector<16xf32>,
    %add3A_387 = arith.constant 63 : i32
    %add3A_388 = vector.broadcast %add3A_387 : i32 to vector<16xi32>
    %add3A_389 = arith.addi %mul3A_10, %add3A_388 : vector<16xi32>
    %gather3A_390 = tpu.vector_load_idx %arg6[%add3A_389] : memref<3200xf32, #tpu.memory_space<vmem>>[vector<16xi32>], vector<16xf32>,
    %swap3A_391 = arith.constant 4032 : index
    %swap3A_392 = tpu.vector_load %arg7[%swap3A_391] {strides = array<i32>} : memref<4096xf32, #tpu.memory_space<vmem>>, vector<16xf32>,
    tpu.vector_store %arg7[%swap3A_391], %gather3A_390 {strides = array<i32>} : memref<4096xf32, #tpu.memory_space<vmem>>, vector<16xf32>,
    %add3A_393 = arith.constant 16 : i32
    %add3A_394 = vector.broadcast %add3A_393 : i32 to vector<16xi32>
    %add3A_395 = arith.addi %iota3A, %add3A_394 : vector<16xi32>
    %min3A_396 = arith.constant 49 : i32
    %min3A_397 = vector.broadcast %min3A_396 : i32 to vector<16xi32>
    %min3A_398 = arith.minsi %add3A_395, %min3A_397 : vector<16xi32>
    %mul3A_399 = arith.constant 64 : i32
    %mul3A_400 = vector.broadcast %mul3A_399 : i32 to vector<16xi32>
    %mul3A_401 = arith.muli %min3A_398, %mul3A_400 : vector<16xi32>
    %add3A_402 = arith.constant 0 : i32
    %add3A_403 = vector.broadcast %add3A_402 : i32 to vector<16xi32>
    %add3A_404 = arith.addi %mul3A_401, %add3A_403 : vector<16xi32>
    %gather3A_405 = tpu.vector_load_idx %arg6[%add3A_404] : memref<3200xf32, #tpu.memory_space<vmem>>[vector<16xi32>], vector<16xf32>,
    %swap3A_406 = arith.constant 16 : index
    %swap3A_407 = tpu.vector_load %arg7[%swap3A_406] {strides = array<i32>} : memref<4096xf32, #tpu.memory_space<vmem>>, vector<16xf32>,
    tpu.vector_store %arg7[%swap3A_406], %gather3A_405 {strides = array<i32>} : memref<4096xf32, #tpu.memory_space<vmem>>, vector<16xf32>,
    %add3A_408 = arith.constant 1 : i32
    %add3A_409 = vector.broadcast %add3A_408 : i32 to vector<16xi32>
    %add3A_410 = arith.addi %mul3A_401, %add3A_409 : vector<16xi32>
    %gather3A_411 = tpu.vector_load_idx %arg6[%add3A_410] : memref<3200xf32, #tpu.memory_space<vmem>>[vector<16xi32>], vector<16xf32>,
    %swap3A_412 = arith.constant 80 : index
    %swap3A_413 = tpu.vector_load %arg7[%swap3A_412] {strides = array<i32>} : memref<4096xf32, #tpu.memory_space<vmem>>, vector<16xf32>,
    tpu.vector_store %arg7[%swap3A_412], %gather3A_411 {strides = array<i32>} : memref<4096xf32, #tpu.memory_space<vmem>>, vector<16xf32>,
    %add3A_414 = arith.constant 2 : i32
    %add3A_415 = vector.broadcast %add3A_414 : i32 to vector<16xi32>
    %add3A_416 = arith.addi %mul3A_401, %add3A_415 : vector<16xi32>
    %gather3A_417 = tpu.vector_load_idx %arg6[%add3A_416] : memref<3200xf32, #tpu.memory_space<vmem>>[vector<16xi32>], vector<16xf32>,
    %swap3A_418 = arith.constant 144 : index
    %swap3A_419 = tpu.vector_load %arg7[%swap3A_418] {strides = array<i32>} : memref<4096xf32, #tpu.memory_space<vmem>>, vector<16xf32>,
    tpu.vector_store %arg7[%swap3A_418], %gather3A_417 {strides = array<i32>} : memref<4096xf32, #tpu.memory_space<vmem>>, vector<16xf32>,
    %add3A_420 = arith.constant 3 : i32
    %add3A_421 = vector.broadcast %add3A_420 : i32 to vector<16xi32>
    %add3A_422 = arith.addi %mul3A_401, %add3A_421 : vector<16xi32>
    %gather3A_423 = tpu.vector_load_idx %arg6[%add3A_422] : memref<3200xf32, #tpu.memory_space<vmem>>[vector<16xi32>], vector<16xf32>,
    %swap3A_424 = arith.constant 208 : index
    %swap3A_425 = tpu.vector_load %arg7[%swap3A_424] {strides = array<i32>} : memref<4096xf32, #tpu.memory_space<vmem>>, vector<16xf32>,
    tpu.vector_store %arg7[%swap3A_424], %gather3A_423 {strides = array<i32>} : memref<4096xf32, #tpu.memory_space<vmem>>, vector<16xf32>,
    %add3A_426 = arith.constant 4 : i32
    %add3A_427 = vector.broadcast %add3A_426 : i32 to vector<16xi32>
    %add3A_428 = arith.addi %mul3A_401, %add3A_427 : vector<16xi32>
    %gather3A_429 = tpu.vector_load_idx %arg6[%add3A_428] : memref<3200xf32, #tpu.memory_space<vmem>>[vector<16xi32>], vector<16xf32>,
    %swap3A_430 = arith.constant 272 : index
    %swap3A_431 = tpu.vector_load %arg7[%swap3A_430] {strides = array<i32>} : memref<4096xf32, #tpu.memory_space<vmem>>, vector<16xf32>,
    tpu.vector_store %arg7[%swap3A_430], %gather3A_429 {strides = array<i32>} : memref<4096xf32, #tpu.memory_space<vmem>>, vector<16xf32>,
    %add3A_432 = arith.constant 5 : i32
    %add3A_433 = vector.broadcast %add3A_432 : i32 to vector<16xi32>
    %add3A_434 = arith.addi %mul3A_401, %add3A_433 : vector<16xi32>
    %gather3A_435 = tpu.vector_load_idx %arg6[%add3A_434] : memref<3200xf32, #tpu.memory_space<vmem>>[vector<16xi32>], vector<16xf32>,
    %swap3A_436 = arith.constant 336 : index
    %swap3A_437 = tpu.vector_load %arg7[%swap3A_436] {strides = array<i32>} : memref<4096xf32, #tpu.memory_space<vmem>>, vector<16xf32>,
    tpu.vector_store %arg7[%swap3A_436], %gather3A_435 {strides = array<i32>} : memref<4096xf32, #tpu.memory_space<vmem>>, vector<16xf32>,
    %add3A_438 = arith.constant 6 : i32
    %add3A_439 = vector.broadcast %add3A_438 : i32 to vector<16xi32>
    %add3A_440 = arith.addi %mul3A_401, %add3A_439 : vector<16xi32>
    %gather3A_441 = tpu.vector_load_idx %arg6[%add3A_440] : memref<3200xf32, #tpu.memory_space<vmem>>[vector<16xi32>], vector<16xf32>,
    %swap3A_442 = arith.constant 400 : index
    %swap3A_443 = tpu.vector_load %arg7[%swap3A_442] {strides = array<i32>} : memref<4096xf32, #tpu.memory_space<vmem>>, vector<16xf32>,
    tpu.vector_store %arg7[%swap3A_442], %gather3A_441 {strides = array<i32>} : memref<4096xf32, #tpu.memory_space<vmem>>, vector<16xf32>,
    %add3A_444 = arith.constant 7 : i32
    %add3A_445 = vector.broadcast %add3A_444 : i32 to vector<16xi32>
    %add3A_446 = arith.addi %mul3A_401, %add3A_445 : vector<16xi32>
    %gather3A_447 = tpu.vector_load_idx %arg6[%add3A_446] : memref<3200xf32, #tpu.memory_space<vmem>>[vector<16xi32>], vector<16xf32>,
    %swap3A_448 = arith.constant 464 : index
    %swap3A_449 = tpu.vector_load %arg7[%swap3A_448] {strides = array<i32>} : memref<4096xf32, #tpu.memory_space<vmem>>, vector<16xf32>,
    tpu.vector_store %arg7[%swap3A_448], %gather3A_447 {strides = array<i32>} : memref<4096xf32, #tpu.memory_space<vmem>>, vector<16xf32>,
    %add3A_450 = arith.constant 8 : i32
    %add3A_451 = vector.broadcast %add3A_450 : i32 to vector<16xi32>
    %add3A_452 = arith.addi %mul3A_401, %add3A_451 : vector<16xi32>
    %gather3A_453 = tpu.vector_load_idx %arg6[%add3A_452] : memref<3200xf32, #tpu.memory_space<vmem>>[vector<16xi32>], vector<16xf32>,
    %swap3A_454 = arith.constant 528 : index
    %swap3A_455 = tpu.vector_load %arg7[%swap3A_454] {strides = array<i32>} : memref<4096xf32, #tpu.memory_space<vmem>>, vector<16xf32>,
    tpu.vector_store %arg7[%swap3A_454], %gather3A_453 {strides = array<i32>} : memref<4096xf32, #tpu.memory_space<vmem>>, vector<16xf32>,
    %add3A_456 = arith.constant 9 : i32
    %add3A_457 = vector.broadcast %add3A_456 : i32 to vector<16xi32>
    %add3A_458 = arith.addi %mul3A_401, %add3A_457 : vector<16xi32>
    %gather3A_459 = tpu.vector_load_idx %arg6[%add3A_458] : memref<3200xf32, #tpu.memory_space<vmem>>[vector<16xi32>], vector<16xf32>,
    %swap3A_460 = arith.constant 592 : index
    %swap3A_461 = tpu.vector_load %arg7[%swap3A_460] {strides = array<i32>} : memref<4096xf32, #tpu.memory_space<vmem>>, vector<16xf32>,
    tpu.vector_store %arg7[%swap3A_460], %gather3A_459 {strides = array<i32>} : memref<4096xf32, #tpu.memory_space<vmem>>, vector<16xf32>,
    %add3A_462 = arith.constant 10 : i32
    %add3A_463 = vector.broadcast %add3A_462 : i32 to vector<16xi32>
    %add3A_464 = arith.addi %mul3A_401, %add3A_463 : vector<16xi32>
    %gather3A_465 = tpu.vector_load_idx %arg6[%add3A_464] : memref<3200xf32, #tpu.memory_space<vmem>>[vector<16xi32>], vector<16xf32>,
    %swap3A_466 = arith.constant 656 : index
    %swap3A_467 = tpu.vector_load %arg7[%swap3A_466] {strides = array<i32>} : memref<4096xf32, #tpu.memory_space<vmem>>, vector<16xf32>,
    tpu.vector_store %arg7[%swap3A_466], %gather3A_465 {strides = array<i32>} : memref<4096xf32, #tpu.memory_space<vmem>>, vector<16xf32>,
    %add3A_468 = arith.constant 11 : i32
    %add3A_469 = vector.broadcast %add3A_468 : i32 to vector<16xi32>
    %add3A_470 = arith.addi %mul3A_401, %add3A_469 : vector<16xi32>
    %gather3A_471 = tpu.vector_load_idx %arg6[%add3A_470] : memref<3200xf32, #tpu.memory_space<vmem>>[vector<16xi32>], vector<16xf32>,
    %swap3A_472 = arith.constant 720 : index
    %swap3A_473 = tpu.vector_load %arg7[%swap3A_472] {strides = array<i32>} : memref<4096xf32, #tpu.memory_space<vmem>>, vector<16xf32>,
    tpu.vector_store %arg7[%swap3A_472], %gather3A_471 {strides = array<i32>} : memref<4096xf32, #tpu.memory_space<vmem>>, vector<16xf32>,
    %add3A_474 = arith.constant 12 : i32
    %add3A_475 = vector.broadcast %add3A_474 : i32 to vector<16xi32>
    %add3A_476 = arith.addi %mul3A_401, %add3A_475 : vector<16xi32>
    %gather3A_477 = tpu.vector_load_idx %arg6[%add3A_476] : memref<3200xf32, #tpu.memory_space<vmem>>[vector<16xi32>], vector<16xf32>,
    %swap3A_478 = arith.constant 784 : index
    %swap3A_479 = tpu.vector_load %arg7[%swap3A_478] {strides = array<i32>} : memref<4096xf32, #tpu.memory_space<vmem>>, vector<16xf32>,
    tpu.vector_store %arg7[%swap3A_478], %gather3A_477 {strides = array<i32>} : memref<4096xf32, #tpu.memory_space<vmem>>, vector<16xf32>,
    %add3A_480 = arith.constant 13 : i32
    %add3A_481 = vector.broadcast %add3A_480 : i32 to vector<16xi32>
    %add3A_482 = arith.addi %mul3A_401, %add3A_481 : vector<16xi32>
    %gather3A_483 = tpu.vector_load_idx %arg6[%add3A_482] : memref<3200xf32, #tpu.memory_space<vmem>>[vector<16xi32>], vector<16xf32>,
    %swap3A_484 = arith.constant 848 : index
    %swap3A_485 = tpu.vector_load %arg7[%swap3A_484] {strides = array<i32>} : memref<4096xf32, #tpu.memory_space<vmem>>, vector<16xf32>,
    tpu.vector_store %arg7[%swap3A_484], %gather3A_483 {strides = array<i32>} : memref<4096xf32, #tpu.memory_space<vmem>>, vector<16xf32>,
    %add3A_486 = arith.constant 14 : i32
    %add3A_487 = vector.broadcast %add3A_486 : i32 to vector<16xi32>
    %add3A_488 = arith.addi %mul3A_401, %add3A_487 : vector<16xi32>
    %gather3A_489 = tpu.vector_load_idx %arg6[%add3A_488] : memref<3200xf32, #tpu.memory_space<vmem>>[vector<16xi32>], vector<16xf32>,
    %swap3A_490 = arith.constant 912 : index
    %swap3A_491 = tpu.vector_load %arg7[%swap3A_490] {strides = array<i32>} : memref<4096xf32, #tpu.memory_space<vmem>>, vector<16xf32>,
    tpu.vector_store %arg7[%swap3A_490], %gather3A_489 {strides = array<i32>} : memref<4096xf32, #tpu.memory_space<vmem>>, vector<16xf32>,
    %add3A_492 = arith.constant 15 : i32
    %add3A_493 = vector.broadcast %add3A_492 : i32 to vector<16xi32>
    %add3A_494 = arith.addi %mul3A_401, %add3A_493 : vector<16xi32>
    %gather3A_495 = tpu.vector_load_idx %arg6[%add3A_494] : memref<3200xf32, #tpu.memory_space<vmem>>[vector<16xi32>], vector<16xf32>,
    %swap3A_496 = arith.constant 976 : index
    %swap3A_497 = tpu.vector_load %arg7[%swap3A_496] {strides = array<i32>} : memref<4096xf32, #tpu.memory_space<vmem>>, vector<16xf32>,
    tpu.vector_store %arg7[%swap3A_496], %gather3A_495 {strides = array<i32>} : memref<4096xf32, #tpu.memory_space<vmem>>, vector<16xf32>,
    %add3A_498 = arith.constant 16 : i32
    %add3A_499 = vector.broadcast %add3A_498 : i32 to vector<16xi32>
    %add3A_500 = arith.addi %mul3A_401, %add3A_499 : vector<16xi32>
    %gather3A_501 = tpu.vector_load_idx %arg6[%add3A_500] : memref<3200xf32, #tpu.memory_space<vmem>>[vector<16xi32>], vector<16xf32>,
    %swap3A_502 = arith.constant 1040 : index
    %swap3A_503 = tpu.vector_load %arg7[%swap3A_502] {strides = array<i32>} : memref<4096xf32, #tpu.memory_space<vmem>>, vector<16xf32>,
    tpu.vector_store %arg7[%swap3A_502], %gather3A_501 {strides = array<i32>} : memref<4096xf32, #tpu.memory_space<vmem>>, vector<16xf32>,
    %add3A_504 = arith.constant 17 : i32
    %add3A_505 = vector.broadcast %add3A_504 : i32 to vector<16xi32>
    %add3A_506 = arith.addi %mul3A_401, %add3A_505 : vector<16xi32>
    %gather3A_507 = tpu.vector_load_idx %arg6[%add3A_506] : memref<3200xf32, #tpu.memory_space<vmem>>[vector<16xi32>], vector<16xf32>,
    %swap3A_508 = arith.constant 1104 : index
    %swap3A_509 = tpu.vector_load %arg7[%swap3A_508] {strides = array<i32>} : memref<4096xf32, #tpu.memory_space<vmem>>, vector<16xf32>,
    tpu.vector_store %arg7[%swap3A_508], %gather3A_507 {strides = array<i32>} : memref<4096xf32, #tpu.memory_space<vmem>>, vector<16xf32>,
    %add3A_510 = arith.constant 18 : i32
    %add3A_511 = vector.broadcast %add3A_510 : i32 to vector<16xi32>
    %add3A_512 = arith.addi %mul3A_401, %add3A_511 : vector<16xi32>
    %gather3A_513 = tpu.vector_load_idx %arg6[%add3A_512] : memref<3200xf32, #tpu.memory_space<vmem>>[vector<16xi32>], vector<16xf32>,
    %swap3A_514 = arith.constant 1168 : index
    %swap3A_515 = tpu.vector_load %arg7[%swap3A_514] {strides = array<i32>} : memref<4096xf32, #tpu.memory_space<vmem>>, vector<16xf32>,
    tpu.vector_store %arg7[%swap3A_514], %gather3A_513 {strides = array<i32>} : memref<4096xf32, #tpu.memory_space<vmem>>, vector<16xf32>,
    %add3A_516 = arith.constant 19 : i32
    %add3A_517 = vector.broadcast %add3A_516 : i32 to vector<16xi32>
    %add3A_518 = arith.addi %mul3A_401, %add3A_517 : vector<16xi32>
    %gather3A_519 = tpu.vector_load_idx %arg6[%add3A_518] : memref<3200xf32, #tpu.memory_space<vmem>>[vector<16xi32>], vector<16xf32>,
    %swap3A_520 = arith.constant 1232 : index
    %swap3A_521 = tpu.vector_load %arg7[%swap3A_520] {strides = array<i32>} : memref<4096xf32, #tpu.memory_space<vmem>>, vector<16xf32>,
    tpu.vector_store %arg7[%swap3A_520], %gather3A_519 {strides = array<i32>} : memref<4096xf32, #tpu.memory_space<vmem>>, vector<16xf32>,
    %add3A_522 = arith.constant 20 : i32
    %add3A_523 = vector.broadcast %add3A_522 : i32 to vector<16xi32>
    %add3A_524 = arith.addi %mul3A_401, %add3A_523 : vector<16xi32>
    %gather3A_525 = tpu.vector_load_idx %arg6[%add3A_524] : memref<3200xf32, #tpu.memory_space<vmem>>[vector<16xi32>], vector<16xf32>,
    %swap3A_526 = arith.constant 1296 : index
    %swap3A_527 = tpu.vector_load %arg7[%swap3A_526] {strides = array<i32>} : memref<4096xf32, #tpu.memory_space<vmem>>, vector<16xf32>,
    tpu.vector_store %arg7[%swap3A_526], %gather3A_525 {strides = array<i32>} : memref<4096xf32, #tpu.memory_space<vmem>>, vector<16xf32>,
    %add3A_528 = arith.constant 21 : i32
    %add3A_529 = vector.broadcast %add3A_528 : i32 to vector<16xi32>
    %add3A_530 = arith.addi %mul3A_401, %add3A_529 : vector<16xi32>
    %gather3A_531 = tpu.vector_load_idx %arg6[%add3A_530] : memref<3200xf32, #tpu.memory_space<vmem>>[vector<16xi32>], vector<16xf32>,
    %swap3A_532 = arith.constant 1360 : index
    %swap3A_533 = tpu.vector_load %arg7[%swap3A_532] {strides = array<i32>} : memref<4096xf32, #tpu.memory_space<vmem>>, vector<16xf32>,
    tpu.vector_store %arg7[%swap3A_532], %gather3A_531 {strides = array<i32>} : memref<4096xf32, #tpu.memory_space<vmem>>, vector<16xf32>,
    %add3A_534 = arith.constant 22 : i32
    %add3A_535 = vector.broadcast %add3A_534 : i32 to vector<16xi32>
    %add3A_536 = arith.addi %mul3A_401, %add3A_535 : vector<16xi32>
    %gather3A_537 = tpu.vector_load_idx %arg6[%add3A_536] : memref<3200xf32, #tpu.memory_space<vmem>>[vector<16xi32>], vector<16xf32>,
    %swap3A_538 = arith.constant 1424 : index
    %swap3A_539 = tpu.vector_load %arg7[%swap3A_538] {strides = array<i32>} : memref<4096xf32, #tpu.memory_space<vmem>>, vector<16xf32>,
    tpu.vector_store %arg7[%swap3A_538], %gather3A_537 {strides = array<i32>} : memref<4096xf32, #tpu.memory_space<vmem>>, vector<16xf32>,
    %add3A_540 = arith.constant 23 : i32
    %add3A_541 = vector.broadcast %add3A_540 : i32 to vector<16xi32>
    %add3A_542 = arith.addi %mul3A_401, %add3A_541 : vector<16xi32>
    %gather3A_543 = tpu.vector_load_idx %arg6[%add3A_542] : memref<3200xf32, #tpu.memory_space<vmem>>[vector<16xi32>], vector<16xf32>,
    %swap3A_544 = arith.constant 1488 : index
    %swap3A_545 = tpu.vector_load %arg7[%swap3A_544] {strides = array<i32>} : memref<4096xf32, #tpu.memory_space<vmem>>, vector<16xf32>,
    tpu.vector_store %arg7[%swap3A_544], %gather3A_543 {strides = array<i32>} : memref<4096xf32, #tpu.memory_space<vmem>>, vector<16xf32>,
    %add3A_546 = arith.constant 24 : i32
    %add3A_547 = vector.broadcast %add3A_546 : i32 to vector<16xi32>
    %add3A_548 = arith.addi %mul3A_401, %add3A_547 : vector<16xi32>
    %gather3A_549 = tpu.vector_load_idx %arg6[%add3A_548] : memref<3200xf32, #tpu.memory_space<vmem>>[vector<16xi32>], vector<16xf32>,
    %swap3A_550 = arith.constant 1552 : index
    %swap3A_551 = tpu.vector_load %arg7[%swap3A_550] {strides = array<i32>} : memref<4096xf32, #tpu.memory_space<vmem>>, vector<16xf32>,
    tpu.vector_store %arg7[%swap3A_550], %gather3A_549 {strides = array<i32>} : memref<4096xf32, #tpu.memory_space<vmem>>, vector<16xf32>,
    %add3A_552 = arith.constant 25 : i32
    %add3A_553 = vector.broadcast %add3A_552 : i32 to vector<16xi32>
    %add3A_554 = arith.addi %mul3A_401, %add3A_553 : vector<16xi32>
    %gather3A_555 = tpu.vector_load_idx %arg6[%add3A_554] : memref<3200xf32, #tpu.memory_space<vmem>>[vector<16xi32>], vector<16xf32>,
    %swap3A_556 = arith.constant 1616 : index
    %swap3A_557 = tpu.vector_load %arg7[%swap3A_556] {strides = array<i32>} : memref<4096xf32, #tpu.memory_space<vmem>>, vector<16xf32>,
    tpu.vector_store %arg7[%swap3A_556], %gather3A_555 {strides = array<i32>} : memref<4096xf32, #tpu.memory_space<vmem>>, vector<16xf32>,
    %add3A_558 = arith.constant 26 : i32
    %add3A_559 = vector.broadcast %add3A_558 : i32 to vector<16xi32>
    %add3A_560 = arith.addi %mul3A_401, %add3A_559 : vector<16xi32>
    %gather3A_561 = tpu.vector_load_idx %arg6[%add3A_560] : memref<3200xf32, #tpu.memory_space<vmem>>[vector<16xi32>], vector<16xf32>,
    %swap3A_562 = arith.constant 1680 : index
    %swap3A_563 = tpu.vector_load %arg7[%swap3A_562] {strides = array<i32>} : memref<4096xf32, #tpu.memory_space<vmem>>, vector<16xf32>,
    tpu.vector_store %arg7[%swap3A_562], %gather3A_561 {strides = array<i32>} : memref<4096xf32, #tpu.memory_space<vmem>>, vector<16xf32>,
    %add3A_564 = arith.constant 27 : i32
    %add3A_565 = vector.broadcast %add3A_564 : i32 to vector<16xi32>
    %add3A_566 = arith.addi %mul3A_401, %add3A_565 : vector<16xi32>
    %gather3A_567 = tpu.vector_load_idx %arg6[%add3A_566] : memref<3200xf32, #tpu.memory_space<vmem>>[vector<16xi32>], vector<16xf32>,
    %swap3A_568 = arith.constant 1744 : index
    %swap3A_569 = tpu.vector_load %arg7[%swap3A_568] {strides = array<i32>} : memref<4096xf32, #tpu.memory_space<vmem>>, vector<16xf32>,
    tpu.vector_store %arg7[%swap3A_568], %gather3A_567 {strides = array<i32>} : memref<4096xf32, #tpu.memory_space<vmem>>, vector<16xf32>,
    %add3A_570 = arith.constant 28 : i32
    %add3A_571 = vector.broadcast %add3A_570 : i32 to vector<16xi32>
    %add3A_572 = arith.addi %mul3A_401, %add3A_571 : vector<16xi32>
    %gather3A_573 = tpu.vector_load_idx %arg6[%add3A_572] : memref<3200xf32, #tpu.memory_space<vmem>>[vector<16xi32>], vector<16xf32>,
    %swap3A_574 = arith.constant 1808 : index
    %swap3A_575 = tpu.vector_load %arg7[%swap3A_574] {strides = array<i32>} : memref<4096xf32, #tpu.memory_space<vmem>>, vector<16xf32>,
    tpu.vector_store %arg7[%swap3A_574], %gather3A_573 {strides = array<i32>} : memref<4096xf32, #tpu.memory_space<vmem>>, vector<16xf32>,
    %add3A_576 = arith.constant 29 : i32
    %add3A_577 = vector.broadcast %add3A_576 : i32 to vector<16xi32>
    %add3A_578 = arith.addi %mul3A_401, %add3A_577 : vector<16xi32>
    %gather3A_579 = tpu.vector_load_idx %arg6[%add3A_578] : memref<3200xf32, #tpu.memory_space<vmem>>[vector<16xi32>], vector<16xf32>,
    %swap3A_580 = arith.constant 1872 : index
    %swap3A_581 = tpu.vector_load %arg7[%swap3A_580] {strides = array<i32>} : memref<4096xf32, #tpu.memory_space<vmem>>, vector<16xf32>,
    tpu.vector_store %arg7[%swap3A_580], %gather3A_579 {strides = array<i32>} : memref<4096xf32, #tpu.memory_space<vmem>>, vector<16xf32>,
    %add3A_582 = arith.constant 30 : i32
    %add3A_583 = vector.broadcast %add3A_582 : i32 to vector<16xi32>
    %add3A_584 = arith.addi %mul3A_401, %add3A_583 : vector<16xi32>
    %gather3A_585 = tpu.vector_load_idx %arg6[%add3A_584] : memref<3200xf32, #tpu.memory_space<vmem>>[vector<16xi32>], vector<16xf32>,
    %swap3A_586 = arith.constant 1936 : index
    %swap3A_587 = tpu.vector_load %arg7[%swap3A_586] {strides = array<i32>} : memref<4096xf32, #tpu.memory_space<vmem>>, vector<16xf32>,
    tpu.vector_store %arg7[%swap3A_586], %gather3A_585 {strides = array<i32>} : memref<4096xf32, #tpu.memory_space<vmem>>, vector<16xf32>,
    %add3A_588 = arith.constant 31 : i32
    %add3A_589 = vector.broadcast %add3A_588 : i32 to vector<16xi32>
    %add3A_590 = arith.addi %mul3A_401, %add3A_589 : vector<16xi32>
    %gather3A_591 = tpu.vector_load_idx %arg6[%add3A_590] : memref<3200xf32, #tpu.memory_space<vmem>>[vector<16xi32>], vector<16xf32>,
    %swap3A_592 = arith.constant 2000 : index
    %swap3A_593 = tpu.vector_load %arg7[%swap3A_592] {strides = array<i32>} : memref<4096xf32, #tpu.memory_space<vmem>>, vector<16xf32>,
    tpu.vector_store %arg7[%swap3A_592], %gather3A_591 {strides = array<i32>} : memref<4096xf32, #tpu.memory_space<vmem>>, vector<16xf32>,
    %add3A_594 = arith.constant 32 : i32
    %add3A_595 = vector.broadcast %add3A_594 : i32 to vector<16xi32>
    %add3A_596 = arith.addi %mul3A_401, %add3A_595 : vector<16xi32>
    %gather3A_597 = tpu.vector_load_idx %arg6[%add3A_596] : memref<3200xf32, #tpu.memory_space<vmem>>[vector<16xi32>], vector<16xf32>,
    %swap3A_598 = arith.constant 2064 : index
    %swap3A_599 = tpu.vector_load %arg7[%swap3A_598] {strides = array<i32>} : memref<4096xf32, #tpu.memory_space<vmem>>, vector<16xf32>,
    tpu.vector_store %arg7[%swap3A_598], %gather3A_597 {strides = array<i32>} : memref<4096xf32, #tpu.memory_space<vmem>>, vector<16xf32>,
    %add3A_600 = arith.constant 33 : i32
    %add3A_601 = vector.broadcast %add3A_600 : i32 to vector<16xi32>
    %add3A_602 = arith.addi %mul3A_401, %add3A_601 : vector<16xi32>
    %gather3A_603 = tpu.vector_load_idx %arg6[%add3A_602] : memref<3200xf32, #tpu.memory_space<vmem>>[vector<16xi32>], vector<16xf32>,
    %swap3A_604 = arith.constant 2128 : index
    %swap3A_605 = tpu.vector_load %arg7[%swap3A_604] {strides = array<i32>} : memref<4096xf32, #tpu.memory_space<vmem>>, vector<16xf32>,
    tpu.vector_store %arg7[%swap3A_604], %gather3A_603 {strides = array<i32>} : memref<4096xf32, #tpu.memory_space<vmem>>, vector<16xf32>,
    %add3A_606 = arith.constant 34 : i32
    %add3A_607 = vector.broadcast %add3A_606 : i32 to vector<16xi32>
    %add3A_608 = arith.addi %mul3A_401, %add3A_607 : vector<16xi32>
    %gather3A_609 = tpu.vector_load_idx %arg6[%add3A_608] : memref<3200xf32, #tpu.memory_space<vmem>>[vector<16xi32>], vector<16xf32>,
    %swap3A_610 = arith.constant 2192 : index
    %swap3A_611 = tpu.vector_load %arg7[%swap3A_610] {strides = array<i32>} : memref<4096xf32, #tpu.memory_space<vmem>>, vector<16xf32>,
    tpu.vector_store %arg7[%swap3A_610], %gather3A_609 {strides = array<i32>} : memref<4096xf32, #tpu.memory_space<vmem>>, vector<16xf32>,
    %add3A_612 = arith.constant 35 : i32
    %add3A_613 = vector.broadcast %add3A_612 : i32 to vector<16xi32>
    %add3A_614 = arith.addi %mul3A_401, %add3A_613 : vector<16xi32>
    %gather3A_615 = tpu.vector_load_idx %arg6[%add3A_614] : memref<3200xf32, #tpu.memory_space<vmem>>[vector<16xi32>], vector<16xf32>,
    %swap3A_616 = arith.constant 2256 : index
    %swap3A_617 = tpu.vector_load %arg7[%swap3A_616] {strides = array<i32>} : memref<4096xf32, #tpu.memory_space<vmem>>, vector<16xf32>,
    tpu.vector_store %arg7[%swap3A_616], %gather3A_615 {strides = array<i32>} : memref<4096xf32, #tpu.memory_space<vmem>>, vector<16xf32>,
    %add3A_618 = arith.constant 36 : i32
    %add3A_619 = vector.broadcast %add3A_618 : i32 to vector<16xi32>
    %add3A_620 = arith.addi %mul3A_401, %add3A_619 : vector<16xi32>
    %gather3A_621 = tpu.vector_load_idx %arg6[%add3A_620] : memref<3200xf32, #tpu.memory_space<vmem>>[vector<16xi32>], vector<16xf32>,
    %swap3A_622 = arith.constant 2320 : index
    %swap3A_623 = tpu.vector_load %arg7[%swap3A_622] {strides = array<i32>} : memref<4096xf32, #tpu.memory_space<vmem>>, vector<16xf32>,
    tpu.vector_store %arg7[%swap3A_622], %gather3A_621 {strides = array<i32>} : memref<4096xf32, #tpu.memory_space<vmem>>, vector<16xf32>,
    %add3A_624 = arith.constant 37 : i32
    %add3A_625 = vector.broadcast %add3A_624 : i32 to vector<16xi32>
    %add3A_626 = arith.addi %mul3A_401, %add3A_625 : vector<16xi32>
    %gather3A_627 = tpu.vector_load_idx %arg6[%add3A_626] : memref<3200xf32, #tpu.memory_space<vmem>>[vector<16xi32>], vector<16xf32>,
    %swap3A_628 = arith.constant 2384 : index
    %swap3A_629 = tpu.vector_load %arg7[%swap3A_628] {strides = array<i32>} : memref<4096xf32, #tpu.memory_space<vmem>>, vector<16xf32>,
    tpu.vector_store %arg7[%swap3A_628], %gather3A_627 {strides = array<i32>} : memref<4096xf32, #tpu.memory_space<vmem>>, vector<16xf32>,
    %add3A_630 = arith.constant 38 : i32
    %add3A_631 = vector.broadcast %add3A_630 : i32 to vector<16xi32>
    %add3A_632 = arith.addi %mul3A_401, %add3A_631 : vector<16xi32>
    %gather3A_633 = tpu.vector_load_idx %arg6[%add3A_632] : memref<3200xf32, #tpu.memory_space<vmem>>[vector<16xi32>], vector<16xf32>,
    %swap3A_634 = arith.constant 2448 : index
    %swap3A_635 = tpu.vector_load %arg7[%swap3A_634] {strides = array<i32>} : memref<4096xf32, #tpu.memory_space<vmem>>, vector<16xf32>,
    tpu.vector_store %arg7[%swap3A_634], %gather3A_633 {strides = array<i32>} : memref<4096xf32, #tpu.memory_space<vmem>>, vector<16xf32>,
    %add3A_636 = arith.constant 39 : i32
    %add3A_637 = vector.broadcast %add3A_636 : i32 to vector<16xi32>
    %add3A_638 = arith.addi %mul3A_401, %add3A_637 : vector<16xi32>
    %gather3A_639 = tpu.vector_load_idx %arg6[%add3A_638] : memref<3200xf32, #tpu.memory_space<vmem>>[vector<16xi32>], vector<16xf32>,
    %swap3A_640 = arith.constant 2512 : index
    %swap3A_641 = tpu.vector_load %arg7[%swap3A_640] {strides = array<i32>} : memref<4096xf32, #tpu.memory_space<vmem>>, vector<16xf32>,
    tpu.vector_store %arg7[%swap3A_640], %gather3A_639 {strides = array<i32>} : memref<4096xf32, #tpu.memory_space<vmem>>, vector<16xf32>,
    %add3A_642 = arith.constant 40 : i32
    %add3A_643 = vector.broadcast %add3A_642 : i32 to vector<16xi32>
    %add3A_644 = arith.addi %mul3A_401, %add3A_643 : vector<16xi32>
    %gather3A_645 = tpu.vector_load_idx %arg6[%add3A_644] : memref<3200xf32, #tpu.memory_space<vmem>>[vector<16xi32>], vector<16xf32>,
    %swap3A_646 = arith.constant 2576 : index
    %swap3A_647 = tpu.vector_load %arg7[%swap3A_646] {strides = array<i32>} : memref<4096xf32, #tpu.memory_space<vmem>>, vector<16xf32>,
    tpu.vector_store %arg7[%swap3A_646], %gather3A_645 {strides = array<i32>} : memref<4096xf32, #tpu.memory_space<vmem>>, vector<16xf32>,
    %add3A_648 = arith.constant 41 : i32
    %add3A_649 = vector.broadcast %add3A_648 : i32 to vector<16xi32>
    %add3A_650 = arith.addi %mul3A_401, %add3A_649 : vector<16xi32>
    %gather3A_651 = tpu.vector_load_idx %arg6[%add3A_650] : memref<3200xf32, #tpu.memory_space<vmem>>[vector<16xi32>], vector<16xf32>,
    %swap3A_652 = arith.constant 2640 : index
    %swap3A_653 = tpu.vector_load %arg7[%swap3A_652] {strides = array<i32>} : memref<4096xf32, #tpu.memory_space<vmem>>, vector<16xf32>,
    tpu.vector_store %arg7[%swap3A_652], %gather3A_651 {strides = array<i32>} : memref<4096xf32, #tpu.memory_space<vmem>>, vector<16xf32>,
    %add3A_654 = arith.constant 42 : i32
    %add3A_655 = vector.broadcast %add3A_654 : i32 to vector<16xi32>
    %add3A_656 = arith.addi %mul3A_401, %add3A_655 : vector<16xi32>
    %gather3A_657 = tpu.vector_load_idx %arg6[%add3A_656] : memref<3200xf32, #tpu.memory_space<vmem>>[vector<16xi32>], vector<16xf32>,
    %swap3A_658 = arith.constant 2704 : index
    %swap3A_659 = tpu.vector_load %arg7[%swap3A_658] {strides = array<i32>} : memref<4096xf32, #tpu.memory_space<vmem>>, vector<16xf32>,
    tpu.vector_store %arg7[%swap3A_658], %gather3A_657 {strides = array<i32>} : memref<4096xf32, #tpu.memory_space<vmem>>, vector<16xf32>,
    %add3A_660 = arith.constant 43 : i32
    %add3A_661 = vector.broadcast %add3A_660 : i32 to vector<16xi32>
    %add3A_662 = arith.addi %mul3A_401, %add3A_661 : vector<16xi32>
    %gather3A_663 = tpu.vector_load_idx %arg6[%add3A_662] : memref<3200xf32, #tpu.memory_space<vmem>>[vector<16xi32>], vector<16xf32>,
    %swap3A_664 = arith.constant 2768 : index
    %swap3A_665 = tpu.vector_load %arg7[%swap3A_664] {strides = array<i32>} : memref<4096xf32, #tpu.memory_space<vmem>>, vector<16xf32>,
    tpu.vector_store %arg7[%swap3A_664], %gather3A_663 {strides = array<i32>} : memref<4096xf32, #tpu.memory_space<vmem>>, vector<16xf32>,
    %add3A_666 = arith.constant 44 : i32
    %add3A_667 = vector.broadcast %add3A_666 : i32 to vector<16xi32>
    %add3A_668 = arith.addi %mul3A_401, %add3A_667 : vector<16xi32>
    %gather3A_669 = tpu.vector_load_idx %arg6[%add3A_668] : memref<3200xf32, #tpu.memory_space<vmem>>[vector<16xi32>], vector<16xf32>,
    %swap3A_670 = arith.constant 2832 : index
    %swap3A_671 = tpu.vector_load %arg7[%swap3A_670] {strides = array<i32>} : memref<4096xf32, #tpu.memory_space<vmem>>, vector<16xf32>,
    tpu.vector_store %arg7[%swap3A_670], %gather3A_669 {strides = array<i32>} : memref<4096xf32, #tpu.memory_space<vmem>>, vector<16xf32>,
    %add3A_672 = arith.constant 45 : i32
    %add3A_673 = vector.broadcast %add3A_672 : i32 to vector<16xi32>
    %add3A_674 = arith.addi %mul3A_401, %add3A_673 : vector<16xi32>
    %gather3A_675 = tpu.vector_load_idx %arg6[%add3A_674] : memref<3200xf32, #tpu.memory_space<vmem>>[vector<16xi32>], vector<16xf32>,
    %swap3A_676 = arith.constant 2896 : index
    %swap3A_677 = tpu.vector_load %arg7[%swap3A_676] {strides = array<i32>} : memref<4096xf32, #tpu.memory_space<vmem>>, vector<16xf32>,
    tpu.vector_store %arg7[%swap3A_676], %gather3A_675 {strides = array<i32>} : memref<4096xf32, #tpu.memory_space<vmem>>, vector<16xf32>,
    %add3A_678 = arith.constant 46 : i32
    %add3A_679 = vector.broadcast %add3A_678 : i32 to vector<16xi32>
    %add3A_680 = arith.addi %mul3A_401, %add3A_679 : vector<16xi32>
    %gather3A_681 = tpu.vector_load_idx %arg6[%add3A_680] : memref<3200xf32, #tpu.memory_space<vmem>>[vector<16xi32>], vector<16xf32>,
    %swap3A_682 = arith.constant 2960 : index
    %swap3A_683 = tpu.vector_load %arg7[%swap3A_682] {strides = array<i32>} : memref<4096xf32, #tpu.memory_space<vmem>>, vector<16xf32>,
    tpu.vector_store %arg7[%swap3A_682], %gather3A_681 {strides = array<i32>} : memref<4096xf32, #tpu.memory_space<vmem>>, vector<16xf32>,
    %add3A_684 = arith.constant 47 : i32
    %add3A_685 = vector.broadcast %add3A_684 : i32 to vector<16xi32>
    %add3A_686 = arith.addi %mul3A_401, %add3A_685 : vector<16xi32>
    %gather3A_687 = tpu.vector_load_idx %arg6[%add3A_686] : memref<3200xf32, #tpu.memory_space<vmem>>[vector<16xi32>], vector<16xf32>,
    %swap3A_688 = arith.constant 3024 : index
    %swap3A_689 = tpu.vector_load %arg7[%swap3A_688] {strides = array<i32>} : memref<4096xf32, #tpu.memory_space<vmem>>, vector<16xf32>,
    tpu.vector_store %arg7[%swap3A_688], %gather3A_687 {strides = array<i32>} : memref<4096xf32, #tpu.memory_space<vmem>>, vector<16xf32>,
    %add3A_690 = arith.constant 48 : i32
    %add3A_691 = vector.broadcast %add3A_690 : i32 to vector<16xi32>
    %add3A_692 = arith.addi %mul3A_401, %add3A_691 : vector<16xi32>
    %gather3A_693 = tpu.vector_load_idx %arg6[%add3A_692] : memref<3200xf32, #tpu.memory_space<vmem>>[vector<16xi32>], vector<16xf32>,
    %swap3A_694 = arith.constant 3088 : index
    %swap3A_695 = tpu.vector_load %arg7[%swap3A_694] {strides = array<i32>} : memref<4096xf32, #tpu.memory_space<vmem>>, vector<16xf32>,
    tpu.vector_store %arg7[%swap3A_694], %gather3A_693 {strides = array<i32>} : memref<4096xf32, #tpu.memory_space<vmem>>, vector<16xf32>,
    %add3A_696 = arith.constant 49 : i32
    %add3A_697 = vector.broadcast %add3A_696 : i32 to vector<16xi32>
    %add3A_698 = arith.addi %mul3A_401, %add3A_697 : vector<16xi32>
    %gather3A_699 = tpu.vector_load_idx %arg6[%add3A_698] : memref<3200xf32, #tpu.memory_space<vmem>>[vector<16xi32>], vector<16xf32>,
    %swap3A_700 = arith.constant 3152 : index
    %swap3A_701 = tpu.vector_load %arg7[%swap3A_700] {strides = array<i32>} : memref<4096xf32, #tpu.memory_space<vmem>>, vector<16xf32>,
    tpu.vector_store %arg7[%swap3A_700], %gather3A_699 {strides = array<i32>} : memref<4096xf32, #tpu.memory_space<vmem>>, vector<16xf32>,
    %add3A_702 = arith.constant 50 : i32
    %add3A_703 = vector.broadcast %add3A_702 : i32 to vector<16xi32>
    %add3A_704 = arith.addi %mul3A_401, %add3A_703 : vector<16xi32>
    %gather3A_705 = tpu.vector_load_idx %arg6[%add3A_704] : memref<3200xf32, #tpu.memory_space<vmem>>[vector<16xi32>], vector<16xf32>,
    %swap3A_706 = arith.constant 3216 : index
    %swap3A_707 = tpu.vector_load %arg7[%swap3A_706] {strides = array<i32>} : memref<4096xf32, #tpu.memory_space<vmem>>, vector<16xf32>,
    tpu.vector_store %arg7[%swap3A_706], %gather3A_705 {strides = array<i32>} : memref<4096xf32, #tpu.memory_space<vmem>>, vector<16xf32>,
    %add3A_708 = arith.constant 51 : i32
    %add3A_709 = vector.broadcast %add3A_708 : i32 to vector<16xi32>
    %add3A_710 = arith.addi %mul3A_401, %add3A_709 : vector<16xi32>
    %gather3A_711 = tpu.vector_load_idx %arg6[%add3A_710] : memref<3200xf32, #tpu.memory_space<vmem>>[vector<16xi32>], vector<16xf32>,
    %swap3A_712 = arith.constant 3280 : index
    %swap3A_713 = tpu.vector_load %arg7[%swap3A_712] {strides = array<i32>} : memref<4096xf32, #tpu.memory_space<vmem>>, vector<16xf32>,
    tpu.vector_store %arg7[%swap3A_712], %gather3A_711 {strides = array<i32>} : memref<4096xf32, #tpu.memory_space<vmem>>, vector<16xf32>,
    %add3A_714 = arith.constant 52 : i32
    %add3A_715 = vector.broadcast %add3A_714 : i32 to vector<16xi32>
    %add3A_716 = arith.addi %mul3A_401, %add3A_715 : vector<16xi32>
    %gather3A_717 = tpu.vector_load_idx %arg6[%add3A_716] : memref<3200xf32, #tpu.memory_space<vmem>>[vector<16xi32>], vector<16xf32>,
    %swap3A_718 = arith.constant 3344 : index
    %swap3A_719 = tpu.vector_load %arg7[%swap3A_718] {strides = array<i32>} : memref<4096xf32, #tpu.memory_space<vmem>>, vector<16xf32>,
    tpu.vector_store %arg7[%swap3A_718], %gather3A_717 {strides = array<i32>} : memref<4096xf32, #tpu.memory_space<vmem>>, vector<16xf32>,
    %add3A_720 = arith.constant 53 : i32
    %add3A_721 = vector.broadcast %add3A_720 : i32 to vector<16xi32>
    %add3A_722 = arith.addi %mul3A_401, %add3A_721 : vector<16xi32>
    %gather3A_723 = tpu.vector_load_idx %arg6[%add3A_722] : memref<3200xf32, #tpu.memory_space<vmem>>[vector<16xi32>], vector<16xf32>,
    %swap3A_724 = arith.constant 3408 : index
    %swap3A_725 = tpu.vector_load %arg7[%swap3A_724] {strides = array<i32>} : memref<4096xf32, #tpu.memory_space<vmem>>, vector<16xf32>,
    tpu.vector_store %arg7[%swap3A_724], %gather3A_723 {strides = array<i32>} : memref<4096xf32, #tpu.memory_space<vmem>>, vector<16xf32>,
    %add3A_726 = arith.constant 54 : i32
    %add3A_727 = vector.broadcast %add3A_726 : i32 to vector<16xi32>
    %add3A_728 = arith.addi %mul3A_401, %add3A_727 : vector<16xi32>
    %gather3A_729 = tpu.vector_load_idx %arg6[%add3A_728] : memref<3200xf32, #tpu.memory_space<vmem>>[vector<16xi32>], vector<16xf32>,
    %swap3A_730 = arith.constant 3472 : index
    %swap3A_731 = tpu.vector_load %arg7[%swap3A_730] {strides = array<i32>} : memref<4096xf32, #tpu.memory_space<vmem>>, vector<16xf32>,
    tpu.vector_store %arg7[%swap3A_730], %gather3A_729 {strides = array<i32>} : memref<4096xf32, #tpu.memory_space<vmem>>, vector<16xf32>,
    %add3A_732 = arith.constant 55 : i32
    %add3A_733 = vector.broadcast %add3A_732 : i32 to vector<16xi32>
    %add3A_734 = arith.addi %mul3A_401, %add3A_733 : vector<16xi32>
    %gather3A_735 = tpu.vector_load_idx %arg6[%add3A_734] : memref<3200xf32, #tpu.memory_space<vmem>>[vector<16xi32>], vector<16xf32>,
    %swap3A_736 = arith.constant 3536 : index
    %swap3A_737 = tpu.vector_load %arg7[%swap3A_736] {strides = array<i32>} : memref<4096xf32, #tpu.memory_space<vmem>>, vector<16xf32>,
    tpu.vector_store %arg7[%swap3A_736], %gather3A_735 {strides = array<i32>} : memref<4096xf32, #tpu.memory_space<vmem>>, vector<16xf32>,
    %add3A_738 = arith.constant 56 : i32
    %add3A_739 = vector.broadcast %add3A_738 : i32 to vector<16xi32>
    %add3A_740 = arith.addi %mul3A_401, %add3A_739 : vector<16xi32>
    %gather3A_741 = tpu.vector_load_idx %arg6[%add3A_740] : memref<3200xf32, #tpu.memory_space<vmem>>[vector<16xi32>], vector<16xf32>,
    %swap3A_742 = arith.constant 3600 : index
    %swap3A_743 = tpu.vector_load %arg7[%swap3A_742] {strides = array<i32>} : memref<4096xf32, #tpu.memory_space<vmem>>, vector<16xf32>,
    tpu.vector_store %arg7[%swap3A_742], %gather3A_741 {strides = array<i32>} : memref<4096xf32, #tpu.memory_space<vmem>>, vector<16xf32>,
    %add3A_744 = arith.constant 57 : i32
    %add3A_745 = vector.broadcast %add3A_744 : i32 to vector<16xi32>
    %add3A_746 = arith.addi %mul3A_401, %add3A_745 : vector<16xi32>
    %gather3A_747 = tpu.vector_load_idx %arg6[%add3A_746] : memref<3200xf32, #tpu.memory_space<vmem>>[vector<16xi32>], vector<16xf32>,
    %swap3A_748 = arith.constant 3664 : index
    %swap3A_749 = tpu.vector_load %arg7[%swap3A_748] {strides = array<i32>} : memref<4096xf32, #tpu.memory_space<vmem>>, vector<16xf32>,
    tpu.vector_store %arg7[%swap3A_748], %gather3A_747 {strides = array<i32>} : memref<4096xf32, #tpu.memory_space<vmem>>, vector<16xf32>,
    %add3A_750 = arith.constant 58 : i32
    %add3A_751 = vector.broadcast %add3A_750 : i32 to vector<16xi32>
    %add3A_752 = arith.addi %mul3A_401, %add3A_751 : vector<16xi32>
    %gather3A_753 = tpu.vector_load_idx %arg6[%add3A_752] : memref<3200xf32, #tpu.memory_space<vmem>>[vector<16xi32>], vector<16xf32>,
    %swap3A_754 = arith.constant 3728 : index
    %swap3A_755 = tpu.vector_load %arg7[%swap3A_754] {strides = array<i32>} : memref<4096xf32, #tpu.memory_space<vmem>>, vector<16xf32>,
    tpu.vector_store %arg7[%swap3A_754], %gather3A_753 {strides = array<i32>} : memref<4096xf32, #tpu.memory_space<vmem>>, vector<16xf32>,
    %add3A_756 = arith.constant 59 : i32
    %add3A_757 = vector.broadcast %add3A_756 : i32 to vector<16xi32>
    %add3A_758 = arith.addi %mul3A_401, %add3A_757 : vector<16xi32>
    %gather3A_759 = tpu.vector_load_idx %arg6[%add3A_758] : memref<3200xf32, #tpu.memory_space<vmem>>[vector<16xi32>], vector<16xf32>,
    %swap3A_760 = arith.constant 3792 : index
    %swap3A_761 = tpu.vector_load %arg7[%swap3A_760] {strides = array<i32>} : memref<4096xf32, #tpu.memory_space<vmem>>, vector<16xf32>,
    tpu.vector_store %arg7[%swap3A_760], %gather3A_759 {strides = array<i32>} : memref<4096xf32, #tpu.memory_space<vmem>>, vector<16xf32>,
    %add3A_762 = arith.constant 60 : i32
    %add3A_763 = vector.broadcast %add3A_762 : i32 to vector<16xi32>
    %add3A_764 = arith.addi %mul3A_401, %add3A_763 : vector<16xi32>
    %gather3A_765 = tpu.vector_load_idx %arg6[%add3A_764] : memref<3200xf32, #tpu.memory_space<vmem>>[vector<16xi32>], vector<16xf32>,
    %swap3A_766 = arith.constant 3856 : index
    %swap3A_767 = tpu.vector_load %arg7[%swap3A_766] {strides = array<i32>} : memref<4096xf32, #tpu.memory_space<vmem>>, vector<16xf32>,
    tpu.vector_store %arg7[%swap3A_766], %gather3A_765 {strides = array<i32>} : memref<4096xf32, #tpu.memory_space<vmem>>, vector<16xf32>,
    %add3A_768 = arith.constant 61 : i32
    %add3A_769 = vector.broadcast %add3A_768 : i32 to vector<16xi32>
    %add3A_770 = arith.addi %mul3A_401, %add3A_769 : vector<16xi32>
    %gather3A_771 = tpu.vector_load_idx %arg6[%add3A_770] : memref<3200xf32, #tpu.memory_space<vmem>>[vector<16xi32>], vector<16xf32>,
    %swap3A_772 = arith.constant 3920 : index
    %swap3A_773 = tpu.vector_load %arg7[%swap3A_772] {strides = array<i32>} : memref<4096xf32, #tpu.memory_space<vmem>>, vector<16xf32>,
    tpu.vector_store %arg7[%swap3A_772], %gather3A_771 {strides = array<i32>} : memref<4096xf32, #tpu.memory_space<vmem>>, vector<16xf32>,
    %add3A_774 = arith.constant 62 : i32
    %add3A_775 = vector.broadcast %add3A_774 : i32 to vector<16xi32>
    %add3A_776 = arith.addi %mul3A_401, %add3A_775 : vector<16xi32>
    %gather3A_777 = tpu.vector_load_idx %arg6[%add3A_776] : memref<3200xf32, #tpu.memory_space<vmem>>[vector<16xi32>], vector<16xf32>,
    %swap3A_778 = arith.constant 3984 : index
    %swap3A_779 = tpu.vector_load %arg7[%swap3A_778] {strides = array<i32>} : memref<4096xf32, #tpu.memory_space<vmem>>, vector<16xf32>,
    tpu.vector_store %arg7[%swap3A_778], %gather3A_777 {strides = array<i32>} : memref<4096xf32, #tpu.memory_space<vmem>>, vector<16xf32>,
    %add3A_780 = arith.constant 63 : i32
    %add3A_781 = vector.broadcast %add3A_780 : i32 to vector<16xi32>
    %add3A_782 = arith.addi %mul3A_401, %add3A_781 : vector<16xi32>
    %gather3A_783 = tpu.vector_load_idx %arg6[%add3A_782] : memref<3200xf32, #tpu.memory_space<vmem>>[vector<16xi32>], vector<16xf32>,
    %swap3A_784 = arith.constant 4048 : index
    %swap3A_785 = tpu.vector_load %arg7[%swap3A_784] {strides = array<i32>} : memref<4096xf32, #tpu.memory_space<vmem>>, vector<16xf32>,
    tpu.vector_store %arg7[%swap3A_784], %gather3A_783 {strides = array<i32>} : memref<4096xf32, #tpu.memory_space<vmem>>, vector<16xf32>,
    %add3A_786 = arith.constant 32 : i32
    %add3A_787 = vector.broadcast %add3A_786 : i32 to vector<16xi32>
    %add3A_788 = arith.addi %iota3A, %add3A_787 : vector<16xi32>
    %min3A_789 = arith.constant 49 : i32
    %min3A_790 = vector.broadcast %min3A_789 : i32 to vector<16xi32>
    %min3A_791 = arith.minsi %add3A_788, %min3A_790 : vector<16xi32>
    %mul3A_792 = arith.constant 64 : i32
    %mul3A_793 = vector.broadcast %mul3A_792 : i32 to vector<16xi32>
    %mul3A_794 = arith.muli %min3A_791, %mul3A_793 : vector<16xi32>
    %add3A_795 = arith.constant 0 : i32
    %add3A_796 = vector.broadcast %add3A_795 : i32 to vector<16xi32>
    %add3A_797 = arith.addi %mul3A_794, %add3A_796 : vector<16xi32>
    %gather3A_798 = tpu.vector_load_idx %arg6[%add3A_797] : memref<3200xf32, #tpu.memory_space<vmem>>[vector<16xi32>], vector<16xf32>,
    %swap3A_799 = arith.constant 32 : index
    %swap3A_800 = tpu.vector_load %arg7[%swap3A_799] {strides = array<i32>} : memref<4096xf32, #tpu.memory_space<vmem>>, vector<16xf32>,
    tpu.vector_store %arg7[%swap3A_799], %gather3A_798 {strides = array<i32>} : memref<4096xf32, #tpu.memory_space<vmem>>, vector<16xf32>,
    %add3A_801 = arith.constant 1 : i32
    %add3A_802 = vector.broadcast %add3A_801 : i32 to vector<16xi32>
    %add3A_803 = arith.addi %mul3A_794, %add3A_802 : vector<16xi32>
    %gather3A_804 = tpu.vector_load_idx %arg6[%add3A_803] : memref<3200xf32, #tpu.memory_space<vmem>>[vector<16xi32>], vector<16xf32>,
    %swap3A_805 = arith.constant 96 : index
    %swap3A_806 = tpu.vector_load %arg7[%swap3A_805] {strides = array<i32>} : memref<4096xf32, #tpu.memory_space<vmem>>, vector<16xf32>,
    tpu.vector_store %arg7[%swap3A_805], %gather3A_804 {strides = array<i32>} : memref<4096xf32, #tpu.memory_space<vmem>>, vector<16xf32>,
    %add3A_807 = arith.constant 2 : i32
    %add3A_808 = vector.broadcast %add3A_807 : i32 to vector<16xi32>
    %add3A_809 = arith.addi %mul3A_794, %add3A_808 : vector<16xi32>
    %gather3A_810 = tpu.vector_load_idx %arg6[%add3A_809] : memref<3200xf32, #tpu.memory_space<vmem>>[vector<16xi32>], vector<16xf32>,
    %swap3A_811 = arith.constant 160 : index
    %swap3A_812 = tpu.vector_load %arg7[%swap3A_811] {strides = array<i32>} : memref<4096xf32, #tpu.memory_space<vmem>>, vector<16xf32>,
    tpu.vector_store %arg7[%swap3A_811], %gather3A_810 {strides = array<i32>} : memref<4096xf32, #tpu.memory_space<vmem>>, vector<16xf32>,
    %add3A_813 = arith.constant 3 : i32
    %add3A_814 = vector.broadcast %add3A_813 : i32 to vector<16xi32>
    %add3A_815 = arith.addi %mul3A_794, %add3A_814 : vector<16xi32>
    %gather3A_816 = tpu.vector_load_idx %arg6[%add3A_815] : memref<3200xf32, #tpu.memory_space<vmem>>[vector<16xi32>], vector<16xf32>,
    %swap3A_817 = arith.constant 224 : index
    %swap3A_818 = tpu.vector_load %arg7[%swap3A_817] {strides = array<i32>} : memref<4096xf32, #tpu.memory_space<vmem>>, vector<16xf32>,
    tpu.vector_store %arg7[%swap3A_817], %gather3A_816 {strides = array<i32>} : memref<4096xf32, #tpu.memory_space<vmem>>, vector<16xf32>,
    %add3A_819 = arith.constant 4 : i32
    %add3A_820 = vector.broadcast %add3A_819 : i32 to vector<16xi32>
    %add3A_821 = arith.addi %mul3A_794, %add3A_820 : vector<16xi32>
    %gather3A_822 = tpu.vector_load_idx %arg6[%add3A_821] : memref<3200xf32, #tpu.memory_space<vmem>>[vector<16xi32>], vector<16xf32>,
    %swap3A_823 = arith.constant 288 : index
    %swap3A_824 = tpu.vector_load %arg7[%swap3A_823] {strides = array<i32>} : memref<4096xf32, #tpu.memory_space<vmem>>, vector<16xf32>,
    tpu.vector_store %arg7[%swap3A_823], %gather3A_822 {strides = array<i32>} : memref<4096xf32, #tpu.memory_space<vmem>>, vector<16xf32>,
    %add3A_825 = arith.constant 5 : i32
    %add3A_826 = vector.broadcast %add3A_825 : i32 to vector<16xi32>
    %add3A_827 = arith.addi %mul3A_794, %add3A_826 : vector<16xi32>
    %gather3A_828 = tpu.vector_load_idx %arg6[%add3A_827] : memref<3200xf32, #tpu.memory_space<vmem>>[vector<16xi32>], vector<16xf32>,
    %swap3A_829 = arith.constant 352 : index
    %swap3A_830 = tpu.vector_load %arg7[%swap3A_829] {strides = array<i32>} : memref<4096xf32, #tpu.memory_space<vmem>>, vector<16xf32>,
    tpu.vector_store %arg7[%swap3A_829], %gather3A_828 {strides = array<i32>} : memref<4096xf32, #tpu.memory_space<vmem>>, vector<16xf32>,
    %add3A_831 = arith.constant 6 : i32
    %add3A_832 = vector.broadcast %add3A_831 : i32 to vector<16xi32>
    %add3A_833 = arith.addi %mul3A_794, %add3A_832 : vector<16xi32>
    %gather3A_834 = tpu.vector_load_idx %arg6[%add3A_833] : memref<3200xf32, #tpu.memory_space<vmem>>[vector<16xi32>], vector<16xf32>,
    %swap3A_835 = arith.constant 416 : index
    %swap3A_836 = tpu.vector_load %arg7[%swap3A_835] {strides = array<i32>} : memref<4096xf32, #tpu.memory_space<vmem>>, vector<16xf32>,
    tpu.vector_store %arg7[%swap3A_835], %gather3A_834 {strides = array<i32>} : memref<4096xf32, #tpu.memory_space<vmem>>, vector<16xf32>,
    %add3A_837 = arith.constant 7 : i32
    %add3A_838 = vector.broadcast %add3A_837 : i32 to vector<16xi32>
    %add3A_839 = arith.addi %mul3A_794, %add3A_838 : vector<16xi32>
    %gather3A_840 = tpu.vector_load_idx %arg6[%add3A_839] : memref<3200xf32, #tpu.memory_space<vmem>>[vector<16xi32>], vector<16xf32>,
    %swap3A_841 = arith.constant 480 : index
    %swap3A_842 = tpu.vector_load %arg7[%swap3A_841] {strides = array<i32>} : memref<4096xf32, #tpu.memory_space<vmem>>, vector<16xf32>,
    tpu.vector_store %arg7[%swap3A_841], %gather3A_840 {strides = array<i32>} : memref<4096xf32, #tpu.memory_space<vmem>>, vector<16xf32>,
    %add3A_843 = arith.constant 8 : i32
    %add3A_844 = vector.broadcast %add3A_843 : i32 to vector<16xi32>
    %add3A_845 = arith.addi %mul3A_794, %add3A_844 : vector<16xi32>
    %gather3A_846 = tpu.vector_load_idx %arg6[%add3A_845] : memref<3200xf32, #tpu.memory_space<vmem>>[vector<16xi32>], vector<16xf32>,
    %swap3A_847 = arith.constant 544 : index
    %swap3A_848 = tpu.vector_load %arg7[%swap3A_847] {strides = array<i32>} : memref<4096xf32, #tpu.memory_space<vmem>>, vector<16xf32>,
    tpu.vector_store %arg7[%swap3A_847], %gather3A_846 {strides = array<i32>} : memref<4096xf32, #tpu.memory_space<vmem>>, vector<16xf32>,
    %add3A_849 = arith.constant 9 : i32
    %add3A_850 = vector.broadcast %add3A_849 : i32 to vector<16xi32>
    %add3A_851 = arith.addi %mul3A_794, %add3A_850 : vector<16xi32>
    %gather3A_852 = tpu.vector_load_idx %arg6[%add3A_851] : memref<3200xf32, #tpu.memory_space<vmem>>[vector<16xi32>], vector<16xf32>,
    %swap3A_853 = arith.constant 608 : index
    %swap3A_854 = tpu.vector_load %arg7[%swap3A_853] {strides = array<i32>} : memref<4096xf32, #tpu.memory_space<vmem>>, vector<16xf32>,
    tpu.vector_store %arg7[%swap3A_853], %gather3A_852 {strides = array<i32>} : memref<4096xf32, #tpu.memory_space<vmem>>, vector<16xf32>,
    %add3A_855 = arith.constant 10 : i32
    %add3A_856 = vector.broadcast %add3A_855 : i32 to vector<16xi32>
    %add3A_857 = arith.addi %mul3A_794, %add3A_856 : vector<16xi32>
    %gather3A_858 = tpu.vector_load_idx %arg6[%add3A_857] : memref<3200xf32, #tpu.memory_space<vmem>>[vector<16xi32>], vector<16xf32>,
    %swap3A_859 = arith.constant 672 : index
    %swap3A_860 = tpu.vector_load %arg7[%swap3A_859] {strides = array<i32>} : memref<4096xf32, #tpu.memory_space<vmem>>, vector<16xf32>,
    tpu.vector_store %arg7[%swap3A_859], %gather3A_858 {strides = array<i32>} : memref<4096xf32, #tpu.memory_space<vmem>>, vector<16xf32>,
    %add3A_861 = arith.constant 11 : i32
    %add3A_862 = vector.broadcast %add3A_861 : i32 to vector<16xi32>
    %add3A_863 = arith.addi %mul3A_794, %add3A_862 : vector<16xi32>
    %gather3A_864 = tpu.vector_load_idx %arg6[%add3A_863] : memref<3200xf32, #tpu.memory_space<vmem>>[vector<16xi32>], vector<16xf32>,
    %swap3A_865 = arith.constant 736 : index
    %swap3A_866 = tpu.vector_load %arg7[%swap3A_865] {strides = array<i32>} : memref<4096xf32, #tpu.memory_space<vmem>>, vector<16xf32>,
    tpu.vector_store %arg7[%swap3A_865], %gather3A_864 {strides = array<i32>} : memref<4096xf32, #tpu.memory_space<vmem>>, vector<16xf32>,
    %add3A_867 = arith.constant 12 : i32
    %add3A_868 = vector.broadcast %add3A_867 : i32 to vector<16xi32>
    %add3A_869 = arith.addi %mul3A_794, %add3A_868 : vector<16xi32>
    %gather3A_870 = tpu.vector_load_idx %arg6[%add3A_869] : memref<3200xf32, #tpu.memory_space<vmem>>[vector<16xi32>], vector<16xf32>,
    %swap3A_871 = arith.constant 800 : index
    %swap3A_872 = tpu.vector_load %arg7[%swap3A_871] {strides = array<i32>} : memref<4096xf32, #tpu.memory_space<vmem>>, vector<16xf32>,
    tpu.vector_store %arg7[%swap3A_871], %gather3A_870 {strides = array<i32>} : memref<4096xf32, #tpu.memory_space<vmem>>, vector<16xf32>,
    %add3A_873 = arith.constant 13 : i32
    %add3A_874 = vector.broadcast %add3A_873 : i32 to vector<16xi32>
    %add3A_875 = arith.addi %mul3A_794, %add3A_874 : vector<16xi32>
    %gather3A_876 = tpu.vector_load_idx %arg6[%add3A_875] : memref<3200xf32, #tpu.memory_space<vmem>>[vector<16xi32>], vector<16xf32>,
    %swap3A_877 = arith.constant 864 : index
    %swap3A_878 = tpu.vector_load %arg7[%swap3A_877] {strides = array<i32>} : memref<4096xf32, #tpu.memory_space<vmem>>, vector<16xf32>,
    tpu.vector_store %arg7[%swap3A_877], %gather3A_876 {strides = array<i32>} : memref<4096xf32, #tpu.memory_space<vmem>>, vector<16xf32>,
    %add3A_879 = arith.constant 14 : i32
    %add3A_880 = vector.broadcast %add3A_879 : i32 to vector<16xi32>
    %add3A_881 = arith.addi %mul3A_794, %add3A_880 : vector<16xi32>
    %gather3A_882 = tpu.vector_load_idx %arg6[%add3A_881] : memref<3200xf32, #tpu.memory_space<vmem>>[vector<16xi32>], vector<16xf32>,
    %swap3A_883 = arith.constant 928 : index
    %swap3A_884 = tpu.vector_load %arg7[%swap3A_883] {strides = array<i32>} : memref<4096xf32, #tpu.memory_space<vmem>>, vector<16xf32>,
    tpu.vector_store %arg7[%swap3A_883], %gather3A_882 {strides = array<i32>} : memref<4096xf32, #tpu.memory_space<vmem>>, vector<16xf32>,
    %add3A_885 = arith.constant 15 : i32
    %add3A_886 = vector.broadcast %add3A_885 : i32 to vector<16xi32>
    %add3A_887 = arith.addi %mul3A_794, %add3A_886 : vector<16xi32>
    %gather3A_888 = tpu.vector_load_idx %arg6[%add3A_887] : memref<3200xf32, #tpu.memory_space<vmem>>[vector<16xi32>], vector<16xf32>,
    %swap3A_889 = arith.constant 992 : index
    %swap3A_890 = tpu.vector_load %arg7[%swap3A_889] {strides = array<i32>} : memref<4096xf32, #tpu.memory_space<vmem>>, vector<16xf32>,
    tpu.vector_store %arg7[%swap3A_889], %gather3A_888 {strides = array<i32>} : memref<4096xf32, #tpu.memory_space<vmem>>, vector<16xf32>,
    %add3A_891 = arith.constant 16 : i32
    %add3A_892 = vector.broadcast %add3A_891 : i32 to vector<16xi32>
    %add3A_893 = arith.addi %mul3A_794, %add3A_892 : vector<16xi32>
    %gather3A_894 = tpu.vector_load_idx %arg6[%add3A_893] : memref<3200xf32, #tpu.memory_space<vmem>>[vector<16xi32>], vector<16xf32>,
    %swap3A_895 = arith.constant 1056 : index
    %swap3A_896 = tpu.vector_load %arg7[%swap3A_895] {strides = array<i32>} : memref<4096xf32, #tpu.memory_space<vmem>>, vector<16xf32>,
    tpu.vector_store %arg7[%swap3A_895], %gather3A_894 {strides = array<i32>} : memref<4096xf32, #tpu.memory_space<vmem>>, vector<16xf32>,
    %add3A_897 = arith.constant 17 : i32
    %add3A_898 = vector.broadcast %add3A_897 : i32 to vector<16xi32>
    %add3A_899 = arith.addi %mul3A_794, %add3A_898 : vector<16xi32>
    %gather3A_900 = tpu.vector_load_idx %arg6[%add3A_899] : memref<3200xf32, #tpu.memory_space<vmem>>[vector<16xi32>], vector<16xf32>,
    %swap3A_901 = arith.constant 1120 : index
    %swap3A_902 = tpu.vector_load %arg7[%swap3A_901] {strides = array<i32>} : memref<4096xf32, #tpu.memory_space<vmem>>, vector<16xf32>,
    tpu.vector_store %arg7[%swap3A_901], %gather3A_900 {strides = array<i32>} : memref<4096xf32, #tpu.memory_space<vmem>>, vector<16xf32>,
    %add3A_903 = arith.constant 18 : i32
    %add3A_904 = vector.broadcast %add3A_903 : i32 to vector<16xi32>
    %add3A_905 = arith.addi %mul3A_794, %add3A_904 : vector<16xi32>
    %gather3A_906 = tpu.vector_load_idx %arg6[%add3A_905] : memref<3200xf32, #tpu.memory_space<vmem>>[vector<16xi32>], vector<16xf32>,
    %swap3A_907 = arith.constant 1184 : index
    %swap3A_908 = tpu.vector_load %arg7[%swap3A_907] {strides = array<i32>} : memref<4096xf32, #tpu.memory_space<vmem>>, vector<16xf32>,
    tpu.vector_store %arg7[%swap3A_907], %gather3A_906 {strides = array<i32>} : memref<4096xf32, #tpu.memory_space<vmem>>, vector<16xf32>,
    %add3A_909 = arith.constant 19 : i32
    %add3A_910 = vector.broadcast %add3A_909 : i32 to vector<16xi32>
    %add3A_911 = arith.addi %mul3A_794, %add3A_910 : vector<16xi32>
    %gather3A_912 = tpu.vector_load_idx %arg6[%add3A_911] : memref<3200xf32, #tpu.memory_space<vmem>>[vector<16xi32>], vector<16xf32>,
    %swap3A_913 = arith.constant 1248 : index
    %swap3A_914 = tpu.vector_load %arg7[%swap3A_913] {strides = array<i32>} : memref<4096xf32, #tpu.memory_space<vmem>>, vector<16xf32>,
    tpu.vector_store %arg7[%swap3A_913], %gather3A_912 {strides = array<i32>} : memref<4096xf32, #tpu.memory_space<vmem>>, vector<16xf32>,
    %add3A_915 = arith.constant 20 : i32
    %add3A_916 = vector.broadcast %add3A_915 : i32 to vector<16xi32>
    %add3A_917 = arith.addi %mul3A_794, %add3A_916 : vector<16xi32>
    %gather3A_918 = tpu.vector_load_idx %arg6[%add3A_917] : memref<3200xf32, #tpu.memory_space<vmem>>[vector<16xi32>], vector<16xf32>,
    %swap3A_919 = arith.constant 1312 : index
    %swap3A_920 = tpu.vector_load %arg7[%swap3A_919] {strides = array<i32>} : memref<4096xf32, #tpu.memory_space<vmem>>, vector<16xf32>,
    tpu.vector_store %arg7[%swap3A_919], %gather3A_918 {strides = array<i32>} : memref<4096xf32, #tpu.memory_space<vmem>>, vector<16xf32>,
    %add3A_921 = arith.constant 21 : i32
    %add3A_922 = vector.broadcast %add3A_921 : i32 to vector<16xi32>
    %add3A_923 = arith.addi %mul3A_794, %add3A_922 : vector<16xi32>
    %gather3A_924 = tpu.vector_load_idx %arg6[%add3A_923] : memref<3200xf32, #tpu.memory_space<vmem>>[vector<16xi32>], vector<16xf32>,
    %swap3A_925 = arith.constant 1376 : index
    %swap3A_926 = tpu.vector_load %arg7[%swap3A_925] {strides = array<i32>} : memref<4096xf32, #tpu.memory_space<vmem>>, vector<16xf32>,
    tpu.vector_store %arg7[%swap3A_925], %gather3A_924 {strides = array<i32>} : memref<4096xf32, #tpu.memory_space<vmem>>, vector<16xf32>,
    %add3A_927 = arith.constant 22 : i32
    %add3A_928 = vector.broadcast %add3A_927 : i32 to vector<16xi32>
    %add3A_929 = arith.addi %mul3A_794, %add3A_928 : vector<16xi32>
    %gather3A_930 = tpu.vector_load_idx %arg6[%add3A_929] : memref<3200xf32, #tpu.memory_space<vmem>>[vector<16xi32>], vector<16xf32>,
    %swap3A_931 = arith.constant 1440 : index
    %swap3A_932 = tpu.vector_load %arg7[%swap3A_931] {strides = array<i32>} : memref<4096xf32, #tpu.memory_space<vmem>>, vector<16xf32>,
    tpu.vector_store %arg7[%swap3A_931], %gather3A_930 {strides = array<i32>} : memref<4096xf32, #tpu.memory_space<vmem>>, vector<16xf32>,
    %add3A_933 = arith.constant 23 : i32
    %add3A_934 = vector.broadcast %add3A_933 : i32 to vector<16xi32>
    %add3A_935 = arith.addi %mul3A_794, %add3A_934 : vector<16xi32>
    %gather3A_936 = tpu.vector_load_idx %arg6[%add3A_935] : memref<3200xf32, #tpu.memory_space<vmem>>[vector<16xi32>], vector<16xf32>,
    %swap3A_937 = arith.constant 1504 : index
    %swap3A_938 = tpu.vector_load %arg7[%swap3A_937] {strides = array<i32>} : memref<4096xf32, #tpu.memory_space<vmem>>, vector<16xf32>,
    tpu.vector_store %arg7[%swap3A_937], %gather3A_936 {strides = array<i32>} : memref<4096xf32, #tpu.memory_space<vmem>>, vector<16xf32>,
    %add3A_939 = arith.constant 24 : i32
    %add3A_940 = vector.broadcast %add3A_939 : i32 to vector<16xi32>
    %add3A_941 = arith.addi %mul3A_794, %add3A_940 : vector<16xi32>
    %gather3A_942 = tpu.vector_load_idx %arg6[%add3A_941] : memref<3200xf32, #tpu.memory_space<vmem>>[vector<16xi32>], vector<16xf32>,
    %swap3A_943 = arith.constant 1568 : index
    %swap3A_944 = tpu.vector_load %arg7[%swap3A_943] {strides = array<i32>} : memref<4096xf32, #tpu.memory_space<vmem>>, vector<16xf32>,
    tpu.vector_store %arg7[%swap3A_943], %gather3A_942 {strides = array<i32>} : memref<4096xf32, #tpu.memory_space<vmem>>, vector<16xf32>,
    %add3A_945 = arith.constant 25 : i32
    %add3A_946 = vector.broadcast %add3A_945 : i32 to vector<16xi32>
    %add3A_947 = arith.addi %mul3A_794, %add3A_946 : vector<16xi32>
    %gather3A_948 = tpu.vector_load_idx %arg6[%add3A_947] : memref<3200xf32, #tpu.memory_space<vmem>>[vector<16xi32>], vector<16xf32>,
    %swap3A_949 = arith.constant 1632 : index
    %swap3A_950 = tpu.vector_load %arg7[%swap3A_949] {strides = array<i32>} : memref<4096xf32, #tpu.memory_space<vmem>>, vector<16xf32>,
    tpu.vector_store %arg7[%swap3A_949], %gather3A_948 {strides = array<i32>} : memref<4096xf32, #tpu.memory_space<vmem>>, vector<16xf32>,
    %add3A_951 = arith.constant 26 : i32
    %add3A_952 = vector.broadcast %add3A_951 : i32 to vector<16xi32>
    %add3A_953 = arith.addi %mul3A_794, %add3A_952 : vector<16xi32>
    %gather3A_954 = tpu.vector_load_idx %arg6[%add3A_953] : memref<3200xf32, #tpu.memory_space<vmem>>[vector<16xi32>], vector<16xf32>,
    %swap3A_955 = arith.constant 1696 : index
    %swap3A_956 = tpu.vector_load %arg7[%swap3A_955] {strides = array<i32>} : memref<4096xf32, #tpu.memory_space<vmem>>, vector<16xf32>,
    tpu.vector_store %arg7[%swap3A_955], %gather3A_954 {strides = array<i32>} : memref<4096xf32, #tpu.memory_space<vmem>>, vector<16xf32>,
    %add3A_957 = arith.constant 27 : i32
    %add3A_958 = vector.broadcast %add3A_957 : i32 to vector<16xi32>
    %add3A_959 = arith.addi %mul3A_794, %add3A_958 : vector<16xi32>
    %gather3A_960 = tpu.vector_load_idx %arg6[%add3A_959] : memref<3200xf32, #tpu.memory_space<vmem>>[vector<16xi32>], vector<16xf32>,
    %swap3A_961 = arith.constant 1760 : index
    %swap3A_962 = tpu.vector_load %arg7[%swap3A_961] {strides = array<i32>} : memref<4096xf32, #tpu.memory_space<vmem>>, vector<16xf32>,
    tpu.vector_store %arg7[%swap3A_961], %gather3A_960 {strides = array<i32>} : memref<4096xf32, #tpu.memory_space<vmem>>, vector<16xf32>,
    %add3A_963 = arith.constant 28 : i32
    %add3A_964 = vector.broadcast %add3A_963 : i32 to vector<16xi32>
    %add3A_965 = arith.addi %mul3A_794, %add3A_964 : vector<16xi32>
    %gather3A_966 = tpu.vector_load_idx %arg6[%add3A_965] : memref<3200xf32, #tpu.memory_space<vmem>>[vector<16xi32>], vector<16xf32>,
    %swap3A_967 = arith.constant 1824 : index
    %swap3A_968 = tpu.vector_load %arg7[%swap3A_967] {strides = array<i32>} : memref<4096xf32, #tpu.memory_space<vmem>>, vector<16xf32>,
    tpu.vector_store %arg7[%swap3A_967], %gather3A_966 {strides = array<i32>} : memref<4096xf32, #tpu.memory_space<vmem>>, vector<16xf32>,
    %add3A_969 = arith.constant 29 : i32
    %add3A_970 = vector.broadcast %add3A_969 : i32 to vector<16xi32>
    %add3A_971 = arith.addi %mul3A_794, %add3A_970 : vector<16xi32>
    %gather3A_972 = tpu.vector_load_idx %arg6[%add3A_971] : memref<3200xf32, #tpu.memory_space<vmem>>[vector<16xi32>], vector<16xf32>,
    %swap3A_973 = arith.constant 1888 : index
    %swap3A_974 = tpu.vector_load %arg7[%swap3A_973] {strides = array<i32>} : memref<4096xf32, #tpu.memory_space<vmem>>, vector<16xf32>,
    tpu.vector_store %arg7[%swap3A_973], %gather3A_972 {strides = array<i32>} : memref<4096xf32, #tpu.memory_space<vmem>>, vector<16xf32>,
    %add3A_975 = arith.constant 30 : i32
    %add3A_976 = vector.broadcast %add3A_975 : i32 to vector<16xi32>
    %add3A_977 = arith.addi %mul3A_794, %add3A_976 : vector<16xi32>
    %gather3A_978 = tpu.vector_load_idx %arg6[%add3A_977] : memref<3200xf32, #tpu.memory_space<vmem>>[vector<16xi32>], vector<16xf32>,
    %swap3A_979 = arith.constant 1952 : index
    %swap3A_980 = tpu.vector_load %arg7[%swap3A_979] {strides = array<i32>} : memref<4096xf32, #tpu.memory_space<vmem>>, vector<16xf32>,
    tpu.vector_store %arg7[%swap3A_979], %gather3A_978 {strides = array<i32>} : memref<4096xf32, #tpu.memory_space<vmem>>, vector<16xf32>,
    %add3A_981 = arith.constant 31 : i32
    %add3A_982 = vector.broadcast %add3A_981 : i32 to vector<16xi32>
    %add3A_983 = arith.addi %mul3A_794, %add3A_982 : vector<16xi32>
    %gather3A_984 = tpu.vector_load_idx %arg6[%add3A_983] : memref<3200xf32, #tpu.memory_space<vmem>>[vector<16xi32>], vector<16xf32>,
    %swap3A_985 = arith.constant 2016 : index
    %swap3A_986 = tpu.vector_load %arg7[%swap3A_985] {strides = array<i32>} : memref<4096xf32, #tpu.memory_space<vmem>>, vector<16xf32>,
    tpu.vector_store %arg7[%swap3A_985], %gather3A_984 {strides = array<i32>} : memref<4096xf32, #tpu.memory_space<vmem>>, vector<16xf32>,
    %add3A_987 = arith.constant 32 : i32
    %add3A_988 = vector.broadcast %add3A_987 : i32 to vector<16xi32>
    %add3A_989 = arith.addi %mul3A_794, %add3A_988 : vector<16xi32>
    %gather3A_990 = tpu.vector_load_idx %arg6[%add3A_989] : memref<3200xf32, #tpu.memory_space<vmem>>[vector<16xi32>], vector<16xf32>,
    %swap3A_991 = arith.constant 2080 : index
    %swap3A_992 = tpu.vector_load %arg7[%swap3A_991] {strides = array<i32>} : memref<4096xf32, #tpu.memory_space<vmem>>, vector<16xf32>,
    tpu.vector_store %arg7[%swap3A_991], %gather3A_990 {strides = array<i32>} : memref<4096xf32, #tpu.memory_space<vmem>>, vector<16xf32>,
    %add3A_993 = arith.constant 33 : i32
    %add3A_994 = vector.broadcast %add3A_993 : i32 to vector<16xi32>
    %add3A_995 = arith.addi %mul3A_794, %add3A_994 : vector<16xi32>
    %gather3A_996 = tpu.vector_load_idx %arg6[%add3A_995] : memref<3200xf32, #tpu.memory_space<vmem>>[vector<16xi32>], vector<16xf32>,
    %swap3A_997 = arith.constant 2144 : index
    %swap3A_998 = tpu.vector_load %arg7[%swap3A_997] {strides = array<i32>} : memref<4096xf32, #tpu.memory_space<vmem>>, vector<16xf32>,
    tpu.vector_store %arg7[%swap3A_997], %gather3A_996 {strides = array<i32>} : memref<4096xf32, #tpu.memory_space<vmem>>, vector<16xf32>,
    %add3A_999 = arith.constant 34 : i32
    %add3A_1000 = vector.broadcast %add3A_999 : i32 to vector<16xi32>
    %add3A_1001 = arith.addi %mul3A_794, %add3A_1000 : vector<16xi32>
    %gather3A_1002 = tpu.vector_load_idx %arg6[%add3A_1001] : memref<3200xf32, #tpu.memory_space<vmem>>[vector<16xi32>], vector<16xf32>,
    %swap3A_1003 = arith.constant 2208 : index
    %swap3A_1004 = tpu.vector_load %arg7[%swap3A_1003] {strides = array<i32>} : memref<4096xf32, #tpu.memory_space<vmem>>, vector<16xf32>,
    tpu.vector_store %arg7[%swap3A_1003], %gather3A_1002 {strides = array<i32>} : memref<4096xf32, #tpu.memory_space<vmem>>, vector<16xf32>,
    %add3A_1005 = arith.constant 35 : i32
    %add3A_1006 = vector.broadcast %add3A_1005 : i32 to vector<16xi32>
    %add3A_1007 = arith.addi %mul3A_794, %add3A_1006 : vector<16xi32>
    %gather3A_1008 = tpu.vector_load_idx %arg6[%add3A_1007] : memref<3200xf32, #tpu.memory_space<vmem>>[vector<16xi32>], vector<16xf32>,
    %swap3A_1009 = arith.constant 2272 : index
    %swap3A_1010 = tpu.vector_load %arg7[%swap3A_1009] {strides = array<i32>} : memref<4096xf32, #tpu.memory_space<vmem>>, vector<16xf32>,
    tpu.vector_store %arg7[%swap3A_1009], %gather3A_1008 {strides = array<i32>} : memref<4096xf32, #tpu.memory_space<vmem>>, vector<16xf32>,
    %add3A_1011 = arith.constant 36 : i32
    %add3A_1012 = vector.broadcast %add3A_1011 : i32 to vector<16xi32>
    %add3A_1013 = arith.addi %mul3A_794, %add3A_1012 : vector<16xi32>
    %gather3A_1014 = tpu.vector_load_idx %arg6[%add3A_1013] : memref<3200xf32, #tpu.memory_space<vmem>>[vector<16xi32>], vector<16xf32>,
    %swap3A_1015 = arith.constant 2336 : index
    %swap3A_1016 = tpu.vector_load %arg7[%swap3A_1015] {strides = array<i32>} : memref<4096xf32, #tpu.memory_space<vmem>>, vector<16xf32>,
    tpu.vector_store %arg7[%swap3A_1015], %gather3A_1014 {strides = array<i32>} : memref<4096xf32, #tpu.memory_space<vmem>>, vector<16xf32>,
    %add3A_1017 = arith.constant 37 : i32
    %add3A_1018 = vector.broadcast %add3A_1017 : i32 to vector<16xi32>
    %add3A_1019 = arith.addi %mul3A_794, %add3A_1018 : vector<16xi32>
    %gather3A_1020 = tpu.vector_load_idx %arg6[%add3A_1019] : memref<3200xf32, #tpu.memory_space<vmem>>[vector<16xi32>], vector<16xf32>,
    %swap3A_1021 = arith.constant 2400 : index
    %swap3A_1022 = tpu.vector_load %arg7[%swap3A_1021] {strides = array<i32>} : memref<4096xf32, #tpu.memory_space<vmem>>, vector<16xf32>,
    tpu.vector_store %arg7[%swap3A_1021], %gather3A_1020 {strides = array<i32>} : memref<4096xf32, #tpu.memory_space<vmem>>, vector<16xf32>,
    %add3A_1023 = arith.constant 38 : i32
    %add3A_1024 = vector.broadcast %add3A_1023 : i32 to vector<16xi32>
    %add3A_1025 = arith.addi %mul3A_794, %add3A_1024 : vector<16xi32>
    %gather3A_1026 = tpu.vector_load_idx %arg6[%add3A_1025] : memref<3200xf32, #tpu.memory_space<vmem>>[vector<16xi32>], vector<16xf32>,
    %swap3A_1027 = arith.constant 2464 : index
    %swap3A_1028 = tpu.vector_load %arg7[%swap3A_1027] {strides = array<i32>} : memref<4096xf32, #tpu.memory_space<vmem>>, vector<16xf32>,
    tpu.vector_store %arg7[%swap3A_1027], %gather3A_1026 {strides = array<i32>} : memref<4096xf32, #tpu.memory_space<vmem>>, vector<16xf32>,
    %add3A_1029 = arith.constant 39 : i32
    %add3A_1030 = vector.broadcast %add3A_1029 : i32 to vector<16xi32>
    %add3A_1031 = arith.addi %mul3A_794, %add3A_1030 : vector<16xi32>
    %gather3A_1032 = tpu.vector_load_idx %arg6[%add3A_1031] : memref<3200xf32, #tpu.memory_space<vmem>>[vector<16xi32>], vector<16xf32>,
    %swap3A_1033 = arith.constant 2528 : index
    %swap3A_1034 = tpu.vector_load %arg7[%swap3A_1033] {strides = array<i32>} : memref<4096xf32, #tpu.memory_space<vmem>>, vector<16xf32>,
    tpu.vector_store %arg7[%swap3A_1033], %gather3A_1032 {strides = array<i32>} : memref<4096xf32, #tpu.memory_space<vmem>>, vector<16xf32>,
    %add3A_1035 = arith.constant 40 : i32
    %add3A_1036 = vector.broadcast %add3A_1035 : i32 to vector<16xi32>
    %add3A_1037 = arith.addi %mul3A_794, %add3A_1036 : vector<16xi32>
    %gather3A_1038 = tpu.vector_load_idx %arg6[%add3A_1037] : memref<3200xf32, #tpu.memory_space<vmem>>[vector<16xi32>], vector<16xf32>,
    %swap3A_1039 = arith.constant 2592 : index
    %swap3A_1040 = tpu.vector_load %arg7[%swap3A_1039] {strides = array<i32>} : memref<4096xf32, #tpu.memory_space<vmem>>, vector<16xf32>,
    tpu.vector_store %arg7[%swap3A_1039], %gather3A_1038 {strides = array<i32>} : memref<4096xf32, #tpu.memory_space<vmem>>, vector<16xf32>,
    %add3A_1041 = arith.constant 41 : i32
    %add3A_1042 = vector.broadcast %add3A_1041 : i32 to vector<16xi32>
    %add3A_1043 = arith.addi %mul3A_794, %add3A_1042 : vector<16xi32>
    %gather3A_1044 = tpu.vector_load_idx %arg6[%add3A_1043] : memref<3200xf32, #tpu.memory_space<vmem>>[vector<16xi32>], vector<16xf32>,
    %swap3A_1045 = arith.constant 2656 : index
    %swap3A_1046 = tpu.vector_load %arg7[%swap3A_1045] {strides = array<i32>} : memref<4096xf32, #tpu.memory_space<vmem>>, vector<16xf32>,
    tpu.vector_store %arg7[%swap3A_1045], %gather3A_1044 {strides = array<i32>} : memref<4096xf32, #tpu.memory_space<vmem>>, vector<16xf32>,
    %add3A_1047 = arith.constant 42 : i32
    %add3A_1048 = vector.broadcast %add3A_1047 : i32 to vector<16xi32>
    %add3A_1049 = arith.addi %mul3A_794, %add3A_1048 : vector<16xi32>
    %gather3A_1050 = tpu.vector_load_idx %arg6[%add3A_1049] : memref<3200xf32, #tpu.memory_space<vmem>>[vector<16xi32>], vector<16xf32>,
    %swap3A_1051 = arith.constant 2720 : index
    %swap3A_1052 = tpu.vector_load %arg7[%swap3A_1051] {strides = array<i32>} : memref<4096xf32, #tpu.memory_space<vmem>>, vector<16xf32>,
    tpu.vector_store %arg7[%swap3A_1051], %gather3A_1050 {strides = array<i32>} : memref<4096xf32, #tpu.memory_space<vmem>>, vector<16xf32>,
    %add3A_1053 = arith.constant 43 : i32
    %add3A_1054 = vector.broadcast %add3A_1053 : i32 to vector<16xi32>
    %add3A_1055 = arith.addi %mul3A_794, %add3A_1054 : vector<16xi32>
    %gather3A_1056 = tpu.vector_load_idx %arg6[%add3A_1055] : memref<3200xf32, #tpu.memory_space<vmem>>[vector<16xi32>], vector<16xf32>,
    %swap3A_1057 = arith.constant 2784 : index
    %swap3A_1058 = tpu.vector_load %arg7[%swap3A_1057] {strides = array<i32>} : memref<4096xf32, #tpu.memory_space<vmem>>, vector<16xf32>,
    tpu.vector_store %arg7[%swap3A_1057], %gather3A_1056 {strides = array<i32>} : memref<4096xf32, #tpu.memory_space<vmem>>, vector<16xf32>,
    %add3A_1059 = arith.constant 44 : i32
    %add3A_1060 = vector.broadcast %add3A_1059 : i32 to vector<16xi32>
    %add3A_1061 = arith.addi %mul3A_794, %add3A_1060 : vector<16xi32>
    %gather3A_1062 = tpu.vector_load_idx %arg6[%add3A_1061] : memref<3200xf32, #tpu.memory_space<vmem>>[vector<16xi32>], vector<16xf32>,
    %swap3A_1063 = arith.constant 2848 : index
    %swap3A_1064 = tpu.vector_load %arg7[%swap3A_1063] {strides = array<i32>} : memref<4096xf32, #tpu.memory_space<vmem>>, vector<16xf32>,
    tpu.vector_store %arg7[%swap3A_1063], %gather3A_1062 {strides = array<i32>} : memref<4096xf32, #tpu.memory_space<vmem>>, vector<16xf32>,
    %add3A_1065 = arith.constant 45 : i32
    %add3A_1066 = vector.broadcast %add3A_1065 : i32 to vector<16xi32>
    %add3A_1067 = arith.addi %mul3A_794, %add3A_1066 : vector<16xi32>
    %gather3A_1068 = tpu.vector_load_idx %arg6[%add3A_1067] : memref<3200xf32, #tpu.memory_space<vmem>>[vector<16xi32>], vector<16xf32>,
    %swap3A_1069 = arith.constant 2912 : index
    %swap3A_1070 = tpu.vector_load %arg7[%swap3A_1069] {strides = array<i32>} : memref<4096xf32, #tpu.memory_space<vmem>>, vector<16xf32>,
    tpu.vector_store %arg7[%swap3A_1069], %gather3A_1068 {strides = array<i32>} : memref<4096xf32, #tpu.memory_space<vmem>>, vector<16xf32>,
    %add3A_1071 = arith.constant 46 : i32
    %add3A_1072 = vector.broadcast %add3A_1071 : i32 to vector<16xi32>
    %add3A_1073 = arith.addi %mul3A_794, %add3A_1072 : vector<16xi32>
    %gather3A_1074 = tpu.vector_load_idx %arg6[%add3A_1073] : memref<3200xf32, #tpu.memory_space<vmem>>[vector<16xi32>], vector<16xf32>,
    %swap3A_1075 = arith.constant 2976 : index
    %swap3A_1076 = tpu.vector_load %arg7[%swap3A_1075] {strides = array<i32>} : memref<4096xf32, #tpu.memory_space<vmem>>, vector<16xf32>,
    tpu.vector_store %arg7[%swap3A_1075], %gather3A_1074 {strides = array<i32>} : memref<4096xf32, #tpu.memory_space<vmem>>, vector<16xf32>,
    %add3A_1077 = arith.constant 47 : i32
    %add3A_1078 = vector.broadcast %add3A_1077 : i32 to vector<16xi32>
    %add3A_1079 = arith.addi %mul3A_794, %add3A_1078 : vector<16xi32>
    %gather3A_1080 = tpu.vector_load_idx %arg6[%add3A_1079] : memref<3200xf32, #tpu.memory_space<vmem>>[vector<16xi32>], vector<16xf32>,
    %swap3A_1081 = arith.constant 3040 : index
    %swap3A_1082 = tpu.vector_load %arg7[%swap3A_1081] {strides = array<i32>} : memref<4096xf32, #tpu.memory_space<vmem>>, vector<16xf32>,
    tpu.vector_store %arg7[%swap3A_1081], %gather3A_1080 {strides = array<i32>} : memref<4096xf32, #tpu.memory_space<vmem>>, vector<16xf32>,
    %add3A_1083 = arith.constant 48 : i32
    %add3A_1084 = vector.broadcast %add3A_1083 : i32 to vector<16xi32>
    %add3A_1085 = arith.addi %mul3A_794, %add3A_1084 : vector<16xi32>
    %gather3A_1086 = tpu.vector_load_idx %arg6[%add3A_1085] : memref<3200xf32, #tpu.memory_space<vmem>>[vector<16xi32>], vector<16xf32>,
    %swap3A_1087 = arith.constant 3104 : index
    %swap3A_1088 = tpu.vector_load %arg7[%swap3A_1087] {strides = array<i32>} : memref<4096xf32, #tpu.memory_space<vmem>>, vector<16xf32>,
    tpu.vector_store %arg7[%swap3A_1087], %gather3A_1086 {strides = array<i32>} : memref<4096xf32, #tpu.memory_space<vmem>>, vector<16xf32>,
    %add3A_1089 = arith.constant 49 : i32
    %add3A_1090 = vector.broadcast %add3A_1089 : i32 to vector<16xi32>
    %add3A_1091 = arith.addi %mul3A_794, %add3A_1090 : vector<16xi32>
    %gather3A_1092 = tpu.vector_load_idx %arg6[%add3A_1091] : memref<3200xf32, #tpu.memory_space<vmem>>[vector<16xi32>], vector<16xf32>,
    %swap3A_1093 = arith.constant 3168 : index
    %swap3A_1094 = tpu.vector_load %arg7[%swap3A_1093] {strides = array<i32>} : memref<4096xf32, #tpu.memory_space<vmem>>, vector<16xf32>,
    tpu.vector_store %arg7[%swap3A_1093], %gather3A_1092 {strides = array<i32>} : memref<4096xf32, #tpu.memory_space<vmem>>, vector<16xf32>,
    %add3A_1095 = arith.constant 50 : i32
    %add3A_1096 = vector.broadcast %add3A_1095 : i32 to vector<16xi32>
    %add3A_1097 = arith.addi %mul3A_794, %add3A_1096 : vector<16xi32>
    %gather3A_1098 = tpu.vector_load_idx %arg6[%add3A_1097] : memref<3200xf32, #tpu.memory_space<vmem>>[vector<16xi32>], vector<16xf32>,
    %swap3A_1099 = arith.constant 3232 : index
    %swap3A_1100 = tpu.vector_load %arg7[%swap3A_1099] {strides = array<i32>} : memref<4096xf32, #tpu.memory_space<vmem>>, vector<16xf32>,
    tpu.vector_store %arg7[%swap3A_1099], %gather3A_1098 {strides = array<i32>} : memref<4096xf32, #tpu.memory_space<vmem>>, vector<16xf32>,
    %add3A_1101 = arith.constant 51 : i32
    %add3A_1102 = vector.broadcast %add3A_1101 : i32 to vector<16xi32>
    %add3A_1103 = arith.addi %mul3A_794, %add3A_1102 : vector<16xi32>
    %gather3A_1104 = tpu.vector_load_idx %arg6[%add3A_1103] : memref<3200xf32, #tpu.memory_space<vmem>>[vector<16xi32>], vector<16xf32>,
    %swap3A_1105 = arith.constant 3296 : index
    %swap3A_1106 = tpu.vector_load %arg7[%swap3A_1105] {strides = array<i32>} : memref<4096xf32, #tpu.memory_space<vmem>>, vector<16xf32>,
    tpu.vector_store %arg7[%swap3A_1105], %gather3A_1104 {strides = array<i32>} : memref<4096xf32, #tpu.memory_space<vmem>>, vector<16xf32>,
    %add3A_1107 = arith.constant 52 : i32
    %add3A_1108 = vector.broadcast %add3A_1107 : i32 to vector<16xi32>
    %add3A_1109 = arith.addi %mul3A_794, %add3A_1108 : vector<16xi32>
    %gather3A_1110 = tpu.vector_load_idx %arg6[%add3A_1109] : memref<3200xf32, #tpu.memory_space<vmem>>[vector<16xi32>], vector<16xf32>,
    %swap3A_1111 = arith.constant 3360 : index
    %swap3A_1112 = tpu.vector_load %arg7[%swap3A_1111] {strides = array<i32>} : memref<4096xf32, #tpu.memory_space<vmem>>, vector<16xf32>,
    tpu.vector_store %arg7[%swap3A_1111], %gather3A_1110 {strides = array<i32>} : memref<4096xf32, #tpu.memory_space<vmem>>, vector<16xf32>,
    %add3A_1113 = arith.constant 53 : i32
    %add3A_1114 = vector.broadcast %add3A_1113 : i32 to vector<16xi32>
    %add3A_1115 = arith.addi %mul3A_794, %add3A_1114 : vector<16xi32>
    %gather3A_1116 = tpu.vector_load_idx %arg6[%add3A_1115] : memref<3200xf32, #tpu.memory_space<vmem>>[vector<16xi32>], vector<16xf32>,
    %swap3A_1117 = arith.constant 3424 : index
    %swap3A_1118 = tpu.vector_load %arg7[%swap3A_1117] {strides = array<i32>} : memref<4096xf32, #tpu.memory_space<vmem>>, vector<16xf32>,
    tpu.vector_store %arg7[%swap3A_1117], %gather3A_1116 {strides = array<i32>} : memref<4096xf32, #tpu.memory_space<vmem>>, vector<16xf32>,
    %add3A_1119 = arith.constant 54 : i32
    %add3A_1120 = vector.broadcast %add3A_1119 : i32 to vector<16xi32>
    %add3A_1121 = arith.addi %mul3A_794, %add3A_1120 : vector<16xi32>
    %gather3A_1122 = tpu.vector_load_idx %arg6[%add3A_1121] : memref<3200xf32, #tpu.memory_space<vmem>>[vector<16xi32>], vector<16xf32>,
    %swap3A_1123 = arith.constant 3488 : index
    %swap3A_1124 = tpu.vector_load %arg7[%swap3A_1123] {strides = array<i32>} : memref<4096xf32, #tpu.memory_space<vmem>>, vector<16xf32>,
    tpu.vector_store %arg7[%swap3A_1123], %gather3A_1122 {strides = array<i32>} : memref<4096xf32, #tpu.memory_space<vmem>>, vector<16xf32>,
    %add3A_1125 = arith.constant 55 : i32
    %add3A_1126 = vector.broadcast %add3A_1125 : i32 to vector<16xi32>
    %add3A_1127 = arith.addi %mul3A_794, %add3A_1126 : vector<16xi32>
    %gather3A_1128 = tpu.vector_load_idx %arg6[%add3A_1127] : memref<3200xf32, #tpu.memory_space<vmem>>[vector<16xi32>], vector<16xf32>,
    %swap3A_1129 = arith.constant 3552 : index
    %swap3A_1130 = tpu.vector_load %arg7[%swap3A_1129] {strides = array<i32>} : memref<4096xf32, #tpu.memory_space<vmem>>, vector<16xf32>,
    tpu.vector_store %arg7[%swap3A_1129], %gather3A_1128 {strides = array<i32>} : memref<4096xf32, #tpu.memory_space<vmem>>, vector<16xf32>,
    %add3A_1131 = arith.constant 56 : i32
    %add3A_1132 = vector.broadcast %add3A_1131 : i32 to vector<16xi32>
    %add3A_1133 = arith.addi %mul3A_794, %add3A_1132 : vector<16xi32>
    %gather3A_1134 = tpu.vector_load_idx %arg6[%add3A_1133] : memref<3200xf32, #tpu.memory_space<vmem>>[vector<16xi32>], vector<16xf32>,
    %swap3A_1135 = arith.constant 3616 : index
    %swap3A_1136 = tpu.vector_load %arg7[%swap3A_1135] {strides = array<i32>} : memref<4096xf32, #tpu.memory_space<vmem>>, vector<16xf32>,
    tpu.vector_store %arg7[%swap3A_1135], %gather3A_1134 {strides = array<i32>} : memref<4096xf32, #tpu.memory_space<vmem>>, vector<16xf32>,
    %add3A_1137 = arith.constant 57 : i32
    %add3A_1138 = vector.broadcast %add3A_1137 : i32 to vector<16xi32>
    %add3A_1139 = arith.addi %mul3A_794, %add3A_1138 : vector<16xi32>
    %gather3A_1140 = tpu.vector_load_idx %arg6[%add3A_1139] : memref<3200xf32, #tpu.memory_space<vmem>>[vector<16xi32>], vector<16xf32>,
    %swap3A_1141 = arith.constant 3680 : index
    %swap3A_1142 = tpu.vector_load %arg7[%swap3A_1141] {strides = array<i32>} : memref<4096xf32, #tpu.memory_space<vmem>>, vector<16xf32>,
    tpu.vector_store %arg7[%swap3A_1141], %gather3A_1140 {strides = array<i32>} : memref<4096xf32, #tpu.memory_space<vmem>>, vector<16xf32>,
    %add3A_1143 = arith.constant 58 : i32
    %add3A_1144 = vector.broadcast %add3A_1143 : i32 to vector<16xi32>
    %add3A_1145 = arith.addi %mul3A_794, %add3A_1144 : vector<16xi32>
    %gather3A_1146 = tpu.vector_load_idx %arg6[%add3A_1145] : memref<3200xf32, #tpu.memory_space<vmem>>[vector<16xi32>], vector<16xf32>,
    %swap3A_1147 = arith.constant 3744 : index
    %swap3A_1148 = tpu.vector_load %arg7[%swap3A_1147] {strides = array<i32>} : memref<4096xf32, #tpu.memory_space<vmem>>, vector<16xf32>,
    tpu.vector_store %arg7[%swap3A_1147], %gather3A_1146 {strides = array<i32>} : memref<4096xf32, #tpu.memory_space<vmem>>, vector<16xf32>,
    %add3A_1149 = arith.constant 59 : i32
    %add3A_1150 = vector.broadcast %add3A_1149 : i32 to vector<16xi32>
    %add3A_1151 = arith.addi %mul3A_794, %add3A_1150 : vector<16xi32>
    %gather3A_1152 = tpu.vector_load_idx %arg6[%add3A_1151] : memref<3200xf32, #tpu.memory_space<vmem>>[vector<16xi32>], vector<16xf32>,
    %swap3A_1153 = arith.constant 3808 : index
    %swap3A_1154 = tpu.vector_load %arg7[%swap3A_1153] {strides = array<i32>} : memref<4096xf32, #tpu.memory_space<vmem>>, vector<16xf32>,
    tpu.vector_store %arg7[%swap3A_1153], %gather3A_1152 {strides = array<i32>} : memref<4096xf32, #tpu.memory_space<vmem>>, vector<16xf32>,
    %add3A_1155 = arith.constant 60 : i32
    %add3A_1156 = vector.broadcast %add3A_1155 : i32 to vector<16xi32>
    %add3A_1157 = arith.addi %mul3A_794, %add3A_1156 : vector<16xi32>
    %gather3A_1158 = tpu.vector_load_idx %arg6[%add3A_1157] : memref<3200xf32, #tpu.memory_space<vmem>>[vector<16xi32>], vector<16xf32>,
    %swap3A_1159 = arith.constant 3872 : index
    %swap3A_1160 = tpu.vector_load %arg7[%swap3A_1159] {strides = array<i32>} : memref<4096xf32, #tpu.memory_space<vmem>>, vector<16xf32>,
    tpu.vector_store %arg7[%swap3A_1159], %gather3A_1158 {strides = array<i32>} : memref<4096xf32, #tpu.memory_space<vmem>>, vector<16xf32>,
    %add3A_1161 = arith.constant 61 : i32
    %add3A_1162 = vector.broadcast %add3A_1161 : i32 to vector<16xi32>
    %add3A_1163 = arith.addi %mul3A_794, %add3A_1162 : vector<16xi32>
    %gather3A_1164 = tpu.vector_load_idx %arg6[%add3A_1163] : memref<3200xf32, #tpu.memory_space<vmem>>[vector<16xi32>], vector<16xf32>,
    %swap3A_1165 = arith.constant 3936 : index
    %swap3A_1166 = tpu.vector_load %arg7[%swap3A_1165] {strides = array<i32>} : memref<4096xf32, #tpu.memory_space<vmem>>, vector<16xf32>,
    tpu.vector_store %arg7[%swap3A_1165], %gather3A_1164 {strides = array<i32>} : memref<4096xf32, #tpu.memory_space<vmem>>, vector<16xf32>,
    %add3A_1167 = arith.constant 62 : i32
    %add3A_1168 = vector.broadcast %add3A_1167 : i32 to vector<16xi32>
    %add3A_1169 = arith.addi %mul3A_794, %add3A_1168 : vector<16xi32>
    %gather3A_1170 = tpu.vector_load_idx %arg6[%add3A_1169] : memref<3200xf32, #tpu.memory_space<vmem>>[vector<16xi32>], vector<16xf32>,
    %swap3A_1171 = arith.constant 4000 : index
    %swap3A_1172 = tpu.vector_load %arg7[%swap3A_1171] {strides = array<i32>} : memref<4096xf32, #tpu.memory_space<vmem>>, vector<16xf32>,
    tpu.vector_store %arg7[%swap3A_1171], %gather3A_1170 {strides = array<i32>} : memref<4096xf32, #tpu.memory_space<vmem>>, vector<16xf32>,
    %add3A_1173 = arith.constant 63 : i32
    %add3A_1174 = vector.broadcast %add3A_1173 : i32 to vector<16xi32>
    %add3A_1175 = arith.addi %mul3A_794, %add3A_1174 : vector<16xi32>
    %gather3A_1176 = tpu.vector_load_idx %arg6[%add3A_1175] : memref<3200xf32, #tpu.memory_space<vmem>>[vector<16xi32>], vector<16xf32>,
    %swap3A_1177 = arith.constant 4064 : index
    %swap3A_1178 = tpu.vector_load %arg7[%swap3A_1177] {strides = array<i32>} : memref<4096xf32, #tpu.memory_space<vmem>>, vector<16xf32>,
    tpu.vector_store %arg7[%swap3A_1177], %gather3A_1176 {strides = array<i32>} : memref<4096xf32, #tpu.memory_space<vmem>>, vector<16xf32>,
    %add3A_1179 = arith.constant 48 : i32
    %add3A_1180 = vector.broadcast %add3A_1179 : i32 to vector<16xi32>
    %add3A_1181 = arith.addi %iota3A, %add3A_1180 : vector<16xi32>
    %min3A_1182 = arith.constant 49 : i32
    %min3A_1183 = vector.broadcast %min3A_1182 : i32 to vector<16xi32>
    %min3A_1184 = arith.minsi %add3A_1181, %min3A_1183 : vector<16xi32>
    %mul3A_1185 = arith.constant 64 : i32
    %mul3A_1186 = vector.broadcast %mul3A_1185 : i32 to vector<16xi32>
    %mul3A_1187 = arith.muli %min3A_1184, %mul3A_1186 : vector<16xi32>
    %add3A_1188 = arith.constant 0 : i32
    %add3A_1189 = vector.broadcast %add3A_1188 : i32 to vector<16xi32>
    %add3A_1190 = arith.addi %mul3A_1187, %add3A_1189 : vector<16xi32>
    %gather3A_1191 = tpu.vector_load_idx %arg6[%add3A_1190] : memref<3200xf32, #tpu.memory_space<vmem>>[vector<16xi32>], vector<16xf32>,
    %swap3A_1192 = arith.constant 48 : index
    %swap3A_1193 = tpu.vector_load %arg7[%swap3A_1192] {strides = array<i32>} : memref<4096xf32, #tpu.memory_space<vmem>>, vector<16xf32>,
    tpu.vector_store %arg7[%swap3A_1192], %gather3A_1191 {strides = array<i32>} : memref<4096xf32, #tpu.memory_space<vmem>>, vector<16xf32>,
    %add3A_1194 = arith.constant 1 : i32
    %add3A_1195 = vector.broadcast %add3A_1194 : i32 to vector<16xi32>
    %add3A_1196 = arith.addi %mul3A_1187, %add3A_1195 : vector<16xi32>
    %gather3A_1197 = tpu.vector_load_idx %arg6[%add3A_1196] : memref<3200xf32, #tpu.memory_space<vmem>>[vector<16xi32>], vector<16xf32>,
    %swap3A_1198 = arith.constant 112 : index
    %swap3A_1199 = tpu.vector_load %arg7[%swap3A_1198] {strides = array<i32>} : memref<4096xf32, #tpu.memory_space<vmem>>, vector<16xf32>,
    tpu.vector_store %arg7[%swap3A_1198], %gather3A_1197 {strides = array<i32>} : memref<4096xf32, #tpu.memory_space<vmem>>, vector<16xf32>,
    %add3A_1200 = arith.constant 2 : i32
    %add3A_1201 = vector.broadcast %add3A_1200 : i32 to vector<16xi32>
    %add3A_1202 = arith.addi %mul3A_1187, %add3A_1201 : vector<16xi32>
    %gather3A_1203 = tpu.vector_load_idx %arg6[%add3A_1202] : memref<3200xf32, #tpu.memory_space<vmem>>[vector<16xi32>], vector<16xf32>,
    %swap3A_1204 = arith.constant 176 : index
    %swap3A_1205 = tpu.vector_load %arg7[%swap3A_1204] {strides = array<i32>} : memref<4096xf32, #tpu.memory_space<vmem>>, vector<16xf32>,
    tpu.vector_store %arg7[%swap3A_1204], %gather3A_1203 {strides = array<i32>} : memref<4096xf32, #tpu.memory_space<vmem>>, vector<16xf32>,
    %add3A_1206 = arith.constant 3 : i32
    %add3A_1207 = vector.broadcast %add3A_1206 : i32 to vector<16xi32>
    %add3A_1208 = arith.addi %mul3A_1187, %add3A_1207 : vector<16xi32>
    %gather3A_1209 = tpu.vector_load_idx %arg6[%add3A_1208] : memref<3200xf32, #tpu.memory_space<vmem>>[vector<16xi32>], vector<16xf32>,
    %swap3A_1210 = arith.constant 240 : index
    %swap3A_1211 = tpu.vector_load %arg7[%swap3A_1210] {strides = array<i32>} : memref<4096xf32, #tpu.memory_space<vmem>>, vector<16xf32>,
    tpu.vector_store %arg7[%swap3A_1210], %gather3A_1209 {strides = array<i32>} : memref<4096xf32, #tpu.memory_space<vmem>>, vector<16xf32>,
    %add3A_1212 = arith.constant 4 : i32
    %add3A_1213 = vector.broadcast %add3A_1212 : i32 to vector<16xi32>
    %add3A_1214 = arith.addi %mul3A_1187, %add3A_1213 : vector<16xi32>
    %gather3A_1215 = tpu.vector_load_idx %arg6[%add3A_1214] : memref<3200xf32, #tpu.memory_space<vmem>>[vector<16xi32>], vector<16xf32>,
    %swap3A_1216 = arith.constant 304 : index
    %swap3A_1217 = tpu.vector_load %arg7[%swap3A_1216] {strides = array<i32>} : memref<4096xf32, #tpu.memory_space<vmem>>, vector<16xf32>,
    tpu.vector_store %arg7[%swap3A_1216], %gather3A_1215 {strides = array<i32>} : memref<4096xf32, #tpu.memory_space<vmem>>, vector<16xf32>,
    %add3A_1218 = arith.constant 5 : i32
    %add3A_1219 = vector.broadcast %add3A_1218 : i32 to vector<16xi32>
    %add3A_1220 = arith.addi %mul3A_1187, %add3A_1219 : vector<16xi32>
    %gather3A_1221 = tpu.vector_load_idx %arg6[%add3A_1220] : memref<3200xf32, #tpu.memory_space<vmem>>[vector<16xi32>], vector<16xf32>,
    %swap3A_1222 = arith.constant 368 : index
    %swap3A_1223 = tpu.vector_load %arg7[%swap3A_1222] {strides = array<i32>} : memref<4096xf32, #tpu.memory_space<vmem>>, vector<16xf32>,
    tpu.vector_store %arg7[%swap3A_1222], %gather3A_1221 {strides = array<i32>} : memref<4096xf32, #tpu.memory_space<vmem>>, vector<16xf32>,
    %add3A_1224 = arith.constant 6 : i32
    %add3A_1225 = vector.broadcast %add3A_1224 : i32 to vector<16xi32>
    %add3A_1226 = arith.addi %mul3A_1187, %add3A_1225 : vector<16xi32>
    %gather3A_1227 = tpu.vector_load_idx %arg6[%add3A_1226] : memref<3200xf32, #tpu.memory_space<vmem>>[vector<16xi32>], vector<16xf32>,
    %swap3A_1228 = arith.constant 432 : index
    %swap3A_1229 = tpu.vector_load %arg7[%swap3A_1228] {strides = array<i32>} : memref<4096xf32, #tpu.memory_space<vmem>>, vector<16xf32>,
    tpu.vector_store %arg7[%swap3A_1228], %gather3A_1227 {strides = array<i32>} : memref<4096xf32, #tpu.memory_space<vmem>>, vector<16xf32>,
    %add3A_1230 = arith.constant 7 : i32
    %add3A_1231 = vector.broadcast %add3A_1230 : i32 to vector<16xi32>
    %add3A_1232 = arith.addi %mul3A_1187, %add3A_1231 : vector<16xi32>
    %gather3A_1233 = tpu.vector_load_idx %arg6[%add3A_1232] : memref<3200xf32, #tpu.memory_space<vmem>>[vector<16xi32>], vector<16xf32>,
    %swap3A_1234 = arith.constant 496 : index
    %swap3A_1235 = tpu.vector_load %arg7[%swap3A_1234] {strides = array<i32>} : memref<4096xf32, #tpu.memory_space<vmem>>, vector<16xf32>,
    tpu.vector_store %arg7[%swap3A_1234], %gather3A_1233 {strides = array<i32>} : memref<4096xf32, #tpu.memory_space<vmem>>, vector<16xf32>,
    %add3A_1236 = arith.constant 8 : i32
    %add3A_1237 = vector.broadcast %add3A_1236 : i32 to vector<16xi32>
    %add3A_1238 = arith.addi %mul3A_1187, %add3A_1237 : vector<16xi32>
    %gather3A_1239 = tpu.vector_load_idx %arg6[%add3A_1238] : memref<3200xf32, #tpu.memory_space<vmem>>[vector<16xi32>], vector<16xf32>,
    %swap3A_1240 = arith.constant 560 : index
    %swap3A_1241 = tpu.vector_load %arg7[%swap3A_1240] {strides = array<i32>} : memref<4096xf32, #tpu.memory_space<vmem>>, vector<16xf32>,
    tpu.vector_store %arg7[%swap3A_1240], %gather3A_1239 {strides = array<i32>} : memref<4096xf32, #tpu.memory_space<vmem>>, vector<16xf32>,
    %add3A_1242 = arith.constant 9 : i32
    %add3A_1243 = vector.broadcast %add3A_1242 : i32 to vector<16xi32>
    %add3A_1244 = arith.addi %mul3A_1187, %add3A_1243 : vector<16xi32>
    %gather3A_1245 = tpu.vector_load_idx %arg6[%add3A_1244] : memref<3200xf32, #tpu.memory_space<vmem>>[vector<16xi32>], vector<16xf32>,
    %swap3A_1246 = arith.constant 624 : index
    %swap3A_1247 = tpu.vector_load %arg7[%swap3A_1246] {strides = array<i32>} : memref<4096xf32, #tpu.memory_space<vmem>>, vector<16xf32>,
    tpu.vector_store %arg7[%swap3A_1246], %gather3A_1245 {strides = array<i32>} : memref<4096xf32, #tpu.memory_space<vmem>>, vector<16xf32>,
    %add3A_1248 = arith.constant 10 : i32
    %add3A_1249 = vector.broadcast %add3A_1248 : i32 to vector<16xi32>
    %add3A_1250 = arith.addi %mul3A_1187, %add3A_1249 : vector<16xi32>
    %gather3A_1251 = tpu.vector_load_idx %arg6[%add3A_1250] : memref<3200xf32, #tpu.memory_space<vmem>>[vector<16xi32>], vector<16xf32>,
    %swap3A_1252 = arith.constant 688 : index
    %swap3A_1253 = tpu.vector_load %arg7[%swap3A_1252] {strides = array<i32>} : memref<4096xf32, #tpu.memory_space<vmem>>, vector<16xf32>,
    tpu.vector_store %arg7[%swap3A_1252], %gather3A_1251 {strides = array<i32>} : memref<4096xf32, #tpu.memory_space<vmem>>, vector<16xf32>,
    %add3A_1254 = arith.constant 11 : i32
    %add3A_1255 = vector.broadcast %add3A_1254 : i32 to vector<16xi32>
    %add3A_1256 = arith.addi %mul3A_1187, %add3A_1255 : vector<16xi32>
    %gather3A_1257 = tpu.vector_load_idx %arg6[%add3A_1256] : memref<3200xf32, #tpu.memory_space<vmem>>[vector<16xi32>], vector<16xf32>,
    %swap3A_1258 = arith.constant 752 : index
    %swap3A_1259 = tpu.vector_load %arg7[%swap3A_1258] {strides = array<i32>} : memref<4096xf32, #tpu.memory_space<vmem>>, vector<16xf32>,
    tpu.vector_store %arg7[%swap3A_1258], %gather3A_1257 {strides = array<i32>} : memref<4096xf32, #tpu.memory_space<vmem>>, vector<16xf32>,
    %add3A_1260 = arith.constant 12 : i32
    %add3A_1261 = vector.broadcast %add3A_1260 : i32 to vector<16xi32>
    %add3A_1262 = arith.addi %mul3A_1187, %add3A_1261 : vector<16xi32>
    %gather3A_1263 = tpu.vector_load_idx %arg6[%add3A_1262] : memref<3200xf32, #tpu.memory_space<vmem>>[vector<16xi32>], vector<16xf32>,
    %swap3A_1264 = arith.constant 816 : index
    %swap3A_1265 = tpu.vector_load %arg7[%swap3A_1264] {strides = array<i32>} : memref<4096xf32, #tpu.memory_space<vmem>>, vector<16xf32>,
    tpu.vector_store %arg7[%swap3A_1264], %gather3A_1263 {strides = array<i32>} : memref<4096xf32, #tpu.memory_space<vmem>>, vector<16xf32>,
    %add3A_1266 = arith.constant 13 : i32
    %add3A_1267 = vector.broadcast %add3A_1266 : i32 to vector<16xi32>
    %add3A_1268 = arith.addi %mul3A_1187, %add3A_1267 : vector<16xi32>
    %gather3A_1269 = tpu.vector_load_idx %arg6[%add3A_1268] : memref<3200xf32, #tpu.memory_space<vmem>>[vector<16xi32>], vector<16xf32>,
    %swap3A_1270 = arith.constant 880 : index
    %swap3A_1271 = tpu.vector_load %arg7[%swap3A_1270] {strides = array<i32>} : memref<4096xf32, #tpu.memory_space<vmem>>, vector<16xf32>,
    tpu.vector_store %arg7[%swap3A_1270], %gather3A_1269 {strides = array<i32>} : memref<4096xf32, #tpu.memory_space<vmem>>, vector<16xf32>,
    %add3A_1272 = arith.constant 14 : i32
    %add3A_1273 = vector.broadcast %add3A_1272 : i32 to vector<16xi32>
    %add3A_1274 = arith.addi %mul3A_1187, %add3A_1273 : vector<16xi32>
    %gather3A_1275 = tpu.vector_load_idx %arg6[%add3A_1274] : memref<3200xf32, #tpu.memory_space<vmem>>[vector<16xi32>], vector<16xf32>,
    %swap3A_1276 = arith.constant 944 : index
    %swap3A_1277 = tpu.vector_load %arg7[%swap3A_1276] {strides = array<i32>} : memref<4096xf32, #tpu.memory_space<vmem>>, vector<16xf32>,
    tpu.vector_store %arg7[%swap3A_1276], %gather3A_1275 {strides = array<i32>} : memref<4096xf32, #tpu.memory_space<vmem>>, vector<16xf32>,
    %add3A_1278 = arith.constant 15 : i32
    %add3A_1279 = vector.broadcast %add3A_1278 : i32 to vector<16xi32>
    %add3A_1280 = arith.addi %mul3A_1187, %add3A_1279 : vector<16xi32>
    %gather3A_1281 = tpu.vector_load_idx %arg6[%add3A_1280] : memref<3200xf32, #tpu.memory_space<vmem>>[vector<16xi32>], vector<16xf32>,
    %swap3A_1282 = arith.constant 1008 : index
    %swap3A_1283 = tpu.vector_load %arg7[%swap3A_1282] {strides = array<i32>} : memref<4096xf32, #tpu.memory_space<vmem>>, vector<16xf32>,
    tpu.vector_store %arg7[%swap3A_1282], %gather3A_1281 {strides = array<i32>} : memref<4096xf32, #tpu.memory_space<vmem>>, vector<16xf32>,
    %add3A_1284 = arith.constant 16 : i32
    %add3A_1285 = vector.broadcast %add3A_1284 : i32 to vector<16xi32>
    %add3A_1286 = arith.addi %mul3A_1187, %add3A_1285 : vector<16xi32>
    %gather3A_1287 = tpu.vector_load_idx %arg6[%add3A_1286] : memref<3200xf32, #tpu.memory_space<vmem>>[vector<16xi32>], vector<16xf32>,
    %swap3A_1288 = arith.constant 1072 : index
    %swap3A_1289 = tpu.vector_load %arg7[%swap3A_1288] {strides = array<i32>} : memref<4096xf32, #tpu.memory_space<vmem>>, vector<16xf32>,
    tpu.vector_store %arg7[%swap3A_1288], %gather3A_1287 {strides = array<i32>} : memref<4096xf32, #tpu.memory_space<vmem>>, vector<16xf32>,
    %add3A_1290 = arith.constant 17 : i32
    %add3A_1291 = vector.broadcast %add3A_1290 : i32 to vector<16xi32>
    %add3A_1292 = arith.addi %mul3A_1187, %add3A_1291 : vector<16xi32>
    %gather3A_1293 = tpu.vector_load_idx %arg6[%add3A_1292] : memref<3200xf32, #tpu.memory_space<vmem>>[vector<16xi32>], vector<16xf32>,
    %swap3A_1294 = arith.constant 1136 : index
    %swap3A_1295 = tpu.vector_load %arg7[%swap3A_1294] {strides = array<i32>} : memref<4096xf32, #tpu.memory_space<vmem>>, vector<16xf32>,
    tpu.vector_store %arg7[%swap3A_1294], %gather3A_1293 {strides = array<i32>} : memref<4096xf32, #tpu.memory_space<vmem>>, vector<16xf32>,
    %add3A_1296 = arith.constant 18 : i32
    %add3A_1297 = vector.broadcast %add3A_1296 : i32 to vector<16xi32>
    %add3A_1298 = arith.addi %mul3A_1187, %add3A_1297 : vector<16xi32>
    %gather3A_1299 = tpu.vector_load_idx %arg6[%add3A_1298] : memref<3200xf32, #tpu.memory_space<vmem>>[vector<16xi32>], vector<16xf32>,
    %swap3A_1300 = arith.constant 1200 : index
    %swap3A_1301 = tpu.vector_load %arg7[%swap3A_1300] {strides = array<i32>} : memref<4096xf32, #tpu.memory_space<vmem>>, vector<16xf32>,
    tpu.vector_store %arg7[%swap3A_1300], %gather3A_1299 {strides = array<i32>} : memref<4096xf32, #tpu.memory_space<vmem>>, vector<16xf32>,
    %add3A_1302 = arith.constant 19 : i32
    %add3A_1303 = vector.broadcast %add3A_1302 : i32 to vector<16xi32>
    %add3A_1304 = arith.addi %mul3A_1187, %add3A_1303 : vector<16xi32>
    %gather3A_1305 = tpu.vector_load_idx %arg6[%add3A_1304] : memref<3200xf32, #tpu.memory_space<vmem>>[vector<16xi32>], vector<16xf32>,
    %swap3A_1306 = arith.constant 1264 : index
    %swap3A_1307 = tpu.vector_load %arg7[%swap3A_1306] {strides = array<i32>} : memref<4096xf32, #tpu.memory_space<vmem>>, vector<16xf32>,
    tpu.vector_store %arg7[%swap3A_1306], %gather3A_1305 {strides = array<i32>} : memref<4096xf32, #tpu.memory_space<vmem>>, vector<16xf32>,
    %add3A_1308 = arith.constant 20 : i32
    %add3A_1309 = vector.broadcast %add3A_1308 : i32 to vector<16xi32>
    %add3A_1310 = arith.addi %mul3A_1187, %add3A_1309 : vector<16xi32>
    %gather3A_1311 = tpu.vector_load_idx %arg6[%add3A_1310] : memref<3200xf32, #tpu.memory_space<vmem>>[vector<16xi32>], vector<16xf32>,
    %swap3A_1312 = arith.constant 1328 : index
    %swap3A_1313 = tpu.vector_load %arg7[%swap3A_1312] {strides = array<i32>} : memref<4096xf32, #tpu.memory_space<vmem>>, vector<16xf32>,
    tpu.vector_store %arg7[%swap3A_1312], %gather3A_1311 {strides = array<i32>} : memref<4096xf32, #tpu.memory_space<vmem>>, vector<16xf32>,
    %add3A_1314 = arith.constant 21 : i32
    %add3A_1315 = vector.broadcast %add3A_1314 : i32 to vector<16xi32>
    %add3A_1316 = arith.addi %mul3A_1187, %add3A_1315 : vector<16xi32>
    %gather3A_1317 = tpu.vector_load_idx %arg6[%add3A_1316] : memref<3200xf32, #tpu.memory_space<vmem>>[vector<16xi32>], vector<16xf32>,
    %swap3A_1318 = arith.constant 1392 : index
    %swap3A_1319 = tpu.vector_load %arg7[%swap3A_1318] {strides = array<i32>} : memref<4096xf32, #tpu.memory_space<vmem>>, vector<16xf32>,
    tpu.vector_store %arg7[%swap3A_1318], %gather3A_1317 {strides = array<i32>} : memref<4096xf32, #tpu.memory_space<vmem>>, vector<16xf32>,
    %add3A_1320 = arith.constant 22 : i32
    %add3A_1321 = vector.broadcast %add3A_1320 : i32 to vector<16xi32>
    %add3A_1322 = arith.addi %mul3A_1187, %add3A_1321 : vector<16xi32>
    %gather3A_1323 = tpu.vector_load_idx %arg6[%add3A_1322] : memref<3200xf32, #tpu.memory_space<vmem>>[vector<16xi32>], vector<16xf32>,
    %swap3A_1324 = arith.constant 1456 : index
    %swap3A_1325 = tpu.vector_load %arg7[%swap3A_1324] {strides = array<i32>} : memref<4096xf32, #tpu.memory_space<vmem>>, vector<16xf32>,
    tpu.vector_store %arg7[%swap3A_1324], %gather3A_1323 {strides = array<i32>} : memref<4096xf32, #tpu.memory_space<vmem>>, vector<16xf32>,
    %add3A_1326 = arith.constant 23 : i32
    %add3A_1327 = vector.broadcast %add3A_1326 : i32 to vector<16xi32>
    %add3A_1328 = arith.addi %mul3A_1187, %add3A_1327 : vector<16xi32>
    %gather3A_1329 = tpu.vector_load_idx %arg6[%add3A_1328] : memref<3200xf32, #tpu.memory_space<vmem>>[vector<16xi32>], vector<16xf32>,
    %swap3A_1330 = arith.constant 1520 : index
    %swap3A_1331 = tpu.vector_load %arg7[%swap3A_1330] {strides = array<i32>} : memref<4096xf32, #tpu.memory_space<vmem>>, vector<16xf32>,
    tpu.vector_store %arg7[%swap3A_1330], %gather3A_1329 {strides = array<i32>} : memref<4096xf32, #tpu.memory_space<vmem>>, vector<16xf32>,
    %add3A_1332 = arith.constant 24 : i32
    %add3A_1333 = vector.broadcast %add3A_1332 : i32 to vector<16xi32>
    %add3A_1334 = arith.addi %mul3A_1187, %add3A_1333 : vector<16xi32>
    %gather3A_1335 = tpu.vector_load_idx %arg6[%add3A_1334] : memref<3200xf32, #tpu.memory_space<vmem>>[vector<16xi32>], vector<16xf32>,
    %swap3A_1336 = arith.constant 1584 : index
    %swap3A_1337 = tpu.vector_load %arg7[%swap3A_1336] {strides = array<i32>} : memref<4096xf32, #tpu.memory_space<vmem>>, vector<16xf32>,
    tpu.vector_store %arg7[%swap3A_1336], %gather3A_1335 {strides = array<i32>} : memref<4096xf32, #tpu.memory_space<vmem>>, vector<16xf32>,
    %add3A_1338 = arith.constant 25 : i32
    %add3A_1339 = vector.broadcast %add3A_1338 : i32 to vector<16xi32>
    %add3A_1340 = arith.addi %mul3A_1187, %add3A_1339 : vector<16xi32>
    %gather3A_1341 = tpu.vector_load_idx %arg6[%add3A_1340] : memref<3200xf32, #tpu.memory_space<vmem>>[vector<16xi32>], vector<16xf32>,
    %swap3A_1342 = arith.constant 1648 : index
    %swap3A_1343 = tpu.vector_load %arg7[%swap3A_1342] {strides = array<i32>} : memref<4096xf32, #tpu.memory_space<vmem>>, vector<16xf32>,
    tpu.vector_store %arg7[%swap3A_1342], %gather3A_1341 {strides = array<i32>} : memref<4096xf32, #tpu.memory_space<vmem>>, vector<16xf32>,
    %add3A_1344 = arith.constant 26 : i32
    %add3A_1345 = vector.broadcast %add3A_1344 : i32 to vector<16xi32>
    %add3A_1346 = arith.addi %mul3A_1187, %add3A_1345 : vector<16xi32>
    %gather3A_1347 = tpu.vector_load_idx %arg6[%add3A_1346] : memref<3200xf32, #tpu.memory_space<vmem>>[vector<16xi32>], vector<16xf32>,
    %swap3A_1348 = arith.constant 1712 : index
    %swap3A_1349 = tpu.vector_load %arg7[%swap3A_1348] {strides = array<i32>} : memref<4096xf32, #tpu.memory_space<vmem>>, vector<16xf32>,
    tpu.vector_store %arg7[%swap3A_1348], %gather3A_1347 {strides = array<i32>} : memref<4096xf32, #tpu.memory_space<vmem>>, vector<16xf32>,
    %add3A_1350 = arith.constant 27 : i32
    %add3A_1351 = vector.broadcast %add3A_1350 : i32 to vector<16xi32>
    %add3A_1352 = arith.addi %mul3A_1187, %add3A_1351 : vector<16xi32>
    %gather3A_1353 = tpu.vector_load_idx %arg6[%add3A_1352] : memref<3200xf32, #tpu.memory_space<vmem>>[vector<16xi32>], vector<16xf32>,
    %swap3A_1354 = arith.constant 1776 : index
    %swap3A_1355 = tpu.vector_load %arg7[%swap3A_1354] {strides = array<i32>} : memref<4096xf32, #tpu.memory_space<vmem>>, vector<16xf32>,
    tpu.vector_store %arg7[%swap3A_1354], %gather3A_1353 {strides = array<i32>} : memref<4096xf32, #tpu.memory_space<vmem>>, vector<16xf32>,
    %add3A_1356 = arith.constant 28 : i32
    %add3A_1357 = vector.broadcast %add3A_1356 : i32 to vector<16xi32>
    %add3A_1358 = arith.addi %mul3A_1187, %add3A_1357 : vector<16xi32>
    %gather3A_1359 = tpu.vector_load_idx %arg6[%add3A_1358] : memref<3200xf32, #tpu.memory_space<vmem>>[vector<16xi32>], vector<16xf32>,
    %swap3A_1360 = arith.constant 1840 : index
    %swap3A_1361 = tpu.vector_load %arg7[%swap3A_1360] {strides = array<i32>} : memref<4096xf32, #tpu.memory_space<vmem>>, vector<16xf32>,
    tpu.vector_store %arg7[%swap3A_1360], %gather3A_1359 {strides = array<i32>} : memref<4096xf32, #tpu.memory_space<vmem>>, vector<16xf32>,
    %add3A_1362 = arith.constant 29 : i32
    %add3A_1363 = vector.broadcast %add3A_1362 : i32 to vector<16xi32>
    %add3A_1364 = arith.addi %mul3A_1187, %add3A_1363 : vector<16xi32>
    %gather3A_1365 = tpu.vector_load_idx %arg6[%add3A_1364] : memref<3200xf32, #tpu.memory_space<vmem>>[vector<16xi32>], vector<16xf32>,
    %swap3A_1366 = arith.constant 1904 : index
    %swap3A_1367 = tpu.vector_load %arg7[%swap3A_1366] {strides = array<i32>} : memref<4096xf32, #tpu.memory_space<vmem>>, vector<16xf32>,
    tpu.vector_store %arg7[%swap3A_1366], %gather3A_1365 {strides = array<i32>} : memref<4096xf32, #tpu.memory_space<vmem>>, vector<16xf32>,
    %add3A_1368 = arith.constant 30 : i32
    %add3A_1369 = vector.broadcast %add3A_1368 : i32 to vector<16xi32>
    %add3A_1370 = arith.addi %mul3A_1187, %add3A_1369 : vector<16xi32>
    %gather3A_1371 = tpu.vector_load_idx %arg6[%add3A_1370] : memref<3200xf32, #tpu.memory_space<vmem>>[vector<16xi32>], vector<16xf32>,
    %swap3A_1372 = arith.constant 1968 : index
    %swap3A_1373 = tpu.vector_load %arg7[%swap3A_1372] {strides = array<i32>} : memref<4096xf32, #tpu.memory_space<vmem>>, vector<16xf32>,
    tpu.vector_store %arg7[%swap3A_1372], %gather3A_1371 {strides = array<i32>} : memref<4096xf32, #tpu.memory_space<vmem>>, vector<16xf32>,
    %add3A_1374 = arith.constant 31 : i32
    %add3A_1375 = vector.broadcast %add3A_1374 : i32 to vector<16xi32>
    %add3A_1376 = arith.addi %mul3A_1187, %add3A_1375 : vector<16xi32>
    %gather3A_1377 = tpu.vector_load_idx %arg6[%add3A_1376] : memref<3200xf32, #tpu.memory_space<vmem>>[vector<16xi32>], vector<16xf32>,
    %swap3A_1378 = arith.constant 2032 : index
    %swap3A_1379 = tpu.vector_load %arg7[%swap3A_1378] {strides = array<i32>} : memref<4096xf32, #tpu.memory_space<vmem>>, vector<16xf32>,
    tpu.vector_store %arg7[%swap3A_1378], %gather3A_1377 {strides = array<i32>} : memref<4096xf32, #tpu.memory_space<vmem>>, vector<16xf32>,
    %add3A_1380 = arith.constant 32 : i32
    %add3A_1381 = vector.broadcast %add3A_1380 : i32 to vector<16xi32>
    %add3A_1382 = arith.addi %mul3A_1187, %add3A_1381 : vector<16xi32>
    %gather3A_1383 = tpu.vector_load_idx %arg6[%add3A_1382] : memref<3200xf32, #tpu.memory_space<vmem>>[vector<16xi32>], vector<16xf32>,
    %swap3A_1384 = arith.constant 2096 : index
    %swap3A_1385 = tpu.vector_load %arg7[%swap3A_1384] {strides = array<i32>} : memref<4096xf32, #tpu.memory_space<vmem>>, vector<16xf32>,
    tpu.vector_store %arg7[%swap3A_1384], %gather3A_1383 {strides = array<i32>} : memref<4096xf32, #tpu.memory_space<vmem>>, vector<16xf32>,
    %add3A_1386 = arith.constant 33 : i32
    %add3A_1387 = vector.broadcast %add3A_1386 : i32 to vector<16xi32>
    %add3A_1388 = arith.addi %mul3A_1187, %add3A_1387 : vector<16xi32>
    %gather3A_1389 = tpu.vector_load_idx %arg6[%add3A_1388] : memref<3200xf32, #tpu.memory_space<vmem>>[vector<16xi32>], vector<16xf32>,
    %swap3A_1390 = arith.constant 2160 : index
    %swap3A_1391 = tpu.vector_load %arg7[%swap3A_1390] {strides = array<i32>} : memref<4096xf32, #tpu.memory_space<vmem>>, vector<16xf32>,
    tpu.vector_store %arg7[%swap3A_1390], %gather3A_1389 {strides = array<i32>} : memref<4096xf32, #tpu.memory_space<vmem>>, vector<16xf32>,
    %add3A_1392 = arith.constant 34 : i32
    %add3A_1393 = vector.broadcast %add3A_1392 : i32 to vector<16xi32>
    %add3A_1394 = arith.addi %mul3A_1187, %add3A_1393 : vector<16xi32>
    %gather3A_1395 = tpu.vector_load_idx %arg6[%add3A_1394] : memref<3200xf32, #tpu.memory_space<vmem>>[vector<16xi32>], vector<16xf32>,
    %swap3A_1396 = arith.constant 2224 : index
    %swap3A_1397 = tpu.vector_load %arg7[%swap3A_1396] {strides = array<i32>} : memref<4096xf32, #tpu.memory_space<vmem>>, vector<16xf32>,
    tpu.vector_store %arg7[%swap3A_1396], %gather3A_1395 {strides = array<i32>} : memref<4096xf32, #tpu.memory_space<vmem>>, vector<16xf32>,
    %add3A_1398 = arith.constant 35 : i32
    %add3A_1399 = vector.broadcast %add3A_1398 : i32 to vector<16xi32>
    %add3A_1400 = arith.addi %mul3A_1187, %add3A_1399 : vector<16xi32>
    %gather3A_1401 = tpu.vector_load_idx %arg6[%add3A_1400] : memref<3200xf32, #tpu.memory_space<vmem>>[vector<16xi32>], vector<16xf32>,
    %swap3A_1402 = arith.constant 2288 : index
    %swap3A_1403 = tpu.vector_load %arg7[%swap3A_1402] {strides = array<i32>} : memref<4096xf32, #tpu.memory_space<vmem>>, vector<16xf32>,
    tpu.vector_store %arg7[%swap3A_1402], %gather3A_1401 {strides = array<i32>} : memref<4096xf32, #tpu.memory_space<vmem>>, vector<16xf32>,
    %add3A_1404 = arith.constant 36 : i32
    %add3A_1405 = vector.broadcast %add3A_1404 : i32 to vector<16xi32>
    %add3A_1406 = arith.addi %mul3A_1187, %add3A_1405 : vector<16xi32>
    %gather3A_1407 = tpu.vector_load_idx %arg6[%add3A_1406] : memref<3200xf32, #tpu.memory_space<vmem>>[vector<16xi32>], vector<16xf32>,
    %swap3A_1408 = arith.constant 2352 : index
    %swap3A_1409 = tpu.vector_load %arg7[%swap3A_1408] {strides = array<i32>} : memref<4096xf32, #tpu.memory_space<vmem>>, vector<16xf32>,
    tpu.vector_store %arg7[%swap3A_1408], %gather3A_1407 {strides = array<i32>} : memref<4096xf32, #tpu.memory_space<vmem>>, vector<16xf32>,
    %add3A_1410 = arith.constant 37 : i32
    %add3A_1411 = vector.broadcast %add3A_1410 : i32 to vector<16xi32>
    %add3A_1412 = arith.addi %mul3A_1187, %add3A_1411 : vector<16xi32>
    %gather3A_1413 = tpu.vector_load_idx %arg6[%add3A_1412] : memref<3200xf32, #tpu.memory_space<vmem>>[vector<16xi32>], vector<16xf32>,
    %swap3A_1414 = arith.constant 2416 : index
    %swap3A_1415 = tpu.vector_load %arg7[%swap3A_1414] {strides = array<i32>} : memref<4096xf32, #tpu.memory_space<vmem>>, vector<16xf32>,
    tpu.vector_store %arg7[%swap3A_1414], %gather3A_1413 {strides = array<i32>} : memref<4096xf32, #tpu.memory_space<vmem>>, vector<16xf32>,
    %add3A_1416 = arith.constant 38 : i32
    %add3A_1417 = vector.broadcast %add3A_1416 : i32 to vector<16xi32>
    %add3A_1418 = arith.addi %mul3A_1187, %add3A_1417 : vector<16xi32>
    %gather3A_1419 = tpu.vector_load_idx %arg6[%add3A_1418] : memref<3200xf32, #tpu.memory_space<vmem>>[vector<16xi32>], vector<16xf32>,
    %swap3A_1420 = arith.constant 2480 : index
    %swap3A_1421 = tpu.vector_load %arg7[%swap3A_1420] {strides = array<i32>} : memref<4096xf32, #tpu.memory_space<vmem>>, vector<16xf32>,
    tpu.vector_store %arg7[%swap3A_1420], %gather3A_1419 {strides = array<i32>} : memref<4096xf32, #tpu.memory_space<vmem>>, vector<16xf32>,
    %add3A_1422 = arith.constant 39 : i32
    %add3A_1423 = vector.broadcast %add3A_1422 : i32 to vector<16xi32>
    %add3A_1424 = arith.addi %mul3A_1187, %add3A_1423 : vector<16xi32>
    %gather3A_1425 = tpu.vector_load_idx %arg6[%add3A_1424] : memref<3200xf32, #tpu.memory_space<vmem>>[vector<16xi32>], vector<16xf32>,
    %swap3A_1426 = arith.constant 2544 : index
    %swap3A_1427 = tpu.vector_load %arg7[%swap3A_1426] {strides = array<i32>} : memref<4096xf32, #tpu.memory_space<vmem>>, vector<16xf32>,
    tpu.vector_store %arg7[%swap3A_1426], %gather3A_1425 {strides = array<i32>} : memref<4096xf32, #tpu.memory_space<vmem>>, vector<16xf32>,
    %add3A_1428 = arith.constant 40 : i32
    %add3A_1429 = vector.broadcast %add3A_1428 : i32 to vector<16xi32>
    %add3A_1430 = arith.addi %mul3A_1187, %add3A_1429 : vector<16xi32>
    %gather3A_1431 = tpu.vector_load_idx %arg6[%add3A_1430] : memref<3200xf32, #tpu.memory_space<vmem>>[vector<16xi32>], vector<16xf32>,
    %swap3A_1432 = arith.constant 2608 : index
    %swap3A_1433 = tpu.vector_load %arg7[%swap3A_1432] {strides = array<i32>} : memref<4096xf32, #tpu.memory_space<vmem>>, vector<16xf32>,
    tpu.vector_store %arg7[%swap3A_1432], %gather3A_1431 {strides = array<i32>} : memref<4096xf32, #tpu.memory_space<vmem>>, vector<16xf32>,
    %add3A_1434 = arith.constant 41 : i32
    %add3A_1435 = vector.broadcast %add3A_1434 : i32 to vector<16xi32>
    %add3A_1436 = arith.addi %mul3A_1187, %add3A_1435 : vector<16xi32>
    %gather3A_1437 = tpu.vector_load_idx %arg6[%add3A_1436] : memref<3200xf32, #tpu.memory_space<vmem>>[vector<16xi32>], vector<16xf32>,
    %swap3A_1438 = arith.constant 2672 : index
    %swap3A_1439 = tpu.vector_load %arg7[%swap3A_1438] {strides = array<i32>} : memref<4096xf32, #tpu.memory_space<vmem>>, vector<16xf32>,
    tpu.vector_store %arg7[%swap3A_1438], %gather3A_1437 {strides = array<i32>} : memref<4096xf32, #tpu.memory_space<vmem>>, vector<16xf32>,
    %add3A_1440 = arith.constant 42 : i32
    %add3A_1441 = vector.broadcast %add3A_1440 : i32 to vector<16xi32>
    %add3A_1442 = arith.addi %mul3A_1187, %add3A_1441 : vector<16xi32>
    %gather3A_1443 = tpu.vector_load_idx %arg6[%add3A_1442] : memref<3200xf32, #tpu.memory_space<vmem>>[vector<16xi32>], vector<16xf32>,
    %swap3A_1444 = arith.constant 2736 : index
    %swap3A_1445 = tpu.vector_load %arg7[%swap3A_1444] {strides = array<i32>} : memref<4096xf32, #tpu.memory_space<vmem>>, vector<16xf32>,
    tpu.vector_store %arg7[%swap3A_1444], %gather3A_1443 {strides = array<i32>} : memref<4096xf32, #tpu.memory_space<vmem>>, vector<16xf32>,
    %add3A_1446 = arith.constant 43 : i32
    %add3A_1447 = vector.broadcast %add3A_1446 : i32 to vector<16xi32>
    %add3A_1448 = arith.addi %mul3A_1187, %add3A_1447 : vector<16xi32>
    %gather3A_1449 = tpu.vector_load_idx %arg6[%add3A_1448] : memref<3200xf32, #tpu.memory_space<vmem>>[vector<16xi32>], vector<16xf32>,
    %swap3A_1450 = arith.constant 2800 : index
    %swap3A_1451 = tpu.vector_load %arg7[%swap3A_1450] {strides = array<i32>} : memref<4096xf32, #tpu.memory_space<vmem>>, vector<16xf32>,
    tpu.vector_store %arg7[%swap3A_1450], %gather3A_1449 {strides = array<i32>} : memref<4096xf32, #tpu.memory_space<vmem>>, vector<16xf32>,
    %add3A_1452 = arith.constant 44 : i32
    %add3A_1453 = vector.broadcast %add3A_1452 : i32 to vector<16xi32>
    %add3A_1454 = arith.addi %mul3A_1187, %add3A_1453 : vector<16xi32>
    %gather3A_1455 = tpu.vector_load_idx %arg6[%add3A_1454] : memref<3200xf32, #tpu.memory_space<vmem>>[vector<16xi32>], vector<16xf32>,
    %swap3A_1456 = arith.constant 2864 : index
    %swap3A_1457 = tpu.vector_load %arg7[%swap3A_1456] {strides = array<i32>} : memref<4096xf32, #tpu.memory_space<vmem>>, vector<16xf32>,
    tpu.vector_store %arg7[%swap3A_1456], %gather3A_1455 {strides = array<i32>} : memref<4096xf32, #tpu.memory_space<vmem>>, vector<16xf32>,
    %add3A_1458 = arith.constant 45 : i32
    %add3A_1459 = vector.broadcast %add3A_1458 : i32 to vector<16xi32>
    %add3A_1460 = arith.addi %mul3A_1187, %add3A_1459 : vector<16xi32>
    %gather3A_1461 = tpu.vector_load_idx %arg6[%add3A_1460] : memref<3200xf32, #tpu.memory_space<vmem>>[vector<16xi32>], vector<16xf32>,
    %swap3A_1462 = arith.constant 2928 : index
    %swap3A_1463 = tpu.vector_load %arg7[%swap3A_1462] {strides = array<i32>} : memref<4096xf32, #tpu.memory_space<vmem>>, vector<16xf32>,
    tpu.vector_store %arg7[%swap3A_1462], %gather3A_1461 {strides = array<i32>} : memref<4096xf32, #tpu.memory_space<vmem>>, vector<16xf32>,
    %add3A_1464 = arith.constant 46 : i32
    %add3A_1465 = vector.broadcast %add3A_1464 : i32 to vector<16xi32>
    %add3A_1466 = arith.addi %mul3A_1187, %add3A_1465 : vector<16xi32>
    %gather3A_1467 = tpu.vector_load_idx %arg6[%add3A_1466] : memref<3200xf32, #tpu.memory_space<vmem>>[vector<16xi32>], vector<16xf32>,
    %swap3A_1468 = arith.constant 2992 : index
    %swap3A_1469 = tpu.vector_load %arg7[%swap3A_1468] {strides = array<i32>} : memref<4096xf32, #tpu.memory_space<vmem>>, vector<16xf32>,
    tpu.vector_store %arg7[%swap3A_1468], %gather3A_1467 {strides = array<i32>} : memref<4096xf32, #tpu.memory_space<vmem>>, vector<16xf32>,
    %add3A_1470 = arith.constant 47 : i32
    %add3A_1471 = vector.broadcast %add3A_1470 : i32 to vector<16xi32>
    %add3A_1472 = arith.addi %mul3A_1187, %add3A_1471 : vector<16xi32>
    %gather3A_1473 = tpu.vector_load_idx %arg6[%add3A_1472] : memref<3200xf32, #tpu.memory_space<vmem>>[vector<16xi32>], vector<16xf32>,
    %swap3A_1474 = arith.constant 3056 : index
    %swap3A_1475 = tpu.vector_load %arg7[%swap3A_1474] {strides = array<i32>} : memref<4096xf32, #tpu.memory_space<vmem>>, vector<16xf32>,
    tpu.vector_store %arg7[%swap3A_1474], %gather3A_1473 {strides = array<i32>} : memref<4096xf32, #tpu.memory_space<vmem>>, vector<16xf32>,
    %add3A_1476 = arith.constant 48 : i32
    %add3A_1477 = vector.broadcast %add3A_1476 : i32 to vector<16xi32>
    %add3A_1478 = arith.addi %mul3A_1187, %add3A_1477 : vector<16xi32>
    %gather3A_1479 = tpu.vector_load_idx %arg6[%add3A_1478] : memref<3200xf32, #tpu.memory_space<vmem>>[vector<16xi32>], vector<16xf32>,
    %swap3A_1480 = arith.constant 3120 : index
    %swap3A_1481 = tpu.vector_load %arg7[%swap3A_1480] {strides = array<i32>} : memref<4096xf32, #tpu.memory_space<vmem>>, vector<16xf32>,
    tpu.vector_store %arg7[%swap3A_1480], %gather3A_1479 {strides = array<i32>} : memref<4096xf32, #tpu.memory_space<vmem>>, vector<16xf32>,
    %add3A_1482 = arith.constant 49 : i32
    %add3A_1483 = vector.broadcast %add3A_1482 : i32 to vector<16xi32>
    %add3A_1484 = arith.addi %mul3A_1187, %add3A_1483 : vector<16xi32>
    %gather3A_1485 = tpu.vector_load_idx %arg6[%add3A_1484] : memref<3200xf32, #tpu.memory_space<vmem>>[vector<16xi32>], vector<16xf32>,
    %swap3A_1486 = arith.constant 3184 : index
    %swap3A_1487 = tpu.vector_load %arg7[%swap3A_1486] {strides = array<i32>} : memref<4096xf32, #tpu.memory_space<vmem>>, vector<16xf32>,
    tpu.vector_store %arg7[%swap3A_1486], %gather3A_1485 {strides = array<i32>} : memref<4096xf32, #tpu.memory_space<vmem>>, vector<16xf32>,
    %add3A_1488 = arith.constant 50 : i32
    %add3A_1489 = vector.broadcast %add3A_1488 : i32 to vector<16xi32>
    %add3A_1490 = arith.addi %mul3A_1187, %add3A_1489 : vector<16xi32>
    %gather3A_1491 = tpu.vector_load_idx %arg6[%add3A_1490] : memref<3200xf32, #tpu.memory_space<vmem>>[vector<16xi32>], vector<16xf32>,
    %swap3A_1492 = arith.constant 3248 : index
    %swap3A_1493 = tpu.vector_load %arg7[%swap3A_1492] {strides = array<i32>} : memref<4096xf32, #tpu.memory_space<vmem>>, vector<16xf32>,
    tpu.vector_store %arg7[%swap3A_1492], %gather3A_1491 {strides = array<i32>} : memref<4096xf32, #tpu.memory_space<vmem>>, vector<16xf32>,
    %add3A_1494 = arith.constant 51 : i32
    %add3A_1495 = vector.broadcast %add3A_1494 : i32 to vector<16xi32>
    %add3A_1496 = arith.addi %mul3A_1187, %add3A_1495 : vector<16xi32>
    %gather3A_1497 = tpu.vector_load_idx %arg6[%add3A_1496] : memref<3200xf32, #tpu.memory_space<vmem>>[vector<16xi32>], vector<16xf32>,
    %swap3A_1498 = arith.constant 3312 : index
    %swap3A_1499 = tpu.vector_load %arg7[%swap3A_1498] {strides = array<i32>} : memref<4096xf32, #tpu.memory_space<vmem>>, vector<16xf32>,
    tpu.vector_store %arg7[%swap3A_1498], %gather3A_1497 {strides = array<i32>} : memref<4096xf32, #tpu.memory_space<vmem>>, vector<16xf32>,
    %add3A_1500 = arith.constant 52 : i32
    %add3A_1501 = vector.broadcast %add3A_1500 : i32 to vector<16xi32>
    %add3A_1502 = arith.addi %mul3A_1187, %add3A_1501 : vector<16xi32>
    %gather3A_1503 = tpu.vector_load_idx %arg6[%add3A_1502] : memref<3200xf32, #tpu.memory_space<vmem>>[vector<16xi32>], vector<16xf32>,
    %swap3A_1504 = arith.constant 3376 : index
    %swap3A_1505 = tpu.vector_load %arg7[%swap3A_1504] {strides = array<i32>} : memref<4096xf32, #tpu.memory_space<vmem>>, vector<16xf32>,
    tpu.vector_store %arg7[%swap3A_1504], %gather3A_1503 {strides = array<i32>} : memref<4096xf32, #tpu.memory_space<vmem>>, vector<16xf32>,
    %add3A_1506 = arith.constant 53 : i32
    %add3A_1507 = vector.broadcast %add3A_1506 : i32 to vector<16xi32>
    %add3A_1508 = arith.addi %mul3A_1187, %add3A_1507 : vector<16xi32>
    %gather3A_1509 = tpu.vector_load_idx %arg6[%add3A_1508] : memref<3200xf32, #tpu.memory_space<vmem>>[vector<16xi32>], vector<16xf32>,
    %swap3A_1510 = arith.constant 3440 : index
    %swap3A_1511 = tpu.vector_load %arg7[%swap3A_1510] {strides = array<i32>} : memref<4096xf32, #tpu.memory_space<vmem>>, vector<16xf32>,
    tpu.vector_store %arg7[%swap3A_1510], %gather3A_1509 {strides = array<i32>} : memref<4096xf32, #tpu.memory_space<vmem>>, vector<16xf32>,
    %add3A_1512 = arith.constant 54 : i32
    %add3A_1513 = vector.broadcast %add3A_1512 : i32 to vector<16xi32>
    %add3A_1514 = arith.addi %mul3A_1187, %add3A_1513 : vector<16xi32>
    %gather3A_1515 = tpu.vector_load_idx %arg6[%add3A_1514] : memref<3200xf32, #tpu.memory_space<vmem>>[vector<16xi32>], vector<16xf32>,
    %swap3A_1516 = arith.constant 3504 : index
    %swap3A_1517 = tpu.vector_load %arg7[%swap3A_1516] {strides = array<i32>} : memref<4096xf32, #tpu.memory_space<vmem>>, vector<16xf32>,
    tpu.vector_store %arg7[%swap3A_1516], %gather3A_1515 {strides = array<i32>} : memref<4096xf32, #tpu.memory_space<vmem>>, vector<16xf32>,
    %add3A_1518 = arith.constant 55 : i32
    %add3A_1519 = vector.broadcast %add3A_1518 : i32 to vector<16xi32>
    %add3A_1520 = arith.addi %mul3A_1187, %add3A_1519 : vector<16xi32>
    %gather3A_1521 = tpu.vector_load_idx %arg6[%add3A_1520] : memref<3200xf32, #tpu.memory_space<vmem>>[vector<16xi32>], vector<16xf32>,
    %swap3A_1522 = arith.constant 3568 : index
    %swap3A_1523 = tpu.vector_load %arg7[%swap3A_1522] {strides = array<i32>} : memref<4096xf32, #tpu.memory_space<vmem>>, vector<16xf32>,
    tpu.vector_store %arg7[%swap3A_1522], %gather3A_1521 {strides = array<i32>} : memref<4096xf32, #tpu.memory_space<vmem>>, vector<16xf32>,
    %add3A_1524 = arith.constant 56 : i32
    %add3A_1525 = vector.broadcast %add3A_1524 : i32 to vector<16xi32>
    %add3A_1526 = arith.addi %mul3A_1187, %add3A_1525 : vector<16xi32>
    %gather3A_1527 = tpu.vector_load_idx %arg6[%add3A_1526] : memref<3200xf32, #tpu.memory_space<vmem>>[vector<16xi32>], vector<16xf32>,
    %swap3A_1528 = arith.constant 3632 : index
    %swap3A_1529 = tpu.vector_load %arg7[%swap3A_1528] {strides = array<i32>} : memref<4096xf32, #tpu.memory_space<vmem>>, vector<16xf32>,
    tpu.vector_store %arg7[%swap3A_1528], %gather3A_1527 {strides = array<i32>} : memref<4096xf32, #tpu.memory_space<vmem>>, vector<16xf32>,
    %add3A_1530 = arith.constant 57 : i32
    %add3A_1531 = vector.broadcast %add3A_1530 : i32 to vector<16xi32>
    %add3A_1532 = arith.addi %mul3A_1187, %add3A_1531 : vector<16xi32>
    %gather3A_1533 = tpu.vector_load_idx %arg6[%add3A_1532] : memref<3200xf32, #tpu.memory_space<vmem>>[vector<16xi32>], vector<16xf32>,
    %swap3A_1534 = arith.constant 3696 : index
    %swap3A_1535 = tpu.vector_load %arg7[%swap3A_1534] {strides = array<i32>} : memref<4096xf32, #tpu.memory_space<vmem>>, vector<16xf32>,
    tpu.vector_store %arg7[%swap3A_1534], %gather3A_1533 {strides = array<i32>} : memref<4096xf32, #tpu.memory_space<vmem>>, vector<16xf32>,
    %add3A_1536 = arith.constant 58 : i32
    %add3A_1537 = vector.broadcast %add3A_1536 : i32 to vector<16xi32>
    %add3A_1538 = arith.addi %mul3A_1187, %add3A_1537 : vector<16xi32>
    %gather3A_1539 = tpu.vector_load_idx %arg6[%add3A_1538] : memref<3200xf32, #tpu.memory_space<vmem>>[vector<16xi32>], vector<16xf32>,
    %swap3A_1540 = arith.constant 3760 : index
    %swap3A_1541 = tpu.vector_load %arg7[%swap3A_1540] {strides = array<i32>} : memref<4096xf32, #tpu.memory_space<vmem>>, vector<16xf32>,
    tpu.vector_store %arg7[%swap3A_1540], %gather3A_1539 {strides = array<i32>} : memref<4096xf32, #tpu.memory_space<vmem>>, vector<16xf32>,
    %add3A_1542 = arith.constant 59 : i32
    %add3A_1543 = vector.broadcast %add3A_1542 : i32 to vector<16xi32>
    %add3A_1544 = arith.addi %mul3A_1187, %add3A_1543 : vector<16xi32>
    %gather3A_1545 = tpu.vector_load_idx %arg6[%add3A_1544] : memref<3200xf32, #tpu.memory_space<vmem>>[vector<16xi32>], vector<16xf32>,
    %swap3A_1546 = arith.constant 3824 : index
    %swap3A_1547 = tpu.vector_load %arg7[%swap3A_1546] {strides = array<i32>} : memref<4096xf32, #tpu.memory_space<vmem>>, vector<16xf32>,
    tpu.vector_store %arg7[%swap3A_1546], %gather3A_1545 {strides = array<i32>} : memref<4096xf32, #tpu.memory_space<vmem>>, vector<16xf32>,
    %add3A_1548 = arith.constant 60 : i32
    %add3A_1549 = vector.broadcast %add3A_1548 : i32 to vector<16xi32>
    %add3A_1550 = arith.addi %mul3A_1187, %add3A_1549 : vector<16xi32>
    %gather3A_1551 = tpu.vector_load_idx %arg6[%add3A_1550] : memref<3200xf32, #tpu.memory_space<vmem>>[vector<16xi32>], vector<16xf32>,
    %swap3A_1552 = arith.constant 3888 : index
    %swap3A_1553 = tpu.vector_load %arg7[%swap3A_1552] {strides = array<i32>} : memref<4096xf32, #tpu.memory_space<vmem>>, vector<16xf32>,
    tpu.vector_store %arg7[%swap3A_1552], %gather3A_1551 {strides = array<i32>} : memref<4096xf32, #tpu.memory_space<vmem>>, vector<16xf32>,
    %add3A_1554 = arith.constant 61 : i32
    %add3A_1555 = vector.broadcast %add3A_1554 : i32 to vector<16xi32>
    %add3A_1556 = arith.addi %mul3A_1187, %add3A_1555 : vector<16xi32>
    %gather3A_1557 = tpu.vector_load_idx %arg6[%add3A_1556] : memref<3200xf32, #tpu.memory_space<vmem>>[vector<16xi32>], vector<16xf32>,
    %swap3A_1558 = arith.constant 3952 : index
    %swap3A_1559 = tpu.vector_load %arg7[%swap3A_1558] {strides = array<i32>} : memref<4096xf32, #tpu.memory_space<vmem>>, vector<16xf32>,
    tpu.vector_store %arg7[%swap3A_1558], %gather3A_1557 {strides = array<i32>} : memref<4096xf32, #tpu.memory_space<vmem>>, vector<16xf32>,
    %add3A_1560 = arith.constant 62 : i32
    %add3A_1561 = vector.broadcast %add3A_1560 : i32 to vector<16xi32>
    %add3A_1562 = arith.addi %mul3A_1187, %add3A_1561 : vector<16xi32>
    %gather3A_1563 = tpu.vector_load_idx %arg6[%add3A_1562] : memref<3200xf32, #tpu.memory_space<vmem>>[vector<16xi32>], vector<16xf32>,
    %swap3A_1564 = arith.constant 4016 : index
    %swap3A_1565 = tpu.vector_load %arg7[%swap3A_1564] {strides = array<i32>} : memref<4096xf32, #tpu.memory_space<vmem>>, vector<16xf32>,
    tpu.vector_store %arg7[%swap3A_1564], %gather3A_1563 {strides = array<i32>} : memref<4096xf32, #tpu.memory_space<vmem>>, vector<16xf32>,
    %add3A_1566 = arith.constant 63 : i32
    %add3A_1567 = vector.broadcast %add3A_1566 : i32 to vector<16xi32>
    %add3A_1568 = arith.addi %mul3A_1187, %add3A_1567 : vector<16xi32>
    %gather3A_1569 = tpu.vector_load_idx %arg6[%add3A_1568] : memref<3200xf32, #tpu.memory_space<vmem>>[vector<16xi32>], vector<16xf32>,
    %swap3A_1570 = arith.constant 4080 : index
    %swap3A_1571 = tpu.vector_load %arg7[%swap3A_1570] {strides = array<i32>} : memref<4096xf32, #tpu.memory_space<vmem>>, vector<16xf32>,
    tpu.vector_store %arg7[%swap3A_1570], %gather3A_1569 {strides = array<i32>} : memref<4096xf32, #tpu.memory_space<vmem>>, vector<16xf32>,
    %add3A_1572 = arith.constant 0 : i32
    %add3A_1573 = vector.broadcast %add3A_1572 : i32 to vector<16xi32>
    %add3A_1574 = arith.addi %iota3A, %add3A_1573 : vector<16xi32>
    %mul3A_1575 = arith.constant 200 : i32
    %mul3A_1576 = vector.broadcast %mul3A_1575 : i32 to vector<16xi32>
    %mul3A_1577 = arith.muli %add3A_1574, %mul3A_1576 : vector<16xi32>
    %add3A_1578 = arith.constant 16 : i32
    %add3A_1579 = vector.broadcast %add3A_1578 : i32 to vector<16xi32>
    %add3A_1580 = arith.addi %iota3A, %add3A_1579 : vector<16xi32>
    %mul3A_1581 = arith.constant 200 : i32
    %mul3A_1582 = vector.broadcast %mul3A_1581 : i32 to vector<16xi32>
    %mul3A_1583 = arith.muli %add3A_1580, %mul3A_1582 : vector<16xi32>
    %add3A_1584 = arith.constant 32 : i32
    %add3A_1585 = vector.broadcast %add3A_1584 : i32 to vector<16xi32>
    %add3A_1586 = arith.addi %iota3A, %add3A_1585 : vector<16xi32>
    %mul3A_1587 = arith.constant 200 : i32
    %mul3A_1588 = vector.broadcast %mul3A_1587 : i32 to vector<16xi32>
    %mul3A_1589 = arith.muli %add3A_1586, %mul3A_1588 : vector<16xi32>
    %add3A_1590 = arith.constant 48 : i32
    %add3A_1591 = vector.broadcast %add3A_1590 : i32 to vector<16xi32>
    %add3A_1592 = arith.addi %iota3A, %add3A_1591 : vector<16xi32>
    %mul3A_1593 = arith.constant 200 : i32
    %mul3A_1594 = vector.broadcast %mul3A_1593 : i32 to vector<16xi32>
    %mul3A_1595 = arith.muli %add3A_1592, %mul3A_1594 : vector<16xi32>
    %add3A_1596 = arith.constant 64 : i32
    %add3A_1597 = vector.broadcast %add3A_1596 : i32 to vector<16xi32>
    %add3A_1598 = arith.addi %iota3A, %add3A_1597 : vector<16xi32>
    %mul3A_1599 = arith.constant 200 : i32
    %mul3A_1600 = vector.broadcast %mul3A_1599 : i32 to vector<16xi32>
    %mul3A_1601 = arith.muli %add3A_1598, %mul3A_1600 : vector<16xi32>
    %add3A_1602 = arith.constant 80 : i32
    %add3A_1603 = vector.broadcast %add3A_1602 : i32 to vector<16xi32>
    %add3A_1604 = arith.addi %iota3A, %add3A_1603 : vector<16xi32>
    %mul3A_1605 = arith.constant 200 : i32
    %mul3A_1606 = vector.broadcast %mul3A_1605 : i32 to vector<16xi32>
    %mul3A_1607 = arith.muli %add3A_1604, %mul3A_1606 : vector<16xi32>
    %add3A_1608 = arith.constant 96 : i32
    %add3A_1609 = vector.broadcast %add3A_1608 : i32 to vector<16xi32>
    %add3A_1610 = arith.addi %iota3A, %add3A_1609 : vector<16xi32>
    %mul3A_1611 = arith.constant 200 : i32
    %mul3A_1612 = vector.broadcast %mul3A_1611 : i32 to vector<16xi32>
    %mul3A_1613 = arith.muli %add3A_1610, %mul3A_1612 : vector<16xi32>
    %add3A_1614 = arith.constant 112 : i32
    %add3A_1615 = vector.broadcast %add3A_1614 : i32 to vector<16xi32>
    %add3A_1616 = arith.addi %iota3A, %add3A_1615 : vector<16xi32>
    %mul3A_1617 = arith.constant 200 : i32
    %mul3A_1618 = vector.broadcast %mul3A_1617 : i32 to vector<16xi32>
    %mul3A_1619 = arith.muli %add3A_1616, %mul3A_1618 : vector<16xi32>
    %scan3A = arith.constant 0 : i32
    %scan3A_1620 = arith.constant 0 : i32
    %scan3A_1621 = arith.constant 100 : i32
    %scan3A_1622 = arith.addi %scan3A_1620, %scan3A_1621 : i32
    %scan3A_1623 = arith.constant 1 : i32
    scf.for %scan3A_1816 = %scan3A_1620 to %scan3A_1622 step %scan3A_1623  : i32 {
      %ge3A = arith.constant 1 : i32
      %ge3A_1817 = arith.cmpi sge, %scan3A_1816, %ge3A : i32
      %convert_element_type3A = arith.extui %ge3A_1817 : i1 to i32
      %cond3A = arith.constant 0 : i32
      %cond3A_1818 = arith.cmpi ne, %convert_element_type3A, %cond3A : i32
      scf.if %cond3A_1818 {
        %dma_wait3A_2083 = arith.constant 0 : i32
        %dma_wait3A_2084 = arith.constant 0 : i32
        %dma_wait3A_2085 = arith.constant 0 : i32
        %dma_wait3A_2086 = tpu.memref_slice %arg9[%dma_wait3A_2085] : memref<8192xf32, #tpu.memory_space<vmem>> -> memref<1024xf32, #tpu.memory_space<vmem>>
        %dma_wait3A_2087 = arith.constant 0 : i32
        %dma_wait3A_2088 = tpu.memref_slice %arg4[%dma_wait3A_2083, %dma_wait3A_2084, %add3A, %dma_wait3A_2087] : memref<200x8x32x1024xf32, #tpu.memory_space<hbm>> -> memref<1x1x1x1024xf32, #tpu.memory_space<hbm>>
        %dma_wait3A_2089 = tpu.memref_squeeze %dma_wait3A_2088 : memref<1x1x1x1024xf32, #tpu.memory_space<hbm>> -> memref<1024xf32, #tpu.memory_space<hbm>>
        %dma_wait3A_2090 = arith.constant 0 : i32
        %dma_wait3A_2091 = tpu.memref_slice %arg4[%dma_wait3A_2083, %dma_wait3A_2084, %add3A, %dma_wait3A_2090] : memref<200x8x32x1024xf32, #tpu.memory_space<hbm>> -> memref<1x1x1x1024xf32, #tpu.memory_space<hbm>>
        %dma_wait3A_2092 = tpu.memref_squeeze %dma_wait3A_2091 : memref<1x1x1x1024xf32, #tpu.memory_space<hbm>> -> memref<1024xf32, #tpu.memory_space<hbm>>
        %dma_wait3A_2093 = arith.constant 0 : i32
        %dma_wait3A_2094 = tpu.memref_slice %arg9[%dma_wait3A_2093] : memref<8192xf32, #tpu.memory_space<vmem>> -> memref<1024xf32, #tpu.memory_space<vmem>>
        tpu.wait_dma2 semaphore(%arg11 : memref<!tpu.dma_semaphore, #tpu.memory_space<semaphore_mem>>) src(%dma_wait3A_2094 : memref<1024xf32, #tpu.memory_space<vmem>>) dst(%dma_wait3A_2092 : memref<1024xf32, #tpu.memory_space<hbm>>)
        %dma_wait3A_2095 = arith.constant 0 : i32
        %dma_wait3A_2096 = arith.constant 1 : i32
        %dma_wait3A_2097 = arith.constant 1024 : i32
        %dma_wait3A_2098 = tpu.memref_slice %arg9[%dma_wait3A_2097] : memref<8192xf32, #tpu.memory_space<vmem>> -> memref<1024xf32, #tpu.memory_space<vmem>>
        %dma_wait3A_2099 = arith.constant 0 : i32
        %dma_wait3A_2100 = tpu.memref_slice %arg4[%dma_wait3A_2095, %dma_wait3A_2096, %add3A, %dma_wait3A_2099] : memref<200x8x32x1024xf32, #tpu.memory_space<hbm>> -> memref<1x1x1x1024xf32, #tpu.memory_space<hbm>>
        %dma_wait3A_2101 = tpu.memref_squeeze %dma_wait3A_2100 : memref<1x1x1x1024xf32, #tpu.memory_space<hbm>> -> memref<1024xf32, #tpu.memory_space<hbm>>
        %dma_wait3A_2102 = arith.constant 0 : i32
        %dma_wait3A_2103 = tpu.memref_slice %arg4[%dma_wait3A_2095, %dma_wait3A_2096, %add3A, %dma_wait3A_2102] : memref<200x8x32x1024xf32, #tpu.memory_space<hbm>> -> memref<1x1x1x1024xf32, #tpu.memory_space<hbm>>
        %dma_wait3A_2104 = tpu.memref_squeeze %dma_wait3A_2103 : memref<1x1x1x1024xf32, #tpu.memory_space<hbm>> -> memref<1024xf32, #tpu.memory_space<hbm>>
        %dma_wait3A_2105 = arith.constant 1024 : i32
        %dma_wait3A_2106 = tpu.memref_slice %arg9[%dma_wait3A_2105] : memref<8192xf32, #tpu.memory_space<vmem>> -> memref<1024xf32, #tpu.memory_space<vmem>>
        tpu.wait_dma2 semaphore(%arg11 : memref<!tpu.dma_semaphore, #tpu.memory_space<semaphore_mem>>) src(%dma_wait3A_2106 : memref<1024xf32, #tpu.memory_space<vmem>>) dst(%dma_wait3A_2104 : memref<1024xf32, #tpu.memory_space<hbm>>)
        %dma_wait3A_2107 = arith.constant 0 : i32
        %dma_wait3A_2108 = arith.constant 2 : i32
        %dma_wait3A_2109 = arith.constant 2048 : i32
        %dma_wait3A_2110 = tpu.memref_slice %arg9[%dma_wait3A_2109] : memref<8192xf32, #tpu.memory_space<vmem>> -> memref<1024xf32, #tpu.memory_space<vmem>>
        %dma_wait3A_2111 = arith.constant 0 : i32
        %dma_wait3A_2112 = tpu.memref_slice %arg4[%dma_wait3A_2107, %dma_wait3A_2108, %add3A, %dma_wait3A_2111] : memref<200x8x32x1024xf32, #tpu.memory_space<hbm>> -> memref<1x1x1x1024xf32, #tpu.memory_space<hbm>>
        %dma_wait3A_2113 = tpu.memref_squeeze %dma_wait3A_2112 : memref<1x1x1x1024xf32, #tpu.memory_space<hbm>> -> memref<1024xf32, #tpu.memory_space<hbm>>
        %dma_wait3A_2114 = arith.constant 0 : i32
        %dma_wait3A_2115 = tpu.memref_slice %arg4[%dma_wait3A_2107, %dma_wait3A_2108, %add3A, %dma_wait3A_2114] : memref<200x8x32x1024xf32, #tpu.memory_space<hbm>> -> memref<1x1x1x1024xf32, #tpu.memory_space<hbm>>
        %dma_wait3A_2116 = tpu.memref_squeeze %dma_wait3A_2115 : memref<1x1x1x1024xf32, #tpu.memory_space<hbm>> -> memref<1024xf32, #tpu.memory_space<hbm>>
        %dma_wait3A_2117 = arith.constant 2048 : i32
        %dma_wait3A_2118 = tpu.memref_slice %arg9[%dma_wait3A_2117] : memref<8192xf32, #tpu.memory_space<vmem>> -> memref<1024xf32, #tpu.memory_space<vmem>>
        tpu.wait_dma2 semaphore(%arg11 : memref<!tpu.dma_semaphore, #tpu.memory_space<semaphore_mem>>) src(%dma_wait3A_2118 : memref<1024xf32, #tpu.memory_space<vmem>>) dst(%dma_wait3A_2116 : memref<1024xf32, #tpu.memory_space<hbm>>)
        %dma_wait3A_2119 = arith.constant 0 : i32
        %dma_wait3A_2120 = arith.constant 3 : i32
        %dma_wait3A_2121 = arith.constant 3072 : i32
        %dma_wait3A_2122 = tpu.memref_slice %arg9[%dma_wait3A_2121] : memref<8192xf32, #tpu.memory_space<vmem>> -> memref<1024xf32, #tpu.memory_space<vmem>>
        %dma_wait3A_2123 = arith.constant 0 : i32
        %dma_wait3A_2124 = tpu.memref_slice %arg4[%dma_wait3A_2119, %dma_wait3A_2120, %add3A, %dma_wait3A_2123] : memref<200x8x32x1024xf32, #tpu.memory_space<hbm>> -> memref<1x1x1x1024xf32, #tpu.memory_space<hbm>>
        %dma_wait3A_2125 = tpu.memref_squeeze %dma_wait3A_2124 : memref<1x1x1x1024xf32, #tpu.memory_space<hbm>> -> memref<1024xf32, #tpu.memory_space<hbm>>
        %dma_wait3A_2126 = arith.constant 0 : i32
        %dma_wait3A_2127 = tpu.memref_slice %arg4[%dma_wait3A_2119, %dma_wait3A_2120, %add3A, %dma_wait3A_2126] : memref<200x8x32x1024xf32, #tpu.memory_space<hbm>> -> memref<1x1x1x1024xf32, #tpu.memory_space<hbm>>
        %dma_wait3A_2128 = tpu.memref_squeeze %dma_wait3A_2127 : memref<1x1x1x1024xf32, #tpu.memory_space<hbm>> -> memref<1024xf32, #tpu.memory_space<hbm>>
        %dma_wait3A_2129 = arith.constant 3072 : i32
        %dma_wait3A_2130 = tpu.memref_slice %arg9[%dma_wait3A_2129] : memref<8192xf32, #tpu.memory_space<vmem>> -> memref<1024xf32, #tpu.memory_space<vmem>>
        tpu.wait_dma2 semaphore(%arg11 : memref<!tpu.dma_semaphore, #tpu.memory_space<semaphore_mem>>) src(%dma_wait3A_2130 : memref<1024xf32, #tpu.memory_space<vmem>>) dst(%dma_wait3A_2128 : memref<1024xf32, #tpu.memory_space<hbm>>)
        %dma_wait3A_2131 = arith.constant 0 : i32
        %dma_wait3A_2132 = arith.constant 4 : i32
        %dma_wait3A_2133 = arith.constant 4096 : i32
        %dma_wait3A_2134 = tpu.memref_slice %arg9[%dma_wait3A_2133] : memref<8192xf32, #tpu.memory_space<vmem>> -> memref<1024xf32, #tpu.memory_space<vmem>>
        %dma_wait3A_2135 = arith.constant 0 : i32
        %dma_wait3A_2136 = tpu.memref_slice %arg4[%dma_wait3A_2131, %dma_wait3A_2132, %add3A, %dma_wait3A_2135] : memref<200x8x32x1024xf32, #tpu.memory_space<hbm>> -> memref<1x1x1x1024xf32, #tpu.memory_space<hbm>>
        %dma_wait3A_2137 = tpu.memref_squeeze %dma_wait3A_2136 : memref<1x1x1x1024xf32, #tpu.memory_space<hbm>> -> memref<1024xf32, #tpu.memory_space<hbm>>
        %dma_wait3A_2138 = arith.constant 0 : i32
        %dma_wait3A_2139 = tpu.memref_slice %arg4[%dma_wait3A_2131, %dma_wait3A_2132, %add3A, %dma_wait3A_2138] : memref<200x8x32x1024xf32, #tpu.memory_space<hbm>> -> memref<1x1x1x1024xf32, #tpu.memory_space<hbm>>
        %dma_wait3A_2140 = tpu.memref_squeeze %dma_wait3A_2139 : memref<1x1x1x1024xf32, #tpu.memory_space<hbm>> -> memref<1024xf32, #tpu.memory_space<hbm>>
        %dma_wait3A_2141 = arith.constant 4096 : i32
        %dma_wait3A_2142 = tpu.memref_slice %arg9[%dma_wait3A_2141] : memref<8192xf32, #tpu.memory_space<vmem>> -> memref<1024xf32, #tpu.memory_space<vmem>>
        tpu.wait_dma2 semaphore(%arg11 : memref<!tpu.dma_semaphore, #tpu.memory_space<semaphore_mem>>) src(%dma_wait3A_2142 : memref<1024xf32, #tpu.memory_space<vmem>>) dst(%dma_wait3A_2140 : memref<1024xf32, #tpu.memory_space<hbm>>)
        %dma_wait3A_2143 = arith.constant 0 : i32
        %dma_wait3A_2144 = arith.constant 5 : i32
        %dma_wait3A_2145 = arith.constant 5120 : i32
        %dma_wait3A_2146 = tpu.memref_slice %arg9[%dma_wait3A_2145] : memref<8192xf32, #tpu.memory_space<vmem>> -> memref<1024xf32, #tpu.memory_space<vmem>>
        %dma_wait3A_2147 = arith.constant 0 : i32
        %dma_wait3A_2148 = tpu.memref_slice %arg4[%dma_wait3A_2143, %dma_wait3A_2144, %add3A, %dma_wait3A_2147] : memref<200x8x32x1024xf32, #tpu.memory_space<hbm>> -> memref<1x1x1x1024xf32, #tpu.memory_space<hbm>>
        %dma_wait3A_2149 = tpu.memref_squeeze %dma_wait3A_2148 : memref<1x1x1x1024xf32, #tpu.memory_space<hbm>> -> memref<1024xf32, #tpu.memory_space<hbm>>
        %dma_wait3A_2150 = arith.constant 0 : i32
        %dma_wait3A_2151 = tpu.memref_slice %arg4[%dma_wait3A_2143, %dma_wait3A_2144, %add3A, %dma_wait3A_2150] : memref<200x8x32x1024xf32, #tpu.memory_space<hbm>> -> memref<1x1x1x1024xf32, #tpu.memory_space<hbm>>
        %dma_wait3A_2152 = tpu.memref_squeeze %dma_wait3A_2151 : memref<1x1x1x1024xf32, #tpu.memory_space<hbm>> -> memref<1024xf32, #tpu.memory_space<hbm>>
        %dma_wait3A_2153 = arith.constant 5120 : i32
        %dma_wait3A_2154 = tpu.memref_slice %arg9[%dma_wait3A_2153] : memref<8192xf32, #tpu.memory_space<vmem>> -> memref<1024xf32, #tpu.memory_space<vmem>>
        tpu.wait_dma2 semaphore(%arg11 : memref<!tpu.dma_semaphore, #tpu.memory_space<semaphore_mem>>) src(%dma_wait3A_2154 : memref<1024xf32, #tpu.memory_space<vmem>>) dst(%dma_wait3A_2152 : memref<1024xf32, #tpu.memory_space<hbm>>)
        %dma_wait3A_2155 = arith.constant 0 : i32
        %dma_wait3A_2156 = arith.constant 6 : i32
        %dma_wait3A_2157 = arith.constant 6144 : i32
        %dma_wait3A_2158 = tpu.memref_slice %arg9[%dma_wait3A_2157] : memref<8192xf32, #tpu.memory_space<vmem>> -> memref<1024xf32, #tpu.memory_space<vmem>>
        %dma_wait3A_2159 = arith.constant 0 : i32
        %dma_wait3A_2160 = tpu.memref_slice %arg4[%dma_wait3A_2155, %dma_wait3A_2156, %add3A, %dma_wait3A_2159] : memref<200x8x32x1024xf32, #tpu.memory_space<hbm>> -> memref<1x1x1x1024xf32, #tpu.memory_space<hbm>>
        %dma_wait3A_2161 = tpu.memref_squeeze %dma_wait3A_2160 : memref<1x1x1x1024xf32, #tpu.memory_space<hbm>> -> memref<1024xf32, #tpu.memory_space<hbm>>
        %dma_wait3A_2162 = arith.constant 0 : i32
        %dma_wait3A_2163 = tpu.memref_slice %arg4[%dma_wait3A_2155, %dma_wait3A_2156, %add3A, %dma_wait3A_2162] : memref<200x8x32x1024xf32, #tpu.memory_space<hbm>> -> memref<1x1x1x1024xf32, #tpu.memory_space<hbm>>
        %dma_wait3A_2164 = tpu.memref_squeeze %dma_wait3A_2163 : memref<1x1x1x1024xf32, #tpu.memory_space<hbm>> -> memref<1024xf32, #tpu.memory_space<hbm>>
        %dma_wait3A_2165 = arith.constant 6144 : i32
        %dma_wait3A_2166 = tpu.memref_slice %arg9[%dma_wait3A_2165] : memref<8192xf32, #tpu.memory_space<vmem>> -> memref<1024xf32, #tpu.memory_space<vmem>>
        tpu.wait_dma2 semaphore(%arg11 : memref<!tpu.dma_semaphore, #tpu.memory_space<semaphore_mem>>) src(%dma_wait3A_2166 : memref<1024xf32, #tpu.memory_space<vmem>>) dst(%dma_wait3A_2164 : memref<1024xf32, #tpu.memory_space<hbm>>)
        %dma_wait3A_2167 = arith.constant 0 : i32
        %dma_wait3A_2168 = arith.constant 7 : i32
        %dma_wait3A_2169 = arith.constant 7168 : i32
        %dma_wait3A_2170 = tpu.memref_slice %arg9[%dma_wait3A_2169] : memref<8192xf32, #tpu.memory_space<vmem>> -> memref<1024xf32, #tpu.memory_space<vmem>>
        %dma_wait3A_2171 = arith.constant 0 : i32
        %dma_wait3A_2172 = tpu.memref_slice %arg4[%dma_wait3A_2167, %dma_wait3A_2168, %add3A, %dma_wait3A_2171] : memref<200x8x32x1024xf32, #tpu.memory_space<hbm>> -> memref<1x1x1x1024xf32, #tpu.memory_space<hbm>>
        %dma_wait3A_2173 = tpu.memref_squeeze %dma_wait3A_2172 : memref<1x1x1x1024xf32, #tpu.memory_space<hbm>> -> memref<1024xf32, #tpu.memory_space<hbm>>
        %dma_wait3A_2174 = arith.constant 0 : i32
        %dma_wait3A_2175 = tpu.memref_slice %arg4[%dma_wait3A_2167, %dma_wait3A_2168, %add3A, %dma_wait3A_2174] : memref<200x8x32x1024xf32, #tpu.memory_space<hbm>> -> memref<1x1x1x1024xf32, #tpu.memory_space<hbm>>
        %dma_wait3A_2176 = tpu.memref_squeeze %dma_wait3A_2175 : memref<1x1x1x1024xf32, #tpu.memory_space<hbm>> -> memref<1024xf32, #tpu.memory_space<hbm>>
        %dma_wait3A_2177 = arith.constant 7168 : i32
        %dma_wait3A_2178 = tpu.memref_slice %arg9[%dma_wait3A_2177] : memref<8192xf32, #tpu.memory_space<vmem>> -> memref<1024xf32, #tpu.memory_space<vmem>>
        tpu.wait_dma2 semaphore(%arg11 : memref<!tpu.dma_semaphore, #tpu.memory_space<semaphore_mem>>) src(%dma_wait3A_2178 : memref<1024xf32, #tpu.memory_space<vmem>>) dst(%dma_wait3A_2176 : memref<1024xf32, #tpu.memory_space<hbm>>)
      } else {
      }
      %mul3A_1819 = arith.constant 2 : i32
      %mul3A_1820 = arith.muli %mul3A_1819, %scan3A_1816 : i32
      %add3A_1821 = arith.constant 0 : i32
      %add3A_1822 = arith.addi %mul3A_1820, %add3A_1821 : i32
      %broadcast_in_dim3A = arith.constant 0 : i32
      %broadcast_in_dim3A_1823 = vector.broadcast %broadcast_in_dim3A : i32 to vector<16xi32>
      %add3A_1824 = vector.broadcast %add3A_1822 : i32 to vector<16xi32>
      %add3A_1825 = arith.addi %broadcast_in_dim3A_1823, %add3A_1824 : vector<16xi32>
      %add3A_1826 = arith.addi %mul3A_1577, %add3A_1825 : vector<16xi32>
      %gather3A_1827 = tpu.vector_load_idx %arg5[%add3A_1826] : memref<25600xi32, #tpu.memory_space<vmem>>[vector<16xi32>], vector<16xi32>,
      %swap3A_1828 = arith.constant 0 : index
      %swap3A_1829 = tpu.vector_load %arg8[%swap3A_1828] {strides = array<i32>} : memref<128xi32, #tpu.memory_space<vmem>>, vector<16xi32>,
      tpu.vector_store %arg8[%swap3A_1828], %gather3A_1827 {strides = array<i32>} : memref<128xi32, #tpu.memory_space<vmem>>, vector<16xi32>,
      %add3A_1830 = arith.addi %mul3A_1583, %add3A_1825 : vector<16xi32>
      %gather3A_1831 = tpu.vector_load_idx %arg5[%add3A_1830] : memref<25600xi32, #tpu.memory_space<vmem>>[vector<16xi32>], vector<16xi32>,
      %swap3A_1832 = arith.constant 16 : index
      %swap3A_1833 = tpu.vector_load %arg8[%swap3A_1832] {strides = array<i32>} : memref<128xi32, #tpu.memory_space<vmem>>, vector<16xi32>,
      tpu.vector_store %arg8[%swap3A_1832], %gather3A_1831 {strides = array<i32>} : memref<128xi32, #tpu.memory_space<vmem>>, vector<16xi32>,
      %add3A_1834 = arith.addi %mul3A_1589, %add3A_1825 : vector<16xi32>
      %gather3A_1835 = tpu.vector_load_idx %arg5[%add3A_1834] : memref<25600xi32, #tpu.memory_space<vmem>>[vector<16xi32>], vector<16xi32>,
      %swap3A_1836 = arith.constant 32 : index
      %swap3A_1837 = tpu.vector_load %arg8[%swap3A_1836] {strides = array<i32>} : memref<128xi32, #tpu.memory_space<vmem>>, vector<16xi32>,
      tpu.vector_store %arg8[%swap3A_1836], %gather3A_1835 {strides = array<i32>} : memref<128xi32, #tpu.memory_space<vmem>>, vector<16xi32>,
      %add3A_1838 = arith.addi %mul3A_1595, %add3A_1825 : vector<16xi32>
      %gather3A_1839 = tpu.vector_load_idx %arg5[%add3A_1838] : memref<25600xi32, #tpu.memory_space<vmem>>[vector<16xi32>], vector<16xi32>,
      %swap3A_1840 = arith.constant 48 : index
      %swap3A_1841 = tpu.vector_load %arg8[%swap3A_1840] {strides = array<i32>} : memref<128xi32, #tpu.memory_space<vmem>>, vector<16xi32>,
      tpu.vector_store %arg8[%swap3A_1840], %gather3A_1839 {strides = array<i32>} : memref<128xi32, #tpu.memory_space<vmem>>, vector<16xi32>,
      %add3A_1842 = arith.addi %mul3A_1601, %add3A_1825 : vector<16xi32>
      %gather3A_1843 = tpu.vector_load_idx %arg5[%add3A_1842] : memref<25600xi32, #tpu.memory_space<vmem>>[vector<16xi32>], vector<16xi32>,
      %swap3A_1844 = arith.constant 64 : index
      %swap3A_1845 = tpu.vector_load %arg8[%swap3A_1844] {strides = array<i32>} : memref<128xi32, #tpu.memory_space<vmem>>, vector<16xi32>,
      tpu.vector_store %arg8[%swap3A_1844], %gather3A_1843 {strides = array<i32>} : memref<128xi32, #tpu.memory_space<vmem>>, vector<16xi32>,
      %add3A_1846 = arith.addi %mul3A_1607, %add3A_1825 : vector<16xi32>
      %gather3A_1847 = tpu.vector_load_idx %arg5[%add3A_1846] : memref<25600xi32, #tpu.memory_space<vmem>>[vector<16xi32>], vector<16xi32>,
      %swap3A_1848 = arith.constant 80 : index
      %swap3A_1849 = tpu.vector_load %arg8[%swap3A_1848] {strides = array<i32>} : memref<128xi32, #tpu.memory_space<vmem>>, vector<16xi32>,
      tpu.vector_store %arg8[%swap3A_1848], %gather3A_1847 {strides = array<i32>} : memref<128xi32, #tpu.memory_space<vmem>>, vector<16xi32>,
      %add3A_1850 = arith.addi %mul3A_1613, %add3A_1825 : vector<16xi32>
      %gather3A_1851 = tpu.vector_load_idx %arg5[%add3A_1850] : memref<25600xi32, #tpu.memory_space<vmem>>[vector<16xi32>], vector<16xi32>,
      %swap3A_1852 = arith.constant 96 : index
      %swap3A_1853 = tpu.vector_load %arg8[%swap3A_1852] {strides = array<i32>} : memref<128xi32, #tpu.memory_space<vmem>>, vector<16xi32>,
      tpu.vector_store %arg8[%swap3A_1852], %gather3A_1851 {strides = array<i32>} : memref<128xi32, #tpu.memory_space<vmem>>, vector<16xi32>,
      %add3A_1854 = arith.addi %mul3A_1619, %add3A_1825 : vector<16xi32>
      %gather3A_1855 = tpu.vector_load_idx %arg5[%add3A_1854] : memref<25600xi32, #tpu.memory_space<vmem>>[vector<16xi32>], vector<16xi32>,
      %swap3A_1856 = arith.constant 112 : index
      %swap3A_1857 = tpu.vector_load %arg8[%swap3A_1856] {strides = array<i32>} : memref<128xi32, #tpu.memory_space<vmem>>, vector<16xi32>,
      tpu.vector_store %arg8[%swap3A_1856], %gather3A_1855 {strides = array<i32>} : memref<128xi32, #tpu.memory_space<vmem>>, vector<16xi32>,
      %parallel_loop3A = arith.constant 0 : i32
      %parallel_loop3A_1858 = arith.constant 512 : i32
      %parallel_loop3A_1859 = arith.constant 1 : i32
      scf.for %parallel_loop3A_2083 = %parallel_loop3A to %parallel_loop3A_1858 step %parallel_loop3A_1859  : i32 {
        %parallel_loop3A_2084 = arith.constant 7 : i32
        %parallel_loop3A_2085 = arith.andi %parallel_loop3A_2083, %parallel_loop3A_2084 : i32
        %parallel_loop3A_2086 = arith.constant 16 : i32
        %parallel_loop3A_2087 = arith.muli %parallel_loop3A_2085, %parallel_loop3A_2086 : i32
        %parallel_loop3A_2088 = arith.index_cast %parallel_loop3A_2087 : i32 to index
        %parallel_loop3A_2089 = tpu.vector_load %arg8[%parallel_loop3A_2088] {strides = array<i32>} : memref<128xi32, #tpu.memory_space<vmem>>, vector<16xi32>,
        %parallel_loop3A_2090 = arith.constant 3 : i32
        %parallel_loop3A_2091 = arith.shrsi %parallel_loop3A_2083, %parallel_loop3A_2090 : i32
        %parallel_loop3A_2092 = arith.constant 64 : i32
        %parallel_loop3A_2093 = arith.muli %parallel_loop3A_2091, %parallel_loop3A_2092 : i32
        %parallel_loop3A_2094 = vector.broadcast %parallel_loop3A_2093 : i32 to vector<16xi32>
        %parallel_loop3A_2095 = arith.addi %parallel_loop3A_2089, %parallel_loop3A_2094 : vector<16xi32>
        %parallel_loop3A_2096 = tpu.vector_load_idx %arg7[%parallel_loop3A_2095] : memref<4096xf32, #tpu.memory_space<vmem>>[vector<16xi32>], vector<16xf32>,
        %parallel_loop3A_2097 = arith.constant 16 : i32
        %parallel_loop3A_2098 = arith.muli %parallel_loop3A_2083, %parallel_loop3A_2097 : i32
        %parallel_loop3A_2099 = arith.index_cast %parallel_loop3A_2098 : i32 to index
        %parallel_loop3A_2100 = tpu.vector_load %arg9[%parallel_loop3A_2099] {strides = array<i32>} : memref<8192xf32, #tpu.memory_space<vmem>>, vector<16xf32>,
        tpu.vector_store %arg9[%parallel_loop3A_2099], %parallel_loop3A_2096 {strides = array<i32>} : memref<8192xf32, #tpu.memory_space<vmem>>, vector<16xf32>,
      } {sc.loop_unroll_factor = 64 : i64, sc.parallel_access}
      %dma_start3A = arith.constant 0 : i32
      %dma_start3A_1860 = arith.constant 0 : i32
      %dma_start3A_1861 = tpu.memref_slice %arg9[%dma_start3A_1860] : memref<8192xf32, #tpu.memory_space<vmem>> -> memref<1024xf32, #tpu.memory_space<vmem>>
      %dma_start3A_1862 = arith.constant 0 : i32
      %dma_start3A_1863 = tpu.memref_slice %arg4[%add3A_1822, %dma_start3A, %add3A, %dma_start3A_1862] : memref<200x8x32x1024xf32, #tpu.memory_space<hbm>> -> memref<1x1x1x1024xf32, #tpu.memory_space<hbm>>
      %dma_start3A_1864 = tpu.memref_squeeze %dma_start3A_1863 : memref<1x1x1x1024xf32, #tpu.memory_space<hbm>> -> memref<1024xf32, #tpu.memory_space<hbm>>
      %dma_start3A_1865 = arith.constant 0 : i32
      %dma_start3A_1866 = tpu.memref_slice %arg4[%add3A_1822, %dma_start3A, %add3A, %dma_start3A_1865] : memref<200x8x32x1024xf32, #tpu.memory_space<hbm>> -> memref<1x1x1x1024xf32, #tpu.memory_space<hbm>>
      %dma_start3A_1867 = tpu.memref_squeeze %dma_start3A_1866 : memref<1x1x1x1024xf32, #tpu.memory_space<hbm>> -> memref<1024xf32, #tpu.memory_space<hbm>>
      %dma_start3A_1868 = arith.constant 0 : i32
      %dma_start3A_1869 = tpu.memref_slice %arg9[%dma_start3A_1868] : memref<8192xf32, #tpu.memory_space<vmem>> -> memref<1024xf32, #tpu.memory_space<vmem>>
      tpu.enqueue_dma source(%dma_start3A_1869 : memref<1024xf32, #tpu.memory_space<vmem>>) target(%dma_start3A_1867 : memref<1024xf32, #tpu.memory_space<hbm>>) target_semaphore(%arg11 : memref<!tpu.dma_semaphore, #tpu.memory_space<semaphore_mem>>)
      %dma_start3A_1870 = arith.constant 1 : i32
      %dma_start3A_1871 = arith.constant 1024 : i32
      %dma_start3A_1872 = tpu.memref_slice %arg9[%dma_start3A_1871] : memref<8192xf32, #tpu.memory_space<vmem>> -> memref<1024xf32, #tpu.memory_space<vmem>>
      %dma_start3A_1873 = arith.constant 0 : i32
      %dma_start3A_1874 = tpu.memref_slice %arg4[%add3A_1822, %dma_start3A_1870, %add3A, %dma_start3A_1873] : memref<200x8x32x1024xf32, #tpu.memory_space<hbm>> -> memref<1x1x1x1024xf32, #tpu.memory_space<hbm>>
      %dma_start3A_1875 = tpu.memref_squeeze %dma_start3A_1874 : memref<1x1x1x1024xf32, #tpu.memory_space<hbm>> -> memref<1024xf32, #tpu.memory_space<hbm>>
      %dma_start3A_1876 = arith.constant 0 : i32
      %dma_start3A_1877 = tpu.memref_slice %arg4[%add3A_1822, %dma_start3A_1870, %add3A, %dma_start3A_1876] : memref<200x8x32x1024xf32, #tpu.memory_space<hbm>> -> memref<1x1x1x1024xf32, #tpu.memory_space<hbm>>
      %dma_start3A_1878 = tpu.memref_squeeze %dma_start3A_1877 : memref<1x1x1x1024xf32, #tpu.memory_space<hbm>> -> memref<1024xf32, #tpu.memory_space<hbm>>
      %dma_start3A_1879 = arith.constant 1024 : i32
      %dma_start3A_1880 = tpu.memref_slice %arg9[%dma_start3A_1879] : memref<8192xf32, #tpu.memory_space<vmem>> -> memref<1024xf32, #tpu.memory_space<vmem>>
      tpu.enqueue_dma source(%dma_start3A_1880 : memref<1024xf32, #tpu.memory_space<vmem>>) target(%dma_start3A_1878 : memref<1024xf32, #tpu.memory_space<hbm>>) target_semaphore(%arg11 : memref<!tpu.dma_semaphore, #tpu.memory_space<semaphore_mem>>)
      %dma_start3A_1881 = arith.constant 2 : i32
      %dma_start3A_1882 = arith.constant 2048 : i32
      %dma_start3A_1883 = tpu.memref_slice %arg9[%dma_start3A_1882] : memref<8192xf32, #tpu.memory_space<vmem>> -> memref<1024xf32, #tpu.memory_space<vmem>>
      %dma_start3A_1884 = arith.constant 0 : i32
      %dma_start3A_1885 = tpu.memref_slice %arg4[%add3A_1822, %dma_start3A_1881, %add3A, %dma_start3A_1884] : memref<200x8x32x1024xf32, #tpu.memory_space<hbm>> -> memref<1x1x1x1024xf32, #tpu.memory_space<hbm>>
      %dma_start3A_1886 = tpu.memref_squeeze %dma_start3A_1885 : memref<1x1x1x1024xf32, #tpu.memory_space<hbm>> -> memref<1024xf32, #tpu.memory_space<hbm>>
      %dma_start3A_1887 = arith.constant 0 : i32
      %dma_start3A_1888 = tpu.memref_slice %arg4[%add3A_1822, %dma_start3A_1881, %add3A, %dma_start3A_1887] : memref<200x8x32x1024xf32, #tpu.memory_space<hbm>> -> memref<1x1x1x1024xf32, #tpu.memory_space<hbm>>
      %dma_start3A_1889 = tpu.memref_squeeze %dma_start3A_1888 : memref<1x1x1x1024xf32, #tpu.memory_space<hbm>> -> memref<1024xf32, #tpu.memory_space<hbm>>
      %dma_start3A_1890 = arith.constant 2048 : i32
      %dma_start3A_1891 = tpu.memref_slice %arg9[%dma_start3A_1890] : memref<8192xf32, #tpu.memory_space<vmem>> -> memref<1024xf32, #tpu.memory_space<vmem>>
      tpu.enqueue_dma source(%dma_start3A_1891 : memref<1024xf32, #tpu.memory_space<vmem>>) target(%dma_start3A_1889 : memref<1024xf32, #tpu.memory_space<hbm>>) target_semaphore(%arg11 : memref<!tpu.dma_semaphore, #tpu.memory_space<semaphore_mem>>)
      %dma_start3A_1892 = arith.constant 3 : i32
      %dma_start3A_1893 = arith.constant 3072 : i32
      %dma_start3A_1894 = tpu.memref_slice %arg9[%dma_start3A_1893] : memref<8192xf32, #tpu.memory_space<vmem>> -> memref<1024xf32, #tpu.memory_space<vmem>>
      %dma_start3A_1895 = arith.constant 0 : i32
      %dma_start3A_1896 = tpu.memref_slice %arg4[%add3A_1822, %dma_start3A_1892, %add3A, %dma_start3A_1895] : memref<200x8x32x1024xf32, #tpu.memory_space<hbm>> -> memref<1x1x1x1024xf32, #tpu.memory_space<hbm>>
      %dma_start3A_1897 = tpu.memref_squeeze %dma_start3A_1896 : memref<1x1x1x1024xf32, #tpu.memory_space<hbm>> -> memref<1024xf32, #tpu.memory_space<hbm>>
      %dma_start3A_1898 = arith.constant 0 : i32
      %dma_start3A_1899 = tpu.memref_slice %arg4[%add3A_1822, %dma_start3A_1892, %add3A, %dma_start3A_1898] : memref<200x8x32x1024xf32, #tpu.memory_space<hbm>> -> memref<1x1x1x1024xf32, #tpu.memory_space<hbm>>
      %dma_start3A_1900 = tpu.memref_squeeze %dma_start3A_1899 : memref<1x1x1x1024xf32, #tpu.memory_space<hbm>> -> memref<1024xf32, #tpu.memory_space<hbm>>
      %dma_start3A_1901 = arith.constant 3072 : i32
      %dma_start3A_1902 = tpu.memref_slice %arg9[%dma_start3A_1901] : memref<8192xf32, #tpu.memory_space<vmem>> -> memref<1024xf32, #tpu.memory_space<vmem>>
      tpu.enqueue_dma source(%dma_start3A_1902 : memref<1024xf32, #tpu.memory_space<vmem>>) target(%dma_start3A_1900 : memref<1024xf32, #tpu.memory_space<hbm>>) target_semaphore(%arg11 : memref<!tpu.dma_semaphore, #tpu.memory_space<semaphore_mem>>)
      %dma_start3A_1903 = arith.constant 4 : i32
      %dma_start3A_1904 = arith.constant 4096 : i32
      %dma_start3A_1905 = tpu.memref_slice %arg9[%dma_start3A_1904] : memref<8192xf32, #tpu.memory_space<vmem>> -> memref<1024xf32, #tpu.memory_space<vmem>>
      %dma_start3A_1906 = arith.constant 0 : i32
      %dma_start3A_1907 = tpu.memref_slice %arg4[%add3A_1822, %dma_start3A_1903, %add3A, %dma_start3A_1906] : memref<200x8x32x1024xf32, #tpu.memory_space<hbm>> -> memref<1x1x1x1024xf32, #tpu.memory_space<hbm>>
      %dma_start3A_1908 = tpu.memref_squeeze %dma_start3A_1907 : memref<1x1x1x1024xf32, #tpu.memory_space<hbm>> -> memref<1024xf32, #tpu.memory_space<hbm>>
      %dma_start3A_1909 = arith.constant 0 : i32
      %dma_start3A_1910 = tpu.memref_slice %arg4[%add3A_1822, %dma_start3A_1903, %add3A, %dma_start3A_1909] : memref<200x8x32x1024xf32, #tpu.memory_space<hbm>> -> memref<1x1x1x1024xf32, #tpu.memory_space<hbm>>
      %dma_start3A_1911 = tpu.memref_squeeze %dma_start3A_1910 : memref<1x1x1x1024xf32, #tpu.memory_space<hbm>> -> memref<1024xf32, #tpu.memory_space<hbm>>
      %dma_start3A_1912 = arith.constant 4096 : i32
      %dma_start3A_1913 = tpu.memref_slice %arg9[%dma_start3A_1912] : memref<8192xf32, #tpu.memory_space<vmem>> -> memref<1024xf32, #tpu.memory_space<vmem>>
      tpu.enqueue_dma source(%dma_start3A_1913 : memref<1024xf32, #tpu.memory_space<vmem>>) target(%dma_start3A_1911 : memref<1024xf32, #tpu.memory_space<hbm>>) target_semaphore(%arg11 : memref<!tpu.dma_semaphore, #tpu.memory_space<semaphore_mem>>)
      %dma_start3A_1914 = arith.constant 5 : i32
      %dma_start3A_1915 = arith.constant 5120 : i32
      %dma_start3A_1916 = tpu.memref_slice %arg9[%dma_start3A_1915] : memref<8192xf32, #tpu.memory_space<vmem>> -> memref<1024xf32, #tpu.memory_space<vmem>>
      %dma_start3A_1917 = arith.constant 0 : i32
      %dma_start3A_1918 = tpu.memref_slice %arg4[%add3A_1822, %dma_start3A_1914, %add3A, %dma_start3A_1917] : memref<200x8x32x1024xf32, #tpu.memory_space<hbm>> -> memref<1x1x1x1024xf32, #tpu.memory_space<hbm>>
      %dma_start3A_1919 = tpu.memref_squeeze %dma_start3A_1918 : memref<1x1x1x1024xf32, #tpu.memory_space<hbm>> -> memref<1024xf32, #tpu.memory_space<hbm>>
      %dma_start3A_1920 = arith.constant 0 : i32
      %dma_start3A_1921 = tpu.memref_slice %arg4[%add3A_1822, %dma_start3A_1914, %add3A, %dma_start3A_1920] : memref<200x8x32x1024xf32, #tpu.memory_space<hbm>> -> memref<1x1x1x1024xf32, #tpu.memory_space<hbm>>
      %dma_start3A_1922 = tpu.memref_squeeze %dma_start3A_1921 : memref<1x1x1x1024xf32, #tpu.memory_space<hbm>> -> memref<1024xf32, #tpu.memory_space<hbm>>
      %dma_start3A_1923 = arith.constant 5120 : i32
      %dma_start3A_1924 = tpu.memref_slice %arg9[%dma_start3A_1923] : memref<8192xf32, #tpu.memory_space<vmem>> -> memref<1024xf32, #tpu.memory_space<vmem>>
      tpu.enqueue_dma source(%dma_start3A_1924 : memref<1024xf32, #tpu.memory_space<vmem>>) target(%dma_start3A_1922 : memref<1024xf32, #tpu.memory_space<hbm>>) target_semaphore(%arg11 : memref<!tpu.dma_semaphore, #tpu.memory_space<semaphore_mem>>)
      %dma_start3A_1925 = arith.constant 6 : i32
      %dma_start3A_1926 = arith.constant 6144 : i32
      %dma_start3A_1927 = tpu.memref_slice %arg9[%dma_start3A_1926] : memref<8192xf32, #tpu.memory_space<vmem>> -> memref<1024xf32, #tpu.memory_space<vmem>>
      %dma_start3A_1928 = arith.constant 0 : i32
      %dma_start3A_1929 = tpu.memref_slice %arg4[%add3A_1822, %dma_start3A_1925, %add3A, %dma_start3A_1928] : memref<200x8x32x1024xf32, #tpu.memory_space<hbm>> -> memref<1x1x1x1024xf32, #tpu.memory_space<hbm>>
      %dma_start3A_1930 = tpu.memref_squeeze %dma_start3A_1929 : memref<1x1x1x1024xf32, #tpu.memory_space<hbm>> -> memref<1024xf32, #tpu.memory_space<hbm>>
      %dma_start3A_1931 = arith.constant 0 : i32
      %dma_start3A_1932 = tpu.memref_slice %arg4[%add3A_1822, %dma_start3A_1925, %add3A, %dma_start3A_1931] : memref<200x8x32x1024xf32, #tpu.memory_space<hbm>> -> memref<1x1x1x1024xf32, #tpu.memory_space<hbm>>
      %dma_start3A_1933 = tpu.memref_squeeze %dma_start3A_1932 : memref<1x1x1x1024xf32, #tpu.memory_space<hbm>> -> memref<1024xf32, #tpu.memory_space<hbm>>
      %dma_start3A_1934 = arith.constant 6144 : i32
      %dma_start3A_1935 = tpu.memref_slice %arg9[%dma_start3A_1934] : memref<8192xf32, #tpu.memory_space<vmem>> -> memref<1024xf32, #tpu.memory_space<vmem>>
      tpu.enqueue_dma source(%dma_start3A_1935 : memref<1024xf32, #tpu.memory_space<vmem>>) target(%dma_start3A_1933 : memref<1024xf32, #tpu.memory_space<hbm>>) target_semaphore(%arg11 : memref<!tpu.dma_semaphore, #tpu.memory_space<semaphore_mem>>)
      %dma_start3A_1936 = arith.constant 7 : i32
      %dma_start3A_1937 = arith.constant 7168 : i32
      %dma_start3A_1938 = tpu.memref_slice %arg9[%dma_start3A_1937] : memref<8192xf32, #tpu.memory_space<vmem>> -> memref<1024xf32, #tpu.memory_space<vmem>>
      %dma_start3A_1939 = arith.constant 0 : i32
      %dma_start3A_1940 = tpu.memref_slice %arg4[%add3A_1822, %dma_start3A_1936, %add3A, %dma_start3A_1939] : memref<200x8x32x1024xf32, #tpu.memory_space<hbm>> -> memref<1x1x1x1024xf32, #tpu.memory_space<hbm>>
      %dma_start3A_1941 = tpu.memref_squeeze %dma_start3A_1940 : memref<1x1x1x1024xf32, #tpu.memory_space<hbm>> -> memref<1024xf32, #tpu.memory_space<hbm>>
      %dma_start3A_1942 = arith.constant 0 : i32
      %dma_start3A_1943 = tpu.memref_slice %arg4[%add3A_1822, %dma_start3A_1936, %add3A, %dma_start3A_1942] : memref<200x8x32x1024xf32, #tpu.memory_space<hbm>> -> memref<1x1x1x1024xf32, #tpu.memory_space<hbm>>
      %dma_start3A_1944 = tpu.memref_squeeze %dma_start3A_1943 : memref<1x1x1x1024xf32, #tpu.memory_space<hbm>> -> memref<1024xf32, #tpu.memory_space<hbm>>
      %dma_start3A_1945 = arith.constant 7168 : i32
      %dma_start3A_1946 = tpu.memref_slice %arg9[%dma_start3A_1945] : memref<8192xf32, #tpu.memory_space<vmem>> -> memref<1024xf32, #tpu.memory_space<vmem>>
      tpu.enqueue_dma source(%dma_start3A_1946 : memref<1024xf32, #tpu.memory_space<vmem>>) target(%dma_start3A_1944 : memref<1024xf32, #tpu.memory_space<hbm>>) target_semaphore(%arg11 : memref<!tpu.dma_semaphore, #tpu.memory_space<semaphore_mem>>)
      %ge3A_1947 = arith.constant 1 : i32
      %ge3A_1948 = arith.cmpi sge, %scan3A_1816, %ge3A_1947 : i32
      %convert_element_type3A_1949 = arith.extui %ge3A_1948 : i1 to i32
      %cond3A_1950 = arith.constant 0 : i32
      %cond3A_1951 = arith.cmpi ne, %convert_element_type3A_1949, %cond3A_1950 : i32
      scf.if %cond3A_1951 {
        %dma_wait3A_2083 = arith.constant 0 : i32
        %dma_wait3A_2084 = arith.constant 0 : i32
        %dma_wait3A_2085 = arith.constant 0 : i32
        %dma_wait3A_2086 = tpu.memref_slice %arg10[%dma_wait3A_2085] : memref<8192xf32, #tpu.memory_space<vmem>> -> memref<1024xf32, #tpu.memory_space<vmem>>
        %dma_wait3A_2087 = arith.constant 0 : i32
        %dma_wait3A_2088 = tpu.memref_slice %arg4[%dma_wait3A_2083, %dma_wait3A_2084, %add3A, %dma_wait3A_2087] : memref<200x8x32x1024xf32, #tpu.memory_space<hbm>> -> memref<1x1x1x1024xf32, #tpu.memory_space<hbm>>
        %dma_wait3A_2089 = tpu.memref_squeeze %dma_wait3A_2088 : memref<1x1x1x1024xf32, #tpu.memory_space<hbm>> -> memref<1024xf32, #tpu.memory_space<hbm>>
        %dma_wait3A_2090 = arith.constant 0 : i32
        %dma_wait3A_2091 = tpu.memref_slice %arg4[%dma_wait3A_2083, %dma_wait3A_2084, %add3A, %dma_wait3A_2090] : memref<200x8x32x1024xf32, #tpu.memory_space<hbm>> -> memref<1x1x1x1024xf32, #tpu.memory_space<hbm>>
        %dma_wait3A_2092 = tpu.memref_squeeze %dma_wait3A_2091 : memref<1x1x1x1024xf32, #tpu.memory_space<hbm>> -> memref<1024xf32, #tpu.memory_space<hbm>>
        %dma_wait3A_2093 = arith.constant 0 : i32
        %dma_wait3A_2094 = tpu.memref_slice %arg10[%dma_wait3A_2093] : memref<8192xf32, #tpu.memory_space<vmem>> -> memref<1024xf32, #tpu.memory_space<vmem>>
        tpu.wait_dma2 semaphore(%arg12 : memref<!tpu.dma_semaphore, #tpu.memory_space<semaphore_mem>>) src(%dma_wait3A_2094 : memref<1024xf32, #tpu.memory_space<vmem>>) dst(%dma_wait3A_2092 : memref<1024xf32, #tpu.memory_space<hbm>>)
        %dma_wait3A_2095 = arith.constant 0 : i32
        %dma_wait3A_2096 = arith.constant 1 : i32
        %dma_wait3A_2097 = arith.constant 1024 : i32
        %dma_wait3A_2098 = tpu.memref_slice %arg10[%dma_wait3A_2097] : memref<8192xf32, #tpu.memory_space<vmem>> -> memref<1024xf32, #tpu.memory_space<vmem>>
        %dma_wait3A_2099 = arith.constant 0 : i32
        %dma_wait3A_2100 = tpu.memref_slice %arg4[%dma_wait3A_2095, %dma_wait3A_2096, %add3A, %dma_wait3A_2099] : memref<200x8x32x1024xf32, #tpu.memory_space<hbm>> -> memref<1x1x1x1024xf32, #tpu.memory_space<hbm>>
        %dma_wait3A_2101 = tpu.memref_squeeze %dma_wait3A_2100 : memref<1x1x1x1024xf32, #tpu.memory_space<hbm>> -> memref<1024xf32, #tpu.memory_space<hbm>>
        %dma_wait3A_2102 = arith.constant 0 : i32
        %dma_wait3A_2103 = tpu.memref_slice %arg4[%dma_wait3A_2095, %dma_wait3A_2096, %add3A, %dma_wait3A_2102] : memref<200x8x32x1024xf32, #tpu.memory_space<hbm>> -> memref<1x1x1x1024xf32, #tpu.memory_space<hbm>>
        %dma_wait3A_2104 = tpu.memref_squeeze %dma_wait3A_2103 : memref<1x1x1x1024xf32, #tpu.memory_space<hbm>> -> memref<1024xf32, #tpu.memory_space<hbm>>
        %dma_wait3A_2105 = arith.constant 1024 : i32
        %dma_wait3A_2106 = tpu.memref_slice %arg10[%dma_wait3A_2105] : memref<8192xf32, #tpu.memory_space<vmem>> -> memref<1024xf32, #tpu.memory_space<vmem>>
        tpu.wait_dma2 semaphore(%arg12 : memref<!tpu.dma_semaphore, #tpu.memory_space<semaphore_mem>>) src(%dma_wait3A_2106 : memref<1024xf32, #tpu.memory_space<vmem>>) dst(%dma_wait3A_2104 : memref<1024xf32, #tpu.memory_space<hbm>>)
        %dma_wait3A_2107 = arith.constant 0 : i32
        %dma_wait3A_2108 = arith.constant 2 : i32
        %dma_wait3A_2109 = arith.constant 2048 : i32
        %dma_wait3A_2110 = tpu.memref_slice %arg10[%dma_wait3A_2109] : memref<8192xf32, #tpu.memory_space<vmem>> -> memref<1024xf32, #tpu.memory_space<vmem>>
        %dma_wait3A_2111 = arith.constant 0 : i32
        %dma_wait3A_2112 = tpu.memref_slice %arg4[%dma_wait3A_2107, %dma_wait3A_2108, %add3A, %dma_wait3A_2111] : memref<200x8x32x1024xf32, #tpu.memory_space<hbm>> -> memref<1x1x1x1024xf32, #tpu.memory_space<hbm>>
        %dma_wait3A_2113 = tpu.memref_squeeze %dma_wait3A_2112 : memref<1x1x1x1024xf32, #tpu.memory_space<hbm>> -> memref<1024xf32, #tpu.memory_space<hbm>>
        %dma_wait3A_2114 = arith.constant 0 : i32
        %dma_wait3A_2115 = tpu.memref_slice %arg4[%dma_wait3A_2107, %dma_wait3A_2108, %add3A, %dma_wait3A_2114] : memref<200x8x32x1024xf32, #tpu.memory_space<hbm>> -> memref<1x1x1x1024xf32, #tpu.memory_space<hbm>>
        %dma_wait3A_2116 = tpu.memref_squeeze %dma_wait3A_2115 : memref<1x1x1x1024xf32, #tpu.memory_space<hbm>> -> memref<1024xf32, #tpu.memory_space<hbm>>
        %dma_wait3A_2117 = arith.constant 2048 : i32
        %dma_wait3A_2118 = tpu.memref_slice %arg10[%dma_wait3A_2117] : memref<8192xf32, #tpu.memory_space<vmem>> -> memref<1024xf32, #tpu.memory_space<vmem>>
        tpu.wait_dma2 semaphore(%arg12 : memref<!tpu.dma_semaphore, #tpu.memory_space<semaphore_mem>>) src(%dma_wait3A_2118 : memref<1024xf32, #tpu.memory_space<vmem>>) dst(%dma_wait3A_2116 : memref<1024xf32, #tpu.memory_space<hbm>>)
        %dma_wait3A_2119 = arith.constant 0 : i32
        %dma_wait3A_2120 = arith.constant 3 : i32
        %dma_wait3A_2121 = arith.constant 3072 : i32
        %dma_wait3A_2122 = tpu.memref_slice %arg10[%dma_wait3A_2121] : memref<8192xf32, #tpu.memory_space<vmem>> -> memref<1024xf32, #tpu.memory_space<vmem>>
        %dma_wait3A_2123 = arith.constant 0 : i32
        %dma_wait3A_2124 = tpu.memref_slice %arg4[%dma_wait3A_2119, %dma_wait3A_2120, %add3A, %dma_wait3A_2123] : memref<200x8x32x1024xf32, #tpu.memory_space<hbm>> -> memref<1x1x1x1024xf32, #tpu.memory_space<hbm>>
        %dma_wait3A_2125 = tpu.memref_squeeze %dma_wait3A_2124 : memref<1x1x1x1024xf32, #tpu.memory_space<hbm>> -> memref<1024xf32, #tpu.memory_space<hbm>>
        %dma_wait3A_2126 = arith.constant 0 : i32
        %dma_wait3A_2127 = tpu.memref_slice %arg4[%dma_wait3A_2119, %dma_wait3A_2120, %add3A, %dma_wait3A_2126] : memref<200x8x32x1024xf32, #tpu.memory_space<hbm>> -> memref<1x1x1x1024xf32, #tpu.memory_space<hbm>>
        %dma_wait3A_2128 = tpu.memref_squeeze %dma_wait3A_2127 : memref<1x1x1x1024xf32, #tpu.memory_space<hbm>> -> memref<1024xf32, #tpu.memory_space<hbm>>
        %dma_wait3A_2129 = arith.constant 3072 : i32
        %dma_wait3A_2130 = tpu.memref_slice %arg10[%dma_wait3A_2129] : memref<8192xf32, #tpu.memory_space<vmem>> -> memref<1024xf32, #tpu.memory_space<vmem>>
        tpu.wait_dma2 semaphore(%arg12 : memref<!tpu.dma_semaphore, #tpu.memory_space<semaphore_mem>>) src(%dma_wait3A_2130 : memref<1024xf32, #tpu.memory_space<vmem>>) dst(%dma_wait3A_2128 : memref<1024xf32, #tpu.memory_space<hbm>>)
        %dma_wait3A_2131 = arith.constant 0 : i32
        %dma_wait3A_2132 = arith.constant 4 : i32
        %dma_wait3A_2133 = arith.constant 4096 : i32
        %dma_wait3A_2134 = tpu.memref_slice %arg10[%dma_wait3A_2133] : memref<8192xf32, #tpu.memory_space<vmem>> -> memref<1024xf32, #tpu.memory_space<vmem>>
        %dma_wait3A_2135 = arith.constant 0 : i32
        %dma_wait3A_2136 = tpu.memref_slice %arg4[%dma_wait3A_2131, %dma_wait3A_2132, %add3A, %dma_wait3A_2135] : memref<200x8x32x1024xf32, #tpu.memory_space<hbm>> -> memref<1x1x1x1024xf32, #tpu.memory_space<hbm>>
        %dma_wait3A_2137 = tpu.memref_squeeze %dma_wait3A_2136 : memref<1x1x1x1024xf32, #tpu.memory_space<hbm>> -> memref<1024xf32, #tpu.memory_space<hbm>>
        %dma_wait3A_2138 = arith.constant 0 : i32
        %dma_wait3A_2139 = tpu.memref_slice %arg4[%dma_wait3A_2131, %dma_wait3A_2132, %add3A, %dma_wait3A_2138] : memref<200x8x32x1024xf32, #tpu.memory_space<hbm>> -> memref<1x1x1x1024xf32, #tpu.memory_space<hbm>>
        %dma_wait3A_2140 = tpu.memref_squeeze %dma_wait3A_2139 : memref<1x1x1x1024xf32, #tpu.memory_space<hbm>> -> memref<1024xf32, #tpu.memory_space<hbm>>
        %dma_wait3A_2141 = arith.constant 4096 : i32
        %dma_wait3A_2142 = tpu.memref_slice %arg10[%dma_wait3A_2141] : memref<8192xf32, #tpu.memory_space<vmem>> -> memref<1024xf32, #tpu.memory_space<vmem>>
        tpu.wait_dma2 semaphore(%arg12 : memref<!tpu.dma_semaphore, #tpu.memory_space<semaphore_mem>>) src(%dma_wait3A_2142 : memref<1024xf32, #tpu.memory_space<vmem>>) dst(%dma_wait3A_2140 : memref<1024xf32, #tpu.memory_space<hbm>>)
        %dma_wait3A_2143 = arith.constant 0 : i32
        %dma_wait3A_2144 = arith.constant 5 : i32
        %dma_wait3A_2145 = arith.constant 5120 : i32
        %dma_wait3A_2146 = tpu.memref_slice %arg10[%dma_wait3A_2145] : memref<8192xf32, #tpu.memory_space<vmem>> -> memref<1024xf32, #tpu.memory_space<vmem>>
        %dma_wait3A_2147 = arith.constant 0 : i32
        %dma_wait3A_2148 = tpu.memref_slice %arg4[%dma_wait3A_2143, %dma_wait3A_2144, %add3A, %dma_wait3A_2147] : memref<200x8x32x1024xf32, #tpu.memory_space<hbm>> -> memref<1x1x1x1024xf32, #tpu.memory_space<hbm>>
        %dma_wait3A_2149 = tpu.memref_squeeze %dma_wait3A_2148 : memref<1x1x1x1024xf32, #tpu.memory_space<hbm>> -> memref<1024xf32, #tpu.memory_space<hbm>>
        %dma_wait3A_2150 = arith.constant 0 : i32
        %dma_wait3A_2151 = tpu.memref_slice %arg4[%dma_wait3A_2143, %dma_wait3A_2144, %add3A, %dma_wait3A_2150] : memref<200x8x32x1024xf32, #tpu.memory_space<hbm>> -> memref<1x1x1x1024xf32, #tpu.memory_space<hbm>>
        %dma_wait3A_2152 = tpu.memref_squeeze %dma_wait3A_2151 : memref<1x1x1x1024xf32, #tpu.memory_space<hbm>> -> memref<1024xf32, #tpu.memory_space<hbm>>
        %dma_wait3A_2153 = arith.constant 5120 : i32
        %dma_wait3A_2154 = tpu.memref_slice %arg10[%dma_wait3A_2153] : memref<8192xf32, #tpu.memory_space<vmem>> -> memref<1024xf32, #tpu.memory_space<vmem>>
        tpu.wait_dma2 semaphore(%arg12 : memref<!tpu.dma_semaphore, #tpu.memory_space<semaphore_mem>>) src(%dma_wait3A_2154 : memref<1024xf32, #tpu.memory_space<vmem>>) dst(%dma_wait3A_2152 : memref<1024xf32, #tpu.memory_space<hbm>>)
        %dma_wait3A_2155 = arith.constant 0 : i32
        %dma_wait3A_2156 = arith.constant 6 : i32
        %dma_wait3A_2157 = arith.constant 6144 : i32
        %dma_wait3A_2158 = tpu.memref_slice %arg10[%dma_wait3A_2157] : memref<8192xf32, #tpu.memory_space<vmem>> -> memref<1024xf32, #tpu.memory_space<vmem>>
        %dma_wait3A_2159 = arith.constant 0 : i32
        %dma_wait3A_2160 = tpu.memref_slice %arg4[%dma_wait3A_2155, %dma_wait3A_2156, %add3A, %dma_wait3A_2159] : memref<200x8x32x1024xf32, #tpu.memory_space<hbm>> -> memref<1x1x1x1024xf32, #tpu.memory_space<hbm>>
        %dma_wait3A_2161 = tpu.memref_squeeze %dma_wait3A_2160 : memref<1x1x1x1024xf32, #tpu.memory_space<hbm>> -> memref<1024xf32, #tpu.memory_space<hbm>>
        %dma_wait3A_2162 = arith.constant 0 : i32
        %dma_wait3A_2163 = tpu.memref_slice %arg4[%dma_wait3A_2155, %dma_wait3A_2156, %add3A, %dma_wait3A_2162] : memref<200x8x32x1024xf32, #tpu.memory_space<hbm>> -> memref<1x1x1x1024xf32, #tpu.memory_space<hbm>>
        %dma_wait3A_2164 = tpu.memref_squeeze %dma_wait3A_2163 : memref<1x1x1x1024xf32, #tpu.memory_space<hbm>> -> memref<1024xf32, #tpu.memory_space<hbm>>
        %dma_wait3A_2165 = arith.constant 6144 : i32
        %dma_wait3A_2166 = tpu.memref_slice %arg10[%dma_wait3A_2165] : memref<8192xf32, #tpu.memory_space<vmem>> -> memref<1024xf32, #tpu.memory_space<vmem>>
        tpu.wait_dma2 semaphore(%arg12 : memref<!tpu.dma_semaphore, #tpu.memory_space<semaphore_mem>>) src(%dma_wait3A_2166 : memref<1024xf32, #tpu.memory_space<vmem>>) dst(%dma_wait3A_2164 : memref<1024xf32, #tpu.memory_space<hbm>>)
        %dma_wait3A_2167 = arith.constant 0 : i32
        %dma_wait3A_2168 = arith.constant 7 : i32
        %dma_wait3A_2169 = arith.constant 7168 : i32
        %dma_wait3A_2170 = tpu.memref_slice %arg10[%dma_wait3A_2169] : memref<8192xf32, #tpu.memory_space<vmem>> -> memref<1024xf32, #tpu.memory_space<vmem>>
        %dma_wait3A_2171 = arith.constant 0 : i32
        %dma_wait3A_2172 = tpu.memref_slice %arg4[%dma_wait3A_2167, %dma_wait3A_2168, %add3A, %dma_wait3A_2171] : memref<200x8x32x1024xf32, #tpu.memory_space<hbm>> -> memref<1x1x1x1024xf32, #tpu.memory_space<hbm>>
        %dma_wait3A_2173 = tpu.memref_squeeze %dma_wait3A_2172 : memref<1x1x1x1024xf32, #tpu.memory_space<hbm>> -> memref<1024xf32, #tpu.memory_space<hbm>>
        %dma_wait3A_2174 = arith.constant 0 : i32
        %dma_wait3A_2175 = tpu.memref_slice %arg4[%dma_wait3A_2167, %dma_wait3A_2168, %add3A, %dma_wait3A_2174] : memref<200x8x32x1024xf32, #tpu.memory_space<hbm>> -> memref<1x1x1x1024xf32, #tpu.memory_space<hbm>>
        %dma_wait3A_2176 = tpu.memref_squeeze %dma_wait3A_2175 : memref<1x1x1x1024xf32, #tpu.memory_space<hbm>> -> memref<1024xf32, #tpu.memory_space<hbm>>
        %dma_wait3A_2177 = arith.constant 7168 : i32
        %dma_wait3A_2178 = tpu.memref_slice %arg10[%dma_wait3A_2177] : memref<8192xf32, #tpu.memory_space<vmem>> -> memref<1024xf32, #tpu.memory_space<vmem>>
        tpu.wait_dma2 semaphore(%arg12 : memref<!tpu.dma_semaphore, #tpu.memory_space<semaphore_mem>>) src(%dma_wait3A_2178 : memref<1024xf32, #tpu.memory_space<vmem>>) dst(%dma_wait3A_2176 : memref<1024xf32, #tpu.memory_space<hbm>>)
      } else {
      }
      %mul3A_1952 = arith.constant 2 : i32
      %mul3A_1953 = arith.muli %mul3A_1952, %scan3A_1816 : i32
      %add3A_1954 = arith.constant 1 : i32
      %add3A_1955 = arith.addi %mul3A_1953, %add3A_1954 : i32
      %broadcast_in_dim3A_1956 = arith.constant 0 : i32
      %broadcast_in_dim3A_1957 = vector.broadcast %broadcast_in_dim3A_1956 : i32 to vector<16xi32>
      %add3A_1958 = vector.broadcast %add3A_1955 : i32 to vector<16xi32>
      %add3A_1959 = arith.addi %broadcast_in_dim3A_1957, %add3A_1958 : vector<16xi32>
      %add3A_1960 = arith.addi %mul3A_1577, %add3A_1959 : vector<16xi32>
      %gather3A_1961 = tpu.vector_load_idx %arg5[%add3A_1960] : memref<25600xi32, #tpu.memory_space<vmem>>[vector<16xi32>], vector<16xi32>,
      %swap3A_1962 = arith.constant 0 : index
      %swap3A_1963 = tpu.vector_load %arg8[%swap3A_1962] {strides = array<i32>} : memref<128xi32, #tpu.memory_space<vmem>>, vector<16xi32>,
      tpu.vector_store %arg8[%swap3A_1962], %gather3A_1961 {strides = array<i32>} : memref<128xi32, #tpu.memory_space<vmem>>, vector<16xi32>,
      %add3A_1964 = arith.addi %mul3A_1583, %add3A_1959 : vector<16xi32>
      %gather3A_1965 = tpu.vector_load_idx %arg5[%add3A_1964] : memref<25600xi32, #tpu.memory_space<vmem>>[vector<16xi32>], vector<16xi32>,
      %swap3A_1966 = arith.constant 16 : index
      %swap3A_1967 = tpu.vector_load %arg8[%swap3A_1966] {strides = array<i32>} : memref<128xi32, #tpu.memory_space<vmem>>, vector<16xi32>,
      tpu.vector_store %arg8[%swap3A_1966], %gather3A_1965 {strides = array<i32>} : memref<128xi32, #tpu.memory_space<vmem>>, vector<16xi32>,
      %add3A_1968 = arith.addi %mul3A_1589, %add3A_1959 : vector<16xi32>
      %gather3A_1969 = tpu.vector_load_idx %arg5[%add3A_1968] : memref<25600xi32, #tpu.memory_space<vmem>>[vector<16xi32>], vector<16xi32>,
      %swap3A_1970 = arith.constant 32 : index
      %swap3A_1971 = tpu.vector_load %arg8[%swap3A_1970] {strides = array<i32>} : memref<128xi32, #tpu.memory_space<vmem>>, vector<16xi32>,
      tpu.vector_store %arg8[%swap3A_1970], %gather3A_1969 {strides = array<i32>} : memref<128xi32, #tpu.memory_space<vmem>>, vector<16xi32>,
      %add3A_1972 = arith.addi %mul3A_1595, %add3A_1959 : vector<16xi32>
      %gather3A_1973 = tpu.vector_load_idx %arg5[%add3A_1972] : memref<25600xi32, #tpu.memory_space<vmem>>[vector<16xi32>], vector<16xi32>,
      %swap3A_1974 = arith.constant 48 : index
      %swap3A_1975 = tpu.vector_load %arg8[%swap3A_1974] {strides = array<i32>} : memref<128xi32, #tpu.memory_space<vmem>>, vector<16xi32>,
      tpu.vector_store %arg8[%swap3A_1974], %gather3A_1973 {strides = array<i32>} : memref<128xi32, #tpu.memory_space<vmem>>, vector<16xi32>,
      %add3A_1976 = arith.addi %mul3A_1601, %add3A_1959 : vector<16xi32>
      %gather3A_1977 = tpu.vector_load_idx %arg5[%add3A_1976] : memref<25600xi32, #tpu.memory_space<vmem>>[vector<16xi32>], vector<16xi32>,
      %swap3A_1978 = arith.constant 64 : index
      %swap3A_1979 = tpu.vector_load %arg8[%swap3A_1978] {strides = array<i32>} : memref<128xi32, #tpu.memory_space<vmem>>, vector<16xi32>,
      tpu.vector_store %arg8[%swap3A_1978], %gather3A_1977 {strides = array<i32>} : memref<128xi32, #tpu.memory_space<vmem>>, vector<16xi32>,
      %add3A_1980 = arith.addi %mul3A_1607, %add3A_1959 : vector<16xi32>
      %gather3A_1981 = tpu.vector_load_idx %arg5[%add3A_1980] : memref<25600xi32, #tpu.memory_space<vmem>>[vector<16xi32>], vector<16xi32>,
      %swap3A_1982 = arith.constant 80 : index
      %swap3A_1983 = tpu.vector_load %arg8[%swap3A_1982] {strides = array<i32>} : memref<128xi32, #tpu.memory_space<vmem>>, vector<16xi32>,
      tpu.vector_store %arg8[%swap3A_1982], %gather3A_1981 {strides = array<i32>} : memref<128xi32, #tpu.memory_space<vmem>>, vector<16xi32>,
      %add3A_1984 = arith.addi %mul3A_1613, %add3A_1959 : vector<16xi32>
      %gather3A_1985 = tpu.vector_load_idx %arg5[%add3A_1984] : memref<25600xi32, #tpu.memory_space<vmem>>[vector<16xi32>], vector<16xi32>,
      %swap3A_1986 = arith.constant 96 : index
      %swap3A_1987 = tpu.vector_load %arg8[%swap3A_1986] {strides = array<i32>} : memref<128xi32, #tpu.memory_space<vmem>>, vector<16xi32>,
      tpu.vector_store %arg8[%swap3A_1986], %gather3A_1985 {strides = array<i32>} : memref<128xi32, #tpu.memory_space<vmem>>, vector<16xi32>,
      %add3A_1988 = arith.addi %mul3A_1619, %add3A_1959 : vector<16xi32>
      %gather3A_1989 = tpu.vector_load_idx %arg5[%add3A_1988] : memref<25600xi32, #tpu.memory_space<vmem>>[vector<16xi32>], vector<16xi32>,
      %swap3A_1990 = arith.constant 112 : index
      %swap3A_1991 = tpu.vector_load %arg8[%swap3A_1990] {strides = array<i32>} : memref<128xi32, #tpu.memory_space<vmem>>, vector<16xi32>,
      tpu.vector_store %arg8[%swap3A_1990], %gather3A_1989 {strides = array<i32>} : memref<128xi32, #tpu.memory_space<vmem>>, vector<16xi32>,
      %parallel_loop3A_1992 = arith.constant 0 : i32
      %parallel_loop3A_1993 = arith.constant 512 : i32
      %parallel_loop3A_1994 = arith.constant 1 : i32
      scf.for %parallel_loop3A_2083 = %parallel_loop3A_1992 to %parallel_loop3A_1993 step %parallel_loop3A_1994  : i32 {
        %parallel_loop3A_2084 = arith.constant 7 : i32
        %parallel_loop3A_2085 = arith.andi %parallel_loop3A_2083, %parallel_loop3A_2084 : i32
        %parallel_loop3A_2086 = arith.constant 16 : i32
        %parallel_loop3A_2087 = arith.muli %parallel_loop3A_2085, %parallel_loop3A_2086 : i32
        %parallel_loop3A_2088 = arith.index_cast %parallel_loop3A_2087 : i32 to index
        %parallel_loop3A_2089 = tpu.vector_load %arg8[%parallel_loop3A_2088] {strides = array<i32>} : memref<128xi32, #tpu.memory_space<vmem>>, vector<16xi32>,
        %parallel_loop3A_2090 = arith.constant 3 : i32
        %parallel_loop3A_2091 = arith.shrsi %parallel_loop3A_2083, %parallel_loop3A_2090 : i32
        %parallel_loop3A_2092 = arith.constant 64 : i32
        %parallel_loop3A_2093 = arith.muli %parallel_loop3A_2091, %parallel_loop3A_2092 : i32
        %parallel_loop3A_2094 = vector.broadcast %parallel_loop3A_2093 : i32 to vector<16xi32>
        %parallel_loop3A_2095 = arith.addi %parallel_loop3A_2089, %parallel_loop3A_2094 : vector<16xi32>
        %parallel_loop3A_2096 = tpu.vector_load_idx %arg7[%parallel_loop3A_2095] : memref<4096xf32, #tpu.memory_space<vmem>>[vector<16xi32>], vector<16xf32>,
        %parallel_loop3A_2097 = arith.constant 16 : i32
        %parallel_loop3A_2098 = arith.muli %parallel_loop3A_2083, %parallel_loop3A_2097 : i32
        %parallel_loop3A_2099 = arith.index_cast %parallel_loop3A_2098 : i32 to index
        %parallel_loop3A_2100 = tpu.vector_load %arg10[%parallel_loop3A_2099] {strides = array<i32>} : memref<8192xf32, #tpu.memory_space<vmem>>, vector<16xf32>,
        tpu.vector_store %arg10[%parallel_loop3A_2099], %parallel_loop3A_2096 {strides = array<i32>} : memref<8192xf32, #tpu.memory_space<vmem>>, vector<16xf32>,
      } {sc.loop_unroll_factor = 64 : i64, sc.parallel_access}
      %dma_start3A_1995 = arith.constant 0 : i32
      %dma_start3A_1996 = arith.constant 0 : i32
      %dma_start3A_1997 = tpu.memref_slice %arg10[%dma_start3A_1996] : memref<8192xf32, #tpu.memory_space<vmem>> -> memref<1024xf32, #tpu.memory_space<vmem>>
      %dma_start3A_1998 = arith.constant 0 : i32
      %dma_start3A_1999 = tpu.memref_slice %arg4[%add3A_1955, %dma_start3A_1995, %add3A, %dma_start3A_1998] : memref<200x8x32x1024xf32, #tpu.memory_space<hbm>> -> memref<1x1x1x1024xf32, #tpu.memory_space<hbm>>
      %dma_start3A_2000 = tpu.memref_squeeze %dma_start3A_1999 : memref<1x1x1x1024xf32, #tpu.memory_space<hbm>> -> memref<1024xf32, #tpu.memory_space<hbm>>
      %dma_start3A_2001 = arith.constant 0 : i32
      %dma_start3A_2002 = tpu.memref_slice %arg4[%add3A_1955, %dma_start3A_1995, %add3A, %dma_start3A_2001] : memref<200x8x32x1024xf32, #tpu.memory_space<hbm>> -> memref<1x1x1x1024xf32, #tpu.memory_space<hbm>>
      %dma_start3A_2003 = tpu.memref_squeeze %dma_start3A_2002 : memref<1x1x1x1024xf32, #tpu.memory_space<hbm>> -> memref<1024xf32, #tpu.memory_space<hbm>>
      %dma_start3A_2004 = arith.constant 0 : i32
      %dma_start3A_2005 = tpu.memref_slice %arg10[%dma_start3A_2004] : memref<8192xf32, #tpu.memory_space<vmem>> -> memref<1024xf32, #tpu.memory_space<vmem>>
      tpu.enqueue_dma source(%dma_start3A_2005 : memref<1024xf32, #tpu.memory_space<vmem>>) target(%dma_start3A_2003 : memref<1024xf32, #tpu.memory_space<hbm>>) target_semaphore(%arg12 : memref<!tpu.dma_semaphore, #tpu.memory_space<semaphore_mem>>)
      %dma_start3A_2006 = arith.constant 1 : i32
      %dma_start3A_2007 = arith.constant 1024 : i32
      %dma_start3A_2008 = tpu.memref_slice %arg10[%dma_start3A_2007] : memref<8192xf32, #tpu.memory_space<vmem>> -> memref<1024xf32, #tpu.memory_space<vmem>>
      %dma_start3A_2009 = arith.constant 0 : i32
      %dma_start3A_2010 = tpu.memref_slice %arg4[%add3A_1955, %dma_start3A_2006, %add3A, %dma_start3A_2009] : memref<200x8x32x1024xf32, #tpu.memory_space<hbm>> -> memref<1x1x1x1024xf32, #tpu.memory_space<hbm>>
      %dma_start3A_2011 = tpu.memref_squeeze %dma_start3A_2010 : memref<1x1x1x1024xf32, #tpu.memory_space<hbm>> -> memref<1024xf32, #tpu.memory_space<hbm>>
      %dma_start3A_2012 = arith.constant 0 : i32
      %dma_start3A_2013 = tpu.memref_slice %arg4[%add3A_1955, %dma_start3A_2006, %add3A, %dma_start3A_2012] : memref<200x8x32x1024xf32, #tpu.memory_space<hbm>> -> memref<1x1x1x1024xf32, #tpu.memory_space<hbm>>
      %dma_start3A_2014 = tpu.memref_squeeze %dma_start3A_2013 : memref<1x1x1x1024xf32, #tpu.memory_space<hbm>> -> memref<1024xf32, #tpu.memory_space<hbm>>
      %dma_start3A_2015 = arith.constant 1024 : i32
      %dma_start3A_2016 = tpu.memref_slice %arg10[%dma_start3A_2015] : memref<8192xf32, #tpu.memory_space<vmem>> -> memref<1024xf32, #tpu.memory_space<vmem>>
      tpu.enqueue_dma source(%dma_start3A_2016 : memref<1024xf32, #tpu.memory_space<vmem>>) target(%dma_start3A_2014 : memref<1024xf32, #tpu.memory_space<hbm>>) target_semaphore(%arg12 : memref<!tpu.dma_semaphore, #tpu.memory_space<semaphore_mem>>)
      %dma_start3A_2017 = arith.constant 2 : i32
      %dma_start3A_2018 = arith.constant 2048 : i32
      %dma_start3A_2019 = tpu.memref_slice %arg10[%dma_start3A_2018] : memref<8192xf32, #tpu.memory_space<vmem>> -> memref<1024xf32, #tpu.memory_space<vmem>>
      %dma_start3A_2020 = arith.constant 0 : i32
      %dma_start3A_2021 = tpu.memref_slice %arg4[%add3A_1955, %dma_start3A_2017, %add3A, %dma_start3A_2020] : memref<200x8x32x1024xf32, #tpu.memory_space<hbm>> -> memref<1x1x1x1024xf32, #tpu.memory_space<hbm>>
      %dma_start3A_2022 = tpu.memref_squeeze %dma_start3A_2021 : memref<1x1x1x1024xf32, #tpu.memory_space<hbm>> -> memref<1024xf32, #tpu.memory_space<hbm>>
      %dma_start3A_2023 = arith.constant 0 : i32
      %dma_start3A_2024 = tpu.memref_slice %arg4[%add3A_1955, %dma_start3A_2017, %add3A, %dma_start3A_2023] : memref<200x8x32x1024xf32, #tpu.memory_space<hbm>> -> memref<1x1x1x1024xf32, #tpu.memory_space<hbm>>
      %dma_start3A_2025 = tpu.memref_squeeze %dma_start3A_2024 : memref<1x1x1x1024xf32, #tpu.memory_space<hbm>> -> memref<1024xf32, #tpu.memory_space<hbm>>
      %dma_start3A_2026 = arith.constant 2048 : i32
      %dma_start3A_2027 = tpu.memref_slice %arg10[%dma_start3A_2026] : memref<8192xf32, #tpu.memory_space<vmem>> -> memref<1024xf32, #tpu.memory_space<vmem>>
      tpu.enqueue_dma source(%dma_start3A_2027 : memref<1024xf32, #tpu.memory_space<vmem>>) target(%dma_start3A_2025 : memref<1024xf32, #tpu.memory_space<hbm>>) target_semaphore(%arg12 : memref<!tpu.dma_semaphore, #tpu.memory_space<semaphore_mem>>)
      %dma_start3A_2028 = arith.constant 3 : i32
      %dma_start3A_2029 = arith.constant 3072 : i32
      %dma_start3A_2030 = tpu.memref_slice %arg10[%dma_start3A_2029] : memref<8192xf32, #tpu.memory_space<vmem>> -> memref<1024xf32, #tpu.memory_space<vmem>>
      %dma_start3A_2031 = arith.constant 0 : i32
      %dma_start3A_2032 = tpu.memref_slice %arg4[%add3A_1955, %dma_start3A_2028, %add3A, %dma_start3A_2031] : memref<200x8x32x1024xf32, #tpu.memory_space<hbm>> -> memref<1x1x1x1024xf32, #tpu.memory_space<hbm>>
      %dma_start3A_2033 = tpu.memref_squeeze %dma_start3A_2032 : memref<1x1x1x1024xf32, #tpu.memory_space<hbm>> -> memref<1024xf32, #tpu.memory_space<hbm>>
      %dma_start3A_2034 = arith.constant 0 : i32
      %dma_start3A_2035 = tpu.memref_slice %arg4[%add3A_1955, %dma_start3A_2028, %add3A, %dma_start3A_2034] : memref<200x8x32x1024xf32, #tpu.memory_space<hbm>> -> memref<1x1x1x1024xf32, #tpu.memory_space<hbm>>
      %dma_start3A_2036 = tpu.memref_squeeze %dma_start3A_2035 : memref<1x1x1x1024xf32, #tpu.memory_space<hbm>> -> memref<1024xf32, #tpu.memory_space<hbm>>
      %dma_start3A_2037 = arith.constant 3072 : i32
      %dma_start3A_2038 = tpu.memref_slice %arg10[%dma_start3A_2037] : memref<8192xf32, #tpu.memory_space<vmem>> -> memref<1024xf32, #tpu.memory_space<vmem>>
      tpu.enqueue_dma source(%dma_start3A_2038 : memref<1024xf32, #tpu.memory_space<vmem>>) target(%dma_start3A_2036 : memref<1024xf32, #tpu.memory_space<hbm>>) target_semaphore(%arg12 : memref<!tpu.dma_semaphore, #tpu.memory_space<semaphore_mem>>)
      %dma_start3A_2039 = arith.constant 4 : i32
      %dma_start3A_2040 = arith.constant 4096 : i32
      %dma_start3A_2041 = tpu.memref_slice %arg10[%dma_start3A_2040] : memref<8192xf32, #tpu.memory_space<vmem>> -> memref<1024xf32, #tpu.memory_space<vmem>>
      %dma_start3A_2042 = arith.constant 0 : i32
      %dma_start3A_2043 = tpu.memref_slice %arg4[%add3A_1955, %dma_start3A_2039, %add3A, %dma_start3A_2042] : memref<200x8x32x1024xf32, #tpu.memory_space<hbm>> -> memref<1x1x1x1024xf32, #tpu.memory_space<hbm>>
      %dma_start3A_2044 = tpu.memref_squeeze %dma_start3A_2043 : memref<1x1x1x1024xf32, #tpu.memory_space<hbm>> -> memref<1024xf32, #tpu.memory_space<hbm>>
      %dma_start3A_2045 = arith.constant 0 : i32
      %dma_start3A_2046 = tpu.memref_slice %arg4[%add3A_1955, %dma_start3A_2039, %add3A, %dma_start3A_2045] : memref<200x8x32x1024xf32, #tpu.memory_space<hbm>> -> memref<1x1x1x1024xf32, #tpu.memory_space<hbm>>
      %dma_start3A_2047 = tpu.memref_squeeze %dma_start3A_2046 : memref<1x1x1x1024xf32, #tpu.memory_space<hbm>> -> memref<1024xf32, #tpu.memory_space<hbm>>
      %dma_start3A_2048 = arith.constant 4096 : i32
      %dma_start3A_2049 = tpu.memref_slice %arg10[%dma_start3A_2048] : memref<8192xf32, #tpu.memory_space<vmem>> -> memref<1024xf32, #tpu.memory_space<vmem>>
      tpu.enqueue_dma source(%dma_start3A_2049 : memref<1024xf32, #tpu.memory_space<vmem>>) target(%dma_start3A_2047 : memref<1024xf32, #tpu.memory_space<hbm>>) target_semaphore(%arg12 : memref<!tpu.dma_semaphore, #tpu.memory_space<semaphore_mem>>)
      %dma_start3A_2050 = arith.constant 5 : i32
      %dma_start3A_2051 = arith.constant 5120 : i32
      %dma_start3A_2052 = tpu.memref_slice %arg10[%dma_start3A_2051] : memref<8192xf32, #tpu.memory_space<vmem>> -> memref<1024xf32, #tpu.memory_space<vmem>>
      %dma_start3A_2053 = arith.constant 0 : i32
      %dma_start3A_2054 = tpu.memref_slice %arg4[%add3A_1955, %dma_start3A_2050, %add3A, %dma_start3A_2053] : memref<200x8x32x1024xf32, #tpu.memory_space<hbm>> -> memref<1x1x1x1024xf32, #tpu.memory_space<hbm>>
      %dma_start3A_2055 = tpu.memref_squeeze %dma_start3A_2054 : memref<1x1x1x1024xf32, #tpu.memory_space<hbm>> -> memref<1024xf32, #tpu.memory_space<hbm>>
      %dma_start3A_2056 = arith.constant 0 : i32
      %dma_start3A_2057 = tpu.memref_slice %arg4[%add3A_1955, %dma_start3A_2050, %add3A, %dma_start3A_2056] : memref<200x8x32x1024xf32, #tpu.memory_space<hbm>> -> memref<1x1x1x1024xf32, #tpu.memory_space<hbm>>
      %dma_start3A_2058 = tpu.memref_squeeze %dma_start3A_2057 : memref<1x1x1x1024xf32, #tpu.memory_space<hbm>> -> memref<1024xf32, #tpu.memory_space<hbm>>
      %dma_start3A_2059 = arith.constant 5120 : i32
      %dma_start3A_2060 = tpu.memref_slice %arg10[%dma_start3A_2059] : memref<8192xf32, #tpu.memory_space<vmem>> -> memref<1024xf32, #tpu.memory_space<vmem>>
      tpu.enqueue_dma source(%dma_start3A_2060 : memref<1024xf32, #tpu.memory_space<vmem>>) target(%dma_start3A_2058 : memref<1024xf32, #tpu.memory_space<hbm>>) target_semaphore(%arg12 : memref<!tpu.dma_semaphore, #tpu.memory_space<semaphore_mem>>)
      %dma_start3A_2061 = arith.constant 6 : i32
      %dma_start3A_2062 = arith.constant 6144 : i32
      %dma_start3A_2063 = tpu.memref_slice %arg10[%dma_start3A_2062] : memref<8192xf32, #tpu.memory_space<vmem>> -> memref<1024xf32, #tpu.memory_space<vmem>>
      %dma_start3A_2064 = arith.constant 0 : i32
      %dma_start3A_2065 = tpu.memref_slice %arg4[%add3A_1955, %dma_start3A_2061, %add3A, %dma_start3A_2064] : memref<200x8x32x1024xf32, #tpu.memory_space<hbm>> -> memref<1x1x1x1024xf32, #tpu.memory_space<hbm>>
      %dma_start3A_2066 = tpu.memref_squeeze %dma_start3A_2065 : memref<1x1x1x1024xf32, #tpu.memory_space<hbm>> -> memref<1024xf32, #tpu.memory_space<hbm>>
      %dma_start3A_2067 = arith.constant 0 : i32
      %dma_start3A_2068 = tpu.memref_slice %arg4[%add3A_1955, %dma_start3A_2061, %add3A, %dma_start3A_2067] : memref<200x8x32x1024xf32, #tpu.memory_space<hbm>> -> memref<1x1x1x1024xf32, #tpu.memory_space<hbm>>
      %dma_start3A_2069 = tpu.memref_squeeze %dma_start3A_2068 : memref<1x1x1x1024xf32, #tpu.memory_space<hbm>> -> memref<1024xf32, #tpu.memory_space<hbm>>
      %dma_start3A_2070 = arith.constant 6144 : i32
      %dma_start3A_2071 = tpu.memref_slice %arg10[%dma_start3A_2070] : memref<8192xf32, #tpu.memory_space<vmem>> -> memref<1024xf32, #tpu.memory_space<vmem>>
      tpu.enqueue_dma source(%dma_start3A_2071 : memref<1024xf32, #tpu.memory_space<vmem>>) target(%dma_start3A_2069 : memref<1024xf32, #tpu.memory_space<hbm>>) target_semaphore(%arg12 : memref<!tpu.dma_semaphore, #tpu.memory_space<semaphore_mem>>)
      %dma_start3A_2072 = arith.constant 7 : i32
      %dma_start3A_2073 = arith.constant 7168 : i32
      %dma_start3A_2074 = tpu.memref_slice %arg10[%dma_start3A_2073] : memref<8192xf32, #tpu.memory_space<vmem>> -> memref<1024xf32, #tpu.memory_space<vmem>>
      %dma_start3A_2075 = arith.constant 0 : i32
      %dma_start3A_2076 = tpu.memref_slice %arg4[%add3A_1955, %dma_start3A_2072, %add3A, %dma_start3A_2075] : memref<200x8x32x1024xf32, #tpu.memory_space<hbm>> -> memref<1x1x1x1024xf32, #tpu.memory_space<hbm>>
      %dma_start3A_2077 = tpu.memref_squeeze %dma_start3A_2076 : memref<1x1x1x1024xf32, #tpu.memory_space<hbm>> -> memref<1024xf32, #tpu.memory_space<hbm>>
      %dma_start3A_2078 = arith.constant 0 : i32
      %dma_start3A_2079 = tpu.memref_slice %arg4[%add3A_1955, %dma_start3A_2072, %add3A, %dma_start3A_2078] : memref<200x8x32x1024xf32, #tpu.memory_space<hbm>> -> memref<1x1x1x1024xf32, #tpu.memory_space<hbm>>
      %dma_start3A_2080 = tpu.memref_squeeze %dma_start3A_2079 : memref<1x1x1x1024xf32, #tpu.memory_space<hbm>> -> memref<1024xf32, #tpu.memory_space<hbm>>
      %dma_start3A_2081 = arith.constant 7168 : i32
      %dma_start3A_2082 = tpu.memref_slice %arg10[%dma_start3A_2081] : memref<8192xf32, #tpu.memory_space<vmem>> -> memref<1024xf32, #tpu.memory_space<vmem>>
      tpu.enqueue_dma source(%dma_start3A_2082 : memref<1024xf32, #tpu.memory_space<vmem>>) target(%dma_start3A_2080 : memref<1024xf32, #tpu.memory_space<hbm>>) target_semaphore(%arg12 : memref<!tpu.dma_semaphore, #tpu.memory_space<semaphore_mem>>)
    }
    %scan3A_1624 = arith.constant 100 : i32
    %dma_wait3A = arith.constant 0 : i32
    %dma_wait3A_1625 = arith.constant 0 : i32
    %dma_wait3A_1626 = arith.constant 0 : i32
    %dma_wait3A_1627 = tpu.memref_slice %arg9[%dma_wait3A_1626] : memref<8192xf32, #tpu.memory_space<vmem>> -> memref<1024xf32, #tpu.memory_space<vmem>>
    %dma_wait3A_1628 = arith.constant 0 : i32
    %dma_wait3A_1629 = tpu.memref_slice %arg4[%dma_wait3A, %dma_wait3A_1625, %add3A, %dma_wait3A_1628] : memref<200x8x32x1024xf32, #tpu.memory_space<hbm>> -> memref<1x1x1x1024xf32, #tpu.memory_space<hbm>>
    %dma_wait3A_1630 = tpu.memref_squeeze %dma_wait3A_1629 : memref<1x1x1x1024xf32, #tpu.memory_space<hbm>> -> memref<1024xf32, #tpu.memory_space<hbm>>
    %dma_wait3A_1631 = arith.constant 0 : i32
    %dma_wait3A_1632 = tpu.memref_slice %arg4[%dma_wait3A, %dma_wait3A_1625, %add3A, %dma_wait3A_1631] : memref<200x8x32x1024xf32, #tpu.memory_space<hbm>> -> memref<1x1x1x1024xf32, #tpu.memory_space<hbm>>
    %dma_wait3A_1633 = tpu.memref_squeeze %dma_wait3A_1632 : memref<1x1x1x1024xf32, #tpu.memory_space<hbm>> -> memref<1024xf32, #tpu.memory_space<hbm>>
    %dma_wait3A_1634 = arith.constant 0 : i32
    %dma_wait3A_1635 = tpu.memref_slice %arg9[%dma_wait3A_1634] : memref<8192xf32, #tpu.memory_space<vmem>> -> memref<1024xf32, #tpu.memory_space<vmem>>
    tpu.wait_dma2 semaphore(%arg11 : memref<!tpu.dma_semaphore, #tpu.memory_space<semaphore_mem>>) src(%dma_wait3A_1635 : memref<1024xf32, #tpu.memory_space<vmem>>) dst(%dma_wait3A_1633 : memref<1024xf32, #tpu.memory_space<hbm>>)
    %dma_wait3A_1636 = arith.constant 0 : i32
    %dma_wait3A_1637 = arith.constant 1 : i32
    %dma_wait3A_1638 = arith.constant 1024 : i32
    %dma_wait3A_1639 = tpu.memref_slice %arg9[%dma_wait3A_1638] : memref<8192xf32, #tpu.memory_space<vmem>> -> memref<1024xf32, #tpu.memory_space<vmem>>
    %dma_wait3A_1640 = arith.constant 0 : i32
    %dma_wait3A_1641 = tpu.memref_slice %arg4[%dma_wait3A_1636, %dma_wait3A_1637, %add3A, %dma_wait3A_1640] : memref<200x8x32x1024xf32, #tpu.memory_space<hbm>> -> memref<1x1x1x1024xf32, #tpu.memory_space<hbm>>
    %dma_wait3A_1642 = tpu.memref_squeeze %dma_wait3A_1641 : memref<1x1x1x1024xf32, #tpu.memory_space<hbm>> -> memref<1024xf32, #tpu.memory_space<hbm>>
    %dma_wait3A_1643 = arith.constant 0 : i32
    %dma_wait3A_1644 = tpu.memref_slice %arg4[%dma_wait3A_1636, %dma_wait3A_1637, %add3A, %dma_wait3A_1643] : memref<200x8x32x1024xf32, #tpu.memory_space<hbm>> -> memref<1x1x1x1024xf32, #tpu.memory_space<hbm>>
    %dma_wait3A_1645 = tpu.memref_squeeze %dma_wait3A_1644 : memref<1x1x1x1024xf32, #tpu.memory_space<hbm>> -> memref<1024xf32, #tpu.memory_space<hbm>>
    %dma_wait3A_1646 = arith.constant 1024 : i32
    %dma_wait3A_1647 = tpu.memref_slice %arg9[%dma_wait3A_1646] : memref<8192xf32, #tpu.memory_space<vmem>> -> memref<1024xf32, #tpu.memory_space<vmem>>
    tpu.wait_dma2 semaphore(%arg11 : memref<!tpu.dma_semaphore, #tpu.memory_space<semaphore_mem>>) src(%dma_wait3A_1647 : memref<1024xf32, #tpu.memory_space<vmem>>) dst(%dma_wait3A_1645 : memref<1024xf32, #tpu.memory_space<hbm>>)
    %dma_wait3A_1648 = arith.constant 0 : i32
    %dma_wait3A_1649 = arith.constant 2 : i32
    %dma_wait3A_1650 = arith.constant 2048 : i32
    %dma_wait3A_1651 = tpu.memref_slice %arg9[%dma_wait3A_1650] : memref<8192xf32, #tpu.memory_space<vmem>> -> memref<1024xf32, #tpu.memory_space<vmem>>
    %dma_wait3A_1652 = arith.constant 0 : i32
    %dma_wait3A_1653 = tpu.memref_slice %arg4[%dma_wait3A_1648, %dma_wait3A_1649, %add3A, %dma_wait3A_1652] : memref<200x8x32x1024xf32, #tpu.memory_space<hbm>> -> memref<1x1x1x1024xf32, #tpu.memory_space<hbm>>
    %dma_wait3A_1654 = tpu.memref_squeeze %dma_wait3A_1653 : memref<1x1x1x1024xf32, #tpu.memory_space<hbm>> -> memref<1024xf32, #tpu.memory_space<hbm>>
    %dma_wait3A_1655 = arith.constant 0 : i32
    %dma_wait3A_1656 = tpu.memref_slice %arg4[%dma_wait3A_1648, %dma_wait3A_1649, %add3A, %dma_wait3A_1655] : memref<200x8x32x1024xf32, #tpu.memory_space<hbm>> -> memref<1x1x1x1024xf32, #tpu.memory_space<hbm>>
    %dma_wait3A_1657 = tpu.memref_squeeze %dma_wait3A_1656 : memref<1x1x1x1024xf32, #tpu.memory_space<hbm>> -> memref<1024xf32, #tpu.memory_space<hbm>>
    %dma_wait3A_1658 = arith.constant 2048 : i32
    %dma_wait3A_1659 = tpu.memref_slice %arg9[%dma_wait3A_1658] : memref<8192xf32, #tpu.memory_space<vmem>> -> memref<1024xf32, #tpu.memory_space<vmem>>
    tpu.wait_dma2 semaphore(%arg11 : memref<!tpu.dma_semaphore, #tpu.memory_space<semaphore_mem>>) src(%dma_wait3A_1659 : memref<1024xf32, #tpu.memory_space<vmem>>) dst(%dma_wait3A_1657 : memref<1024xf32, #tpu.memory_space<hbm>>)
    %dma_wait3A_1660 = arith.constant 0 : i32
    %dma_wait3A_1661 = arith.constant 3 : i32
    %dma_wait3A_1662 = arith.constant 3072 : i32
    %dma_wait3A_1663 = tpu.memref_slice %arg9[%dma_wait3A_1662] : memref<8192xf32, #tpu.memory_space<vmem>> -> memref<1024xf32, #tpu.memory_space<vmem>>
    %dma_wait3A_1664 = arith.constant 0 : i32
    %dma_wait3A_1665 = tpu.memref_slice %arg4[%dma_wait3A_1660, %dma_wait3A_1661, %add3A, %dma_wait3A_1664] : memref<200x8x32x1024xf32, #tpu.memory_space<hbm>> -> memref<1x1x1x1024xf32, #tpu.memory_space<hbm>>
    %dma_wait3A_1666 = tpu.memref_squeeze %dma_wait3A_1665 : memref<1x1x1x1024xf32, #tpu.memory_space<hbm>> -> memref<1024xf32, #tpu.memory_space<hbm>>
    %dma_wait3A_1667 = arith.constant 0 : i32
    %dma_wait3A_1668 = tpu.memref_slice %arg4[%dma_wait3A_1660, %dma_wait3A_1661, %add3A, %dma_wait3A_1667] : memref<200x8x32x1024xf32, #tpu.memory_space<hbm>> -> memref<1x1x1x1024xf32, #tpu.memory_space<hbm>>
    %dma_wait3A_1669 = tpu.memref_squeeze %dma_wait3A_1668 : memref<1x1x1x1024xf32, #tpu.memory_space<hbm>> -> memref<1024xf32, #tpu.memory_space<hbm>>
    %dma_wait3A_1670 = arith.constant 3072 : i32
    %dma_wait3A_1671 = tpu.memref_slice %arg9[%dma_wait3A_1670] : memref<8192xf32, #tpu.memory_space<vmem>> -> memref<1024xf32, #tpu.memory_space<vmem>>
    tpu.wait_dma2 semaphore(%arg11 : memref<!tpu.dma_semaphore, #tpu.memory_space<semaphore_mem>>) src(%dma_wait3A_1671 : memref<1024xf32, #tpu.memory_space<vmem>>) dst(%dma_wait3A_1669 : memref<1024xf32, #tpu.memory_space<hbm>>)
    %dma_wait3A_1672 = arith.constant 0 : i32
    %dma_wait3A_1673 = arith.constant 4 : i32
    %dma_wait3A_1674 = arith.constant 4096 : i32
    %dma_wait3A_1675 = tpu.memref_slice %arg9[%dma_wait3A_1674] : memref<8192xf32, #tpu.memory_space<vmem>> -> memref<1024xf32, #tpu.memory_space<vmem>>
    %dma_wait3A_1676 = arith.constant 0 : i32
    %dma_wait3A_1677 = tpu.memref_slice %arg4[%dma_wait3A_1672, %dma_wait3A_1673, %add3A, %dma_wait3A_1676] : memref<200x8x32x1024xf32, #tpu.memory_space<hbm>> -> memref<1x1x1x1024xf32, #tpu.memory_space<hbm>>
    %dma_wait3A_1678 = tpu.memref_squeeze %dma_wait3A_1677 : memref<1x1x1x1024xf32, #tpu.memory_space<hbm>> -> memref<1024xf32, #tpu.memory_space<hbm>>
    %dma_wait3A_1679 = arith.constant 0 : i32
    %dma_wait3A_1680 = tpu.memref_slice %arg4[%dma_wait3A_1672, %dma_wait3A_1673, %add3A, %dma_wait3A_1679] : memref<200x8x32x1024xf32, #tpu.memory_space<hbm>> -> memref<1x1x1x1024xf32, #tpu.memory_space<hbm>>
    %dma_wait3A_1681 = tpu.memref_squeeze %dma_wait3A_1680 : memref<1x1x1x1024xf32, #tpu.memory_space<hbm>> -> memref<1024xf32, #tpu.memory_space<hbm>>
    %dma_wait3A_1682 = arith.constant 4096 : i32
    %dma_wait3A_1683 = tpu.memref_slice %arg9[%dma_wait3A_1682] : memref<8192xf32, #tpu.memory_space<vmem>> -> memref<1024xf32, #tpu.memory_space<vmem>>
    tpu.wait_dma2 semaphore(%arg11 : memref<!tpu.dma_semaphore, #tpu.memory_space<semaphore_mem>>) src(%dma_wait3A_1683 : memref<1024xf32, #tpu.memory_space<vmem>>) dst(%dma_wait3A_1681 : memref<1024xf32, #tpu.memory_space<hbm>>)
    %dma_wait3A_1684 = arith.constant 0 : i32
    %dma_wait3A_1685 = arith.constant 5 : i32
    %dma_wait3A_1686 = arith.constant 5120 : i32
    %dma_wait3A_1687 = tpu.memref_slice %arg9[%dma_wait3A_1686] : memref<8192xf32, #tpu.memory_space<vmem>> -> memref<1024xf32, #tpu.memory_space<vmem>>
    %dma_wait3A_1688 = arith.constant 0 : i32
    %dma_wait3A_1689 = tpu.memref_slice %arg4[%dma_wait3A_1684, %dma_wait3A_1685, %add3A, %dma_wait3A_1688] : memref<200x8x32x1024xf32, #tpu.memory_space<hbm>> -> memref<1x1x1x1024xf32, #tpu.memory_space<hbm>>
    %dma_wait3A_1690 = tpu.memref_squeeze %dma_wait3A_1689 : memref<1x1x1x1024xf32, #tpu.memory_space<hbm>> -> memref<1024xf32, #tpu.memory_space<hbm>>
    %dma_wait3A_1691 = arith.constant 0 : i32
    %dma_wait3A_1692 = tpu.memref_slice %arg4[%dma_wait3A_1684, %dma_wait3A_1685, %add3A, %dma_wait3A_1691] : memref<200x8x32x1024xf32, #tpu.memory_space<hbm>> -> memref<1x1x1x1024xf32, #tpu.memory_space<hbm>>
    %dma_wait3A_1693 = tpu.memref_squeeze %dma_wait3A_1692 : memref<1x1x1x1024xf32, #tpu.memory_space<hbm>> -> memref<1024xf32, #tpu.memory_space<hbm>>
    %dma_wait3A_1694 = arith.constant 5120 : i32
    %dma_wait3A_1695 = tpu.memref_slice %arg9[%dma_wait3A_1694] : memref<8192xf32, #tpu.memory_space<vmem>> -> memref<1024xf32, #tpu.memory_space<vmem>>
    tpu.wait_dma2 semaphore(%arg11 : memref<!tpu.dma_semaphore, #tpu.memory_space<semaphore_mem>>) src(%dma_wait3A_1695 : memref<1024xf32, #tpu.memory_space<vmem>>) dst(%dma_wait3A_1693 : memref<1024xf32, #tpu.memory_space<hbm>>)
    %dma_wait3A_1696 = arith.constant 0 : i32
    %dma_wait3A_1697 = arith.constant 6 : i32
    %dma_wait3A_1698 = arith.constant 6144 : i32
    %dma_wait3A_1699 = tpu.memref_slice %arg9[%dma_wait3A_1698] : memref<8192xf32, #tpu.memory_space<vmem>> -> memref<1024xf32, #tpu.memory_space<vmem>>
    %dma_wait3A_1700 = arith.constant 0 : i32
    %dma_wait3A_1701 = tpu.memref_slice %arg4[%dma_wait3A_1696, %dma_wait3A_1697, %add3A, %dma_wait3A_1700] : memref<200x8x32x1024xf32, #tpu.memory_space<hbm>> -> memref<1x1x1x1024xf32, #tpu.memory_space<hbm>>
    %dma_wait3A_1702 = tpu.memref_squeeze %dma_wait3A_1701 : memref<1x1x1x1024xf32, #tpu.memory_space<hbm>> -> memref<1024xf32, #tpu.memory_space<hbm>>
    %dma_wait3A_1703 = arith.constant 0 : i32
    %dma_wait3A_1704 = tpu.memref_slice %arg4[%dma_wait3A_1696, %dma_wait3A_1697, %add3A, %dma_wait3A_1703] : memref<200x8x32x1024xf32, #tpu.memory_space<hbm>> -> memref<1x1x1x1024xf32, #tpu.memory_space<hbm>>
    %dma_wait3A_1705 = tpu.memref_squeeze %dma_wait3A_1704 : memref<1x1x1x1024xf32, #tpu.memory_space<hbm>> -> memref<1024xf32, #tpu.memory_space<hbm>>
    %dma_wait3A_1706 = arith.constant 6144 : i32
    %dma_wait3A_1707 = tpu.memref_slice %arg9[%dma_wait3A_1706] : memref<8192xf32, #tpu.memory_space<vmem>> -> memref<1024xf32, #tpu.memory_space<vmem>>
    tpu.wait_dma2 semaphore(%arg11 : memref<!tpu.dma_semaphore, #tpu.memory_space<semaphore_mem>>) src(%dma_wait3A_1707 : memref<1024xf32, #tpu.memory_space<vmem>>) dst(%dma_wait3A_1705 : memref<1024xf32, #tpu.memory_space<hbm>>)
    %dma_wait3A_1708 = arith.constant 0 : i32
    %dma_wait3A_1709 = arith.constant 7 : i32
    %dma_wait3A_1710 = arith.constant 7168 : i32
    %dma_wait3A_1711 = tpu.memref_slice %arg9[%dma_wait3A_1710] : memref<8192xf32, #tpu.memory_space<vmem>> -> memref<1024xf32, #tpu.memory_space<vmem>>
    %dma_wait3A_1712 = arith.constant 0 : i32
    %dma_wait3A_1713 = tpu.memref_slice %arg4[%dma_wait3A_1708, %dma_wait3A_1709, %add3A, %dma_wait3A_1712] : memref<200x8x32x1024xf32, #tpu.memory_space<hbm>> -> memref<1x1x1x1024xf32, #tpu.memory_space<hbm>>
    %dma_wait3A_1714 = tpu.memref_squeeze %dma_wait3A_1713 : memref<1x1x1x1024xf32, #tpu.memory_space<hbm>> -> memref<1024xf32, #tpu.memory_space<hbm>>
    %dma_wait3A_1715 = arith.constant 0 : i32
    %dma_wait3A_1716 = tpu.memref_slice %arg4[%dma_wait3A_1708, %dma_wait3A_1709, %add3A, %dma_wait3A_1715] : memref<200x8x32x1024xf32, #tpu.memory_space<hbm>> -> memref<1x1x1x1024xf32, #tpu.memory_space<hbm>>
    %dma_wait3A_1717 = tpu.memref_squeeze %dma_wait3A_1716 : memref<1x1x1x1024xf32, #tpu.memory_space<hbm>> -> memref<1024xf32, #tpu.memory_space<hbm>>
    %dma_wait3A_1718 = arith.constant 7168 : i32
    %dma_wait3A_1719 = tpu.memref_slice %arg9[%dma_wait3A_1718] : memref<8192xf32, #tpu.memory_space<vmem>> -> memref<1024xf32, #tpu.memory_space<vmem>>
    tpu.wait_dma2 semaphore(%arg11 : memref<!tpu.dma_semaphore, #tpu.memory_space<semaphore_mem>>) src(%dma_wait3A_1719 : memref<1024xf32, #tpu.memory_space<vmem>>) dst(%dma_wait3A_1717 : memref<1024xf32, #tpu.memory_space<hbm>>)
    %dma_wait3A_1720 = arith.constant 0 : i32
    %dma_wait3A_1721 = arith.constant 0 : i32
    %dma_wait3A_1722 = arith.constant 0 : i32
    %dma_wait3A_1723 = tpu.memref_slice %arg10[%dma_wait3A_1722] : memref<8192xf32, #tpu.memory_space<vmem>> -> memref<1024xf32, #tpu.memory_space<vmem>>
    %dma_wait3A_1724 = arith.constant 0 : i32
    %dma_wait3A_1725 = tpu.memref_slice %arg4[%dma_wait3A_1720, %dma_wait3A_1721, %add3A, %dma_wait3A_1724] : memref<200x8x32x1024xf32, #tpu.memory_space<hbm>> -> memref<1x1x1x1024xf32, #tpu.memory_space<hbm>>
    %dma_wait3A_1726 = tpu.memref_squeeze %dma_wait3A_1725 : memref<1x1x1x1024xf32, #tpu.memory_space<hbm>> -> memref<1024xf32, #tpu.memory_space<hbm>>
    %dma_wait3A_1727 = arith.constant 0 : i32
    %dma_wait3A_1728 = tpu.memref_slice %arg4[%dma_wait3A_1720, %dma_wait3A_1721, %add3A, %dma_wait3A_1727] : memref<200x8x32x1024xf32, #tpu.memory_space<hbm>> -> memref<1x1x1x1024xf32, #tpu.memory_space<hbm>>
    %dma_wait3A_1729 = tpu.memref_squeeze %dma_wait3A_1728 : memref<1x1x1x1024xf32, #tpu.memory_space<hbm>> -> memref<1024xf32, #tpu.memory_space<hbm>>
    %dma_wait3A_1730 = arith.constant 0 : i32
    %dma_wait3A_1731 = tpu.memref_slice %arg10[%dma_wait3A_1730] : memref<8192xf32, #tpu.memory_space<vmem>> -> memref<1024xf32, #tpu.memory_space<vmem>>
    tpu.wait_dma2 semaphore(%arg12 : memref<!tpu.dma_semaphore, #tpu.memory_space<semaphore_mem>>) src(%dma_wait3A_1731 : memref<1024xf32, #tpu.memory_space<vmem>>) dst(%dma_wait3A_1729 : memref<1024xf32, #tpu.memory_space<hbm>>)
    %dma_wait3A_1732 = arith.constant 0 : i32
    %dma_wait3A_1733 = arith.constant 1 : i32
    %dma_wait3A_1734 = arith.constant 1024 : i32
    %dma_wait3A_1735 = tpu.memref_slice %arg10[%dma_wait3A_1734] : memref<8192xf32, #tpu.memory_space<vmem>> -> memref<1024xf32, #tpu.memory_space<vmem>>
    %dma_wait3A_1736 = arith.constant 0 : i32
    %dma_wait3A_1737 = tpu.memref_slice %arg4[%dma_wait3A_1732, %dma_wait3A_1733, %add3A, %dma_wait3A_1736] : memref<200x8x32x1024xf32, #tpu.memory_space<hbm>> -> memref<1x1x1x1024xf32, #tpu.memory_space<hbm>>
    %dma_wait3A_1738 = tpu.memref_squeeze %dma_wait3A_1737 : memref<1x1x1x1024xf32, #tpu.memory_space<hbm>> -> memref<1024xf32, #tpu.memory_space<hbm>>
    %dma_wait3A_1739 = arith.constant 0 : i32
    %dma_wait3A_1740 = tpu.memref_slice %arg4[%dma_wait3A_1732, %dma_wait3A_1733, %add3A, %dma_wait3A_1739] : memref<200x8x32x1024xf32, #tpu.memory_space<hbm>> -> memref<1x1x1x1024xf32, #tpu.memory_space<hbm>>
    %dma_wait3A_1741 = tpu.memref_squeeze %dma_wait3A_1740 : memref<1x1x1x1024xf32, #tpu.memory_space<hbm>> -> memref<1024xf32, #tpu.memory_space<hbm>>
    %dma_wait3A_1742 = arith.constant 1024 : i32
    %dma_wait3A_1743 = tpu.memref_slice %arg10[%dma_wait3A_1742] : memref<8192xf32, #tpu.memory_space<vmem>> -> memref<1024xf32, #tpu.memory_space<vmem>>
    tpu.wait_dma2 semaphore(%arg12 : memref<!tpu.dma_semaphore, #tpu.memory_space<semaphore_mem>>) src(%dma_wait3A_1743 : memref<1024xf32, #tpu.memory_space<vmem>>) dst(%dma_wait3A_1741 : memref<1024xf32, #tpu.memory_space<hbm>>)
    %dma_wait3A_1744 = arith.constant 0 : i32
    %dma_wait3A_1745 = arith.constant 2 : i32
    %dma_wait3A_1746 = arith.constant 2048 : i32
    %dma_wait3A_1747 = tpu.memref_slice %arg10[%dma_wait3A_1746] : memref<8192xf32, #tpu.memory_space<vmem>> -> memref<1024xf32, #tpu.memory_space<vmem>>
    %dma_wait3A_1748 = arith.constant 0 : i32
    %dma_wait3A_1749 = tpu.memref_slice %arg4[%dma_wait3A_1744, %dma_wait3A_1745, %add3A, %dma_wait3A_1748] : memref<200x8x32x1024xf32, #tpu.memory_space<hbm>> -> memref<1x1x1x1024xf32, #tpu.memory_space<hbm>>
    %dma_wait3A_1750 = tpu.memref_squeeze %dma_wait3A_1749 : memref<1x1x1x1024xf32, #tpu.memory_space<hbm>> -> memref<1024xf32, #tpu.memory_space<hbm>>
    %dma_wait3A_1751 = arith.constant 0 : i32
    %dma_wait3A_1752 = tpu.memref_slice %arg4[%dma_wait3A_1744, %dma_wait3A_1745, %add3A, %dma_wait3A_1751] : memref<200x8x32x1024xf32, #tpu.memory_space<hbm>> -> memref<1x1x1x1024xf32, #tpu.memory_space<hbm>>
    %dma_wait3A_1753 = tpu.memref_squeeze %dma_wait3A_1752 : memref<1x1x1x1024xf32, #tpu.memory_space<hbm>> -> memref<1024xf32, #tpu.memory_space<hbm>>
    %dma_wait3A_1754 = arith.constant 2048 : i32
    %dma_wait3A_1755 = tpu.memref_slice %arg10[%dma_wait3A_1754] : memref<8192xf32, #tpu.memory_space<vmem>> -> memref<1024xf32, #tpu.memory_space<vmem>>
    tpu.wait_dma2 semaphore(%arg12 : memref<!tpu.dma_semaphore, #tpu.memory_space<semaphore_mem>>) src(%dma_wait3A_1755 : memref<1024xf32, #tpu.memory_space<vmem>>) dst(%dma_wait3A_1753 : memref<1024xf32, #tpu.memory_space<hbm>>)
    %dma_wait3A_1756 = arith.constant 0 : i32
    %dma_wait3A_1757 = arith.constant 3 : i32
    %dma_wait3A_1758 = arith.constant 3072 : i32
    %dma_wait3A_1759 = tpu.memref_slice %arg10[%dma_wait3A_1758] : memref<8192xf32, #tpu.memory_space<vmem>> -> memref<1024xf32, #tpu.memory_space<vmem>>
    %dma_wait3A_1760 = arith.constant 0 : i32
    %dma_wait3A_1761 = tpu.memref_slice %arg4[%dma_wait3A_1756, %dma_wait3A_1757, %add3A, %dma_wait3A_1760] : memref<200x8x32x1024xf32, #tpu.memory_space<hbm>> -> memref<1x1x1x1024xf32, #tpu.memory_space<hbm>>
    %dma_wait3A_1762 = tpu.memref_squeeze %dma_wait3A_1761 : memref<1x1x1x1024xf32, #tpu.memory_space<hbm>> -> memref<1024xf32, #tpu.memory_space<hbm>>
    %dma_wait3A_1763 = arith.constant 0 : i32
    %dma_wait3A_1764 = tpu.memref_slice %arg4[%dma_wait3A_1756, %dma_wait3A_1757, %add3A, %dma_wait3A_1763] : memref<200x8x32x1024xf32, #tpu.memory_space<hbm>> -> memref<1x1x1x1024xf32, #tpu.memory_space<hbm>>
    %dma_wait3A_1765 = tpu.memref_squeeze %dma_wait3A_1764 : memref<1x1x1x1024xf32, #tpu.memory_space<hbm>> -> memref<1024xf32, #tpu.memory_space<hbm>>
    %dma_wait3A_1766 = arith.constant 3072 : i32
    %dma_wait3A_1767 = tpu.memref_slice %arg10[%dma_wait3A_1766] : memref<8192xf32, #tpu.memory_space<vmem>> -> memref<1024xf32, #tpu.memory_space<vmem>>
    tpu.wait_dma2 semaphore(%arg12 : memref<!tpu.dma_semaphore, #tpu.memory_space<semaphore_mem>>) src(%dma_wait3A_1767 : memref<1024xf32, #tpu.memory_space<vmem>>) dst(%dma_wait3A_1765 : memref<1024xf32, #tpu.memory_space<hbm>>)
    %dma_wait3A_1768 = arith.constant 0 : i32
    %dma_wait3A_1769 = arith.constant 4 : i32
    %dma_wait3A_1770 = arith.constant 4096 : i32
    %dma_wait3A_1771 = tpu.memref_slice %arg10[%dma_wait3A_1770] : memref<8192xf32, #tpu.memory_space<vmem>> -> memref<1024xf32, #tpu.memory_space<vmem>>
    %dma_wait3A_1772 = arith.constant 0 : i32
    %dma_wait3A_1773 = tpu.memref_slice %arg4[%dma_wait3A_1768, %dma_wait3A_1769, %add3A, %dma_wait3A_1772] : memref<200x8x32x1024xf32, #tpu.memory_space<hbm>> -> memref<1x1x1x1024xf32, #tpu.memory_space<hbm>>
    %dma_wait3A_1774 = tpu.memref_squeeze %dma_wait3A_1773 : memref<1x1x1x1024xf32, #tpu.memory_space<hbm>> -> memref<1024xf32, #tpu.memory_space<hbm>>
    %dma_wait3A_1775 = arith.constant 0 : i32
    %dma_wait3A_1776 = tpu.memref_slice %arg4[%dma_wait3A_1768, %dma_wait3A_1769, %add3A, %dma_wait3A_1775] : memref<200x8x32x1024xf32, #tpu.memory_space<hbm>> -> memref<1x1x1x1024xf32, #tpu.memory_space<hbm>>
    %dma_wait3A_1777 = tpu.memref_squeeze %dma_wait3A_1776 : memref<1x1x1x1024xf32, #tpu.memory_space<hbm>> -> memref<1024xf32, #tpu.memory_space<hbm>>
    %dma_wait3A_1778 = arith.constant 4096 : i32
    %dma_wait3A_1779 = tpu.memref_slice %arg10[%dma_wait3A_1778] : memref<8192xf32, #tpu.memory_space<vmem>> -> memref<1024xf32, #tpu.memory_space<vmem>>
    tpu.wait_dma2 semaphore(%arg12 : memref<!tpu.dma_semaphore, #tpu.memory_space<semaphore_mem>>) src(%dma_wait3A_1779 : memref<1024xf32, #tpu.memory_space<vmem>>) dst(%dma_wait3A_1777 : memref<1024xf32, #tpu.memory_space<hbm>>)
    %dma_wait3A_1780 = arith.constant 0 : i32
    %dma_wait3A_1781 = arith.constant 5 : i32
    %dma_wait3A_1782 = arith.constant 5120 : i32
    %dma_wait3A_1783 = tpu.memref_slice %arg10[%dma_wait3A_1782] : memref<8192xf32, #tpu.memory_space<vmem>> -> memref<1024xf32, #tpu.memory_space<vmem>>
    %dma_wait3A_1784 = arith.constant 0 : i32
    %dma_wait3A_1785 = tpu.memref_slice %arg4[%dma_wait3A_1780, %dma_wait3A_1781, %add3A, %dma_wait3A_1784] : memref<200x8x32x1024xf32, #tpu.memory_space<hbm>> -> memref<1x1x1x1024xf32, #tpu.memory_space<hbm>>
    %dma_wait3A_1786 = tpu.memref_squeeze %dma_wait3A_1785 : memref<1x1x1x1024xf32, #tpu.memory_space<hbm>> -> memref<1024xf32, #tpu.memory_space<hbm>>
    %dma_wait3A_1787 = arith.constant 0 : i32
    %dma_wait3A_1788 = tpu.memref_slice %arg4[%dma_wait3A_1780, %dma_wait3A_1781, %add3A, %dma_wait3A_1787] : memref<200x8x32x1024xf32, #tpu.memory_space<hbm>> -> memref<1x1x1x1024xf32, #tpu.memory_space<hbm>>
    %dma_wait3A_1789 = tpu.memref_squeeze %dma_wait3A_1788 : memref<1x1x1x1024xf32, #tpu.memory_space<hbm>> -> memref<1024xf32, #tpu.memory_space<hbm>>
    %dma_wait3A_1790 = arith.constant 5120 : i32
    %dma_wait3A_1791 = tpu.memref_slice %arg10[%dma_wait3A_1790] : memref<8192xf32, #tpu.memory_space<vmem>> -> memref<1024xf32, #tpu.memory_space<vmem>>
    tpu.wait_dma2 semaphore(%arg12 : memref<!tpu.dma_semaphore, #tpu.memory_space<semaphore_mem>>) src(%dma_wait3A_1791 : memref<1024xf32, #tpu.memory_space<vmem>>) dst(%dma_wait3A_1789 : memref<1024xf32, #tpu.memory_space<hbm>>)
    %dma_wait3A_1792 = arith.constant 0 : i32
    %dma_wait3A_1793 = arith.constant 6 : i32
    %dma_wait3A_1794 = arith.constant 6144 : i32
    %dma_wait3A_1795 = tpu.memref_slice %arg10[%dma_wait3A_1794] : memref<8192xf32, #tpu.memory_space<vmem>> -> memref<1024xf32, #tpu.memory_space<vmem>>
    %dma_wait3A_1796 = arith.constant 0 : i32
    %dma_wait3A_1797 = tpu.memref_slice %arg4[%dma_wait3A_1792, %dma_wait3A_1793, %add3A, %dma_wait3A_1796] : memref<200x8x32x1024xf32, #tpu.memory_space<hbm>> -> memref<1x1x1x1024xf32, #tpu.memory_space<hbm>>
    %dma_wait3A_1798 = tpu.memref_squeeze %dma_wait3A_1797 : memref<1x1x1x1024xf32, #tpu.memory_space<hbm>> -> memref<1024xf32, #tpu.memory_space<hbm>>
    %dma_wait3A_1799 = arith.constant 0 : i32
    %dma_wait3A_1800 = tpu.memref_slice %arg4[%dma_wait3A_1792, %dma_wait3A_1793, %add3A, %dma_wait3A_1799] : memref<200x8x32x1024xf32, #tpu.memory_space<hbm>> -> memref<1x1x1x1024xf32, #tpu.memory_space<hbm>>
    %dma_wait3A_1801 = tpu.memref_squeeze %dma_wait3A_1800 : memref<1x1x1x1024xf32, #tpu.memory_space<hbm>> -> memref<1024xf32, #tpu.memory_space<hbm>>
    %dma_wait3A_1802 = arith.constant 6144 : i32
    %dma_wait3A_1803 = tpu.memref_slice %arg10[%dma_wait3A_1802] : memref<8192xf32, #tpu.memory_space<vmem>> -> memref<1024xf32, #tpu.memory_space<vmem>>
    tpu.wait_dma2 semaphore(%arg12 : memref<!tpu.dma_semaphore, #tpu.memory_space<semaphore_mem>>) src(%dma_wait3A_1803 : memref<1024xf32, #tpu.memory_space<vmem>>) dst(%dma_wait3A_1801 : memref<1024xf32, #tpu.memory_space<hbm>>)
    %dma_wait3A_1804 = arith.constant 0 : i32
    %dma_wait3A_1805 = arith.constant 7 : i32
    %dma_wait3A_1806 = arith.constant 7168 : i32
    %dma_wait3A_1807 = tpu.memref_slice %arg10[%dma_wait3A_1806] : memref<8192xf32, #tpu.memory_space<vmem>> -> memref<1024xf32, #tpu.memory_space<vmem>>
    %dma_wait3A_1808 = arith.constant 0 : i32
    %dma_wait3A_1809 = tpu.memref_slice %arg4[%dma_wait3A_1804, %dma_wait3A_1805, %add3A, %dma_wait3A_1808] : memref<200x8x32x1024xf32, #tpu.memory_space<hbm>> -> memref<1x1x1x1024xf32, #tpu.memory_space<hbm>>
    %dma_wait3A_1810 = tpu.memref_squeeze %dma_wait3A_1809 : memref<1x1x1x1024xf32, #tpu.memory_space<hbm>> -> memref<1024xf32, #tpu.memory_space<hbm>>
    %dma_wait3A_1811 = arith.constant 0 : i32
    %dma_wait3A_1812 = tpu.memref_slice %arg4[%dma_wait3A_1804, %dma_wait3A_1805, %add3A, %dma_wait3A_1811] : memref<200x8x32x1024xf32, #tpu.memory_space<hbm>> -> memref<1x1x1x1024xf32, #tpu.memory_space<hbm>>
    %dma_wait3A_1813 = tpu.memref_squeeze %dma_wait3A_1812 : memref<1x1x1x1024xf32, #tpu.memory_space<hbm>> -> memref<1024xf32, #tpu.memory_space<hbm>>
    %dma_wait3A_1814 = arith.constant 7168 : i32
    %dma_wait3A_1815 = tpu.memref_slice %arg10[%dma_wait3A_1814] : memref<8192xf32, #tpu.memory_space<vmem>> -> memref<1024xf32, #tpu.memory_space<vmem>>
    tpu.wait_dma2 semaphore(%arg12 : memref<!tpu.dma_semaphore, #tpu.memory_space<semaphore_mem>>) src(%dma_wait3A_1815 : memref<1024xf32, #tpu.memory_space<vmem>>) dst(%dma_wait3A_1813 : memref<1024xf32, #tpu.memory_space<hbm>>)
    return
  }
}

</mosaic_0001>

<sc_bundles>
// kernel: kernel.3.cloned.1.call-start
scs
__scs_entry_jumppad:
0x0: {  	(pc) =	sbr.rel $0x88, $3  }
0x1: {  	(tag) =	ssettag $0x0;
	lr =	simm.s32 $0x1  }
0x2: {  	[smem:$0x3F9F] =	sst lr;
	_ =	strace $0xD0000000  }
0x3: {  	_ = 	snop  }
0x4: {  	_ = 	snop  }
0x5: {  	_ = 	snop  }
0x6: {  	_ = 	snop  }
0x7: {  	_ = 	snop  }
__scs_overlays_trampoline_lowered:
0x8: {  	[smem:$0x3FAE] =	sst s0  }
0x9: {  	[smem:$0x3FAF] =	sst s1  }
0xa: {  	[smem:$0x3FB0] =	sst s2  }
0xb: {  	[smem:$0x3FB1] =	sst s3  }
0xc: {  	[smem:$0x3FB2] =	sst s4  }
0xd: {  	[smem:$0x3FB3] =	sst s5  }
0xe: {  	[smem:$0x3FB4] =	sst s6  }
0xf: {  	[smem:$0x3FB5] =	sst s7  }
0x10: {  	[smem:$0x3FB6] =	sst s8  }
0x11: {  	[smem:$0x3FB7] =	sst s9;
	s0 =	simm.s32 @!p0 $0x0  }
0x12: {  	s1 =	sld [smem:$0x3F9D];
	s0 =	simm.s32 @p0 $0x1  }
0x13: {  	[smem:$0x3FB8] =	sst s0;
	s0 =	simm.s32 @!p1 $0x0  }
0x14: {  	s2 =	sld [smem:$0x3F9C];
	s0 =	simm.s32 @p1 $0x1  }
0x15: {  	[smem:$0x3FB9] =	sst s0;
	s0 =	simm.s32 @!p2 $0x0  }
0x16: {  	s3 =	sld [smem:$0x3FDB];
	s0 =	simm.s32 @p2 $0x1  }
0x17: {  	s4 =	simm.s32 $0x1BF5;
	[smem:$0x3FBB] =	sst s0  }
0x18: {  	s0 =	sld [smem:$0x3F9E];
	_ =	swait.ge [sflag:s4], $0x0  }
0x19: {  	s7 =	sld [smem:$0x3F9F]  }
0x1a: {  	s8 =	sadd.s32 $0xFFFFE003, lr  }
0x1b: {  	s9 =	sadd.s32 $0xFFFFFEF7, lr;
	s5 =	simm.s32 $0xFFFFFFFF;
	p2 =	slt.u32 s8, $0xFFFFF086  }
0x1c: {  	p1 =	slt.u32 s9, $0xF7A;
	s5 =	simm.s32 @!p2 $0x0  }
0x1d: {  	s5 =	simm.s32 @p1 $0x1;
	p0 =	seq.s32 s7, s2  }
0x1e: {  	s7 =	smul.u32 @!p0 $0xF7A, s2;
	p2 =	seq.s32 @!p0 s5, $0x0  }
0x1f: {  	s9 =	smul.u32 $0xF7A, s1;
	s8 =	simm.s32 @!p0 $0x1BF5;
	p2 =	por !p2, p0  }
0x20: {  	[sflag:s8] =	ssyncset.s32 @!p0 $0xFFFFF086;
	s6 =	sadd.s32 @!p0 s3, s7;
	s7 =	simm.s32 @!p0 $0x108  }
0x21: {  	s3 =	sadd.s32 s3, s9;
	s6 =	sadd.s32 @!p0 $0x88, s6;
	s7 =	simm.s32 @p2 $0x1082  }
0x22: {  	[simem:s7], [sflag:s8] =	dma.local @!p0 [hbm:s6], $0xF7A  }
0x23: {  	s9 =	sor.u32 $0xD0000000, s2;
	s6 =	simm.s32 $0x108;
	_ =	swait.ge @!p0 [sflag:s8], $0x0  }
0x24: {  	s3 =	sadd.s32 $0x88, s3;
	s6 =	simm.s32 @!p1 $0x1082;
	[sflag:s4] =	ssyncset.s32 $0xFFFFF086  }
0x25: {  	[simem:s6], [sflag:s4] =	dma.local [hbm:s3], $0xF7A  }
0x26: {  	[smem:$0x3F9F] =	sst s1;
	(tag) =	ssettag s2;
	_ =	strace s9  }
0x27: {  	s1 =	sld [smem:$0x3FAF]  }
0x28: {  	s2 =	sld [smem:$0x3FB0]  }
0x29: {  	s4 =	sld [smem:$0x3FB2]  }
0x2a: {  	p0 =	seq.s32 s5, $0x0;
	s5 =	sld [smem:$0x3FB3]  }
0x2b: {  	s6 =	sld [smem:$0x3FB4]  }
0x2c: {  	s7 =	sld [smem:$0x3FB5]  }
0x2d: {  	s3 =	simm.s32 $0x108;
	s8 =	sld [smem:$0x3FB6]  }
0x2e: {  	s3 =	simm.s32 @!p0 $0x1082;
	s9 =	sld [smem:$0x3FB7]  }
0x2f: {  	lr =	sadd.s32 s0, s3;
	s0 =	sld [smem:$0x3FAE]  }
0x30: {  	s3 =	sld [smem:$0x3FB1]  }
0x31: {  	[smem:$0x3FBA] =	sst s10  }
0x32: {  	s10 =	sld [smem:$0x3FB8];
	_ =	sdelay $0x3  }
0x33: {  	p0 =	seq.s32 s10, $0x1;
	s10 =	sld [smem:$0x3FBA];
	_ =	sdelay $0x3  }
0x34: {  	[smem:$0x3FBA] =	sst s10  }
0x35: {  	s10 =	sld [smem:$0x3FB9];
	_ =	sdelay $0x3  }
0x36: {  	p1 =	seq.s32 s10, $0x1;
	s10 =	sld [smem:$0x3FBA];
	_ =	sdelay $0x3  }
0x37: {  	[smem:$0x3FBA] =	sst s10  }
0x38: {  	s10 =	sld [smem:$0x3FBB]  }
0x39: {  	_ = 	snop;
	(pc) =	sbr.ind lr, $3  }
0x3a: {  	_ = 	snop  }
0x3b: {  	_ = 	snop  }
0x3c: {  	p2 =	seq.s32 s10, $0x1;
	s10 =	sld [smem:$0x3FBA]  }
0x3d: {  	_ =	shalt  }
0x3e: {  	_ =	shalt  }
0x3f: {  	_ =	shalt  }
0x40: {  	_ =	shalt  }
0x41: {  	_ =	shalt  }
0x42: {  	_ =	shalt  }
0x43: {  	_ =	shalt  }
0x44: {  	_ =	shalt  }
0x45: {  	_ =	shalt  }
0x46: {  	_ =	shalt  }
0x47: {  	_ =	shalt  }
0x48: {  	_ =	shalt  }
0x49: {  	_ =	shalt  }
0x4a: {  	_ =	shalt  }
0x4b: {  	_ =	shalt  }
0x4c: {  	_ =	shalt  }
0x4d: {  	_ =	shalt  }
0x4e: {  	_ =	shalt  }
0x4f: {  	_ =	shalt  }
0x50: {  	_ =	shalt  }
0x51: {  	_ =	shalt  }
0x52: {  	_ =	shalt  }
0x53: {  	_ =	shalt  }
0x54: {  	_ =	shalt  }
0x55: {  	_ =	shalt  }
0x56: {  	_ =	shalt  }
0x57: {  	_ =	shalt  }
0x58: {  	_ =	shalt  }
0x59: {  	_ =	shalt  }
0x5a: {  	_ =	shalt  }
0x5b: {  	_ =	shalt  }
0x5c: {  	_ =	shalt  }
0x5d: {  	_ =	shalt  }
0x5e: {  	_ =	shalt  }
0x5f: {  	_ =	shalt  }
0x60: {  	_ =	shalt  }
0x61: {  	_ =	shalt  }
0x62: {  	_ =	shalt  }
0x63: {  	_ =	shalt  }
0x64: {  	_ =	shalt  }
0x65: {  	_ =	shalt  }
0x66: {  	_ =	shalt  }
0x67: {  	_ =	shalt  }
0x68: {  	_ =	shalt  }
0x69: {  	_ =	shalt  }
0x6a: {  	_ =	shalt  }
0x6b: {  	_ =	shalt  }
0x6c: {  	_ =	shalt  }
0x6d: {  	_ =	shalt  }
0x6e: {  	_ =	shalt  }
0x6f: {  	_ =	shalt  }
0x70: {  	_ =	shalt  }
0x71: {  	_ =	shalt  }
0x72: {  	_ =	shalt  }
0x73: {  	_ =	shalt  }
0x74: {  	_ =	shalt  }
0x75: {  	_ =	shalt  }
0x76: {  	_ =	shalt  }
0x77: {  	_ =	shalt  }
0x78: {  	_ =	shalt  }
0x79: {  	_ =	shalt  }
0x7a: {  	_ =	shalt  }
0x7b: {  	_ =	shalt  }
0x7c: {  	_ =	shalt  }
0x7d: {  	_ =	shalt  }
0x7e: {  	_ =	shalt  }
0x7f: {  	_ =	shalt  }
0x80: {  	_ =	shalt  }
0x81: {  	_ =	shalt  }
0x82: {  	_ =	shalt  }
0x83: {  	_ =	shalt  }
0x84: {  	_ =	shalt  }
0x85: {  	_ =	shalt  }
0x86: {  	_ =	shalt  }
0x87: {  	_ =	shalt  }
.Lfunc_end0:
.L_simem_size_0:
called_computation_lowered:
.L_overlay_start_0:
0x88: {  	s2 =	sld [smem:$0x3FD9]  }
0x89: {  	s3 =	sld [smem:$0x3FFE];
	_ =	sdelay $0x1  }
0x8a: {  	s1 =	srdreg.scid  }
0x8b: {  	s0 =	sand.u32 $0x1, s1  }
0x8c: {  	s17 =	sshll.u32 s0, $0xA;
	s2 =	sadd.s32 s3, s2  }
0x8d: {  	s2 =	sadd.s32 s2, s17  }
0x8e: {  	[smem:$0x3FC6] =	sst s2  }
0x8f: {  	_ = 	snop  }
0x90: {  	s2 =	sld [smem:$0x3FD0];
	(tm) =	ssettm $0x1  }
0x91: {  	s18 =	sld [smem:$0x3FFB];
	_ =	sdelay $0x3  }
0x92: {  	_ =	strace s18  }
0x93: {  	s3 =	sld [smem:$0x3FFC];
	_ =	sdelay $0x3  }
0x94: {  	_ =	strace s3  }
0x95: {  	s3 =	sld [smem:$0x3FFD];
	_ =	sdelay $0x3  }
0x96: {  	_ =	strace s3  }
0x97: {  	_ =	strace $0x8FFFFFFF  }
0x98: {  	s19 =	sld [smem:$0x3FDB];
	_ =	sdelay $0x1  }
0x99: {  	s4 =	simm.s32 $_scs_section_size  }
0x9a: {  	s5 =	simm.s32 $_size__tile_overlayer_lowered;
	s6 =	simm.s32 $_tile_overlayer_lowered  }
0x9b: {  	s22 =	simm.s32 $0x1BFF;
	s21 =	sshll.u32 s6, $0x1;
	s3 =	sadd.s32 s4, s19  }
0x9c: {  	s7 =	simm.s32 $0x0;
	s20 =	sshll.u32 s5, $0x1;
	s5 =	sadd.s32 s21, s3  }
0x9d: {  	[timem:s7], [sflag:s22] =	dma.local [hbm:s5], s20  }
0x9e: {  	_ =	swait.ge [sflag:s22], s20  }
0x9f: {  	s4 =	ssub.s32 $0x0, s20;
	[sflag:s22] =	ssyncset.done $0x0  }
0xa0: {  	[sflag:s22] =	ssyncadd.s32 s4;
	_ =	sdelay $0x1  }
0xa1: {  	s23 =	simm.s32 $0x1B8B  }
0xa2: {  	_ =	swait.ge [sflag:s23], $0x1  }
0xa3: {  	[sflag:s23] =	ssyncset.done $0x0  }
0xa4: {  	s25 =	simm.s32 $0x1B8E;
	s24 =	sld [smem:$0x3FFE];
	[sflag:s23] =	ssyncadd.s32 $0xFFFFFFFF  }
0xa5: {  	s26 =	simm.s32 $execute0_lowered;
	[smem:$0x3FD2] =	sst s25  }
0xa6: {  	s5 =	sshll.u32 s26, $0x1;
	_ =	strace $0x80000046;
	[dreg:$0x1] =	wrdreg $0xFFFFFFFF  }
0xa7: {  	s28 =	simm.s32 $_size_execute0_lowered;
	s3 =	sadd.s32 s3, s5;
	[dreg:$0x0] =	wrdreg $0x0  }
0xa8: {  	s5 =	sshll.u32 s28, $0x1;
	[dreg:$0x2] =	wrdreg s3  }
0xa9: {  	[dreg:$0x3] =	wrdreg s5  }
0xaa: {  	[dreg:$0x4] =	wrdreg $0xC0  }
0xab: {  	_ =	task [dreg:s7], $0x5FFFF  }
0xac: {  	[dreg:$0x1] =	wrdreg $0xFFFFFFFF  }
0xad: {  	[dreg:$0x0] =	wrdreg $0x60  }
0xae: {  	[dreg:$0x2] =	wrdreg s24  }
0xaf: {  	[dreg:$0x3] =	wrdreg s2  }
0xb0: {  	[dreg:$0x4] =	wrdreg $0x9  }
0xb1: {  	_ =	task.clear_ibuf [dreg:s7], $0x5FFFF;
	_ =	strace $0x90000046  }
0xb2: {  	s29 =	simm.s32 $0x9;
	_ =	strace $0x80000048  }
0xb3: {  	_ =	swait.ge [sflag:s29], $0x1  }
0xb4: {  	[sflag:s29] =	ssyncadd.s32 $0xFFFFFFFF  }
0xb5: {  	_ =	strace $0x90000048  }
0xb6: {  	_ =	sfence  }
0xb7: {  	s30 =	sld [smem:$0x0];
	_ =	sdelay $0x2  }
0xb8: {  	s31 =	sshll.u32 s1, $0xD;
	s1 =	sshrl.u32 s1, $0x2  }
0xb9: {  	s3 =	sand.u32 $0x4000, s31;
	s1 =	sadd.s32 s1, s30  }
0xba: {  	s0 =	sor.u32 s3, s0;
	s1 =	sshll.u32 s1, $0x11  }
0xbb: {  	s0 =	sor.u32 s1, s0  }
0xbc: {  	s0 =	sadd.s32 $0x8F2B, s0  }
0xbd: {  	[sflag:s0] =	ssyncadd.remote.s32 $0x1  }
0xbe: {  	_ =	sfence.sel $0xFFFF  }
0xbf: {  	[dreg:$0x0] =	wrdreg $0xFFFFFFFF;
	(pc) =	sbr.abs _section_cstart, $3  }
0xc0: {  	[dreg:$0x1] =	wrdreg $0xFFFFFFFF  }
0xc1: {  	_ =	task.clear_ibuf [dreg:s7], $0x2FFFF;
	_ =	strace $0x9FFFFFFF  }
0xc2: {  	(tm) =	ssettm $0x7FFFFFFF  }
0xc3: {  	_ =	shalt  }
tec
execute0_lowered:
.L_overlay_start_1:
0x0: {  	(tag) =	ssettag $0x1  }
0x1: {  	v2 =	vimm.s32 $0xC40;
	vm0 =	vcmask $0x300  }
0x2: {  	v53 =	vimm.s32 $0xC41;
	v1 =	vsel vm0, $0xC00, v2  }
0x3: {  	v3 =	vimm.s32 $0xC42;
	v54 =	vsel vm0, $0xC01, v53;
	[tilespmem:$0x1F800] =	vst v1  }
0x4: {  	v4 =	vimm.s32 $0xC43;
	v55 =	vsel vm0, $0xC02, v3;
	[tilespmem:$0x1F810] =	vst v54  }
0x5: {  	v57 =	vimm.s32 $0xC44;
	v56 =	vsel vm0, $0xC03, v4;
	[tilespmem:$0x1F820] =	vst v55  }
0x6: {  	v58 =	vimm.s32 $0xC45;
	v60 =	vsel vm0, $0xC04, v57;
	[tilespmem:$0x1F830] =	vst v56  }
0x7: {  	v59 =	vimm.s32 $0xC46;
	v61 =	vsel vm0, $0xC05, v58;
	[tilespmem:$0x1F840] =	vst v60  }
0x8: {  	v63 =	vimm.s32 $0xC47;
	v62 =	vsel vm0, $0xC06, v59;
	[tilespmem:$0x1F850] =	vst v61  }
0x9: {  	v8 =	vimm.s32 $0xC48;
	v10 =	vsel vm0, $0xC07, v63;
	[tilespmem:$0x1F860] =	vst v62  }
0xa: {  	v9 =	vimm.s32 $0xC49;
	v11 =	vsel vm0, $0xC08, v8;
	[tilespmem:$0x1F870] =	vst v10  }
0xb: {  	v13 =	vimm.s32 $0xC4A;
	v12 =	vsel vm0, $0xC09, v9;
	[tilespmem:$0x1F880] =	vst v11  }
0xc: {  	v14 =	vimm.s32 $0xC4B;
	v16 =	vsel vm0, $0xC0A, v13;
	[tilespmem:$0x1F890] =	vst v12  }
0xd: {  	v15 =	vimm.s32 $0xC4C;
	v17 =	vsel vm0, $0xC0B, v14;
	[tilespmem:$0x1F8A0] =	vst v16  }
0xe: {  	v19 =	vimm.s32 $0xC4D;
	v18 =	vsel vm0, $0xC0C, v15;
	[tilespmem:$0x1F8B0] =	vst v17  }
0xf: {  	v20 =	vimm.s32 $0xC4E;
	v22 =	vsel vm0, $0xC0D, v19;
	[tilespmem:$0x1F8C0] =	vst v18  }
0x10: {  	v21 =	vimm.s32 $0xC4F;
	v23 =	vsel vm0, $0xC0E, v20;
	[tilespmem:$0x1F8D0] =	vst v22  }
0x11: {  	v25 =	vimm.s32 $0xC50;
	v24 =	vsel vm0, $0xC0F, v21;
	[tilespmem:$0x1F8E0] =	vst v23  }
0x12: {  	v26 =	vimm.s32 $0xC51;
	v28 =	vsel vm0, $0xC10, v25;
	[tilespmem:$0x1F8F0] =	vst v24  }
0x13: {  	v27 =	vimm.s32 $0xC52;
	v29 =	vsel vm0, $0xC11, v26;
	[tilespmem:$0x1F900] =	vst v28  }
0x14: {  	v31 =	vimm.s32 $0xC53;
	v30 =	vsel vm0, $0xC12, v27;
	[tilespmem:$0x1F910] =	vst v29  }
0x15: {  	v32 =	vimm.s32 $0xC54;
	v34 =	vsel vm0, $0xC13, v31;
	[tilespmem:$0x1F920] =	vst v30  }
0x16: {  	v33 =	vimm.s32 $0xC55;
	v35 =	vsel vm0, $0xC14, v32;
	[tilespmem:$0x1F930] =	vst v34  }
0x17: {  	v37 =	vimm.s32 $0xC56;
	v36 =	vsel vm0, $0xC15, v33;
	[tilespmem:$0x1F940] =	vst v35  }
0x18: {  	v38 =	vimm.s32 $0xC57;
	v40 =	vsel vm0, $0xC16, v37;
	[tilespmem:$0x1F950] =	vst v36  }
0x19: {  	v39 =	vimm.s32 $0xC58;
	v41 =	vsel vm0, $0xC17, v38;
	[tilespmem:$0x1F960] =	vst v40  }
0x1a: {  	v43 =	vimm.s32 $0xC59;
	v42 =	vsel vm0, $0xC18, v39;
	[tilespmem:$0x1F970] =	vst v41  }
0x1b: {  	v44 =	vimm.s32 $0xC5A;
	v46 =	vsel vm0, $0xC19, v43;
	[tilespmem:$0x1F980] =	vst v42  }
0x1c: {  	v45 =	vimm.s32 $0xC5B;
	v47 =	vsel vm0, $0xC1A, v44;
	[tilespmem:$0x1F990] =	vst v46  }
0x1d: {  	v49 =	vimm.s32 $0xC5C;
	v48 =	vsel vm0, $0xC1B, v45;
	[tilespmem:$0x1F9A0] =	vst v47  }
0x1e: {  	v50 =	vimm.s32 $0xC5D;
	v52 =	vsel vm0, $0xC1C, v49;
	[tilespmem:$0x1F9B0] =	vst v48  }
0x1f: {  	v51 =	vimm.s32 $0xC5E;
	v53 =	vsel vm0, $0xC1D, v50;
	[tilespmem:$0x1F9C0] =	vst v52  }
0x20: {  	v57 =	vimm.s32 $0xC61;
	[tilespmem:$0x1F9D0] =	vst v53;
	v54 =	vsel vm0, $0xC1E, v51  }
0x21: {  	v63 =	vimm.s32 $0xC64;
	v60 =	vsel vm0, $0xC21, v57;
	[tilespmem:$0x1F9E0] =	vst v54  }
0x22: {  	v8 =	vimm.s32 $0xC65;
	v7 =	vsel vm0, $0xC24, v63;
	[tilespmem:$0x1FA10] =	vst v60  }
0x23: {  	v9 =	vimm.s32 $0xC66;
	v11 =	vsel vm0, $0xC25, v8;
	[tilespmem:$0x1FA40] =	vst v7  }
0x24: {  	v14 =	vimm.s32 $0xC68;
	v12 =	vsel vm0, $0xC26, v9;
	[tilespmem:$0x1FA50] =	vst v11  }
0x25: {  	v15 =	vimm.s32 $0xC69;
	v17 =	vsel vm0, $0xC28, v14;
	[tilespmem:$0x1FA60] =	vst v12  }
0x26: {  	v20 =	vimm.s32 $0xC6B;
	v18 =	vsel vm0, $0xC29, v15;
	[tilespmem:$0x1FA80] =	vst v17  }
0x27: {  	v21 =	vimm.s32 $0xC6C;
	v23 =	vsel vm0, $0xC2B, v20;
	[tilespmem:$0x1FA90] =	vst v18  }
0x28: {  	v26 =	vimm.s32 $0xC6E;
	v24 =	vsel vm0, $0xC2C, v21;
	[tilespmem:$0x1FAB0] =	vst v23  }
0x29: {  	v27 =	vimm.s32 $0xC6F;
	v29 =	vsel vm0, $0xC2E, v26;
	[tilespmem:$0x1FAC0] =	vst v24  }
0x2a: {  	v32 =	vimm.s32 $0xC71;
	v30 =	vsel vm0, $0xC2F, v27;
	[tilespmem:$0x1FAE0] =	vst v29  }
0x2b: {  	v33 =	vimm.s32 $0xC72;
	v35 =	vsel vm0, $0xC31, v32;
	[tilespmem:$0x1FAF0] =	vst v30  }
0x2c: {  	v38 =	vimm.s32 $0xC74;
	v36 =	vsel vm0, $0xC32, v33;
	[tilespmem:$0x1FB10] =	vst v35  }
0x2d: {  	v39 =	vimm.s32 $0xC75;
	v41 =	vsel vm0, $0xC34, v38;
	[tilespmem:$0x1FB20] =	vst v36  }
0x2e: {  	v44 =	vimm.s32 $0xC77;
	v42 =	vsel vm0, $0xC35, v39;
	[tilespmem:$0x1FB40] =	vst v41  }
0x2f: {  	v45 =	vimm.s32 $0xC78;
	v47 =	vsel vm0, $0xC37, v44;
	[tilespmem:$0x1FB50] =	vst v42  }
0x30: {  	v50 =	vimm.s32 $0xC7A;
	v48 =	vsel vm0, $0xC38, v45;
	[tilespmem:$0x1FB70] =	vst v47  }
0x31: {  	v55 =	vimm.s32 $0xC5F;
	v53 =	vsel vm0, $0xC3A, v50;
	[tilespmem:$0x1FB80] =	vst v48  }
0x32: {  	v56 =	vimm.s32 $0xC60;
	v58 =	vsel vm0, $0xC1F, v55;
	[tilespmem:$0x1FBA0] =	vst v53  }
0x33: {  	v61 =	vimm.s32 $0xC62;
	v59 =	vsel vm0, $0xC20, v56;
	[tilespmem:$0x1F9F0] =	vst v58  }
0x34: {  	v62 =	vimm.s32 $0xC63;
	v5 =	vsel vm0, $0xC22, v61;
	[tilespmem:$0x1FA00] =	vst v59  }
0x35: {  	v10 =	vimm.s32 $0xC67;
	v6 =	vsel vm0, $0xC23, v62;
	[tilespmem:$0x1FA20] =	vst v5  }
0x36: {  	v16 =	vimm.s32 $0xC6A;
	v13 =	vsel vm0, $0xC27, v10;
	[tilespmem:$0x1FA30] =	vst v6  }
0x37: {  	v22 =	vimm.s32 $0xC6D;
	v19 =	vsel vm0, $0xC2A, v16;
	[tilespmem:$0x1FA70] =	vst v13  }
0x38: {  	v28 =	vimm.s32 $0xC70;
	v25 =	vsel vm0, $0xC2D, v22;
	[tilespmem:$0x1FAA0] =	vst v19  }
0x39: {  	v34 =	vimm.s32 $0xC73;
	v31 =	vsel vm0, $0xC30, v28;
	[tilespmem:$0x1FAD0] =	vst v25  }
0x3a: {  	v40 =	vimm.s32 $0xC76;
	v37 =	vsel vm0, $0xC33, v34;
	[tilespmem:$0x1FB00] =	vst v31  }
0x3b: {  	v46 =	vimm.s32 $0xC79;
	v43 =	vsel vm0, $0xC36, v40;
	[tilespmem:$0x1FB30] =	vst v37  }
0x3c: {  	v51 =	vimm.s32 $0xC7B;
	v49 =	vsel vm0, $0xC39, v46;
	[tilespmem:$0x1FB60] =	vst v43  }
0x3d: {  	v0 =	vlaneseq.u32;
	v52 =	vimm.s32 $0xC7C;
	v54 =	vsel vm0, $0xC3B, v51;
	[tilespmem:$0x1FB90] =	vst v49  }
0x3e: {  	v0 =	vmul.u32 $0x40, v0;
	v57 =	vimm.s32 $0xC7E;
	v55 =	vsel vm0, $0xC3C, v52;
	[tilespmem:$0x1FBB0] =	vst v54  }
0x3f: {  	v60 =	vsel vm0, $0xC3E, v57;
	[tilespmem:$0x1FBC0] =	vst v55  }
0x40: {  	v62 =	vor.u32 $0x1, v0;
	[tilespmem:$0x1FBE0] =	vst v60  }
0x41: {  	v63 =	vor.u32 $0x2, v0;
	[tilespmem:$0x1FC00] =	vst v62  }
0x42: {  	v4 =	vor.u32 $0x3, v0;
	[tilespmem:$0x1FC10] =	vst v63  }
0x43: {  	v7 =	vor.u32 $0x6, v0;
	[tilespmem:$0x1FC20] =	vst v4  }
0x44: {  	v8 =	vor.u32 $0x7, v0;
	[tilespmem:$0x1FC50] =	vst v7  }
0x45: {  	v9 =	vor.u32 $0x8, v0;
	[tilespmem:$0x1FC60] =	vst v8  }
0x46: {  	v10 =	vor.u32 $0x9, v0;
	[tilespmem:$0x1FC70] =	vst v9  }
0x47: {  	v11 =	vor.u32 $0xA, v0;
	[tilespmem:$0x1FC80] =	vst v10  }
0x48: {  	v12 =	vor.u32 $0xB, v0;
	[tilespmem:$0x1FC90] =	vst v11  }
0x49: {  	v14 =	vor.u32 $0xD, v0;
	[tilespmem:$0x1FCA0] =	vst v12  }
0x4a: {  	v15 =	vor.u32 $0xE, v0;
	[tilespmem:$0x1FCC0] =	vst v14  }
0x4b: {  	v16 =	vor.u32 $0xF, v0;
	[tilespmem:$0x1FCD0] =	vst v15  }
0x4c: {  	v17 =	vor.u32 $0x10, v0;
	[tilespmem:$0x1FCE0] =	vst v16  }
0x4d: {  	v18 =	vor.u32 $0x11, v0;
	[tilespmem:$0x1FCF0] =	vst v17  }
0x4e: {  	v20 =	vor.u32 $0x13, v0;
	[tilespmem:$0x1FD00] =	vst v18  }
0x4f: {  	v21 =	vor.u32 $0x14, v0;
	[tilespmem:$0x1FD20] =	vst v20  }
0x50: {  	v22 =	vor.u32 $0x15, v0;
	[tilespmem:$0x1FD30] =	vst v21  }
0x51: {  	v23 =	vor.u32 $0x16, v0;
	[tilespmem:$0x1FD40] =	vst v22  }
0x52: {  	v56 =	vimm.s32 $0xC7D;
	v24 =	vor.u32 $0x17, v0;
	[tilespmem:$0x1FD50] =	vst v23  }
0x53: {  	v59 =	vsel vm0, $0xC3D, v56;
	[tilespmem:$0x1FD60] =	vst v24  }
0x54: {  	v5 =	vor.u32 $0x4, v0;
	[tilespmem:$0x1FBD0] =	vst v59  }
0x55: {  	v6 =	vor.u32 $0x5, v0;
	[tilespmem:$0x1FC30] =	vst v5  }
0x56: {  	v13 =	vor.u32 $0xC, v0;
	[tilespmem:$0x1FC40] =	vst v6  }
0x57: {  	v19 =	vor.u32 $0x12, v0;
	[tilespmem:$0x1FCB0] =	vst v13  }
0x58: {  	s3 =	stileid.u32;
	v58 =	vimm.s32 $0xC7F;
	v25 =	vor.u32 $0x18, v0;
	[tilespmem:$0x1FD10] =	vst v19  }
0x59: {  	s0 =	rddreg [dreg:$0x0];
	s4 =	sshll.u32 s3, $0x1;
	s3 =	simm.s32 $0x0;
	v61 =	vsel vm0, $0xC3F, v58;
	[tilespmem:$0x1FD70] =	vst v25  }
0x5a: {  	[smem:$0x7FF] =	sst s3;
	v26 =	vor.u32 $0x19, v0;
	[tilespmem:$0x1FBF0] =	vst v61  }
0x5b: {  	s2 =	rddreg [dreg:$0x1];
	v27 =	vor.u32 $0x1A, v0;
	_ =	strace $0x80000047;
	[tilespmem:$0x1FD80] =	vst v26  }
0x5c: {  	v28 =	vor.u32 $0x1B, v0;
	[tilespmem:$0x1FD90] =	vst v27  }
0x5d: {  	v29 =	vor.u32 $0x1C, v0;
	[tilespmem:$0x1FDA0] =	vst v28  }
0x5e: {  	v30 =	vor.u32 $0x1D, v0;
	[tilespmem:$0x1FDB0] =	vst v29  }
0x5f: {  	v31 =	vor.u32 $0x1E, v0;
	[tilespmem:$0x1FDC0] =	vst v30  }
0x60: {  	v32 =	vor.u32 $0x1F, v0;
	[tilespmem:$0x1FDD0] =	vst v31  }
0x61: {  	v33 =	vor.u32 $0x20, v0;
	[tilespmem:$0x1FDE0] =	vst v32  }
0x62: {  	v34 =	vor.u32 $0x21, v0;
	[tilespmem:$0x1FDF0] =	vst v33  }
0x63: {  	v35 =	vor.u32 $0x22, v0;
	[tilespmem:$0x1FE00] =	vst v34  }
0x64: {  	v36 =	vor.u32 $0x23, v0;
	[tilespmem:$0x1FE10] =	vst v35  }
0x65: {  	v37 =	vor.u32 $0x24, v0;
	[tilespmem:$0x1FE20] =	vst v36  }
0x66: {  	v38 =	vor.u32 $0x25, v0;
	[tilespmem:$0x1FE30] =	vst v37  }
0x67: {  	v39 =	vor.u32 $0x26, v0;
	[tilespmem:$0x1FE40] =	vst v38  }
0x68: {  	v40 =	vor.u32 $0x27, v0;
	[tilespmem:$0x1FE50] =	vst v39  }
0x69: {  	v41 =	vor.u32 $0x28, v0;
	[tilespmem:$0x1FE60] =	vst v40  }
0x6a: {  	v42 =	vor.u32 $0x29, v0;
	[tilespmem:$0x1FE70] =	vst v41  }
0x6b: {  	v43 =	vor.u32 $0x2A, v0;
	[tilespmem:$0x1FE80] =	vst v42  }
0x6c: {  	v44 =	vor.u32 $0x2B, v0;
	[tilespmem:$0x1FE90] =	vst v43  }
0x6d: {  	v45 =	vor.u32 $0x2C, v0;
	[tilespmem:$0x1FEA0] =	vst v44  }
0x6e: {  	v46 =	vor.u32 $0x2D, v0;
	[tilespmem:$0x1FEB0] =	vst v45  }
0x6f: {  	v47 =	vor.u32 $0x2E, v0;
	[tilespmem:$0x1FEC0] =	vst v46  }
0x70: {  	v48 =	vor.u32 $0x2F, v0;
	[tilespmem:$0x1FED0] =	vst v47  }
0x71: {  	v49 =	vor.u32 $0x30, v0;
	[tilespmem:$0x1FEE0] =	vst v48  }
0x72: {  	v50 =	vor.u32 $0x31, v0;
	[tilespmem:$0x1FEF0] =	vst v49  }
0x73: {  	v51 =	vor.u32 $0x32, v0;
	[tilespmem:$0x1FF00] =	vst v50  }
0x74: {  	v52 =	vor.u32 $0x33, v0;
	[tilespmem:$0x1FF10] =	vst v51  }
0x75: {  	v53 =	vor.u32 $0x34, v0;
	[tilespmem:$0x1FF20] =	vst v52  }
0x76: {  	v54 =	vor.u32 $0x35, v0;
	[tilespmem:$0x1FF30] =	vst v53  }
0x77: {  	v55 =	vor.u32 $0x36, v0;
	[tilespmem:$0x1FF40] =	vst v54  }
0x78: {  	s1 =	srdreg.scid;
	s16 =	simm.s32 $0x6400;
	v56 =	vor.u32 $0x37, v0;
	[tilespmem:$0x1FF50] =	vst v55  }
0x79: {  	s17 =	simm.s32 $0x7080;
	s28 =	simm.s32 $0xA500;
	s29 =	simm.s32 $0xA900;
	v57 =	vor.u32 $0x38, v0;
	[tilespmem:$0x1FF60] =	vst v56  }
0x7a: {  	s30 =	simm.s32 $0xAD00;
	s31 =	simm.s32 $0xB100;
	s15 =	simm.s32 $0x0;
	v58 =	vor.u32 $0x39, v0;
	[tilespmem:$0x1FF70] =	vst v57  }
0x7b: {  	s1 =	sand.u32 $0x1, s1;
	s7 =	sadd.s32 $0x1000, s2;
	s8 =	sadd.s32 $0x2000, s2;
	v59 =	vor.u32 $0x3A, v0;
	[tilespmem:$0x1FF80] =	vst v58  }
0x7c: {  	s9 =	sadd.s32 $0x3000, s2;
	s10 =	sadd.s32 $0x4000, s2;
	s4 =	sor.u32 s1, s4;
	v60 =	vor.u32 $0x3B, v0;
	[tilespmem:$0x1FF90] =	vst v59  }
0x7d: {  	s11 =	sadd.s32 $0x5000, s2;
	s1 =	ssub.s32 $0x2, s1;
	s5 =	smul.u32 $0xC80, s4;
	v61 =	vor.u32 $0x3C, v0;
	[tilespmem:$0x1FFA0] =	vst v60  }
0x7e: {  	s12 =	sadd.s32 $0x6000, s2;
	s13 =	sadd.s32 $0x7000, s2;
	s25 =	sshrl.u32 s1, $0x1;
	v62 =	vor.u32 $0x3D, v0;
	[tilespmem:$0x1FFB0] =	vst v61  }
0x7f: {  	s6 =	sshll.u32 s4, $0xA;
	v63 =	vor.u32 $0x3E, v0;
	s5 =	sadd.s32 s5, s0;
	s0 =	sadd.s32 $0x400, s0;
	[tilespmem:$0x1FFC0] =	vst v62  }
0x80: {  	s26 =	sadd.s32 $0x600, s5;
	[dreg:$0x3] =	wrdreg s0;
	s0 =	ssub.s32 s1, s25;
	[tilespmem:$0x1FFD0] =	vst v63  }
0x81: {  	s4 =	simm.s32 $0xBD00;
	[dreg:$0x4] =	wrdreg s26;
	[tilespmem:$0x1FFE0] =	vst v0;
	v0 =	vor.u32 $0x3F, v0;
	s0 =	smax.u32 s0, $0x1  }
0x82: {  	s1 =	simm.s32 $0xB500;
	[tilespmem:$0x1FFF0] =	vst v0;
	[dreg:$0x5] =	wrdreg s0;
	s0 =	simm.s32 $0xB900  }
.LBB2_1:
0x83: {  	[dreg:$0x6] =	wrdreg s15  }
0x84: {  	s5 =	rddreg [dreg:$0x4];
	s14 =	simm.s32 $0x3  }
0x85: {  	[tilespmem:s3], [sflag:$0x3] =	stream.linear.gather [hbm4b:s5+s3], $0x6400, $0x38;
	[tilespmem:$0xC100] =	vst v63  }
0x86: {  	_ =	swait.ge [sflag:s14], $0x6400  }
0x87: {  	[sflag:s14] =	ssyncset.done $0x0  }
0x88: {  	s26 =	rddreg [dreg:$0x3];
	[sflag:s14] =	ssyncadd.s32 $0xFFFF9C00  }
0x89: {  	[tilespmem:s16], [sflag:$0x3] =	stream.linear.gather [hbm4b:s26+s3], $0xC80, $0x38;
	[tilespmem:$0xC100] =	vst v63  }
0x8a: {  	_ =	swait.ge [sflag:s14], $0xC80  }
0x8b: {  	v0 =	vld [tilespmem:$0x1FFE0];
	_ =	sdelay $0x5  }
0x8c: {  	[sflag:s14] =	ssyncset.done $0x0;
	v1 =	vld [tilespmem:$0x1FC00]  }
0x8d: {  	[sflag:s14] =	ssyncadd.s32 $0xFFFFF380  }
0x8e: {  	v5 =	vld.idx.msk [tilespmem:v0+s16+$0x0], $0xffff;
	_ =	sdelay $0x3  }
0x8f: {  	v47 =	vld [tilespmem:$0x1FC10]  }
0x90: {  	[tilespmem:$0x7080] =	vst v5  }
0x91: {  	v5 =	vld.idx.msk [tilespmem:v1+s16+$0x0], $0xffff;
	_ =	sdelay $0x3  }
0x92: {  	v48 =	vld [tilespmem:$0x1FC20]  }
0x93: {  	[tilespmem:$0x70C0] =	vst v5  }
0x94: {  	v5 =	vld.idx.msk [tilespmem:v47+s16+$0x0], $0xffff;
	_ =	sdelay $0x3  }
0x95: {  	v49 =	vld [tilespmem:$0x1FC30]  }
0x96: {  	[tilespmem:$0x7100] =	vst v5  }
0x97: {  	v5 =	vld.idx.msk [tilespmem:v48+s16+$0x0], $0xffff;
	_ =	sdelay $0x3  }
0x98: {  	v50 =	vld [tilespmem:$0x1FC40]  }
0x99: {  	[tilespmem:$0x7140] =	vst v5  }
0x9a: {  	v5 =	vld.idx.msk [tilespmem:v49+s16+$0x0], $0xffff;
	_ =	sdelay $0x3  }
0x9b: {  	v51 =	vld [tilespmem:$0x1FC50]  }
0x9c: {  	[tilespmem:$0x7180] =	vst v5  }
0x9d: {  	v5 =	vld.idx.msk [tilespmem:v50+s16+$0x0], $0xffff;
	_ =	sdelay $0x3  }
0x9e: {  	v52 =	vld [tilespmem:$0x1FC60]  }
0x9f: {  	[tilespmem:$0x71C0] =	vst v5  }
0xa0: {  	v5 =	vld.idx.msk [tilespmem:v51+s16+$0x0], $0xffff;
	_ =	sdelay $0x3  }
0xa1: {  	v53 =	vld [tilespmem:$0x1FC70]  }
0xa2: {  	[tilespmem:$0x7200] =	vst v5  }
0xa3: {  	v5 =	vld.idx.msk [tilespmem:v52+s16+$0x0], $0xffff;
	_ =	sdelay $0x3  }
0xa4: {  	v54 =	vld [tilespmem:$0x1FC80]  }
0xa5: {  	[tilespmem:$0x7240] =	vst v5  }
0xa6: {  	v5 =	vld.idx.msk [tilespmem:v53+s16+$0x0], $0xffff;
	_ =	sdelay $0x3  }
0xa7: {  	v55 =	vld [tilespmem:$0x1FC90]  }
0xa8: {  	[tilespmem:$0x7280] =	vst v5  }
0xa9: {  	v5 =	vld.idx.msk [tilespmem:v54+s16+$0x0], $0xffff;
	_ =	sdelay $0x3  }
0xaa: {  	v56 =	vld [tilespmem:$0x1FCA0]  }
0xab: {  	[tilespmem:$0x72C0] =	vst v5  }
0xac: {  	v5 =	vld.idx.msk [tilespmem:v55+s16+$0x0], $0xffff;
	_ =	sdelay $0x3  }
0xad: {  	v57 =	vld [tilespmem:$0x1FCB0]  }
0xae: {  	[tilespmem:$0x7300] =	vst v5  }
0xaf: {  	v5 =	vld.idx.msk [tilespmem:v56+s16+$0x0], $0xffff;
	_ =	sdelay $0x3  }
0xb0: {  	v58 =	vld [tilespmem:$0x1FCC0]  }
0xb1: {  	[tilespmem:$0x7340] =	vst v5  }
0xb2: {  	v5 =	vld.idx.msk [tilespmem:v57+s16+$0x0], $0xffff;
	_ =	sdelay $0x3  }
0xb3: {  	v59 =	vld [tilespmem:$0x1FCD0]  }
0xb4: {  	[tilespmem:$0x7380] =	vst v5  }
0xb5: {  	v5 =	vld.idx.msk [tilespmem:v58+s16+$0x0], $0xffff;
	_ =	sdelay $0x3  }
0xb6: {  	v60 =	vld [tilespmem:$0x1FCE0]  }
0xb7: {  	[tilespmem:$0x73C0] =	vst v5  }
0xb8: {  	v5 =	vld.idx.msk [tilespmem:v59+s16+$0x0], $0xffff;
	_ =	sdelay $0x3  }
0xb9: {  	v61 =	vld [tilespmem:$0x1FCF0]  }
0xba: {  	[tilespmem:$0x7400] =	vst v5  }
0xbb: {  	v5 =	vld.idx.msk [tilespmem:v60+s16+$0x0], $0xffff;
	_ =	sdelay $0x3  }
0xbc: {  	v62 =	vld [tilespmem:$0x1FD00]  }
0xbd: {  	[tilespmem:$0x7440] =	vst v5  }
0xbe: {  	v5 =	vld.idx.msk [tilespmem:v61+s16+$0x0], $0xffff;
	_ =	sdelay $0x3  }
0xbf: {  	v63 =	vld [tilespmem:$0x1FD10]  }
0xc0: {  	[tilespmem:$0x7480] =	vst v5  }
0xc1: {  	v5 =	vld.idx.msk [tilespmem:v62+s16+$0x0], $0xffff;
	_ =	sdelay $0x3  }
0xc2: {  	v4 =	vld [tilespmem:$0x1FD20]  }
0xc3: {  	[tilespmem:$0x74C0] =	vst v5  }
0xc4: {  	v5 =	vld.idx.msk [tilespmem:v63+s16+$0x0], $0xffff;
	_ =	sdelay $0x4  }
0xc5: {  	[tilespmem:$0x7500] =	vst v5  }
0xc6: {  	v5 =	vld.idx.msk [tilespmem:v4+s16+$0x0], $0xffff;
	_ =	sdelay $0x4  }
0xc7: {  	[tilespmem:$0x7540] =	vst v5;
	v5 =	vld [tilespmem:$0x1FD30];
	_ =	sdelay $0x5  }
0xc8: {  	v6 =	vld [tilespmem:$0x1FD40];
	_ =	sdelay $0x1  }
0xc9: {  	v5 =	vld.idx.msk [tilespmem:v5+s16+$0x0], $0xffff;
	_ =	sdelay $0x3  }
0xca: {  	v7 =	vld [tilespmem:$0x1FD50]  }
0xcb: {  	[tilespmem:$0x7580] =	vst v5  }
0xcc: {  	v5 =	vld.idx.msk [tilespmem:v6+s16+$0x0], $0xffff;
	_ =	sdelay $0x3  }
0xcd: {  	v8 =	vld [tilespmem:$0x1FD60]  }
0xce: {  	[tilespmem:$0x75C0] =	vst v5  }
0xcf: {  	v5 =	vld.idx.msk [tilespmem:v7+s16+$0x0], $0xffff;
	_ =	sdelay $0x3  }
0xd0: {  	v9 =	vld [tilespmem:$0x1FD70]  }
0xd1: {  	[tilespmem:$0x7600] =	vst v5  }
0xd2: {  	v5 =	vld.idx.msk [tilespmem:v8+s16+$0x0], $0xffff;
	_ =	sdelay $0x3  }
0xd3: {  	v10 =	vld [tilespmem:$0x1FD80]  }
0xd4: {  	[tilespmem:$0x7640] =	vst v5  }
0xd5: {  	v5 =	vld.idx.msk [tilespmem:v9+s16+$0x0], $0xffff;
	_ =	sdelay $0x3  }
0xd6: {  	v11 =	vld [tilespmem:$0x1FD90]  }
0xd7: {  	[tilespmem:$0x7680] =	vst v5  }
0xd8: {  	v5 =	vld.idx.msk [tilespmem:v10+s16+$0x0], $0xffff;
	_ =	sdelay $0x3  }
0xd9: {  	v12 =	vld [tilespmem:$0x1FDA0]  }
0xda: {  	[tilespmem:$0x76C0] =	vst v5  }
0xdb: {  	v5 =	vld.idx.msk [tilespmem:v11+s16+$0x0], $0xffff;
	_ =	sdelay $0x3  }
0xdc: {  	v13 =	vld [tilespmem:$0x1FDB0]  }
0xdd: {  	[tilespmem:$0x7700] =	vst v5  }
0xde: {  	v5 =	vld.idx.msk [tilespmem:v12+s16+$0x0], $0xffff;
	_ =	sdelay $0x3  }
0xdf: {  	v14 =	vld [tilespmem:$0x1FDC0]  }
0xe0: {  	[tilespmem:$0x7740] =	vst v5  }
0xe1: {  	v5 =	vld.idx.msk [tilespmem:v13+s16+$0x0], $0xffff;
	_ =	sdelay $0x3  }
0xe2: {  	v15 =	vld [tilespmem:$0x1FDD0]  }
0xe3: {  	[tilespmem:$0x7780] =	vst v5  }
0xe4: {  	v5 =	vld.idx.msk [tilespmem:v14+s16+$0x0], $0xffff;
	_ =	sdelay $0x3  }
0xe5: {  	v16 =	vld [tilespmem:$0x1FDE0]  }
0xe6: {  	[tilespmem:$0x77C0] =	vst v5  }
0xe7: {  	v5 =	vld.idx.msk [tilespmem:v15+s16+$0x0], $0xffff;
	_ =	sdelay $0x3  }
0xe8: {  	v17 =	vld [tilespmem:$0x1FDF0]  }
0xe9: {  	[tilespmem:$0x7800] =	vst v5  }
0xea: {  	v5 =	vld.idx.msk [tilespmem:v16+s16+$0x0], $0xffff;
	_ =	sdelay $0x3  }
0xeb: {  	v18 =	vld [tilespmem:$0x1FE00]  }
0xec: {  	[tilespmem:$0x7840] =	vst v5  }
0xed: {  	v5 =	vld.idx.msk [tilespmem:v17+s16+$0x0], $0xffff;
	_ =	sdelay $0x3  }
0xee: {  	v19 =	vld [tilespmem:$0x1FE10]  }
0xef: {  	[tilespmem:$0x7880] =	vst v5  }
0xf0: {  	v5 =	vld.idx.msk [tilespmem:v18+s16+$0x0], $0xffff;
	_ =	sdelay $0x3  }
0xf1: {  	v20 =	vld [tilespmem:$0x1FE20]  }
0xf2: {  	[tilespmem:$0x78C0] =	vst v5  }
0xf3: {  	v5 =	vld.idx.msk [tilespmem:v19+s16+$0x0], $0xffff;
	_ =	sdelay $0x3  }
0xf4: {  	v21 =	vld [tilespmem:$0x1FE30]  }
0xf5: {  	[tilespmem:$0x7900] =	vst v5  }
0xf6: {  	v5 =	vld.idx.msk [tilespmem:v20+s16+$0x0], $0xffff;
	_ =	sdelay $0x3  }
0xf7: {  	v22 =	vld [tilespmem:$0x1FE40]  }
0xf8: {  	[tilespmem:$0x7940] =	vst v5  }
0xf9: {  	v5 =	vld.idx.msk [tilespmem:v21+s16+$0x0], $0xffff;
	_ =	sdelay $0x3  }
0xfa: {  	v23 =	vld [tilespmem:$0x1FE50]  }
0xfb: {  	[tilespmem:$0x7980] =	vst v5  }
0xfc: {  	v5 =	vld.idx.msk [tilespmem:v22+s16+$0x0], $0xffff;
	_ =	sdelay $0x3  }
0xfd: {  	v24 =	vld [tilespmem:$0x1FE60]  }
0xfe: {  	[tilespmem:$0x79C0] =	vst v5  }
0xff: {  	v5 =	vld.idx.msk [tilespmem:v23+s16+$0x0], $0xffff;
	_ =	sdelay $0x3  }
0x100: {  	v25 =	vld [tilespmem:$0x1FE70]  }
0x101: {  	[tilespmem:$0x7A00] =	vst v5  }
0x102: {  	v5 =	vld.idx.msk [tilespmem:v24+s16+$0x0], $0xffff;
	_ =	sdelay $0x3  }
0x103: {  	v26 =	vld [tilespmem:$0x1FE80]  }
0x104: {  	[tilespmem:$0x7A40] =	vst v5  }
0x105: {  	v5 =	vld.idx.msk [tilespmem:v25+s16+$0x0], $0xffff;
	_ =	sdelay $0x3  }
0x106: {  	v27 =	vld [tilespmem:$0x1FE90]  }
0x107: {  	[tilespmem:$0x7A80] =	vst v5  }
0x108: {  	v5 =	vld.idx.msk [tilespmem:v26+s16+$0x0], $0xffff;
	_ =	sdelay $0x3  }
0x109: {  	v28 =	vld [tilespmem:$0x1FEA0]  }
0x10a: {  	[tilespmem:$0x7AC0] =	vst v5  }
0x10b: {  	v5 =	vld.idx.msk [tilespmem:v27+s16+$0x0], $0xffff;
	_ =	sdelay $0x3  }
0x10c: {  	v29 =	vld [tilespmem:$0x1FEB0]  }
0x10d: {  	[tilespmem:$0x7B00] =	vst v5  }
0x10e: {  	v5 =	vld.idx.msk [tilespmem:v28+s16+$0x0], $0xffff;
	_ =	sdelay $0x3  }
0x10f: {  	v30 =	vld [tilespmem:$0x1FEC0]  }
0x110: {  	[tilespmem:$0x7B40] =	vst v5  }
0x111: {  	v5 =	vld.idx.msk [tilespmem:v29+s16+$0x0], $0xffff;
	_ =	sdelay $0x3  }
0x112: {  	v31 =	vld [tilespmem:$0x1FED0]  }
0x113: {  	[tilespmem:$0x7B80] =	vst v5  }
0x114: {  	v5 =	vld.idx.msk [tilespmem:v30+s16+$0x0], $0xffff;
	_ =	sdelay $0x4  }
0x115: {  	[tilespmem:$0x7BC0] =	vst v5  }
0x116: {  	v5 =	vld.idx.msk [tilespmem:v31+s16+$0x0], $0xffff;
	_ =	sdelay $0x4  }
0x117: {  	[tilespmem:$0x7C00] =	vst v5  }
0x118: {  	v32 =	vld [tilespmem:$0x1FEE0];
	_ =	sdelay $0x5  }
0x119: {  	v33 =	vld [tilespmem:$0x1FEF0];
	_ =	sdelay $0x1  }
0x11a: {  	v5 =	vld.idx.msk [tilespmem:v32+s16+$0x0], $0xffff;
	_ =	sdelay $0x3  }
0x11b: {  	v34 =	vld [tilespmem:$0x1FF00]  }
0x11c: {  	[tilespmem:$0x7C40] =	vst v5  }
0x11d: {  	v5 =	vld.idx.msk [tilespmem:v33+s16+$0x0], $0xffff;
	_ =	sdelay $0x3  }
0x11e: {  	v35 =	vld [tilespmem:$0x1FF10]  }
0x11f: {  	[tilespmem:$0x7C80] =	vst v5  }
0x120: {  	v5 =	vld.idx.msk [tilespmem:v34+s16+$0x0], $0xffff;
	_ =	sdelay $0x3  }
0x121: {  	v36 =	vld [tilespmem:$0x1FF20]  }
0x122: {  	[tilespmem:$0x7CC0] =	vst v5  }
0x123: {  	v5 =	vld.idx.msk [tilespmem:v35+s16+$0x0], $0xffff;
	_ =	sdelay $0x3  }
0x124: {  	v37 =	vld [tilespmem:$0x1FF30]  }
0x125: {  	[tilespmem:$0x7D00] =	vst v5  }
0x126: {  	v5 =	vld.idx.msk [tilespmem:v36+s16+$0x0], $0xffff;
	_ =	sdelay $0x3  }
0x127: {  	v38 =	vld [tilespmem:$0x1FF40]  }
0x128: {  	[tilespmem:$0x7D40] =	vst v5  }
0x129: {  	v5 =	vld.idx.msk [tilespmem:v37+s16+$0x0], $0xffff;
	_ =	sdelay $0x3  }
0x12a: {  	v39 =	vld [tilespmem:$0x1FF50]  }
0x12b: {  	[tilespmem:$0x7D80] =	vst v5  }
0x12c: {  	v5 =	vld.idx.msk [tilespmem:v38+s16+$0x0], $0xffff;
	_ =	sdelay $0x3  }
0x12d: {  	v40 =	vld [tilespmem:$0x1FF60]  }
0x12e: {  	[tilespmem:$0x7DC0] =	vst v5  }
0x12f: {  	v5 =	vld.idx.msk [tilespmem:v39+s16+$0x0], $0xffff;
	_ =	sdelay $0x3  }
0x130: {  	v41 =	vld [tilespmem:$0x1FF70]  }
0x131: {  	[tilespmem:$0x7E00] =	vst v5  }
0x132: {  	v5 =	vld.idx.msk [tilespmem:v40+s16+$0x0], $0xffff;
	_ =	sdelay $0x3  }
0x133: {  	v42 =	vld [tilespmem:$0x1FF80]  }
0x134: {  	[tilespmem:$0x7E40] =	vst v5  }
0x135: {  	v5 =	vld.idx.msk [tilespmem:v41+s16+$0x0], $0xffff;
	_ =	sdelay $0x3  }
0x136: {  	v43 =	vld [tilespmem:$0x1FF90]  }
0x137: {  	[tilespmem:$0x7E80] =	vst v5  }
0x138: {  	v5 =	vld.idx.msk [tilespmem:v42+s16+$0x0], $0xffff;
	_ =	sdelay $0x3  }
0x139: {  	v44 =	vld [tilespmem:$0x1FFA0]  }
0x13a: {  	[tilespmem:$0x7EC0] =	vst v5  }
0x13b: {  	v5 =	vld.idx.msk [tilespmem:v43+s16+$0x0], $0xffff;
	_ =	sdelay $0x3  }
0x13c: {  	v45 =	vld [tilespmem:$0x1FFB0]  }
0x13d: {  	[tilespmem:$0x7F00] =	vst v5  }
0x13e: {  	v5 =	vld.idx.msk [tilespmem:v44+s16+$0x0], $0xffff;
	_ =	sdelay $0x3  }
0x13f: {  	v46 =	vld [tilespmem:$0x1FFC0]  }
0x140: {  	[tilespmem:$0x7F40] =	vst v5  }
0x141: {  	v5 =	vld.idx.msk [tilespmem:v45+s16+$0x0], $0xffff;
	_ =	sdelay $0x3  }
0x142: {  	v47 =	vld [tilespmem:$0x1FFD0]  }
0x143: {  	[tilespmem:$0x7F80] =	vst v5  }
0x144: {  	v5 =	vld.idx.msk [tilespmem:v46+s16+$0x0], $0xffff;
	_ =	sdelay $0x3  }
0x145: {  	v48 =	vld [tilespmem:$0x1FFF0]  }
0x146: {  	[tilespmem:$0x7FC0] =	vst v5  }
0x147: {  	v5 =	vld.idx.msk [tilespmem:v47+s16+$0x0], $0xffff;
	_ =	sdelay $0x4  }
0x148: {  	[tilespmem:$0x8000] =	vst v5  }
0x149: {  	v5 =	vld.idx.msk [tilespmem:v48+s16+$0x0], $0xffff  }
0x14a: {  	v6 =	vor.u32 $0x400, v0;
	_ =	sdelay $0x3  }
0x14b: {  	[tilespmem:$0x8040] =	vst v5  }
0x14c: {  	v5 =	vld.idx.msk [tilespmem:v6+s16+$0x0], $0xffff  }
0x14d: {  	v49 =	vor.u32 $0x401, v0;
	_ =	sdelay $0x3  }
0x14e: {  	[tilespmem:$0x7090] =	vst v5  }
0x14f: {  	v5 =	vld.idx.msk [tilespmem:v49+s16+$0x0], $0xffff  }
0x150: {  	v50 =	vor.u32 $0x402, v0;
	_ =	sdelay $0x3  }
0x151: {  	[tilespmem:$0x70D0] =	vst v5  }
0x152: {  	v5 =	vld.idx.msk [tilespmem:v50+s16+$0x0], $0xffff  }
0x153: {  	v51 =	vor.u32 $0x403, v0;
	_ =	sdelay $0x3  }
0x154: {  	[tilespmem:$0x7110] =	vst v5  }
0x155: {  	v5 =	vld.idx.msk [tilespmem:v51+s16+$0x0], $0xffff  }
0x156: {  	v52 =	vor.u32 $0x404, v0;
	_ =	sdelay $0x3  }
0x157: {  	[tilespmem:$0x7150] =	vst v5  }
0x158: {  	v5 =	vld.idx.msk [tilespmem:v52+s16+$0x0], $0xffff  }
0x159: {  	v53 =	vor.u32 $0x405, v0;
	_ =	sdelay $0x3  }
0x15a: {  	[tilespmem:$0x7190] =	vst v5  }
0x15b: {  	v5 =	vld.idx.msk [tilespmem:v53+s16+$0x0], $0xffff  }
0x15c: {  	v54 =	vor.u32 $0x406, v0;
	_ =	sdelay $0x3  }
0x15d: {  	[tilespmem:$0x71D0] =	vst v5  }
0x15e: {  	v5 =	vld.idx.msk [tilespmem:v54+s16+$0x0], $0xffff  }
0x15f: {  	v55 =	vor.u32 $0x407, v0;
	_ =	sdelay $0x3  }
0x160: {  	[tilespmem:$0x7210] =	vst v5  }
0x161: {  	v5 =	vld.idx.msk [tilespmem:v55+s16+$0x0], $0xffff  }
0x162: {  	v56 =	vor.u32 $0x408, v0;
	_ =	sdelay $0x3  }
0x163: {  	[tilespmem:$0x7250] =	vst v5  }
0x164: {  	v5 =	vld.idx.msk [tilespmem:v56+s16+$0x0], $0xffff  }
0x165: {  	v57 =	vor.u32 $0x409, v0;
	_ =	sdelay $0x3  }
0x166: {  	[tilespmem:$0x7290] =	vst v5  }
0x167: {  	v5 =	vld.idx.msk [tilespmem:v57+s16+$0x0], $0xffff  }
0x168: {  	v58 =	vor.u32 $0x40A, v0;
	_ =	sdelay $0x3  }
0x169: {  	[tilespmem:$0x72D0] =	vst v5  }
0x16a: {  	v5 =	vld.idx.msk [tilespmem:v58+s16+$0x0], $0xffff  }
0x16b: {  	v59 =	vor.u32 $0x40B, v0;
	_ =	sdelay $0x3  }
0x16c: {  	[tilespmem:$0x7310] =	vst v5  }
0x16d: {  	v5 =	vld.idx.msk [tilespmem:v59+s16+$0x0], $0xffff  }
0x16e: {  	v60 =	vor.u32 $0x40C, v0;
	_ =	sdelay $0x3  }
0x16f: {  	[tilespmem:$0x7350] =	vst v5  }
0x170: {  	v5 =	vld.idx.msk [tilespmem:v60+s16+$0x0], $0xffff  }
0x171: {  	v61 =	vor.u32 $0x40D, v0;
	_ =	sdelay $0x3  }
0x172: {  	[tilespmem:$0x7390] =	vst v5  }
0x173: {  	v5 =	vld.idx.msk [tilespmem:v61+s16+$0x0], $0xffff  }
0x174: {  	v62 =	vor.u32 $0x40E, v0;
	_ =	sdelay $0x3  }
0x175: {  	[tilespmem:$0x73D0] =	vst v5  }
0x176: {  	v5 =	vld.idx.msk [tilespmem:v62+s16+$0x0], $0xffff  }
0x177: {  	v63 =	vor.u32 $0x40F, v0;
	_ =	sdelay $0x3  }
0x178: {  	[tilespmem:$0x7410] =	vst v5  }
0x179: {  	v5 =	vld.idx.msk [tilespmem:v63+s16+$0x0], $0xffff  }
0x17a: {  	v1 =	vor.u32 $0x410, v0;
	_ =	sdelay $0x3  }
0x17b: {  	[tilespmem:$0x7450] =	vst v5  }
0x17c: {  	v5 =	vld.idx.msk [tilespmem:v1+s16+$0x0], $0xffff  }
0x17d: {  	v2 =	vor.u32 $0x411, v0;
	_ =	sdelay $0x3  }
0x17e: {  	[tilespmem:$0x7490] =	vst v5  }
0x17f: {  	v5 =	vld.idx.msk [tilespmem:v2+s16+$0x0], $0xffff  }
0x180: {  	v3 =	vor.u32 $0x412, v0;
	_ =	sdelay $0x3  }
0x181: {  	[tilespmem:$0x74D0] =	vst v5  }
0x182: {  	v5 =	vld.idx.msk [tilespmem:v3+s16+$0x0], $0xffff  }
0x183: {  	v9 =	vor.u32 $0x413, v0;
	_ =	sdelay $0x3  }
0x184: {  	[tilespmem:$0x7510] =	vst v5  }
0x185: {  	v5 =	vld.idx.msk [tilespmem:v9+s16+$0x0], $0xffff  }
0x186: {  	v10 =	vor.u32 $0x414, v0;
	_ =	sdelay $0x3  }
0x187: {  	[tilespmem:$0x7550] =	vst v5  }
0x188: {  	v5 =	vld.idx.msk [tilespmem:v10+s16+$0x0], $0xffff  }
0x189: {  	v11 =	vor.u32 $0x415, v0;
	_ =	sdelay $0x3  }
0x18a: {  	[tilespmem:$0x7590] =	vst v5  }
0x18b: {  	v5 =	vld.idx.msk [tilespmem:v11+s16+$0x0], $0xffff  }
0x18c: {  	v12 =	vor.u32 $0x416, v0;
	_ =	sdelay $0x3  }
0x18d: {  	[tilespmem:$0x75D0] =	vst v5  }
0x18e: {  	v5 =	vld.idx.msk [tilespmem:v12+s16+$0x0], $0xffff  }
0x18f: {  	v13 =	vor.u32 $0x417, v0;
	_ =	sdelay $0x3  }
0x190: {  	[tilespmem:$0x7610] =	vst v5  }
0x191: {  	v5 =	vld.idx.msk [tilespmem:v13+s16+$0x0], $0xffff  }
0x192: {  	v14 =	vor.u32 $0x418, v0;
	_ =	sdelay $0x3  }
0x193: {  	[tilespmem:$0x7650] =	vst v5  }
0x194: {  	v5 =	vld.idx.msk [tilespmem:v14+s16+$0x0], $0xffff  }
0x195: {  	v15 =	vor.u32 $0x419, v0;
	_ =	sdelay $0x3  }
0x196: {  	[tilespmem:$0x7690] =	vst v5  }
0x197: {  	v5 =	vld.idx.msk [tilespmem:v15+s16+$0x0], $0xffff  }
0x198: {  	v16 =	vor.u32 $0x41A, v0;
	_ =	sdelay $0x3  }
0x199: {  	[tilespmem:$0x76D0] =	vst v5  }
0x19a: {  	v5 =	vld.idx.msk [tilespmem:v16+s16+$0x0], $0xffff  }
0x19b: {  	v17 =	vor.u32 $0x41B, v0;
	_ =	sdelay $0x3  }
0x19c: {  	[tilespmem:$0x7710] =	vst v5  }
0x19d: {  	v5 =	vld.idx.msk [tilespmem:v17+s16+$0x0], $0xffff  }
0x19e: {  	v18 =	vor.u32 $0x41C, v0;
	_ =	sdelay $0x3  }
0x19f: {  	[tilespmem:$0x7750] =	vst v5  }
0x1a0: {  	v5 =	vld.idx.msk [tilespmem:v18+s16+$0x0], $0xffff  }
0x1a1: {  	v19 =	vor.u32 $0x41D, v0;
	_ =	sdelay $0x3  }
0x1a2: {  	[tilespmem:$0x7790] =	vst v5  }
0x1a3: {  	v5 =	vld.idx.msk [tilespmem:v19+s16+$0x0], $0xffff  }
0x1a4: {  	v20 =	vor.u32 $0x41E, v0;
	_ =	sdelay $0x3  }
0x1a5: {  	[tilespmem:$0x77D0] =	vst v5  }
0x1a6: {  	v5 =	vld.idx.msk [tilespmem:v20+s16+$0x0], $0xffff  }
0x1a7: {  	v21 =	vor.u32 $0x41F, v0;
	_ =	sdelay $0x3  }
0x1a8: {  	[tilespmem:$0x7810] =	vst v5  }
0x1a9: {  	v5 =	vld.idx.msk [tilespmem:v21+s16+$0x0], $0xffff  }
0x1aa: {  	v22 =	vor.u32 $0x420, v0;
	_ =	sdelay $0x3  }
0x1ab: {  	[tilespmem:$0x7850] =	vst v5  }
0x1ac: {  	v5 =	vld.idx.msk [tilespmem:v22+s16+$0x0], $0xffff  }
0x1ad: {  	v23 =	vor.u32 $0x421, v0;
	_ =	sdelay $0x3  }
0x1ae: {  	[tilespmem:$0x7890] =	vst v5  }
0x1af: {  	v5 =	vld.idx.msk [tilespmem:v23+s16+$0x0], $0xffff  }
0x1b0: {  	v24 =	vor.u32 $0x422, v0;
	_ =	sdelay $0x3  }
0x1b1: {  	[tilespmem:$0x78D0] =	vst v5  }
0x1b2: {  	v5 =	vld.idx.msk [tilespmem:v24+s16+$0x0], $0xffff  }
0x1b3: {  	v25 =	vor.u32 $0x423, v0;
	_ =	sdelay $0x3  }
0x1b4: {  	[tilespmem:$0x7910] =	vst v5  }
0x1b5: {  	v5 =	vld.idx.msk [tilespmem:v25+s16+$0x0], $0xffff  }
0x1b6: {  	v26 =	vor.u32 $0x424, v0;
	_ =	sdelay $0x3  }
0x1b7: {  	[tilespmem:$0x7950] =	vst v5  }
0x1b8: {  	v5 =	vld.idx.msk [tilespmem:v26+s16+$0x0], $0xffff  }
0x1b9: {  	v27 =	vor.u32 $0x425, v0;
	_ =	sdelay $0x3  }
0x1ba: {  	[tilespmem:$0x7990] =	vst v5  }
0x1bb: {  	v5 =	vld.idx.msk [tilespmem:v27+s16+$0x0], $0xffff  }
0x1bc: {  	v28 =	vor.u32 $0x426, v0;
	_ =	sdelay $0x3  }
0x1bd: {  	[tilespmem:$0x79D0] =	vst v5  }
0x1be: {  	v5 =	vld.idx.msk [tilespmem:v28+s16+$0x0], $0xffff  }
0x1bf: {  	v29 =	vor.u32 $0x427, v0;
	_ =	sdelay $0x3  }
0x1c0: {  	[tilespmem:$0x7A10] =	vst v5  }
0x1c1: {  	v5 =	vld.idx.msk [tilespmem:v29+s16+$0x0], $0xffff  }
0x1c2: {  	v30 =	vor.u32 $0x428, v0;
	_ =	sdelay $0x3  }
0x1c3: {  	[tilespmem:$0x7A50] =	vst v5  }
0x1c4: {  	v5 =	vld.idx.msk [tilespmem:v30+s16+$0x0], $0xffff  }
0x1c5: {  	v31 =	vor.u32 $0x429, v0;
	_ =	sdelay $0x3  }
0x1c6: {  	[tilespmem:$0x7A90] =	vst v5  }
0x1c7: {  	v5 =	vld.idx.msk [tilespmem:v31+s16+$0x0], $0xffff  }
0x1c8: {  	v32 =	vor.u32 $0x42A, v0;
	_ =	sdelay $0x3  }
0x1c9: {  	[tilespmem:$0x7AD0] =	vst v5  }
0x1ca: {  	v5 =	vld.idx.msk [tilespmem:v32+s16+$0x0], $0xffff  }
0x1cb: {  	v33 =	vor.u32 $0x42B, v0;
	_ =	sdelay $0x3  }
0x1cc: {  	[tilespmem:$0x7B10] =	vst v5  }
0x1cd: {  	v5 =	vld.idx.msk [tilespmem:v33+s16+$0x0], $0xffff  }
0x1ce: {  	v34 =	vor.u32 $0x42C, v0;
	_ =	sdelay $0x3  }
0x1cf: {  	[tilespmem:$0x7B50] =	vst v5  }
0x1d0: {  	v5 =	vld.idx.msk [tilespmem:v34+s16+$0x0], $0xffff  }
0x1d1: {  	v35 =	vor.u32 $0x42D, v0;
	_ =	sdelay $0x3  }
0x1d2: {  	[tilespmem:$0x7B90] =	vst v5  }
0x1d3: {  	v5 =	vld.idx.msk [tilespmem:v35+s16+$0x0], $0xffff  }
0x1d4: {  	v36 =	vor.u32 $0x42E, v0;
	_ =	sdelay $0x3  }
0x1d5: {  	[tilespmem:$0x7BD0] =	vst v5  }
0x1d6: {  	v5 =	vld.idx.msk [tilespmem:v36+s16+$0x0], $0xffff  }
0x1d7: {  	v37 =	vor.u32 $0x42F, v0;
	_ =	sdelay $0x3  }
0x1d8: {  	[tilespmem:$0x7C10] =	vst v5  }
0x1d9: {  	v5 =	vld.idx.msk [tilespmem:v37+s16+$0x0], $0xffff  }
0x1da: {  	v38 =	vor.u32 $0x430, v0;
	_ =	sdelay $0x3  }
0x1db: {  	[tilespmem:$0x7C50] =	vst v5  }
0x1dc: {  	v5 =	vld.idx.msk [tilespmem:v38+s16+$0x0], $0xffff  }
0x1dd: {  	v39 =	vor.u32 $0x431, v0;
	_ =	sdelay $0x3  }
0x1de: {  	[tilespmem:$0x7C90] =	vst v5  }
0x1df: {  	v5 =	vld.idx.msk [tilespmem:v39+s16+$0x0], $0xffff  }
0x1e0: {  	v40 =	vor.u32 $0x432, v0;
	_ =	sdelay $0x3  }
0x1e1: {  	[tilespmem:$0x7CD0] =	vst v5  }
0x1e2: {  	v5 =	vld.idx.msk [tilespmem:v40+s16+$0x0], $0xffff  }
0x1e3: {  	v41 =	vor.u32 $0x433, v0;
	_ =	sdelay $0x3  }
0x1e4: {  	[tilespmem:$0x7D10] =	vst v5  }
0x1e5: {  	v5 =	vld.idx.msk [tilespmem:v41+s16+$0x0], $0xffff  }
0x1e6: {  	v42 =	vor.u32 $0x434, v0;
	_ =	sdelay $0x3  }
0x1e7: {  	[tilespmem:$0x7D50] =	vst v5  }
0x1e8: {  	v5 =	vld.idx.msk [tilespmem:v42+s16+$0x0], $0xffff  }
0x1e9: {  	v43 =	vor.u32 $0x435, v0;
	_ =	sdelay $0x3  }
0x1ea: {  	[tilespmem:$0x7D90] =	vst v5  }
0x1eb: {  	v5 =	vld.idx.msk [tilespmem:v43+s16+$0x0], $0xffff  }
0x1ec: {  	v44 =	vor.u32 $0x436, v0;
	_ =	sdelay $0x3  }
0x1ed: {  	[tilespmem:$0x7DD0] =	vst v5  }
0x1ee: {  	v5 =	vld.idx.msk [tilespmem:v44+s16+$0x0], $0xffff  }
0x1ef: {  	v45 =	vor.u32 $0x437, v0;
	_ =	sdelay $0x3  }
0x1f0: {  	[tilespmem:$0x7E10] =	vst v5  }
0x1f1: {  	v5 =	vld.idx.msk [tilespmem:v45+s16+$0x0], $0xffff  }
0x1f2: {  	v46 =	vor.u32 $0x438, v0;
	_ =	sdelay $0x3  }
0x1f3: {  	[tilespmem:$0x7E50] =	vst v5  }
0x1f4: {  	v5 =	vld.idx.msk [tilespmem:v46+s16+$0x0], $0xffff  }
0x1f5: {  	v47 =	vor.u32 $0x439, v0;
	_ =	sdelay $0x3  }
0x1f6: {  	[tilespmem:$0x7E90] =	vst v5  }
0x1f7: {  	v5 =	vld.idx.msk [tilespmem:v47+s16+$0x0], $0xffff  }
0x1f8: {  	v48 =	vor.u32 $0x43A, v0;
	_ =	sdelay $0x3  }
0x1f9: {  	[tilespmem:$0x7ED0] =	vst v5  }
0x1fa: {  	v5 =	vld.idx.msk [tilespmem:v48+s16+$0x0], $0xffff  }
0x1fb: {  	v49 =	vor.u32 $0x43B, v0;
	_ =	sdelay $0x3  }
0x1fc: {  	[tilespmem:$0x7F10] =	vst v5  }
0x1fd: {  	v5 =	vld.idx.msk [tilespmem:v49+s16+$0x0], $0xffff  }
0x1fe: {  	v50 =	vor.u32 $0x43C, v0;
	_ =	sdelay $0x3  }
0x1ff: {  	[tilespmem:$0x7F50] =	vst v5  }
0x200: {  	v5 =	vld.idx.msk [tilespmem:v50+s16+$0x0], $0xffff  }
0x201: {  	v51 =	vor.u32 $0x43D, v0;
	_ =	sdelay $0x3  }
0x202: {  	[tilespmem:$0x7F90] =	vst v5  }
0x203: {  	v5 =	vld.idx.msk [tilespmem:v51+s16+$0x0], $0xffff  }
0x204: {  	v52 =	vor.u32 $0x43E, v0;
	_ =	sdelay $0x3  }
0x205: {  	[tilespmem:$0x7FD0] =	vst v5  }
0x206: {  	v5 =	vld.idx.msk [tilespmem:v52+s16+$0x0], $0xffff  }
0x207: {  	v53 =	vor.u32 $0x43F, v0;
	_ =	sdelay $0x3  }
0x208: {  	[tilespmem:$0x8010] =	vst v5  }
0x209: {  	v5 =	vld.idx.msk [tilespmem:v53+s16+$0x0], $0xffff  }
0x20a: {  	v54 =	vor.u32 $0x800, v0;
	_ =	sdelay $0x3  }
0x20b: {  	[tilespmem:$0x8050] =	vst v5  }
0x20c: {  	v5 =	vld.idx.msk [tilespmem:v54+s16+$0x0], $0xffff  }
0x20d: {  	v55 =	vor.u32 $0x801, v0;
	_ =	sdelay $0x3  }
0x20e: {  	[tilespmem:$0x70A0] =	vst v5  }
0x20f: {  	v5 =	vld.idx.msk [tilespmem:v55+s16+$0x0], $0xffff  }
0x210: {  	v56 =	vor.u32 $0x802, v0;
	_ =	sdelay $0x3  }
0x211: {  	[tilespmem:$0x70E0] =	vst v5  }
0x212: {  	v5 =	vld.idx.msk [tilespmem:v56+s16+$0x0], $0xffff  }
0x213: {  	v57 =	vor.u32 $0x803, v0;
	_ =	sdelay $0x3  }
0x214: {  	[tilespmem:$0x7120] =	vst v5  }
0x215: {  	v5 =	vld.idx.msk [tilespmem:v57+s16+$0x0], $0xffff  }
0x216: {  	v58 =	vor.u32 $0x804, v0;
	_ =	sdelay $0x3  }
0x217: {  	[tilespmem:$0x7160] =	vst v5  }
0x218: {  	v5 =	vld.idx.msk [tilespmem:v58+s16+$0x0], $0xffff  }
0x219: {  	v59 =	vor.u32 $0x805, v0;
	_ =	sdelay $0x3  }
0x21a: {  	[tilespmem:$0x71A0] =	vst v5  }
0x21b: {  	v5 =	vld.idx.msk [tilespmem:v59+s16+$0x0], $0xffff  }
0x21c: {  	v60 =	vor.u32 $0x806, v0;
	_ =	sdelay $0x3  }
0x21d: {  	[tilespmem:$0x71E0] =	vst v5  }
0x21e: {  	v5 =	vld.idx.msk [tilespmem:v60+s16+$0x0], $0xffff  }
0x21f: {  	v61 =	vor.u32 $0x807, v0;
	_ =	sdelay $0x3  }
0x220: {  	[tilespmem:$0x7220] =	vst v5  }
0x221: {  	v5 =	vld.idx.msk [tilespmem:v61+s16+$0x0], $0xffff  }
0x222: {  	v62 =	vor.u32 $0x808, v0;
	_ =	sdelay $0x3  }
0x223: {  	[tilespmem:$0x7260] =	vst v5  }
0x224: {  	v5 =	vld.idx.msk [tilespmem:v62+s16+$0x0], $0xffff  }
0x225: {  	v63 =	vor.u32 $0x809, v0;
	_ =	sdelay $0x3  }
0x226: {  	[tilespmem:$0x72A0] =	vst v5  }
0x227: {  	v5 =	vld.idx.msk [tilespmem:v63+s16+$0x0], $0xffff  }
0x228: {  	v1 =	vor.u32 $0x80A, v0;
	_ =	sdelay $0x3  }
0x229: {  	[tilespmem:$0x72E0] =	vst v5  }
0x22a: {  	v5 =	vld.idx.msk [tilespmem:v1+s16+$0x0], $0xffff  }
0x22b: {  	v2 =	vor.u32 $0x80B, v0;
	_ =	sdelay $0x3  }
0x22c: {  	[tilespmem:$0x7320] =	vst v5  }
0x22d: {  	v5 =	vld.idx.msk [tilespmem:v2+s16+$0x0], $0xffff  }
0x22e: {  	v3 =	vor.u32 $0x80C, v0;
	_ =	sdelay $0x3  }
0x22f: {  	[tilespmem:$0x7360] =	vst v5  }
0x230: {  	v5 =	vld.idx.msk [tilespmem:v3+s16+$0x0], $0xffff  }
0x231: {  	v9 =	vor.u32 $0x80D, v0;
	_ =	sdelay $0x3  }
0x232: {  	[tilespmem:$0x73A0] =	vst v5  }
0x233: {  	v5 =	vld.idx.msk [tilespmem:v9+s16+$0x0], $0xffff  }
0x234: {  	v10 =	vor.u32 $0x80E, v0;
	_ =	sdelay $0x3  }
0x235: {  	[tilespmem:$0x73E0] =	vst v5  }
0x236: {  	v5 =	vld.idx.msk [tilespmem:v10+s16+$0x0], $0xffff  }
0x237: {  	v11 =	vor.u32 $0x80F, v0;
	_ =	sdelay $0x3  }
0x238: {  	[tilespmem:$0x7420] =	vst v5  }
0x239: {  	v5 =	vld.idx.msk [tilespmem:v11+s16+$0x0], $0xffff  }
0x23a: {  	v12 =	vor.u32 $0x810, v0;
	_ =	sdelay $0x3  }
0x23b: {  	[tilespmem:$0x7460] =	vst v5  }
0x23c: {  	v5 =	vld.idx.msk [tilespmem:v12+s16+$0x0], $0xffff  }
0x23d: {  	v13 =	vor.u32 $0x811, v0;
	_ =	sdelay $0x3  }
0x23e: {  	[tilespmem:$0x74A0] =	vst v5  }
0x23f: {  	v5 =	vld.idx.msk [tilespmem:v13+s16+$0x0], $0xffff  }
0x240: {  	v14 =	vor.u32 $0x812, v0;
	_ =	sdelay $0x3  }
0x241: {  	[tilespmem:$0x74E0] =	vst v5  }
0x242: {  	v5 =	vld.idx.msk [tilespmem:v14+s16+$0x0], $0xffff  }
0x243: {  	v15 =	vor.u32 $0x813, v0;
	_ =	sdelay $0x3  }
0x244: {  	[tilespmem:$0x7520] =	vst v5  }
0x245: {  	v5 =	vld.idx.msk [tilespmem:v15+s16+$0x0], $0xffff  }
0x246: {  	v16 =	vor.u32 $0x814, v0;
	_ =	sdelay $0x3  }
0x247: {  	[tilespmem:$0x7560] =	vst v5  }
0x248: {  	v5 =	vld.idx.msk [tilespmem:v16+s16+$0x0], $0xffff  }
0x249: {  	v17 =	vor.u32 $0x815, v0;
	_ =	sdelay $0x3  }
0x24a: {  	[tilespmem:$0x75A0] =	vst v5  }
0x24b: {  	v5 =	vld.idx.msk [tilespmem:v17+s16+$0x0], $0xffff  }
0x24c: {  	v18 =	vor.u32 $0x816, v0;
	_ =	sdelay $0x3  }
0x24d: {  	[tilespmem:$0x75E0] =	vst v5  }
0x24e: {  	v5 =	vld.idx.msk [tilespmem:v18+s16+$0x0], $0xffff  }
0x24f: {  	v19 =	vor.u32 $0x817, v0;
	_ =	sdelay $0x3  }
0x250: {  	[tilespmem:$0x7620] =	vst v5  }
0x251: {  	v5 =	vld.idx.msk [tilespmem:v19+s16+$0x0], $0xffff  }
0x252: {  	v20 =	vor.u32 $0x818, v0;
	_ =	sdelay $0x3  }
0x253: {  	[tilespmem:$0x7660] =	vst v5  }
0x254: {  	v5 =	vld.idx.msk [tilespmem:v20+s16+$0x0], $0xffff  }
0x255: {  	v21 =	vor.u32 $0x819, v0;
	_ =	sdelay $0x3  }
0x256: {  	[tilespmem:$0x76A0] =	vst v5  }
0x257: {  	v5 =	vld.idx.msk [tilespmem:v21+s16+$0x0], $0xffff  }
0x258: {  	v22 =	vor.u32 $0x81A, v0;
	_ =	sdelay $0x3  }
0x259: {  	[tilespmem:$0x76E0] =	vst v5  }
0x25a: {  	v5 =	vld.idx.msk [tilespmem:v22+s16+$0x0], $0xffff  }
0x25b: {  	v23 =	vor.u32 $0x81B, v0;
	_ =	sdelay $0x3  }
0x25c: {  	[tilespmem:$0x7720] =	vst v5  }
0x25d: {  	v5 =	vld.idx.msk [tilespmem:v23+s16+$0x0], $0xffff  }
0x25e: {  	v24 =	vor.u32 $0x81C, v0;
	_ =	sdelay $0x3  }
0x25f: {  	[tilespmem:$0x7760] =	vst v5  }
0x260: {  	v5 =	vld.idx.msk [tilespmem:v24+s16+$0x0], $0xffff  }
0x261: {  	v25 =	vor.u32 $0x81D, v0;
	_ =	sdelay $0x3  }
0x262: {  	[tilespmem:$0x77A0] =	vst v5  }
0x263: {  	v5 =	vld.idx.msk [tilespmem:v25+s16+$0x0], $0xffff  }
0x264: {  	v26 =	vor.u32 $0x81E, v0;
	_ =	sdelay $0x3  }
0x265: {  	[tilespmem:$0x77E0] =	vst v5  }
0x266: {  	v5 =	vld.idx.msk [tilespmem:v26+s16+$0x0], $0xffff  }
0x267: {  	v27 =	vor.u32 $0x81F, v0;
	_ =	sdelay $0x3  }
0x268: {  	[tilespmem:$0x7820] =	vst v5  }
0x269: {  	v5 =	vld.idx.msk [tilespmem:v27+s16+$0x0], $0xffff  }
0x26a: {  	v28 =	vor.u32 $0x820, v0;
	_ =	sdelay $0x3  }
0x26b: {  	[tilespmem:$0x7860] =	vst v5  }
0x26c: {  	v5 =	vld.idx.msk [tilespmem:v28+s16+$0x0], $0xffff  }
0x26d: {  	v29 =	vor.u32 $0x821, v0;
	_ =	sdelay $0x3  }
0x26e: {  	[tilespmem:$0x78A0] =	vst v5  }
0x26f: {  	v5 =	vld.idx.msk [tilespmem:v29+s16+$0x0], $0xffff  }
0x270: {  	v30 =	vor.u32 $0x822, v0;
	_ =	sdelay $0x3  }
0x271: {  	[tilespmem:$0x78E0] =	vst v5  }
0x272: {  	v5 =	vld.idx.msk [tilespmem:v30+s16+$0x0], $0xffff  }
0x273: {  	v31 =	vor.u32 $0x823, v0;
	_ =	sdelay $0x3  }
0x274: {  	[tilespmem:$0x7920] =	vst v5  }
0x275: {  	v5 =	vld.idx.msk [tilespmem:v31+s16+$0x0], $0xffff  }
0x276: {  	v32 =	vor.u32 $0x824, v0;
	_ =	sdelay $0x3  }
0x277: {  	[tilespmem:$0x7960] =	vst v5  }
0x278: {  	v5 =	vld.idx.msk [tilespmem:v32+s16+$0x0], $0xffff  }
0x279: {  	v33 =	vor.u32 $0x825, v0;
	_ =	sdelay $0x3  }
0x27a: {  	[tilespmem:$0x79A0] =	vst v5  }
0x27b: {  	v5 =	vld.idx.msk [tilespmem:v33+s16+$0x0], $0xffff  }
0x27c: {  	v34 =	vor.u32 $0x826, v0;
	_ =	sdelay $0x3  }
0x27d: {  	[tilespmem:$0x79E0] =	vst v5  }
0x27e: {  	v5 =	vld.idx.msk [tilespmem:v34+s16+$0x0], $0xffff  }
0x27f: {  	v35 =	vor.u32 $0x827, v0;
	_ =	sdelay $0x3  }
0x280: {  	[tilespmem:$0x7A20] =	vst v5  }
0x281: {  	v5 =	vld.idx.msk [tilespmem:v35+s16+$0x0], $0xffff  }
0x282: {  	v36 =	vor.u32 $0x828, v0;
	_ =	sdelay $0x3  }
0x283: {  	[tilespmem:$0x7A60] =	vst v5  }
0x284: {  	v5 =	vld.idx.msk [tilespmem:v36+s16+$0x0], $0xffff  }
0x285: {  	v37 =	vor.u32 $0x829, v0;
	_ =	sdelay $0x3  }
0x286: {  	[tilespmem:$0x7AA0] =	vst v5  }
0x287: {  	v5 =	vld.idx.msk [tilespmem:v37+s16+$0x0], $0xffff  }
0x288: {  	v38 =	vor.u32 $0x82A, v0;
	_ =	sdelay $0x3  }
0x289: {  	[tilespmem:$0x7AE0] =	vst v5  }
0x28a: {  	v5 =	vld.idx.msk [tilespmem:v38+s16+$0x0], $0xffff  }
0x28b: {  	v39 =	vor.u32 $0x82B, v0;
	_ =	sdelay $0x3  }
0x28c: {  	[tilespmem:$0x7B20] =	vst v5  }
0x28d: {  	v5 =	vld.idx.msk [tilespmem:v39+s16+$0x0], $0xffff  }
0x28e: {  	v40 =	vor.u32 $0x82C, v0;
	_ =	sdelay $0x3  }
0x28f: {  	[tilespmem:$0x7B60] =	vst v5  }
0x290: {  	v5 =	vld.idx.msk [tilespmem:v40+s16+$0x0], $0xffff  }
0x291: {  	v41 =	vor.u32 $0x82D, v0;
	_ =	sdelay $0x3  }
0x292: {  	[tilespmem:$0x7BA0] =	vst v5  }
0x293: {  	v5 =	vld.idx.msk [tilespmem:v41+s16+$0x0], $0xffff  }
0x294: {  	v42 =	vor.u32 $0x82E, v0;
	_ =	sdelay $0x3  }
0x295: {  	[tilespmem:$0x7BE0] =	vst v5  }
0x296: {  	v5 =	vld.idx.msk [tilespmem:v42+s16+$0x0], $0xffff  }
0x297: {  	v43 =	vor.u32 $0x82F, v0;
	_ =	sdelay $0x3  }
0x298: {  	[tilespmem:$0x7C20] =	vst v5  }
0x299: {  	v5 =	vld.idx.msk [tilespmem:v43+s16+$0x0], $0xffff  }
0x29a: {  	v44 =	vor.u32 $0x830, v0;
	_ =	sdelay $0x3  }
0x29b: {  	[tilespmem:$0x7C60] =	vst v5  }
0x29c: {  	v5 =	vld.idx.msk [tilespmem:v44+s16+$0x0], $0xffff  }
0x29d: {  	v45 =	vor.u32 $0x831, v0;
	_ =	sdelay $0x3  }
0x29e: {  	[tilespmem:$0x7CA0] =	vst v5  }
0x29f: {  	v5 =	vld.idx.msk [tilespmem:v45+s16+$0x0], $0xffff  }
0x2a0: {  	v46 =	vor.u32 $0x832, v0;
	_ =	sdelay $0x3  }
0x2a1: {  	[tilespmem:$0x7CE0] =	vst v5  }
0x2a2: {  	v5 =	vld.idx.msk [tilespmem:v46+s16+$0x0], $0xffff  }
0x2a3: {  	v47 =	vor.u32 $0x833, v0;
	_ =	sdelay $0x3  }
0x2a4: {  	[tilespmem:$0x7D20] =	vst v5  }
0x2a5: {  	v5 =	vld.idx.msk [tilespmem:v47+s16+$0x0], $0xffff  }
0x2a6: {  	v48 =	vor.u32 $0x834, v0;
	_ =	sdelay $0x3  }
0x2a7: {  	[tilespmem:$0x7D60] =	vst v5  }
0x2a8: {  	v5 =	vld.idx.msk [tilespmem:v48+s16+$0x0], $0xffff  }
0x2a9: {  	v49 =	vor.u32 $0x835, v0;
	_ =	sdelay $0x3  }
0x2aa: {  	[tilespmem:$0x7DA0] =	vst v5  }
0x2ab: {  	v5 =	vld.idx.msk [tilespmem:v49+s16+$0x0], $0xffff  }
0x2ac: {  	v50 =	vor.u32 $0x836, v0;
	_ =	sdelay $0x3  }
0x2ad: {  	[tilespmem:$0x7DE0] =	vst v5  }
0x2ae: {  	v5 =	vld.idx.msk [tilespmem:v50+s16+$0x0], $0xffff  }
0x2af: {  	v51 =	vor.u32 $0x837, v0;
	_ =	sdelay $0x3  }
0x2b0: {  	[tilespmem:$0x7E20] =	vst v5  }
0x2b1: {  	v5 =	vld.idx.msk [tilespmem:v51+s16+$0x0], $0xffff  }
0x2b2: {  	v52 =	vor.u32 $0x838, v0;
	_ =	sdelay $0x3  }
0x2b3: {  	[tilespmem:$0x7E60] =	vst v5  }
0x2b4: {  	v5 =	vld.idx.msk [tilespmem:v52+s16+$0x0], $0xffff  }
0x2b5: {  	v53 =	vor.u32 $0x839, v0;
	_ =	sdelay $0x3  }
0x2b6: {  	[tilespmem:$0x7EA0] =	vst v5  }
0x2b7: {  	v5 =	vld.idx.msk [tilespmem:v53+s16+$0x0], $0xffff  }
0x2b8: {  	v54 =	vor.u32 $0x83A, v0;
	_ =	sdelay $0x3  }
0x2b9: {  	[tilespmem:$0x7EE0] =	vst v5  }
0x2ba: {  	v5 =	vld.idx.msk [tilespmem:v54+s16+$0x0], $0xffff  }
0x2bb: {  	v55 =	vor.u32 $0x83B, v0;
	_ =	sdelay $0x3  }
0x2bc: {  	[tilespmem:$0x7F20] =	vst v5  }
0x2bd: {  	v5 =	vld.idx.msk [tilespmem:v55+s16+$0x0], $0xffff  }
0x2be: {  	v56 =	vor.u32 $0x83C, v0;
	_ =	sdelay $0x3  }
0x2bf: {  	[tilespmem:$0x7F60] =	vst v5  }
0x2c0: {  	v5 =	vld.idx.msk [tilespmem:v56+s16+$0x0], $0xffff  }
0x2c1: {  	v57 =	vor.u32 $0x83D, v0;
	_ =	sdelay $0x3  }
0x2c2: {  	[tilespmem:$0x7FA0] =	vst v5  }
0x2c3: {  	v5 =	vld.idx.msk [tilespmem:v57+s16+$0x0], $0xffff  }
0x2c4: {  	v58 =	vor.u32 $0x83E, v0;
	_ =	sdelay $0x3  }
0x2c5: {  	[tilespmem:$0x7FE0] =	vst v5  }
0x2c6: {  	v5 =	vld.idx.msk [tilespmem:v58+s16+$0x0], $0xffff  }
0x2c7: {  	v59 =	vor.u32 $0x83F, v0;
	_ =	sdelay $0x2  }
0x2c8: {  	v60 =	vld [tilespmem:$0x1F800]  }
0x2c9: {  	[tilespmem:$0x8020] =	vst v5  }
0x2ca: {  	v5 =	vld.idx.msk [tilespmem:v59+s16+$0x0], $0xffff;
	_ =	sdelay $0x3  }
0x2cb: {  	v61 =	vld [tilespmem:$0x1F810]  }
0x2cc: {  	[tilespmem:$0x8060] =	vst v5  }
0x2cd: {  	v5 =	vld.idx.msk [tilespmem:v60+s16+$0x0], $0xffff;
	_ =	sdelay $0x3  }
0x2ce: {  	v62 =	vld [tilespmem:$0x1F820]  }
0x2cf: {  	[tilespmem:$0x70B0] =	vst v5  }
0x2d0: {  	v5 =	vld.idx.msk [tilespmem:v61+s16+$0x0], $0xffff;
	_ =	sdelay $0x3  }
0x2d1: {  	v63 =	vld [tilespmem:$0x1F830]  }
0x2d2: {  	[tilespmem:$0x70F0] =	vst v5  }
0x2d3: {  	v5 =	vld.idx.msk [tilespmem:v62+s16+$0x0], $0xffff;
	_ =	sdelay $0x3  }
0x2d4: {  	v4 =	vld [tilespmem:$0x1F840]  }
0x2d5: {  	[tilespmem:$0x7130] =	vst v5  }
0x2d6: {  	v5 =	vld.idx.msk [tilespmem:v63+s16+$0x0], $0xffff;
	_ =	sdelay $0x4  }
0x2d7: {  	[tilespmem:$0x7170] =	vst v5  }
0x2d8: {  	v5 =	vld.idx.msk [tilespmem:v4+s16+$0x0], $0xffff;
	_ =	sdelay $0x4  }
0x2d9: {  	[tilespmem:$0x71B0] =	vst v5;
	v5 =	vld [tilespmem:$0x1F850];
	_ =	sdelay $0x5  }
0x2da: {  	v6 =	vld [tilespmem:$0x1F860];
	_ =	sdelay $0x1  }
0x2db: {  	v5 =	vld.idx.msk [tilespmem:v5+s16+$0x0], $0xffff;
	_ =	sdelay $0x3  }
0x2dc: {  	v7 =	vld [tilespmem:$0x1F870]  }
0x2dd: {  	[tilespmem:$0x71F0] =	vst v5  }
0x2de: {  	v5 =	vld.idx.msk [tilespmem:v6+s16+$0x0], $0xffff;
	_ =	sdelay $0x3  }
0x2df: {  	v8 =	vld [tilespmem:$0x1F880]  }
0x2e0: {  	[tilespmem:$0x7230] =	vst v5  }
0x2e1: {  	v5 =	vld.idx.msk [tilespmem:v7+s16+$0x0], $0xffff;
	_ =	sdelay $0x3  }
0x2e2: {  	v9 =	vld [tilespmem:$0x1F890]  }
0x2e3: {  	[tilespmem:$0x7270] =	vst v5  }
0x2e4: {  	v5 =	vld.idx.msk [tilespmem:v8+s16+$0x0], $0xffff;
	_ =	sdelay $0x3  }
0x2e5: {  	v10 =	vld [tilespmem:$0x1F8A0]  }
0x2e6: {  	[tilespmem:$0x72B0] =	vst v5  }
0x2e7: {  	v5 =	vld.idx.msk [tilespmem:v9+s16+$0x0], $0xffff;
	_ =	sdelay $0x3  }
0x2e8: {  	v11 =	vld [tilespmem:$0x1F8B0]  }
0x2e9: {  	[tilespmem:$0x72F0] =	vst v5  }
0x2ea: {  	v5 =	vld.idx.msk [tilespmem:v10+s16+$0x0], $0xffff;
	_ =	sdelay $0x3  }
0x2eb: {  	v12 =	vld [tilespmem:$0x1F8C0]  }
0x2ec: {  	[tilespmem:$0x7330] =	vst v5  }
0x2ed: {  	v5 =	vld.idx.msk [tilespmem:v11+s16+$0x0], $0xffff;
	_ =	sdelay $0x3  }
0x2ee: {  	v13 =	vld [tilespmem:$0x1F8D0]  }
0x2ef: {  	[tilespmem:$0x7370] =	vst v5  }
0x2f0: {  	v5 =	vld.idx.msk [tilespmem:v12+s16+$0x0], $0xffff;
	_ =	sdelay $0x3  }
0x2f1: {  	v14 =	vld [tilespmem:$0x1F8E0]  }
0x2f2: {  	[tilespmem:$0x73B0] =	vst v5  }
0x2f3: {  	v5 =	vld.idx.msk [tilespmem:v13+s16+$0x0], $0xffff;
	_ =	sdelay $0x3  }
0x2f4: {  	v15 =	vld [tilespmem:$0x1F8F0]  }
0x2f5: {  	[tilespmem:$0x73F0] =	vst v5  }
0x2f6: {  	v5 =	vld.idx.msk [tilespmem:v14+s16+$0x0], $0xffff;
	_ =	sdelay $0x3  }
0x2f7: {  	v16 =	vld [tilespmem:$0x1F900]  }
0x2f8: {  	[tilespmem:$0x7430] =	vst v5  }
0x2f9: {  	v5 =	vld.idx.msk [tilespmem:v15+s16+$0x0], $0xffff;
	_ =	sdelay $0x3  }
0x2fa: {  	v17 =	vld [tilespmem:$0x1F910]  }
0x2fb: {  	[tilespmem:$0x7470] =	vst v5  }
0x2fc: {  	v5 =	vld.idx.msk [tilespmem:v16+s16+$0x0], $0xffff;
	_ =	sdelay $0x3  }
0x2fd: {  	v18 =	vld [tilespmem:$0x1F920]  }
0x2fe: {  	[tilespmem:$0x74B0] =	vst v5  }
0x2ff: {  	v5 =	vld.idx.msk [tilespmem:v17+s16+$0x0], $0xffff;
	_ =	sdelay $0x3  }
0x300: {  	v19 =	vld [tilespmem:$0x1F930]  }
0x301: {  	[tilespmem:$0x74F0] =	vst v5  }
0x302: {  	v5 =	vld.idx.msk [tilespmem:v18+s16+$0x0], $0xffff;
	_ =	sdelay $0x3  }
0x303: {  	v20 =	vld [tilespmem:$0x1F940]  }
0x304: {  	[tilespmem:$0x7530] =	vst v5  }
0x305: {  	v5 =	vld.idx.msk [tilespmem:v19+s16+$0x0], $0xffff;
	_ =	sdelay $0x3  }
0x306: {  	v21 =	vld [tilespmem:$0x1F950]  }
0x307: {  	[tilespmem:$0x7570] =	vst v5  }
0x308: {  	v5 =	vld.idx.msk [tilespmem:v20+s16+$0x0], $0xffff;
	_ =	sdelay $0x3  }
0x309: {  	v22 =	vld [tilespmem:$0x1F960]  }
0x30a: {  	[tilespmem:$0x75B0] =	vst v5  }
0x30b: {  	v5 =	vld.idx.msk [tilespmem:v21+s16+$0x0], $0xffff;
	_ =	sdelay $0x3  }
0x30c: {  	v23 =	vld [tilespmem:$0x1F970]  }
0x30d: {  	[tilespmem:$0x75F0] =	vst v5  }
0x30e: {  	v5 =	vld.idx.msk [tilespmem:v22+s16+$0x0], $0xffff;
	_ =	sdelay $0x3  }
0x30f: {  	v24 =	vld [tilespmem:$0x1F980]  }
0x310: {  	[tilespmem:$0x7630] =	vst v5  }
0x311: {  	v5 =	vld.idx.msk [tilespmem:v23+s16+$0x0], $0xffff;
	_ =	sdelay $0x3  }
0x312: {  	v25 =	vld [tilespmem:$0x1F990]  }
0x313: {  	[tilespmem:$0x7670] =	vst v5  }
0x314: {  	v5 =	vld.idx.msk [tilespmem:v24+s16+$0x0], $0xffff;
	_ =	sdelay $0x3  }
0x315: {  	v26 =	vld [tilespmem:$0x1F9A0]  }
0x316: {  	[tilespmem:$0x76B0] =	vst v5  }
0x317: {  	v5 =	vld.idx.msk [tilespmem:v25+s16+$0x0], $0xffff;
	_ =	sdelay $0x3  }
0x318: {  	v27 =	vld [tilespmem:$0x1F9B0]  }
0x319: {  	[tilespmem:$0x76F0] =	vst v5  }
0x31a: {  	v5 =	vld.idx.msk [tilespmem:v26+s16+$0x0], $0xffff;
	_ =	sdelay $0x3  }
0x31b: {  	v28 =	vld [tilespmem:$0x1F9C0]  }
0x31c: {  	[tilespmem:$0x7730] =	vst v5  }
0x31d: {  	v5 =	vld.idx.msk [tilespmem:v27+s16+$0x0], $0xffff;
	_ =	sdelay $0x3  }
0x31e: {  	v29 =	vld [tilespmem:$0x1F9D0]  }
0x31f: {  	[tilespmem:$0x7770] =	vst v5  }
0x320: {  	v5 =	vld.idx.msk [tilespmem:v28+s16+$0x0], $0xffff;
	_ =	sdelay $0x3  }
0x321: {  	v30 =	vld [tilespmem:$0x1F9E0]  }
0x322: {  	[tilespmem:$0x77B0] =	vst v5  }
0x323: {  	v5 =	vld.idx.msk [tilespmem:v29+s16+$0x0], $0xffff;
	_ =	sdelay $0x3  }
0x324: {  	v31 =	vld [tilespmem:$0x1F9F0]  }
0x325: {  	[tilespmem:$0x77F0] =	vst v5  }
0x326: {  	v5 =	vld.idx.msk [tilespmem:v30+s16+$0x0], $0xffff;
	_ =	sdelay $0x3  }
0x327: {  	v32 =	vld [tilespmem:$0x1FA00]  }
0x328: {  	[tilespmem:$0x7830] =	vst v5  }
0x329: {  	v5 =	vld.idx.msk [tilespmem:v31+s16+$0x0], $0xffff;
	_ =	sdelay $0x3  }
0x32a: {  	v33 =	vld [tilespmem:$0x1FA10]  }
0x32b: {  	[tilespmem:$0x7870] =	vst v5  }
0x32c: {  	v5 =	vld.idx.msk [tilespmem:v32+s16+$0x0], $0xffff;
	_ =	sdelay $0x3  }
0x32d: {  	v34 =	vld [tilespmem:$0x1FA20]  }
0x32e: {  	[tilespmem:$0x78B0] =	vst v5  }
0x32f: {  	v5 =	vld.idx.msk [tilespmem:v33+s16+$0x0], $0xffff;
	_ =	sdelay $0x3  }
0x330: {  	v35 =	vld [tilespmem:$0x1FA30]  }
0x331: {  	[tilespmem:$0x78F0] =	vst v5  }
0x332: {  	v5 =	vld.idx.msk [tilespmem:v34+s16+$0x0], $0xffff;
	_ =	sdelay $0x3  }
0x333: {  	v36 =	vld [tilespmem:$0x1FA40]  }
0x334: {  	[tilespmem:$0x7930] =	vst v5  }
0x335: {  	v5 =	vld.idx.msk [tilespmem:v35+s16+$0x0], $0xffff;
	_ =	sdelay $0x3  }
0x336: {  	v37 =	vld [tilespmem:$0x1FA50]  }
0x337: {  	[tilespmem:$0x7970] =	vst v5  }
0x338: {  	v5 =	vld.idx.msk [tilespmem:v36+s16+$0x0], $0xffff;
	_ =	sdelay $0x3  }
0x339: {  	v38 =	vld [tilespmem:$0x1FA60]  }
0x33a: {  	[tilespmem:$0x79B0] =	vst v5  }
0x33b: {  	v5 =	vld.idx.msk [tilespmem:v37+s16+$0x0], $0xffff;
	_ =	sdelay $0x3  }
0x33c: {  	v39 =	vld [tilespmem:$0x1FA70]  }
0x33d: {  	[tilespmem:$0x79F0] =	vst v5  }
0x33e: {  	v5 =	vld.idx.msk [tilespmem:v38+s16+$0x0], $0xffff;
	_ =	sdelay $0x3  }
0x33f: {  	v40 =	vld [tilespmem:$0x1FA80]  }
0x340: {  	[tilespmem:$0x7A30] =	vst v5  }
0x341: {  	v5 =	vld.idx.msk [tilespmem:v39+s16+$0x0], $0xffff;
	_ =	sdelay $0x3  }
0x342: {  	v41 =	vld [tilespmem:$0x1FA90]  }
0x343: {  	[tilespmem:$0x7A70] =	vst v5  }
0x344: {  	v5 =	vld.idx.msk [tilespmem:v40+s16+$0x0], $0xffff;
	_ =	sdelay $0x3  }
0x345: {  	v42 =	vld [tilespmem:$0x1FAA0]  }
0x346: {  	[tilespmem:$0x7AB0] =	vst v5  }
0x347: {  	v5 =	vld.idx.msk [tilespmem:v41+s16+$0x0], $0xffff;
	_ =	sdelay $0x3  }
0x348: {  	v43 =	vld [tilespmem:$0x1FAB0]  }
0x349: {  	[tilespmem:$0x7AF0] =	vst v5  }
0x34a: {  	v5 =	vld.idx.msk [tilespmem:v42+s16+$0x0], $0xffff;
	_ =	sdelay $0x3  }
0x34b: {  	v44 =	vld [tilespmem:$0x1FAC0]  }
0x34c: {  	[tilespmem:$0x7B30] =	vst v5  }
0x34d: {  	v5 =	vld.idx.msk [tilespmem:v43+s16+$0x0], $0xffff;
	_ =	sdelay $0x3  }
0x34e: {  	v45 =	vld [tilespmem:$0x1FAD0]  }
0x34f: {  	[tilespmem:$0x7B70] =	vst v5  }
0x350: {  	v5 =	vld.idx.msk [tilespmem:v44+s16+$0x0], $0xffff;
	_ =	sdelay $0x3  }
0x351: {  	v46 =	vld [tilespmem:$0x1FAE0]  }
0x352: {  	[tilespmem:$0x7BB0] =	vst v5  }
0x353: {  	v5 =	vld.idx.msk [tilespmem:v45+s16+$0x0], $0xffff;
	_ =	sdelay $0x3  }
0x354: {  	v47 =	vld [tilespmem:$0x1FAF0]  }
0x355: {  	[tilespmem:$0x7BF0] =	vst v5  }
0x356: {  	v5 =	vld.idx.msk [tilespmem:v46+s16+$0x0], $0xffff;
	_ =	sdelay $0x3  }
0x357: {  	v48 =	vld [tilespmem:$0x1FB00]  }
0x358: {  	[tilespmem:$0x7C30] =	vst v5  }
0x359: {  	v5 =	vld.idx.msk [tilespmem:v47+s16+$0x0], $0xffff;
	_ =	sdelay $0x3  }
0x35a: {  	v49 =	vld [tilespmem:$0x1FB10]  }
0x35b: {  	[tilespmem:$0x7C70] =	vst v5  }
0x35c: {  	v5 =	vld.idx.msk [tilespmem:v48+s16+$0x0], $0xffff;
	_ =	sdelay $0x3  }
0x35d: {  	v50 =	vld [tilespmem:$0x1FB20]  }
0x35e: {  	[tilespmem:$0x7CB0] =	vst v5  }
0x35f: {  	v5 =	vld.idx.msk [tilespmem:v49+s16+$0x0], $0xffff;
	_ =	sdelay $0x3  }
0x360: {  	v51 =	vld [tilespmem:$0x1FB30]  }
0x361: {  	[tilespmem:$0x7CF0] =	vst v5  }
0x362: {  	v5 =	vld.idx.msk [tilespmem:v50+s16+$0x0], $0xffff;
	_ =	sdelay $0x3  }
0x363: {  	v52 =	vld [tilespmem:$0x1FB40]  }
0x364: {  	[tilespmem:$0x7D30] =	vst v5  }
0x365: {  	v5 =	vld.idx.msk [tilespmem:v51+s16+$0x0], $0xffff;
	_ =	sdelay $0x3  }
0x366: {  	v53 =	vld [tilespmem:$0x1FB50]  }
0x367: {  	[tilespmem:$0x7D70] =	vst v5  }
0x368: {  	v5 =	vld.idx.msk [tilespmem:v52+s16+$0x0], $0xffff;
	_ =	sdelay $0x3  }
0x369: {  	v54 =	vld [tilespmem:$0x1FB60]  }
0x36a: {  	[tilespmem:$0x7DB0] =	vst v5  }
0x36b: {  	v5 =	vld.idx.msk [tilespmem:v53+s16+$0x0], $0xffff;
	_ =	sdelay $0x3  }
0x36c: {  	v55 =	vld [tilespmem:$0x1FB70]  }
0x36d: {  	[tilespmem:$0x7DF0] =	vst v5  }
0x36e: {  	v5 =	vld.idx.msk [tilespmem:v54+s16+$0x0], $0xffff;
	_ =	sdelay $0x3  }
0x36f: {  	v56 =	vld [tilespmem:$0x1FB80]  }
0x370: {  	[tilespmem:$0x7E30] =	vst v5  }
0x371: {  	v5 =	vld.idx.msk [tilespmem:v55+s16+$0x0], $0xffff;
	_ =	sdelay $0x3  }
0x372: {  	v57 =	vld [tilespmem:$0x1FB90]  }
0x373: {  	[tilespmem:$0x7E70] =	vst v5  }
0x374: {  	v5 =	vld.idx.msk [tilespmem:v56+s16+$0x0], $0xffff;
	_ =	sdelay $0x3  }
0x375: {  	v58 =	vld [tilespmem:$0x1FBA0]  }
0x376: {  	[tilespmem:$0x7EB0] =	vst v5  }
0x377: {  	v5 =	vld.idx.msk [tilespmem:v57+s16+$0x0], $0xffff;
	_ =	sdelay $0x3  }
0x378: {  	v59 =	vld [tilespmem:$0x1FBB0]  }
0x379: {  	[tilespmem:$0x7EF0] =	vst v5  }
0x37a: {  	v5 =	vld.idx.msk [tilespmem:v58+s16+$0x0], $0xffff;
	_ =	sdelay $0x3  }
0x37b: {  	v60 =	vld [tilespmem:$0x1FBC0]  }
0x37c: {  	[tilespmem:$0x7F30] =	vst v5  }
0x37d: {  	v5 =	vld.idx.msk [tilespmem:v59+s16+$0x0], $0xffff;
	_ =	sdelay $0x3  }
0x37e: {  	v61 =	vld [tilespmem:$0x1FBD0]  }
0x37f: {  	[tilespmem:$0x7F70] =	vst v5  }
0x380: {  	v5 =	vld.idx.msk [tilespmem:v60+s16+$0x0], $0xffff;
	_ =	sdelay $0x3  }
0x381: {  	v62 =	vld [tilespmem:$0x1FBE0]  }
0x382: {  	[tilespmem:$0x7FB0] =	vst v5  }
0x383: {  	v5 =	vld.idx.msk [tilespmem:v61+s16+$0x0], $0xffff;
	_ =	sdelay $0x3  }
0x384: {  	v63 =	vld [tilespmem:$0x1FBF0]  }
0x385: {  	[tilespmem:$0x7FF0] =	vst v5  }
0x386: {  	v5 =	vld.idx.msk [tilespmem:v62+s16+$0x0], $0xffff;
	_ =	sdelay $0x4  }
0x387: {  	[tilespmem:$0x8030] =	vst v5  }
0x388: {  	v5 =	vld.idx.msk [tilespmem:v63+s16+$0x0], $0xffff;
	_ =	sdelay $0x4  }
0x389: {  	s15 =	simm.s32 $0x0;
	[tilespmem:$0x8070] =	vst v5  }
.LBB2_2:
0x38a: {  	p0 =	seq.s32 s15, $0x0  }
0x38b: {  	s14 =	simm.s32 @!p0 $0x1  }
0x38c: {  	_ =	swait.ge @!p0 [sflag:s14], $0x400  }
0x38d: {  	[sflag:s14] =	ssyncset.done @!p0 $0x0  }
0x38e: {  	[sflag:s14] =	ssyncadd.s32 @!p0 $0xFFFFFC00  }
0x38f: {  	_ =	swait.ge @!p0 [sflag:s14], $0x400  }
0x390: {  	[sflag:s14] =	ssyncset.done @!p0 $0x0  }
0x391: {  	[sflag:s14] =	ssyncadd.s32 @!p0 $0xFFFFFC00  }
0x392: {  	_ =	swait.ge @!p0 [sflag:s14], $0x400  }
0x393: {  	[sflag:s14] =	ssyncset.done @!p0 $0x0  }
0x394: {  	[sflag:s14] =	ssyncadd.s32 @!p0 $0xFFFFFC00  }
0x395: {  	_ =	swait.ge @!p0 [sflag:s14], $0x400  }
0x396: {  	[sflag:s14] =	ssyncset.done @!p0 $0x0  }
0x397: {  	[sflag:s14] =	ssyncadd.s32 @!p0 $0xFFFFFC00  }
0x398: {  	_ =	swait.ge @!p0 [sflag:s14], $0x400  }
0x399: {  	[sflag:s14] =	ssyncset.done @!p0 $0x0  }
0x39a: {  	v0 =	vlaneseq.u32;
	[sflag:s14] =	ssyncadd.s32 @!p0 $0xFFFFFC00  }
0x39b: {  	v0 =	vmul.u32 $0xC8, v0;
	_ =	swait.ge @!p0 [sflag:s14], $0x400  }
0x39c: {  	s5 =	sshll.u32 s15, $0x1;
	[sflag:s14] =	ssyncset.done @!p0 $0x0  }
0x39d: {  	v6 =	vmov s5;
	v7 =	vadd.s32 s5, v0;
	[sflag:s14] =	ssyncadd.s32 @!p0 $0xFFFFFC00  }
0x39e: {  	v13 =	vand.u32 $0x6, v6;
	v7 =	vand.u32 $0x1FF8, v7;
	_ =	swait.ge @!p0 [sflag:s14], $0x400  }
0x39f: {  	v7 =	vor.u32 v13, v7;
	[sflag:s14] =	ssyncset.done @!p0 $0x0  }
0x3a0: {  	[sflag:s14] =	ssyncadd.s32 @!p0 $0xFFFFFC00  }
0x3a1: {  	_ =	swait.ge @!p0 [sflag:s14], $0x400  }
0x3a2: {  	v1 =	vadd.s32 $0xC80, v0;
	[sflag:s14] =	ssyncset.done @!p0 $0x0  }
0x3a3: {  	v8 =	vadd.s32 s5, v1;
	[sflag:s14] =	ssyncadd.s32 @!p0 $0xFFFFFC00;
	s14 =	simm.s32 $0x0  }
0x3a4: {  	v46 =	vand.u32 $0x3FF8, v8;
	v9 =	vld.idx.msk [tilespmem:v7+s14+$0x0], $0xffff  }
0x3a5: {  	v8 =	vor.u32 v13, v46;
	_ =	sdelay $0x2  }
0x3a6: {  	v47 =	vadd.s32 $0x1900, v0  }
0x3a7: {  	v48 =	vadd.s32 s5, v47;
	[tilespmem:$0x8080] =	vst v9  }
0x3a8: {  	v49 =	vand.u32 $0x7FF8, v48;
	v10 =	vld.idx.msk [tilespmem:v8+s14+$0x0], $0xffff  }
0x3a9: {  	v9 =	vor.u32 v13, v49;
	_ =	sdelay $0x2  }
0x3aa: {  	v50 =	vadd.s32 $0x2580, v0  }
0x3ab: {  	v51 =	vadd.s32 s5, v50;
	[tilespmem:$0x8090] =	vst v10  }
0x3ac: {  	v52 =	vand.u32 $0x7FF8, v51;
	v11 =	vld.idx.msk [tilespmem:v9+s14+$0x0], $0xffff  }
0x3ad: {  	v10 =	vor.u32 v13, v52;
	_ =	sdelay $0x2  }
0x3ae: {  	v53 =	vadd.s32 $0x3200, v0  }
0x3af: {  	v54 =	vadd.s32 s5, v53;
	[tilespmem:$0x80A0] =	vst v11  }
0x3b0: {  	v55 =	vand.u32 $0x7FF8, v54;
	v12 =	vld.idx.msk [tilespmem:v10+s14+$0x0], $0xffff  }
0x3b1: {  	v11 =	vor.u32 v13, v55;
	_ =	sdelay $0x2  }
0x3b2: {  	v56 =	vadd.s32 $0x3E80, v0;
	[tilespmem:$0x1F780] =	vst v1  }
0x3b3: {  	[tilespmem:$0x80B0] =	vst v12;
	v12 =	vadd.s32 s5, v56  }
0x3b4: {  	[tilespmem:$0x1F790] =	vst v47;
	v14 =	vld.idx.msk [tilespmem:v11+s14+$0x0], $0xffff;
	v57 =	vand.u32 $0xFFF8, v12  }
0x3b5: {  	[tilespmem:$0x1F7A0] =	vst v50;
	v12 =	vor.u32 v13, v57  }
0x3b6: {  	[tilespmem:$0x1F7B0] =	vst v53  }
0x3b7: {  	v58 =	vadd.s32 $0x4B00, v0;
	[tilespmem:$0x1F7C0] =	vst v56  }
0x3b8: {  	[tilespmem:$0x1F7D0] =	vst v58  }
0x3b9: {  	[tilespmem:$0x80C0] =	vst v14;
	v14 =	vadd.s32 s5, v58  }
0x3ba: {  	[tilespmem:$0x1F7E0] =	vst v0;
	v0 =	vadd.s32 $0x5780, v0;
	v15 =	vld.idx.msk [tilespmem:v12+s14+$0x0], $0xffff;
	v12 =	vand.u32 $0x7FF8, v14  }
0x3bb: {  	[tilespmem:$0x1F7F0] =	vst v0;
	v14 =	vor.u32 v13, v12  }
0x3bc: {  	v26 =	vld [tilespmem:$0x8080]  }
0x3bd: {  	v16 =	vld [tilespmem:$0x8080]  }
0x3be: {  	v25 =	vld [tilespmem:$0x8090]  }
0x3bf: {  	v24 =	vld [tilespmem:$0x80A0];
	[tilespmem:$0x80D0] =	vst v15;
	v15 =	vadd.s32 s5, v0  }
0x3c0: {  	v14 =	vld.idx.msk [tilespmem:v14+s14+$0x0], $0xffff;
	v15 =	vand.u32 $0xFFF8, v15  }
0x3c1: {  	v19 =	vld [tilespmem:$0x80A0];
	v13 =	vor.u32 v13, v15  }
0x3c2: {  	v23 =	vld [tilespmem:$0x80B0]  }
0x3c3: {  	v22 =	vld [tilespmem:$0x80C0]  }
0x3c4: {  	v18 =	vld [tilespmem:$0x80C0]  }
0x3c5: {  	v21 =	vld [tilespmem:$0x80D0];
	[tilespmem:$0x80E0] =	vst v14  }
0x3c6: {  	v13 =	vld.idx.msk [tilespmem:v13+s14+$0x0], $0xffff  }
0x3c7: {  	v17 =	vld [tilespmem:$0x80D0]  }
0x3c8: {  	v28 =	vadd.s32 s14, v26;
	v15 =	vld [tilespmem:$0x8090]  }
0x3c9: {  	v30 =	vadd.s32 s14, v25;
	v14 =	vld [tilespmem:$0x80B0]  }
0x3ca: {  	v31 =	vadd.s32 s14, v24;
	v20 =	vld [tilespmem:$0x80E0]  }
0x3cb: {  	v32 =	vadd.s32 s14, v23;
	v39 =	vld [tilespmem:$0x80E0];
	[tilespmem:$0x80F0] =	vst v13  }
0x3cc: {  	v33 =	vadd.s32 s14, v22;
	v27 =	vld [tilespmem:$0x80F0]  }
0x3cd: {  	s20 =	simm.s32 $0x40;
	v34 =	vadd.s32 s14, v21;
	v28 =	vld.idx.msk [tilespmem:v28+s17+$0x0], $0xffff  }
0x3ce: {  	s21 =	simm.s32 $0x80;
	v60 =	vadd.s32 s20, v26;
	v30 =	vld.idx.msk [tilespmem:v30+s17+$0x0], $0xffff  }
0x3cf: {  	s23 =	simm.s32 $0xC0;
	s24 =	simm.s32 $0x100;
	v2 =	vadd.s32 s20, v25;
	v6 =	vadd.s32 s21, v25;
	v31 =	vld.idx.msk [tilespmem:v31+s17+$0x0], $0xffff  }
0x3d0: {  	s19 =	simm.s32 $0x1C0;
	s25 =	simm.s32 $0x140;
	s26 =	simm.s32 $0x180;
	v36 =	vadd.s32 s23, v25;
	v45 =	vadd.s32 s24, v25;
	v3 =	vadd.s32 s20, v24;
	v32 =	vld.idx.msk [tilespmem:v32+s17+$0x0], $0xffff  }
0x3d1: {  	v51 =	vadd.s32 s25, v25;
	v57 =	vadd.s32 s26, v25;
	v25 =	vadd.s32 s19, v25;
	v33 =	vld.idx.msk [tilespmem:v33+s17+$0x0], $0xffff  }
0x3d2: {  	v35 =	vadd.s32 s14, v20;
	v34 =	vld.idx.msk [tilespmem:v34+s17+$0x0], $0xffff  }
0x3d3: {  	s18 =	simm.s32 $0x8300;
	v61 =	vadd.s32 s20, v21;
	v1 =	vld.idx.msk [tilespmem:v60+s17+$0x0], $0xffff  }
0x3d4: {  	v62 =	vadd.s32 s20, v20;
	v2 =	vld.idx.msk [tilespmem:v2+s17+$0x0], $0xffff;
	[tilespmem:s18+$0xFFFFFE00] =	vst v28  }
0x3d5: {  	v5 =	vadd.s32 s21, v26;
	v3 =	vld.idx.msk [tilespmem:v3+s17+$0x0], $0xffff;
	[tilespmem:s18+$0xFFFFFE10] =	vst v30  }
0x3d6: {  	v25 =	vld.idx.msk [tilespmem:v25+s17+$0x0], $0xffff;
	v29 =	vadd.s32 s19, v27;
	[tilespmem:s18+$0xFFFFFE20] =	vst v31  }
0x3d7: {  	v35 =	vld.idx.msk [tilespmem:v35+s17+$0x0], $0xffff;
	[tilespmem:s18+$0xFFFFFE30] =	vst v32  }
0x3d8: {  	v9 =	vadd.s32 s21, v22;
	[tilespmem:s18+$0xFFFFFE40] =	vst v33;
	v30 =	vld.idx.msk [tilespmem:v61+s17+$0x0], $0xffff  }
0x3d9: {  	v10 =	vadd.s32 s21, v21;
	[tilespmem:s18+$0xFFFFFE50] =	vst v34;
	v31 =	vld.idx.msk [tilespmem:v62+s17+$0x0], $0xffff  }
0x3da: {  	v11 =	vadd.s32 s21, v20;
	[tilespmem:s18+$0xFFFFFE80] =	vst v1;
	v33 =	vld.idx.msk [tilespmem:v5+s17+$0x0], $0xffff  }
0x3db: {  	v7 =	vadd.s32 s21, v24;
	[tilespmem:s18+$0xFFFFFE90] =	vst v2;
	v29 =	vld.idx.msk [tilespmem:v29+s17+$0x0], $0xffff  }
0x3dc: {  	v59 =	vadd.s32 s14, v27;
	[tilespmem:s18+$0xFFFFFEA0] =	vst v3;
	v34 =	vld.idx.msk [tilespmem:v6+s17+$0x0], $0xffff  }
0x3dd: {  	v28 =	vadd.s32 s20, v22;
	v1 =	vld.idx.msk [tilespmem:v9+s17+$0x0], $0xffff;
	[tilespmem:s18+$0xFFFFFE60] =	vst v35  }
0x3de: {  	v63 =	vadd.s32 s20, v27;
	v2 =	vld.idx.msk [tilespmem:v10+s17+$0x0], $0xffff;
	[tilespmem:s18+$0xFFFFFED0] =	vst v30  }
0x3df: {  	v3 =	vld.idx.msk [tilespmem:v11+s17+$0x0], $0xffff;
	[tilespmem:s18+$0xFFFFFEE0] =	vst v31  }
0x3e0: {  	v35 =	vld.idx.msk [tilespmem:v7+s17+$0x0], $0xffff;
	[tilespmem:s18+$0x1F0] =	vst v29;
	v29 =	vadd.s32 s20, v23  }
0x3e1: {  	v37 =	vadd.s32 s23, v24;
	v0 =	vld.idx.msk [tilespmem:v59+s17+$0x0], $0xffff;
	[tilespmem:s18+$0xFFFFFF00] =	vst v33  }
0x3e2: {  	v40 =	vadd.s32 s23, v22;
	v28 =	vld.idx.msk [tilespmem:v28+s17+$0x0], $0xffff;
	[tilespmem:s18+$0xFFFFFF10] =	vst v34  }
0x3e3: {  	v41 =	vadd.s32 s23, v21;
	v32 =	vld.idx.msk [tilespmem:v63+s17+$0x0], $0xffff;
	[tilespmem:s18+$0xFFFFFF40] =	vst v1  }
0x3e4: {  	v44 =	vadd.s32 s24, v26;
	v30 =	vld.idx.msk [tilespmem:v36+s17+$0x0], $0xffff;
	[tilespmem:s18+$0xFFFFFF50] =	vst v2  }
0x3e5: {  	[tilespmem:s18+$0xFFFFFF60] =	vst v3;
	v29 =	vld.idx.msk [tilespmem:v29+s17+$0x0], $0xffff  }
0x3e6: {  	v46 =	vadd.s32 s24, v24;
	v31 =	vld.idx.msk [tilespmem:v37+s17+$0x0], $0xffff;
	[tilespmem:s18+$0xFFFFFF20] =	vst v35  }
0x3e7: {  	v33 =	vld.idx.msk [tilespmem:v40+s17+$0x0], $0xffff;
	[tilespmem:s18+$0xFFFFFE70] =	vst v0  }
0x3e8: {  	v42 =	vadd.s32 s23, v20;
	v34 =	vld.idx.msk [tilespmem:v41+s17+$0x0], $0xffff;
	[tilespmem:s18+$0xFFFFFEC0] =	vst v28  }
0x3e9: {  	v1 =	vld.idx.msk [tilespmem:v44+s17+$0x0], $0xffff;
	v28 =	vadd.s32 s23, v26;
	[tilespmem:s18+$0xFFFFFEF0] =	vst v32  }
0x3ea: {  	v8 =	vadd.s32 s21, v23;
	v2 =	vld.idx.msk [tilespmem:v45+s17+$0x0], $0xffff;
	[tilespmem:s18+$0xFFFFFEB0] =	vst v29;
	v29 =	vadd.s32 s21, v27  }
0x3eb: {  	v38 =	vadd.s32 s23, v23;
	v48 =	vadd.s32 s24, v20;
	v3 =	vld.idx.msk [tilespmem:v46+s17+$0x0], $0xffff;
	[tilespmem:s18+$0xFFFFFF90] =	vst v30  }
0x3ec: {  	v56 =	vadd.s32 s25, v20;
	v62 =	vadd.s32 s26, v20;
	v63 =	vadd.s32 s19, v20;
	v20 =	vld [tilespmem:$0x80F0];
	[tilespmem:s18+$0xFFFFFFA0] =	vst v31  }
0x3ed: {  	v47 =	vadd.s32 s24, v21;
	v35 =	vld.idx.msk [tilespmem:v42+s17+$0x0], $0xffff;
	[tilespmem:s18+$0xFFFFFFC0] =	vst v33  }
0x3ee: {  	[tilespmem:s18+$0xFFFFFFD0] =	vst v34;
	v28 =	vld.idx.msk [tilespmem:v28+s17+$0x0], $0xffff  }
0x3ef: {  	v50 =	vadd.s32 s25, v26;
	[tilespmem:s18+$0x0] =	vst v1;
	v29 =	vld.idx.msk [tilespmem:v29+s17+$0x0], $0xffff  }
0x3f0: {  	v0 =	vld.idx.msk [tilespmem:v8+s17+$0x0], $0xffff;
	[tilespmem:s18+$0x10] =	vst v2  }
0x3f1: {  	v54 =	vadd.s32 s25, v22;
	v32 =	vld.idx.msk [tilespmem:v38+s17+$0x0], $0xffff;
	[tilespmem:s18+$0x20] =	vst v3  }
0x3f2: {  	v55 =	vadd.s32 s25, v21;
	v30 =	vld.idx.msk [tilespmem:v47+s17+$0x0], $0xffff;
	[tilespmem:s18+$0xFFFFFFE0] =	vst v35  }
0x3f3: {  	v31 =	vld.idx.msk [tilespmem:v48+s17+$0x0], $0xffff;
	[tilespmem:s18+$0xFFFFFF80] =	vst v28;
	v28 =	vadd.s32 s24, v22  }
0x3f4: {  	v33 =	vld.idx.msk [tilespmem:v50+s17+$0x0], $0xffff;
	[tilespmem:s18+$0xFFFFFF70] =	vst v29;
	v29 =	vadd.s32 s24, v23  }
0x3f5: {  	v34 =	vld.idx.msk [tilespmem:v51+s17+$0x0], $0xffff;
	[tilespmem:s18+$0xFFFFFF30] =	vst v0  }
0x3f6: {  	v52 =	vadd.s32 s25, v24;
	v1 =	vld.idx.msk [tilespmem:v54+s17+$0x0], $0xffff;
	[tilespmem:s18+$0xFFFFFFB0] =	vst v32  }
0x3f7: {  	v43 =	vadd.s32 s23, v27;
	v2 =	vld.idx.msk [tilespmem:v55+s17+$0x0], $0xffff;
	[tilespmem:s18+$0x50] =	vst v30  }
0x3f8: {  	v49 =	vadd.s32 s24, v27;
	[tilespmem:s18+$0x60] =	vst v31;
	v28 =	vld.idx.msk [tilespmem:v28+s17+$0x0], $0xffff  }
0x3f9: {  	[tilespmem:s18+$0x80] =	vst v33;
	v29 =	vld.idx.msk [tilespmem:v29+s17+$0x0], $0xffff  }
0x3fa: {  	v58 =	vadd.s32 s26, v24;
	v3 =	vld.idx.msk [tilespmem:v56+s17+$0x0], $0xffff;
	[tilespmem:s18+$0x90] =	vst v34  }
0x3fb: {  	v60 =	vadd.s32 s26, v22;
	v35 =	vld.idx.msk [tilespmem:v52+s17+$0x0], $0xffff;
	[tilespmem:s18+$0xC0] =	vst v1  }
0x3fc: {  	v61 =	vadd.s32 s26, v21;
	v0 =	vld.idx.msk [tilespmem:v43+s17+$0x0], $0xffff;
	[tilespmem:s18+$0xD0] =	vst v2  }
0x3fd: {  	v32 =	vld.idx.msk [tilespmem:v49+s17+$0x0], $0xffff;
	[tilespmem:s18+$0x40] =	vst v28;
	v28 =	vadd.s32 s26, v26  }
0x3fe: {  	v30 =	vld.idx.msk [tilespmem:v57+s17+$0x0], $0xffff;
	[tilespmem:s18+$0x30] =	vst v29;
	v29 =	vadd.s32 s25, v27  }
0x3ff: {  	v53 =	vadd.s32 s25, v23;
	v31 =	vld.idx.msk [tilespmem:v58+s17+$0x0], $0xffff;
	[tilespmem:s18+$0xE0] =	vst v3  }
0x400: {  	v59 =	vadd.s32 s26, v23;
	v33 =	vld.idx.msk [tilespmem:v60+s17+$0x0], $0xffff;
	[tilespmem:s18+$0xA0] =	vst v35  }
0x401: {  	v34 =	vld.idx.msk [tilespmem:v61+s17+$0x0], $0xffff;
	[tilespmem:s18+$0xFFFFFFF0] =	vst v0;
	v26 =	vadd.s32 s19, v26  }
0x402: {  	[tilespmem:s18+$0x70] =	vst v32;
	v28 =	vld.idx.msk [tilespmem:v28+s17+$0x0], $0xffff;
	v27 =	vadd.s32 s26, v27  }
0x403: {  	[tilespmem:s18+$0x110] =	vst v30;
	v29 =	vld.idx.msk [tilespmem:v29+s17+$0x0], $0xffff  }
0x404: {  	v24 =	vadd.s32 s19, v24;
	v0 =	vld.idx.msk [tilespmem:v53+s17+$0x0], $0xffff;
	[tilespmem:s18+$0x120] =	vst v31  }
0x405: {  	v32 =	vld.idx.msk [tilespmem:v59+s17+$0x0], $0xffff;
	[tilespmem:s18+$0x140] =	vst v33;
	v23 =	vadd.s32 s19, v23  }
0x406: {  	v22 =	vadd.s32 s19, v22;
	[tilespmem:s18+$0x150] =	vst v34;
	v26 =	vld.idx.msk [tilespmem:v26+s17+$0x0], $0xffff  }
0x407: {  	v21 =	vadd.s32 s19, v21;
	[tilespmem:s18+$0x100] =	vst v28;
	v28 =	vld.idx.msk [tilespmem:v27+s17+$0x0], $0xffff  }
0x408: {  	[tilespmem:s18+$0xF0] =	vst v29;
	v29 =	vld.idx.msk [tilespmem:v62+s17+$0x0], $0xffff  }
0x409: {  	[tilespmem:s18+$0xB0] =	vst v0;
	v27 =	vld.idx.msk [tilespmem:v24+s17+$0x0], $0xffff  }
0x40a: {  	[tilespmem:s18+$0x130] =	vst v32;
	v24 =	vld.idx.msk [tilespmem:v23+s17+$0x0], $0xffff  }
0x40b: {  	[tilespmem:s18+$0x180] =	vst v26;
	v23 =	vld.idx.msk [tilespmem:v22+s17+$0x0], $0xffff  }
0x40c: {  	v22 =	vld.idx.msk [tilespmem:v21+s17+$0x0], $0xffff;
	[tilespmem:s18+$0x170] =	vst v28  }
0x40d: {  	s19 =	simm.s32 $0x40;
	v21 =	vld.idx.msk [tilespmem:v63+s17+$0x0], $0xffff;
	[tilespmem:s18+$0x160] =	vst v29  }
.LBB2_3:
0x40e: {  	v26 =	vld [tilespmem:$0x8080]  }
0x40f: {  	v41 =	vld [tilespmem:$0x8090];
	s14 =	sadd.s32 $0x200, s14  }
0x410: {  	v42 =	vld [tilespmem:$0x80A0];
	v28 =	vadd.s32 s14, v19  }
0x411: {  	v43 =	vld [tilespmem:$0x80B0];
	v29 =	vadd.s32 s14, v18  }
0x412: {  	v44 =	vld [tilespmem:$0x80C0];
	s24 =	sadd.s32 $0x40, s14;
	v31 =	vadd.s32 s14, v39  }
0x413: {  	v45 =	vld [tilespmem:$0x80D0];
	v33 =	vadd.s32 s24, v15  }
0x414: {  	v46 =	vld [tilespmem:$0x80E0];
	s21 =	sadd.s32 $0x180, s14;
	v34 =	vadd.s32 s24, v19  }
0x415: {  	v47 =	vadd.s32 s24, v18;
	v38 =	vadd.s32 s21, v15;
	v28 =	vld.idx.msk [tilespmem:v28+s17+$0x0], $0xffff  }
0x416: {  	s26 =	sadd.s32 $0xC0, s14;
	v48 =	vadd.s32 s24, v17;
	[tilespmem:$0x1F760] =	vst v38;
	v29 =	vld.idx.msk [tilespmem:v29+s17+$0x0], $0xffff  }
0x417: {  	s25 =	sadd.s32 $0x80, s14;
	s23 =	sadd.s32 $0x100, s14;
	v2 =	vadd.s32 s26, v17;
	[tilespmem:s18+$0x190] =	vst v25;
	v7 =	vld.idx.msk [tilespmem:v31+s17+$0x0], $0xffff  }
0x418: {  	v53 =	vadd.s32 s25, v19;
	v1 =	vadd.s32 s23, v16;
	[tilespmem:s18+$0x1A0] =	vst v27;
	v0 =	vld.idx.msk [tilespmem:v33+s17+$0x0], $0xffff  }
0x419: {  	s20 =	sadd.s32 $0x1C0, s14;
	v61 =	vadd.s32 s26, v19;
	v25 =	vadd.s32 s14, v16;
	[tilespmem:s18+$0x1B0] =	vst v24;
	v13 =	vld.idx.msk [tilespmem:v34+s17+$0x0], $0xffff  }
0x41a: {  	s22 =	sadd.s32 $0x140, s14;
	v6 =	vadd.s32 s23, v19;
	v30 =	vadd.s32 s20, v20;
	[tilespmem:s18+$0x1C0] =	vst v23;
	v37 =	vld.idx.msk [tilespmem:v47+s17+$0x0], $0xffff  }
0x41b: {  	v40 =	vadd.s32 s22, v19;
	v27 =	vadd.s32 s14, v15;
	v24 =	vadd.s32 s14, v14;
	[tilespmem:s18+$0x1D0] =	vst v22;
	v38 =	vld.idx.msk [tilespmem:v48+s17+$0x0], $0xffff  }
0x41c: {  	[tilespmem:s18+$0x1E0] =	vst v21;
	v33 =	vadd.s32 s21, v19;
	v19 =	vadd.s32 s20, v19;
	v2 =	vld.idx.msk [tilespmem:v2+s17+$0x0], $0xffff  }
0x41d: {  	v23 =	vadd.s32 s14, v17;
	s18 =	sadd.s32 $0x400, s18;
	v1 =	vld.idx.msk [tilespmem:v1+s17+$0x0], $0xffff;
	[tilespmem:$0x1F770] =	vst v19  }
0x41e: {  	v32 =	vadd.s32 s14, v20;
	v25 =	vld.idx.msk [tilespmem:v25+s17+$0x0], $0xffff;
	[tilespmem:s18+$0xFFFFFE20] =	vst v28  }
0x41f: {  	v22 =	vadd.s32 s24, v16;
	v30 =	vld.idx.msk [tilespmem:v30+s17+$0x0], $0xffff;
	[tilespmem:s18+$0xFFFFFE40] =	vst v29  }
0x420: {  	v21 =	vadd.s32 s24, v14;
	v27 =	vld.idx.msk [tilespmem:v27+s17+$0x0], $0xffff;
	[tilespmem:s18+$0xFFFFFE60] =	vst v7  }
0x421: {  	v51 =	vadd.s32 s25, v16;
	v24 =	vld.idx.msk [tilespmem:v24+s17+$0x0], $0xffff;
	[tilespmem:s18+$0xFFFFFE90] =	vst v0  }
0x422: {  	v54 =	vadd.s32 s25, v14;
	v23 =	vld.idx.msk [tilespmem:v23+s17+$0x0], $0xffff;
	[tilespmem:s18+$0xFFFFFEA0] =	vst v13  }
0x423: {  	v49 =	vadd.s32 s24, v39;
	v52 =	vadd.s32 s25, v15;
	v58 =	vadd.s32 s25, v20;
	v11 =	vld.idx.msk [tilespmem:v32+s17+$0x0], $0xffff;
	[tilespmem:s18+$0xFFFFFEC0] =	vst v37  }
0x424: {  	v57 =	vadd.s32 s25, v39;
	v63 =	vadd.s32 s26, v18;
	v3 =	vadd.s32 s26, v39;
	v22 =	vld.idx.msk [tilespmem:v22+s17+$0x0], $0xffff;
	[tilespmem:s18+$0xFFFFFED0] =	vst v38  }
0x425: {  	v8 =	vadd.s32 s23, v14;
	v12 =	vadd.s32 s23, v39;
	v35 =	vadd.s32 s22, v39;
	v36 =	vld.idx.msk [tilespmem:v21+s17+$0x0], $0xffff;
	[tilespmem:s18+$0xFFFFFFD0] =	vst v2  }
0x426: {  	v47 =	vadd.s32 s21, v39;
	v19 =	vmovc v42;
	v42 =	vadd.s32 s20, v39;
	v39 =	vmov v46;
	v46 =	vld.idx.msk [tilespmem:v51+s17+$0x0], $0xffff;
	[tilespmem:s18+$0x0] =	vst v1  }
0x427: {  	v55 =	vadd.s32 s25, v18;
	v51 =	vld.idx.msk [tilespmem:v54+s17+$0x0], $0xffff;
	[tilespmem:s18+$0x1F0] =	vst v30  }
0x428: {  	v60 =	vadd.s32 s26, v15;
	v54 =	vld.idx.msk [tilespmem:v58+s17+$0x0], $0xffff;
	[tilespmem:s18+$0xFFFFFE00] =	vst v25  }
0x429: {  	v4 =	vadd.s32 s26, v20;
	v58 =	vld.idx.msk [tilespmem:v63+s17+$0x0], $0xffff;
	[tilespmem:s18+$0xFFFFFE10] =	vst v27  }
0x42a: {  	v63 =	vld.idx.msk [tilespmem:v8+s17+$0x0], $0xffff;
	[tilespmem:s18+$0xFFFFFE30] =	vst v24  }
0x42b: {  	v13 =	vld.idx.msk [tilespmem:v52+s17+$0x0], $0xffff;
	[tilespmem:s18+$0xFFFFFE50] =	vst v23  }
0x42c: {  	v50 =	vadd.s32 s24, v20;
	v52 =	vld.idx.msk [tilespmem:v55+s17+$0x0], $0xffff;
	[tilespmem:s18+$0xFFFFFE70] =	vst v11  }
0x42d: {  	v55 =	vld.idx.msk [tilespmem:v60+s17+$0x0], $0xffff;
	[tilespmem:s18+$0xFFFFFE80] =	vst v22  }
0x42e: {  	v56 =	vadd.s32 s25, v17;
	v60 =	vld.idx.msk [tilespmem:v4+s17+$0x0], $0xffff;
	[tilespmem:s18+$0xFFFFFEB0] =	vst v36  }
0x42f: {  	v37 =	vld.idx.msk [tilespmem:v12+s17+$0x0], $0xffff;
	[tilespmem:s18+$0xFFFFFF00] =	vst v46  }
0x430: {  	v5 =	vadd.s32 s23, v15;
	v11 =	vld.idx.msk [tilespmem:v49+s17+$0x0], $0xffff;
	[tilespmem:s18+$0xFFFFFF30] =	vst v51  }
0x431: {  	v10 =	vadd.s32 s23, v17;
	v22 =	vld.idx.msk [tilespmem:v50+s17+$0x0], $0xffff;
	[tilespmem:s18+$0xFFFFFF70] =	vst v54  }
0x432: {  	v50 =	vld.idx.msk [tilespmem:v53+s17+$0x0], $0xffff;
	[tilespmem:s18+$0xFFFFFFC0] =	vst v58  }
0x433: {  	v31 =	vadd.s32 s22, v14;
	v53 =	vld.idx.msk [tilespmem:v56+s17+$0x0], $0xffff;
	[tilespmem:s18+$0x30] =	vst v63  }
0x434: {  	v32 =	vadd.s32 s22, v17;
	v56 =	vld.idx.msk [tilespmem:v61+s17+$0x0], $0xffff;
	[tilespmem:s18+$0xFFFFFF10] =	vst v13  }
0x435: {  	v34 =	vadd.s32 s21, v16;
	v61 =	vld.idx.msk [tilespmem:v5+s17+$0x0], $0xffff;
	[tilespmem:s18+$0xFFFFFF40] =	vst v52  }
0x436: {  	v29 =	vadd.s32 s21, v18;
	v27 =	vadd.s32 s22, v15;
	v36 =	vld.idx.msk [tilespmem:v10+s17+$0x0], $0xffff;
	[tilespmem:s18+$0xFFFFFF90] =	vst v55  }
0x437: {  	v7 =	vadd.s32 s20, v15;
	v23 =	vadd.s32 s21, v17;
	v15 =	vmovc v41;
	v41 =	vadd.s32 s20, v17;
	v17 =	vmovc v45;
	v45 =	vld.idx.msk [tilespmem:v40+s17+$0x0], $0xffff;
	[tilespmem:s18+$0xFFFFFFF0] =	vst v60  }
0x438: {  	v59 =	vadd.s32 s26, v16;
	v46 =	vld.idx.msk [tilespmem:v31+s17+$0x0], $0xffff;
	[tilespmem:s18+$0x60] =	vst v37  }
0x439: {  	v51 =	vld.idx.msk [tilespmem:v32+s17+$0x0], $0xffff;
	[tilespmem:s18+$0xFFFFFEE0] =	vst v11  }
0x43a: {  	v54 =	vld.idx.msk [tilespmem:v34+s17+$0x0], $0xffff;
	[tilespmem:s18+$0xFFFFFEF0] =	vst v22  }
0x43b: {  	v63 =	vld [tilespmem:$0x1F770];
	[tilespmem:s18+$0xFFFFFF20] =	vst v50  }
0x43c: {  	v58 =	vld.idx.msk [tilespmem:v29+s17+$0x0], $0xffff;
	[tilespmem:s18+$0xFFFFFF50] =	vst v53  }
0x43d: {  	v13 =	vld.idx.msk [tilespmem:v59+s17+$0x0], $0xffff;
	[tilespmem:s18+$0xFFFFFFA0] =	vst v56  }
0x43e: {  	v62 =	vadd.s32 s26, v14;
	v59 =	vld.idx.msk [tilespmem:v3+s17+$0x0], $0xffff;
	[tilespmem:s18+$0x10] =	vst v61  }
0x43f: {  	v52 =	vld.idx.msk [tilespmem:v35+s17+$0x0], $0xffff;
	[tilespmem:s18+$0x50] =	vst v36  }
0x440: {  	v9 =	vadd.s32 s23, v18;
	v55 =	vld [tilespmem:$0x1F760];
	[tilespmem:s18+$0xA0] =	vst v45  }
0x441: {  	v25 =	vadd.s32 s23, v20;
	v60 =	vld.idx.msk [tilespmem:v47+s17+$0x0], $0xffff;
	[tilespmem:s18+$0xB0] =	vst v46  }
0x442: {  	v30 =	vadd.s32 s22, v16;
	v22 =	vld.idx.msk [tilespmem:v57+s17+$0x0], $0xffff;
	[tilespmem:s18+$0xD0] =	vst v51  }
0x443: {  	v57 =	vld.idx.msk [tilespmem:v62+s17+$0x0], $0xffff;
	[tilespmem:s18+$0x100] =	vst v54  }
0x444: {  	v28 =	vadd.s32 s22, v18;
	v62 =	vld.idx.msk [tilespmem:v6+s17+$0x0], $0xffff;
	[tilespmem:s18+$0x140] =	vst v58  }
0x445: {  	v24 =	vadd.s32 s22, v20;
	v11 =	vld.idx.msk [tilespmem:v9+s17+$0x0], $0xffff;
	[tilespmem:s18+$0xFFFFFF80] =	vst v13  }
0x446: {  	v48 =	vadd.s32 s20, v16;
	v38 =	vld.idx.msk [tilespmem:v25+s17+$0x0], $0xffff;
	[tilespmem:s18+$0xFFFFFFE0] =	vst v59  }
0x447: {  	v21 =	vadd.s32 s21, v14;
	v20 =	vadd.s32 s21, v20;
	v16 =	vmovc v26;
	v26 =	vadd.s32 s20, v14;
	v14 =	vmovc v43;
	v43 =	vld.idx.msk [tilespmem:v30+s17+$0x0], $0xffff;
	[tilespmem:s18+$0xE0] =	vst v52  }
0x448: {  	v49 =	vadd.s32 s20, v18;
	v18 =	vmov v44;
	v44 =	vld.idx.msk [tilespmem:v27+s17+$0x0], $0xffff;
	[tilespmem:s18+$0x160] =	vst v60  }
0x449: {  	v50 =	vld.idx.msk [tilespmem:v28+s17+$0x0], $0xffff;
	[tilespmem:s18+$0xFFFFFF60] =	vst v22  }
0x44a: {  	v53 =	vld.idx.msk [tilespmem:v24+s17+$0x0], $0xffff;
	[tilespmem:s18+$0xFFFFFFB0] =	vst v57  }
0x44b: {  	v56 =	vld.idx.msk [tilespmem:v33+s17+$0x0], $0xffff;
	[tilespmem:s18+$0x20] =	vst v62  }
0x44c: {  	v61 =	vld.idx.msk [tilespmem:v20+s17+$0x0], $0xffff;
	[tilespmem:s18+$0x40] =	vst v11  }
0x44d: {  	v25 =	vld.idx.msk [tilespmem:v7+s17+$0x0], $0xffff;
	[tilespmem:s18+$0x70] =	vst v38  }
0x44e: {  	v24 =	vld.idx.msk [tilespmem:v26+s17+$0x0], $0xffff;
	[tilespmem:s18+$0x80] =	vst v43  }
0x44f: {  	v59 =	vld.idx.msk [tilespmem:v23+s17+$0x0], $0xffff;
	[tilespmem:s18+$0x90] =	vst v44  }
0x450: {  	[tilespmem:s18+$0xC0] =	vst v50;
	v57 =	vld.idx.msk [tilespmem:v21+s17+$0x0], $0xffff  }
0x451: {  	s19 =	sadd.s32 $0x40, s19;
	[tilespmem:s18+$0xF0] =	vst v53;
	v62 =	vld.idx.msk [tilespmem:v48+s17+$0x0], $0xffff  }
0x452: {  	p1 =	slt.u32 s19, $0x1C0;
	[tilespmem:s18+$0x120] =	vst v56;
	v6 =	vld.idx.msk [tilespmem:v55+s17+$0x0], $0xffff  }
.Ltmp0:
0x453: {  	v20 =	vld [tilespmem:$0x80F0];
	[tilespmem:s18+$0x170] =	vst v61;
	(pc) =	sbr.rel @p1 .LBB2_3-.Ltmp0, $4  }
0x454: {  	v23 =	vld.idx.msk [tilespmem:v49+s17+$0x0], $0xffff;
	[tilespmem:s18+$0x150] =	vst v59  }
0x455: {  	v27 =	vld.idx.msk [tilespmem:v63+s17+$0x0], $0xffff;
	[tilespmem:s18+$0x130] =	vst v57  }
0x456: {  	v22 =	vld.idx.msk [tilespmem:v41+s17+$0x0], $0xffff;
	[tilespmem:s18+$0x180] =	vst v62  }
0x457: {  	v21 =	vld.idx.msk [tilespmem:v42+s17+$0x0], $0xffff;
	[tilespmem:s18+$0x110] =	vst v6  }
0x458: {  	s19 =	sadd.s32 $0x200, s14  }
0x459: {  	v1 =	vadd.s32 s19, v16  }
0x45a: {  	v2 =	vadd.s32 s19, v15  }
0x45b: {  	v3 =	vadd.s32 s19, v19  }
0x45c: {  	v4 =	vadd.s32 s19, v14  }
0x45d: {  	[tilespmem:s18+$0x190] =	vst v25;
	v5 =	vadd.s32 s19, v18  }
0x45e: {  	[tilespmem:s18+$0x1B0] =	vst v24;
	v6 =	vadd.s32 s19, v17;
	v1 =	vld.idx.msk [tilespmem:v1+s17+$0x0], $0xffff  }
0x45f: {  	[tilespmem:s18+$0x1C0] =	vst v23;
	v7 =	vadd.s32 s19, v39;
	v2 =	vld.idx.msk [tilespmem:v2+s17+$0x0], $0xffff  }
0x460: {  	s14 =	sadd.s32 $0x1C0, s19;
	v8 =	vadd.s32 s19, v20;
	[tilespmem:s18+$0x1A0] =	vst v27;
	v3 =	vld.idx.msk [tilespmem:v3+s17+$0x0], $0xffff  }
0x461: {  	s20 =	sadd.s32 $0x40, s19;
	v0 =	vadd.s32 s14, v20;
	[tilespmem:s18+$0x1D0] =	vst v22;
	v4 =	vld.idx.msk [tilespmem:v4+s17+$0x0], $0xffff  }
0x462: {  	s22 =	sadd.s32 $0x400, s18;
	v9 =	vadd.s32 s20, v16;
	[tilespmem:s18+$0x1E0] =	vst v21;
	v5 =	vld.idx.msk [tilespmem:v5+s17+$0x0], $0xffff  }
0x463: {  	v10 =	vadd.s32 s20, v15;
	v6 =	vld.idx.msk [tilespmem:v6+s17+$0x0], $0xffff;
	[tilespmem:s22+$0xFFFFFE00] =	vst v1  }
0x464: {  	v57 =	vadd.s32 s20, v14;
	v7 =	vld.idx.msk [tilespmem:v7+s17+$0x0], $0xffff;
	[tilespmem:s22+$0xFFFFFE10] =	vst v2  }
0x465: {  	v58 =	vadd.s32 s20, v18;
	v8 =	vld.idx.msk [tilespmem:v8+s17+$0x0], $0xffff;
	[tilespmem:s22+$0xFFFFFE20] =	vst v3  }
0x466: {  	v59 =	vadd.s32 s20, v17;
	v0 =	vld.idx.msk [tilespmem:v0+s17+$0x0], $0xffff;
	[tilespmem:s22+$0xFFFFFE30] =	vst v4  }
0x467: {  	v56 =	vadd.s32 s20, v19;
	v9 =	vld.idx.msk [tilespmem:v9+s17+$0x0], $0xffff;
	[tilespmem:s22+$0xFFFFFE40] =	vst v5  }
0x468: {  	v10 =	vld.idx.msk [tilespmem:v10+s17+$0x0], $0xffff;
	v4 =	vadd.s32 s20, v39;
	[tilespmem:s22+$0xFFFFFE50] =	vst v6  }
0x469: {  	s23 =	sadd.s32 $0x80, s19;
	v5 =	vadd.s32 s20, v20;
	v1 =	vld.idx.msk [tilespmem:v57+s17+$0x0], $0xffff;
	[tilespmem:s22+$0xFFFFFE60] =	vst v7  }
0x46a: {  	v6 =	vadd.s32 s23, v16;
	v2 =	vld.idx.msk [tilespmem:v58+s17+$0x0], $0xffff;
	[tilespmem:s22+$0xFFFFFE70] =	vst v8  }
0x46b: {  	v7 =	vadd.s32 s23, v15;
	v3 =	vld.idx.msk [tilespmem:v59+s17+$0x0], $0xffff;
	[tilespmem:s22+$0x1F0] =	vst v0  }
0x46c: {  	v8 =	vadd.s32 s23, v19;
	v0 =	vld.idx.msk [tilespmem:v56+s17+$0x0], $0xffff;
	[tilespmem:s22+$0xFFFFFE80] =	vst v9  }
0x46d: {  	v61 =	vadd.s32 s23, v39;
	[tilespmem:s22+$0xFFFFFE90] =	vst v10;
	v4 =	vld.idx.msk [tilespmem:v4+s17+$0x0], $0xffff  }
0x46e: {  	s24 =	sadd.s32 $0xC0, s19;
	v62 =	vadd.s32 s23, v20;
	v5 =	vld.idx.msk [tilespmem:v5+s17+$0x0], $0xffff;
	[tilespmem:s22+$0xFFFFFEB0] =	vst v1  }
0x46f: {  	v63 =	vadd.s32 s24, v16;
	v6 =	vld.idx.msk [tilespmem:v6+s17+$0x0], $0xffff;
	[tilespmem:s22+$0xFFFFFEC0] =	vst v2  }
0x470: {  	v9 =	vadd.s32 s23, v14;
	v7 =	vld.idx.msk [tilespmem:v7+s17+$0x0], $0xffff;
	[tilespmem:s22+$0xFFFFFED0] =	vst v3  }
0x471: {  	v10 =	vadd.s32 s23, v18;
	v8 =	vld.idx.msk [tilespmem:v8+s17+$0x0], $0xffff;
	[tilespmem:s22+$0xFFFFFEA0] =	vst v0  }
0x472: {  	s25 =	sadd.s32 $0x100, s19;
	v60 =	vadd.s32 s23, v17;
	v1 =	vld.idx.msk [tilespmem:v61+s17+$0x0], $0xffff;
	[tilespmem:s22+$0xFFFFFEE0] =	vst v4  }
0x473: {  	v22 =	vadd.s32 s25, v15;
	v2 =	vld.idx.msk [tilespmem:v62+s17+$0x0], $0xffff;
	[tilespmem:s22+$0xFFFFFEF0] =	vst v5  }
0x474: {  	v23 =	vadd.s32 s25, v19;
	v3 =	vld.idx.msk [tilespmem:v63+s17+$0x0], $0xffff;
	[tilespmem:s22+$0xFFFFFF00] =	vst v6  }
0x475: {  	v24 =	vadd.s32 s25, v14;
	v9 =	vld.idx.msk [tilespmem:v9+s17+$0x0], $0xffff;
	[tilespmem:s22+$0xFFFFFF10] =	vst v7  }
0x476: {  	v10 =	vld.idx.msk [tilespmem:v10+s17+$0x0], $0xffff;
	v4 =	vadd.s32 s24, v15;
	[tilespmem:s22+$0xFFFFFF20] =	vst v8  }
0x477: {  	v0 =	vld.idx.msk [tilespmem:v60+s17+$0x0], $0xffff;
	v5 =	vadd.s32 s24, v19;
	[tilespmem:s22+$0xFFFFFF60] =	vst v1  }
0x478: {  	v6 =	vadd.s32 s24, v14;
	[tilespmem:s22+$0xFFFFFF70] =	vst v2;
	v1 =	vld.idx.msk [tilespmem:v22+s17+$0x0], $0xffff  }
0x479: {  	v7 =	vadd.s32 s24, v18;
	[tilespmem:s22+$0xFFFFFF80] =	vst v3;
	v2 =	vld.idx.msk [tilespmem:v23+s17+$0x0], $0xffff  }
0x47a: {  	v8 =	vadd.s32 s24, v17;
	v3 =	vld.idx.msk [tilespmem:v24+s17+$0x0], $0xffff;
	[tilespmem:s22+$0xFFFFFF30] =	vst v9  }
0x47b: {  	s26 =	sadd.s32 $0x140, s19;
	v21 =	vadd.s32 s25, v16;
	[tilespmem:s22+$0xFFFFFF40] =	vst v10;
	v4 =	vld.idx.msk [tilespmem:v4+s17+$0x0], $0xffff  }
0x47c: {  	v26 =	vadd.s32 s26, v18;
	[tilespmem:s22+$0xFFFFFF50] =	vst v0;
	v5 =	vld.idx.msk [tilespmem:v5+s17+$0x0], $0xffff  }
0x47d: {  	v32 =	vadd.s32 s26, v17;
	v6 =	vld.idx.msk [tilespmem:v6+s17+$0x0], $0xffff;
	[tilespmem:s22+$0x10] =	vst v1  }
0x47e: {  	v9 =	vadd.s32 s24, v39;
	v7 =	vld.idx.msk [tilespmem:v7+s17+$0x0], $0xffff;
	[tilespmem:s22+$0x20] =	vst v2  }
0x47f: {  	v10 =	vadd.s32 s24, v20;
	v8 =	vld.idx.msk [tilespmem:v8+s17+$0x0], $0xffff;
	[tilespmem:s22+$0x30] =	vst v3  }
0x480: {  	v0 =	vld.idx.msk [tilespmem:v21+s17+$0x0], $0xffff;
	[tilespmem:s22+$0xFFFFFF90] =	vst v4;
	v4 =	vadd.s32 s25, v18  }
0x481: {  	v1 =	vld.idx.msk [tilespmem:v26+s17+$0x0], $0xffff;
	[tilespmem:s22+$0xFFFFFFA0] =	vst v5;
	v5 =	vadd.s32 s25, v17  }
0x482: {  	v2 =	vld.idx.msk [tilespmem:v32+s17+$0x0], $0xffff;
	[tilespmem:s22+$0xFFFFFFB0] =	vst v6;
	v6 =	vadd.s32 s25, v39  }
0x483: {  	v9 =	vld.idx.msk [tilespmem:v9+s17+$0x0], $0xffff;
	[tilespmem:s22+$0xFFFFFFC0] =	vst v7;
	v7 =	vadd.s32 s25, v20  }
0x484: {  	v10 =	vld.idx.msk [tilespmem:v10+s17+$0x0], $0xffff;
	[tilespmem:s22+$0xFFFFFFD0] =	vst v8;
	v8 =	vadd.s32 s26, v16  }
0x485: {  	v33 =	vadd.s32 s26, v39;
	[tilespmem:s22+$0x0] =	vst v0;
	v4 =	vld.idx.msk [tilespmem:v4+s17+$0x0], $0xffff  }
0x486: {  	s19 =	sadd.s32 $0x180, s19;
	v25 =	vadd.s32 s26, v14;
	[tilespmem:s22+$0xC0] =	vst v1;
	v5 =	vld.idx.msk [tilespmem:v5+s17+$0x0], $0xffff  }
0x487: {  	v35 =	vadd.s32 s19, v20;
	[tilespmem:s22+$0xD0] =	vst v2;
	v6 =	vld.idx.msk [tilespmem:v6+s17+$0x0], $0xffff  }
0x488: {  	[tilespmem:s22+$0xFFFFFFE0] =	vst v9;
	v9 =	vadd.s32 s26, v15;
	v7 =	vld.idx.msk [tilespmem:v7+s17+$0x0], $0xffff  }
0x489: {  	[tilespmem:s22+$0xFFFFFFF0] =	vst v10;
	v10 =	vadd.s32 s26, v19;
	v8 =	vld.idx.msk [tilespmem:v8+s17+$0x0], $0xffff  }
0x48a: {  	v3 =	vld.idx.msk [tilespmem:v33+s17+$0x0], $0xffff;
	[tilespmem:s22+$0x40] =	vst v4;
	v4 =	vadd.s32 s26, v20  }
0x48b: {  	v0 =	vld.idx.msk [tilespmem:v25+s17+$0x0], $0xffff;
	[tilespmem:s22+$0x50] =	vst v5;
	v5 =	vadd.s32 s19, v16  }
0x48c: {  	v1 =	vld.idx.msk [tilespmem:v35+s17+$0x0], $0xffff;
	[tilespmem:s22+$0x60] =	vst v6;
	v6 =	vadd.s32 s19, v15  }
0x48d: {  	v9 =	vld.idx.msk [tilespmem:v9+s17+$0x0], $0xffff;
	[tilespmem:s22+$0x70] =	vst v7;
	v7 =	vadd.s32 s19, v19  }
0x48e: {  	v10 =	vld.idx.msk [tilespmem:v10+s17+$0x0], $0xffff;
	[tilespmem:s22+$0x80] =	vst v8;
	v8 =	vadd.s32 s19, v14  }
0x48f: {  	v36 =	vadd.s32 s14, v16;
	[tilespmem:s22+$0xE0] =	vst v3;
	v4 =	vld.idx.msk [tilespmem:v4+s17+$0x0], $0xffff  }
0x490: {  	v37 =	vadd.s32 s14, v15;
	[tilespmem:s22+$0xB0] =	vst v0;
	v5 =	vld.idx.msk [tilespmem:v5+s17+$0x0], $0xffff  }
0x491: {  	v34 =	vadd.s32 s19, v39;
	[tilespmem:s22+$0x170] =	vst v1;
	v6 =	vld.idx.msk [tilespmem:v6+s17+$0x0], $0xffff  }
0x492: {  	[tilespmem:s22+$0x90] =	vst v9;
	v9 =	vadd.s32 s19, v18;
	v7 =	vld.idx.msk [tilespmem:v7+s17+$0x0], $0xffff  }
0x493: {  	[tilespmem:s22+$0xA0] =	vst v10;
	v10 =	vadd.s32 s19, v17;
	v8 =	vld.idx.msk [tilespmem:v8+s17+$0x0], $0xffff  }
0x494: {  	v2 =	vld.idx.msk [tilespmem:v36+s17+$0x0], $0xffff;
	[tilespmem:s22+$0xF0] =	vst v4;
	v4 =	vadd.s32 s14, v19  }
0x495: {  	v3 =	vld.idx.msk [tilespmem:v37+s17+$0x0], $0xffff;
	[tilespmem:s22+$0x100] =	vst v5;
	v5 =	vadd.s32 s14, v14  }
0x496: {  	v0 =	vld.idx.msk [tilespmem:v34+s17+$0x0], $0xffff;
	[tilespmem:s22+$0x110] =	vst v6;
	v6 =	vadd.s32 s14, v18  }
0x497: {  	v9 =	vld.idx.msk [tilespmem:v9+s17+$0x0], $0xffff;
	[tilespmem:s22+$0x120] =	vst v7;
	v7 =	vadd.s32 s14, v17  }
0x498: {  	v10 =	vld.idx.msk [tilespmem:v10+s17+$0x0], $0xffff;
	[tilespmem:s22+$0x130] =	vst v8;
	v8 =	vadd.s32 s14, v39  }
0x499: {  	[tilespmem:s22+$0x180] =	vst v2;
	v4 =	vld.idx.msk [tilespmem:v4+s17+$0x0], $0xffff  }
0x49a: {  	[tilespmem:s22+$0x190] =	vst v3;
	v5 =	vld.idx.msk [tilespmem:v5+s17+$0x0], $0xffff  }
0x49b: {  	[tilespmem:s22+$0x160] =	vst v0;
	v38 =	vld.idx.msk [tilespmem:v6+s17+$0x0], $0xffff  }
0x49c: {  	[tilespmem:s22+$0x140] =	vst v9;
	v39 =	vld.idx.msk [tilespmem:v7+s17+$0x0], $0xffff  }
0x49d: {  	[tilespmem:s22+$0x150] =	vst v10;
	v40 =	vld.idx.msk [tilespmem:v8+s17+$0x0], $0xffff  }
0x49e: {  	[tilespmem:s22+$0x1A0] =	vst v4  }
0x49f: {  	s20 =	sshll.u32 s15, $0x13;
	[tilespmem:s22+$0x1B0] =	vst v5  }
0x4a0: {  	s14 =	sor.u32 s6, s20;
	[tilespmem:s22+$0x1C0] =	vst v38  }
0x4a1: {  	s14 =	sshrl.u32 s14, $0x3;
	[tilespmem:s22+$0x1D0] =	vst v39  }
0x4a2: {  	s21 =	sadd.s32 s2, s14;
	[tilespmem:s22+$0x1E0] =	vst v40;
	s22 =	simm.s32 $0x8100  }
0x4a3: {  	[hbm4b:s21+s3] =	stream.linear.scatter [tilespmem:s22], [sflag:$0x1], $0x400, $0x38;
	[tilespmem:$0xC100] =	vst v63  }
0x4a4: {  	s24 =	simm.s32 $0x8500;
	s23 =	sadd.s32 s14, s7  }
0x4a5: {  	[hbm4b:s23+s3] =	stream.linear.scatter [tilespmem:s24], [sflag:$0x1], $0x400, $0x38;
	[tilespmem:$0xC100] =	vst v63  }
0x4a6: {  	s26 =	simm.s32 $0x8900;
	s25 =	sadd.s32 s14, s8  }
0x4a7: {  	[hbm4b:s25+s3] =	stream.linear.scatter [tilespmem:s26], [sflag:$0x1], $0x400, $0x38;
	[tilespmem:$0xC100] =	vst v63  }
0x4a8: {  	s20 =	simm.s32 $0x8D00;
	s19 =	sadd.s32 s14, s9  }
0x4a9: {  	[hbm4b:s19+s3] =	stream.linear.scatter [tilespmem:s20], [sflag:$0x1], $0x400, $0x38;
	[tilespmem:$0xC100] =	vst v63  }
0x4aa: {  	s21 =	sadd.s32 s14, s10;
	s22 =	simm.s32 $0x9100  }
0x4ab: {  	[hbm4b:s21+s3] =	stream.linear.scatter [tilespmem:s22], [sflag:$0x1], $0x400, $0x38;
	[tilespmem:$0xC100] =	vst v63  }
0x4ac: {  	s23 =	sadd.s32 s14, s11;
	s24 =	simm.s32 $0x9500  }
0x4ad: {  	[hbm4b:s23+s3] =	stream.linear.scatter [tilespmem:s24], [sflag:$0x1], $0x400, $0x38;
	[tilespmem:$0xC100] =	vst v63  }
0x4ae: {  	s25 =	sadd.s32 s14, s12;
	s26 =	simm.s32 $0x9900  }
0x4af: {  	[hbm4b:s25+s3] =	stream.linear.scatter [tilespmem:s26], [sflag:$0x1], $0x400, $0x38;
	[tilespmem:$0xC100] =	vst v63  }
0x4b0: {  	s14 =	sadd.s32 s14, s13;
	s20 =	simm.s32 $0x9D00  }
0x4b1: {  	[hbm4b:s14+s3] =	stream.linear.scatter [tilespmem:s20], [sflag:$0x1], $0x400, $0x38;
	[tilespmem:$0xC100] =	vst v63  }
0x4b2: {  	s14 =	simm.s32 @!p0 $0x2  }
0x4b3: {  	_ =	swait.ge @!p0 [sflag:s14], $0x400  }
0x4b4: {  	[sflag:s14] =	ssyncset.done @!p0 $0x0  }
0x4b5: {  	[sflag:s14] =	ssyncadd.s32 @!p0 $0xFFFFFC00  }
0x4b6: {  	_ =	swait.ge @!p0 [sflag:s14], $0x400  }
0x4b7: {  	[sflag:s14] =	ssyncset.done @!p0 $0x0  }
0x4b8: {  	[sflag:s14] =	ssyncadd.s32 @!p0 $0xFFFFFC00  }
0x4b9: {  	_ =	swait.ge @!p0 [sflag:s14], $0x400  }
0x4ba: {  	[sflag:s14] =	ssyncset.done @!p0 $0x0  }
0x4bb: {  	[sflag:s14] =	ssyncadd.s32 @!p0 $0xFFFFFC00  }
0x4bc: {  	_ =	swait.ge @!p0 [sflag:s14], $0x400  }
0x4bd: {  	[sflag:s14] =	ssyncset.done @!p0 $0x0  }
0x4be: {  	[sflag:s14] =	ssyncadd.s32 @!p0 $0xFFFFFC00  }
0x4bf: {  	_ =	swait.ge @!p0 [sflag:s14], $0x400  }
0x4c0: {  	[sflag:s14] =	ssyncset.done @!p0 $0x0  }
0x4c1: {  	[sflag:s14] =	ssyncadd.s32 @!p0 $0xFFFFFC00  }
0x4c2: {  	_ =	swait.ge @!p0 [sflag:s14], $0x400  }
0x4c3: {  	[sflag:s14] =	ssyncset.done @!p0 $0x0  }
0x4c4: {  	[sflag:s14] =	ssyncadd.s32 @!p0 $0xFFFFFC00  }
0x4c5: {  	_ =	swait.ge @!p0 [sflag:s14], $0x400  }
0x4c6: {  	v41 =	vld [tilespmem:$0x1F7E0];
	_ =	sdelay $0x2  }
0x4c7: {  	[sflag:s14] =	ssyncset.done @!p0 $0x0  }
0x4c8: {  	s5 =	sor.u32 $0x1, s5;
	[sflag:s14] =	ssyncadd.s32 @!p0 $0xFFFFFC00  }
0x4c9: {  	_ =	swait.ge @!p0 [sflag:s14], $0x400;
	v0 =	vadd.s32 s5, v41  }
0x4ca: {  	v42 =	vld [tilespmem:$0x1F780];
	_ =	sdelay $0x1  }
0x4cb: {  	[sflag:s14] =	ssyncset.done @!p0 $0x0  }
0x4cc: {  	[sflag:s14] =	ssyncadd.s32 @!p0 $0xFFFFFC00;
	s14 =	simm.s32 $0x0  }
0x4cd: {  	v0 =	vld.idx.msk [tilespmem:v0+s14+$0x0], $0xffff  }
0x4ce: {  	v1 =	vadd.s32 s5, v42  }
0x4cf: {  	v43 =	vld [tilespmem:$0x1F790];
	_ =	sdelay $0x2  }
0x4d0: {  	[tilespmem:$0x8080] =	vst v0  }
0x4d1: {  	v0 =	vld.idx.msk [tilespmem:v1+s14+$0x0], $0xffff  }
0x4d2: {  	v1 =	vadd.s32 s5, v43  }
0x4d3: {  	v44 =	vld [tilespmem:$0x1F7A0];
	_ =	sdelay $0x2  }
0x4d4: {  	[tilespmem:$0x8090] =	vst v0  }
0x4d5: {  	v0 =	vld.idx.msk [tilespmem:v1+s14+$0x0], $0xffff  }
0x4d6: {  	v1 =	vadd.s32 s5, v44  }
0x4d7: {  	v45 =	vld [tilespmem:$0x1F7B0];
	_ =	sdelay $0x2  }
0x4d8: {  	[tilespmem:$0x80A0] =	vst v0  }
0x4d9: {  	v0 =	vld.idx.msk [tilespmem:v1+s14+$0x0], $0xffff  }
0x4da: {  	v1 =	vadd.s32 s5, v45  }
0x4db: {  	v46 =	vld [tilespmem:$0x1F7C0];
	_ =	sdelay $0x2  }
0x4dc: {  	[tilespmem:$0x80B0] =	vst v0  }
0x4dd: {  	v0 =	vld.idx.msk [tilespmem:v1+s14+$0x0], $0xffff  }
0x4de: {  	v1 =	vadd.s32 s5, v46  }
0x4df: {  	v47 =	vld [tilespmem:$0x1F7D0];
	_ =	sdelay $0x2  }
0x4e0: {  	[tilespmem:$0x80C0] =	vst v0  }
0x4e1: {  	v0 =	vld.idx.msk [tilespmem:v1+s14+$0x0], $0xffff  }
0x4e2: {  	v48 =	vld [tilespmem:$0x1F7F0];
	v1 =	vadd.s32 s5, v47  }
0x4e3: {  	v18 =	vld [tilespmem:$0x8080]  }
0x4e4: {  	v8 =	vld [tilespmem:$0x8080]  }
0x4e5: {  	v17 =	vld [tilespmem:$0x8090]  }
0x4e6: {  	v7 =	vld [tilespmem:$0x8090];
	[tilespmem:$0x80D0] =	vst v0  }
0x4e7: {  	v0 =	vld.idx.msk [tilespmem:v1+s14+$0x0], $0xffff  }
0x4e8: {  	v16 =	vld [tilespmem:$0x80A0];
	v1 =	vadd.s32 s5, v48  }
0x4e9: {  	v11 =	vld [tilespmem:$0x80A0]  }
0x4ea: {  	v15 =	vld [tilespmem:$0x80B0]  }
0x4eb: {  	v6 =	vld [tilespmem:$0x80B0]  }
0x4ec: {  	v14 =	vld [tilespmem:$0x80C0];
	[tilespmem:$0x80E0] =	vst v0  }
0x4ed: {  	v0 =	vld.idx.msk [tilespmem:v1+s14+$0x0], $0xffff  }
0x4ee: {  	v10 =	vld [tilespmem:$0x80C0]  }
0x4ef: {  	v49 =	vadd.s32 s14, v18;
	v13 =	vld [tilespmem:$0x80D0]  }
0x4f0: {  	v51 =	vadd.s32 s14, v17;
	v9 =	vld [tilespmem:$0x80D0]  }
0x4f1: {  	v52 =	vadd.s32 s14, v16;
	v12 =	vld [tilespmem:$0x80E0]  }
0x4f2: {  	v4 =	vadd.s32 s14, v15;
	v28 =	vld [tilespmem:$0x80E0];
	[tilespmem:$0x80F0] =	vst v0  }
0x4f3: {  	v20 =	vadd.s32 s14, v14;
	v19 =	vld [tilespmem:$0x80F0]  }
0x4f4: {  	s21 =	simm.s32 $0x40;
	v53 =	vadd.s32 s14, v13;
	v0 =	vld.idx.msk [tilespmem:v49+s17+$0x0], $0xffff  }
0x4f5: {  	v56 =	vadd.s32 s21, v18;
	v2 =	vld.idx.msk [tilespmem:v51+s17+$0x0], $0xffff  }
0x4f6: {  	v5 =	vadd.s32 s21, v17;
	v3 =	vld.idx.msk [tilespmem:v52+s17+$0x0], $0xffff  }
0x4f7: {  	v57 =	vadd.s32 s21, v16;
	v4 =	vld.idx.msk [tilespmem:v4+s17+$0x0], $0xffff  }
0x4f8: {  	v54 =	vadd.s32 s14, v12;
	v20 =	vld.idx.msk [tilespmem:v20+s17+$0x0], $0xffff  }
0x4f9: {  	v59 =	vadd.s32 s21, v14;
	v21 =	vld.idx.msk [tilespmem:v53+s17+$0x0], $0xffff  }
0x4fa: {  	s18 =	simm.s32 $0xA300;
	v60 =	vadd.s32 s21, v13;
	v24 =	vld.idx.msk [tilespmem:v56+s17+$0x0], $0xffff  }
0x4fb: {  	s22 =	simm.s32 $0x80;
	v61 =	vadd.s32 s21, v12;
	v5 =	vld.idx.msk [tilespmem:v5+s17+$0x0], $0xffff;
	[tilespmem:s18+$0xFFFFFE00] =	vst v0  }
0x4fc: {  	v62 =	vadd.s32 s22, v17;
	v25 =	vld.idx.msk [tilespmem:v57+s17+$0x0], $0xffff;
	[tilespmem:s18+$0xFFFFFE10] =	vst v2  }
0x4fd: {  	v33 =	vadd.s32 s22, v14;
	v22 =	vld.idx.msk [tilespmem:v54+s17+$0x0], $0xffff;
	[tilespmem:s18+$0xFFFFFE20] =	vst v3  }
0x4fe: {  	v34 =	vadd.s32 s22, v12;
	[tilespmem:s18+$0xFFFFFE30] =	vst v4;
	v0 =	vld.idx.msk [tilespmem:v59+s17+$0x0], $0xffff  }
0x4ff: {  	s19 =	simm.s32 $0x1C0;
	v63 =	vadd.s32 s22, v16;
	[tilespmem:s18+$0xFFFFFE40] =	vst v20;
	v2 =	vld.idx.msk [tilespmem:v60+s17+$0x0], $0xffff  }
0x500: {  	v50 =	vadd.s32 s19, v19;
	[tilespmem:s18+$0xFFFFFE50] =	vst v21;
	v3 =	vld.idx.msk [tilespmem:v61+s17+$0x0], $0xffff  }
0x501: {  	v55 =	vadd.s32 s14, v19;
	[tilespmem:s18+$0xFFFFFE80] =	vst v24;
	v21 =	vld.idx.msk [tilespmem:v62+s17+$0x0], $0xffff  }
0x502: {  	v4 =	vadd.s32 s21, v19;
	[tilespmem:s18+$0xFFFFFE90] =	vst v5;
	v24 =	vld.idx.msk [tilespmem:v33+s17+$0x0], $0xffff  }
0x503: {  	v20 =	vadd.s32 s22, v18;
	[tilespmem:s18+$0xFFFFFEA0] =	vst v25;
	v25 =	vld.idx.msk [tilespmem:v34+s17+$0x0], $0xffff  }
0x504: {  	s23 =	simm.s32 $0xC0;
	v5 =	vadd.s32 s22, v13;
	[tilespmem:s18+$0xFFFFFE60] =	vst v22;
	v22 =	vld.idx.msk [tilespmem:v63+s17+$0x0], $0xffff  }
0x505: {  	v36 =	vadd.s32 s23, v18;
	v1 =	vld.idx.msk [tilespmem:v50+s17+$0x0], $0xffff;
	[tilespmem:s18+$0xFFFFFEC0] =	vst v0  }
0x506: {  	v37 =	vadd.s32 s23, v17;
	v23 =	vld.idx.msk [tilespmem:v55+s17+$0x0], $0xffff;
	[tilespmem:s18+$0xFFFFFED0] =	vst v2  }
0x507: {  	v38 =	vadd.s32 s23, v16;
	v4 =	vld.idx.msk [tilespmem:v4+s17+$0x0], $0xffff;
	[tilespmem:s18+$0xFFFFFEE0] =	vst v3  }
0x508: {  	s24 =	simm.s32 $0x100;
	v39 =	vadd.s32 s23, v13;
	v20 =	vld.idx.msk [tilespmem:v20+s17+$0x0], $0xffff;
	[tilespmem:s18+$0xFFFFFF10] =	vst v21  }
0x509: {  	v42 =	vadd.s32 s24, v18;
	v5 =	vld.idx.msk [tilespmem:v5+s17+$0x0], $0xffff;
	[tilespmem:s18+$0xFFFFFF40] =	vst v24  }
0x50a: {  	v43 =	vadd.s32 s24, v16;
	v0 =	vld.idx.msk [tilespmem:v36+s17+$0x0], $0xffff;
	[tilespmem:s18+$0xFFFFFF60] =	vst v25  }
0x50b: {  	v40 =	vadd.s32 s23, v12;
	v2 =	vld.idx.msk [tilespmem:v37+s17+$0x0], $0xffff;
	[tilespmem:s18+$0xFFFFFF20] =	vst v22  }
0x50c: {  	v58 =	vadd.s32 s21, v15;
	v3 =	vld.idx.msk [tilespmem:v38+s17+$0x0], $0xffff;
	[tilespmem:s18+$0x1F0] =	vst v1  }
0x50d: {  	v32 =	vadd.s32 s22, v15;
	v21 =	vld.idx.msk [tilespmem:v39+s17+$0x0], $0xffff;
	[tilespmem:s18+$0xFFFFFE70] =	vst v23  }
0x50e: {  	v45 =	vadd.s32 s24, v14;
	v24 =	vld.idx.msk [tilespmem:v42+s17+$0x0], $0xffff;
	[tilespmem:s18+$0xFFFFFEF0] =	vst v4  }
0x50f: {  	v46 =	vadd.s32 s24, v13;
	v25 =	vld.idx.msk [tilespmem:v43+s17+$0x0], $0xffff;
	[tilespmem:s18+$0xFFFFFF00] =	vst v20  }
0x510: {  	s25 =	simm.s32 $0x140;
	v47 =	vadd.s32 s24, v12;
	v22 =	vld.idx.msk [tilespmem:v40+s17+$0x0], $0xffff;
	[tilespmem:s18+$0xFFFFFF50] =	vst v5  }
0x511: {  	v48 =	vadd.s32 s25, v17;
	v1 =	vld.idx.msk [tilespmem:v58+s17+$0x0], $0xffff;
	[tilespmem:s18+$0xFFFFFF80] =	vst v0  }
0x512: {  	v51 =	vadd.s32 s25, v14;
	v23 =	vld.idx.msk [tilespmem:v32+s17+$0x0], $0xffff;
	[tilespmem:s18+$0xFFFFFF90] =	vst v2  }
0x513: {  	v52 =	vadd.s32 s25, v12;
	[tilespmem:s18+$0xFFFFFFA0] =	vst v3;
	v0 =	vld.idx.msk [tilespmem:v45+s17+$0x0], $0xffff  }
0x514: {  	[tilespmem:s18+$0xFFFFFFD0] =	vst v21;
	v2 =	vld.idx.msk [tilespmem:v46+s17+$0x0], $0xffff  }
0x515: {  	v4 =	vadd.s32 s23, v15;
	v3 =	vld.idx.msk [tilespmem:v47+s17+$0x0], $0xffff;
	[tilespmem:s18+$0x0] =	vst v24  }
0x516: {  	v20 =	vadd.s32 s23, v14;
	[tilespmem:s18+$0x20] =	vst v25;
	v21 =	vld.idx.msk [tilespmem:v48+s17+$0x0], $0xffff  }
0x517: {  	v49 =	vadd.s32 s25, v16;
	v24 =	vld.idx.msk [tilespmem:v51+s17+$0x0], $0xffff;
	[tilespmem:s18+$0xFFFFFFE0] =	vst v22  }
0x518: {  	s26 =	simm.s32 $0x180;
	v35 =	vadd.s32 s22, v19;
	v25 =	vld.idx.msk [tilespmem:v52+s17+$0x0], $0xffff;
	[tilespmem:s18+$0xFFFFFEB0] =	vst v1  }
0x519: {  	v41 =	vadd.s32 s23, v19;
	v63 =	vadd.s32 s19, v12;
	v58 =	vadd.s32 s26, v12;
	v12 =	vld [tilespmem:$0x80F0];
	[tilespmem:s18+$0xFFFFFF30] =	vst v23  }
0x51a: {  	v5 =	vadd.s32 s24, v17;
	v4 =	vld.idx.msk [tilespmem:v4+s17+$0x0], $0xffff;
	[tilespmem:s18+$0x40] =	vst v0  }
0x51b: {  	v54 =	vadd.s32 s26, v18;
	v20 =	vld.idx.msk [tilespmem:v20+s17+$0x0], $0xffff;
	[tilespmem:s18+$0x50] =	vst v2  }
0x51c: {  	v55 =	vadd.s32 s26, v17;
	v22 =	vld.idx.msk [tilespmem:v49+s17+$0x0], $0xffff;
	[tilespmem:s18+$0x60] =	vst v3  }
0x51d: {  	v56 =	vadd.s32 s26, v16;
	v1 =	vld.idx.msk [tilespmem:v35+s17+$0x0], $0xffff;
	[tilespmem:s18+$0x90] =	vst v21  }
0x51e: {  	v57 =	vadd.s32 s26, v13;
	v23 =	vld.idx.msk [tilespmem:v41+s17+$0x0], $0xffff;
	[tilespmem:s18+$0xC0] =	vst v24  }
0x51f: {  	v5 =	vld.idx.msk [tilespmem:v5+s17+$0x0], $0xffff;
	[tilespmem:s18+$0xFFFFFFB0] =	vst v4;
	v4 =	vadd.s32 s24, v19  }
0x520: {  	v0 =	vld.idx.msk [tilespmem:v54+s17+$0x0], $0xffff;
	[tilespmem:s18+$0xFFFFFFC0] =	vst v20;
	v20 =	vadd.s32 s25, v18  }
0x521: {  	v44 =	vadd.s32 s24, v15;
	v2 =	vld.idx.msk [tilespmem:v55+s17+$0x0], $0xffff;
	[tilespmem:s18+$0xE0] =	vst v25  }
0x522: {  	v17 =	vadd.s32 s19, v17;
	v3 =	vld.idx.msk [tilespmem:v56+s17+$0x0], $0xffff;
	[tilespmem:s18+$0xA0] =	vst v22  }
0x523: {  	v21 =	vld.idx.msk [tilespmem:v57+s17+$0x0], $0xffff;
	[tilespmem:s18+$0xFFFFFF70] =	vst v1  }
0x524: {  	v50 =	vadd.s32 s25, v15;
	[tilespmem:s18+$0xFFFFFFF0] =	vst v23;
	v4 =	vld.idx.msk [tilespmem:v4+s17+$0x0], $0xffff  }
0x525: {  	[tilespmem:s18+$0x10] =	vst v5;
	v5 =	vadd.s32 s25, v13;
	v20 =	vld.idx.msk [tilespmem:v20+s17+$0x0], $0xffff  }
0x526: {  	v53 =	vadd.s32 s25, v19;
	v1 =	vld.idx.msk [tilespmem:v44+s17+$0x0], $0xffff;
	[tilespmem:s18+$0x100] =	vst v0  }
0x527: {  	v17 =	vld.idx.msk [tilespmem:v17+s17+$0x0], $0xffff;
	v19 =	vadd.s32 s26, v19;
	[tilespmem:s18+$0x110] =	vst v2  }
0x528: {  	v22 =	vld.idx.msk [tilespmem:v58+s17+$0x0], $0xffff;
	v18 =	vadd.s32 s19, v18;
	[tilespmem:s18+$0x120] =	vst v3  }
0x529: {  	v23 =	vld.idx.msk [tilespmem:v50+s17+$0x0], $0xffff;
	[tilespmem:s18+$0x70] =	vst v4;
	v4 =	vadd.s32 s26, v15  }
0x52a: {  	v5 =	vld.idx.msk [tilespmem:v5+s17+$0x0], $0xffff;
	[tilespmem:s18+$0x80] =	vst v20;
	v20 =	vadd.s32 s26, v14  }
0x52b: {  	v16 =	vadd.s32 s19, v16;
	[tilespmem:s18+$0x30] =	vst v1;
	v1 =	vld.idx.msk [tilespmem:v53+s17+$0x0], $0xffff  }
0x52c: {  	v59 =	vadd.s32 s19, v15;
	[tilespmem:s18+$0x150] =	vst v21;
	v61 =	vld.idx.msk [tilespmem:v19+s17+$0x0], $0xffff  }
0x52d: {  	v60 =	vadd.s32 s19, v14;
	v62 =	vadd.s32 s19, v13;
	[tilespmem:s18+$0x160] =	vst v22;
	v13 =	vld.idx.msk [tilespmem:v18+s17+$0x0], $0xffff  }
0x52e: {  	[tilespmem:s18+$0xB0] =	vst v23;
	v4 =	vld.idx.msk [tilespmem:v4+s17+$0x0], $0xffff  }
0x52f: {  	[tilespmem:s18+$0xD0] =	vst v5;
	v20 =	vld.idx.msk [tilespmem:v20+s17+$0x0], $0xffff  }
0x530: {  	v19 =	vld.idx.msk [tilespmem:v16+s17+$0x0], $0xffff;
	[tilespmem:s18+$0xF0] =	vst v1  }
0x531: {  	v16 =	vld.idx.msk [tilespmem:v59+s17+$0x0], $0xffff;
	[tilespmem:s18+$0x170] =	vst v61  }
0x532: {  	v15 =	vld.idx.msk [tilespmem:v60+s17+$0x0], $0xffff;
	[tilespmem:s18+$0x180] =	vst v13  }
0x533: {  	v14 =	vld.idx.msk [tilespmem:v62+s17+$0x0], $0xffff;
	[tilespmem:s18+$0x130] =	vst v4  }
0x534: {  	s19 =	simm.s32 $0x40;
	v13 =	vld.idx.msk [tilespmem:v63+s17+$0x0], $0xffff;
	[tilespmem:s18+$0x140] =	vst v20  }
.LBB2_5:
0x535: {  	v2 =	vld [tilespmem:$0x8080]  }
0x536: {  	v1 =	vld [tilespmem:$0x8090];
	s14 =	sadd.s32 $0x200, s14  }
0x537: {  	v24 =	vld [tilespmem:$0x80A0];
	v3 =	vadd.s32 s14, v8  }
0x538: {  	v33 =	vld [tilespmem:$0x80B0];
	v4 =	vadd.s32 s14, v7  }
0x539: {  	v34 =	vld [tilespmem:$0x80C0];
	v18 =	vadd.s32 s14, v10  }
0x53a: {  	v35 =	vld [tilespmem:$0x80D0];
	s24 =	sadd.s32 $0x40, s14;
	v20 =	vadd.s32 s14, v28  }
0x53b: {  	v36 =	vld [tilespmem:$0x80E0];
	s21 =	sadd.s32 $0x180, s14;
	v22 =	vadd.s32 s24, v7  }
0x53c: {  	v23 =	vadd.s32 s24, v11;
	v26 =	vadd.s32 s21, v10;
	v3 =	vld.idx.msk [tilespmem:v3+s17+$0x0], $0xffff  }
0x53d: {  	v37 =	vadd.s32 s24, v10;
	[tilespmem:$0x1F740] =	vst v26;
	v4 =	vld.idx.msk [tilespmem:v4+s17+$0x0], $0xffff  }
0x53e: {  	s25 =	sadd.s32 $0x80, s14;
	v38 =	vadd.s32 s24, v9;
	[tilespmem:s18+$0x190] =	vst v17;
	v18 =	vld.idx.msk [tilespmem:v18+s17+$0x0], $0xffff  }
0x53f: {  	v41 =	vadd.s32 s25, v8;
	[tilespmem:s18+$0x1A0] =	vst v19;
	v60 =	vld.idx.msk [tilespmem:v20+s17+$0x0], $0xffff  }
0x540: {  	v43 =	vadd.s32 s25, v11;
	[tilespmem:s18+$0x1B0] =	vst v16;
	v0 =	vld.idx.msk [tilespmem:v22+s17+$0x0], $0xffff  }
0x541: {  	v44 =	vadd.s32 s25, v6;
	[tilespmem:s18+$0x1C0] =	vst v15;
	v5 =	vld.idx.msk [tilespmem:v23+s17+$0x0], $0xffff  }
0x542: {  	s20 =	sadd.s32 $0x1C0, s14;
	s26 =	sadd.s32 $0xC0, s14;
	v46 =	vadd.s32 s25, v9;
	[tilespmem:s18+$0x1D0] =	vst v14;
	v26 =	vld.idx.msk [tilespmem:v37+s17+$0x0], $0xffff  }
0x543: {  	s23 =	sadd.s32 $0x100, s14;
	v51 =	vadd.s32 s26, v11;
	v19 =	vadd.s32 s20, v12;
	[tilespmem:s18+$0x1E0] =	vst v13;
	s18 =	sadd.s32 $0x400, s18;
	v27 =	vld.idx.msk [tilespmem:v38+s17+$0x0], $0xffff  }
0x544: {  	s22 =	sadd.s32 $0x140, s14;
	v59 =	vadd.s32 s23, v11;
	v17 =	vadd.s32 s14, v11;
	v41 =	vld.idx.msk [tilespmem:v41+s17+$0x0], $0xffff;
	[tilespmem:s18+$0xFFFFFE00] =	vst v3  }
0x545: {  	v32 =	vadd.s32 s22, v11;
	v16 =	vadd.s32 s14, v6;
	v43 =	vld.idx.msk [tilespmem:v43+s17+$0x0], $0xffff;
	[tilespmem:s18+$0xFFFFFE10] =	vst v4  }
0x546: {  	v15 =	vadd.s32 s14, v9;
	v14 =	vadd.s32 s24, v8;
	v44 =	vld.idx.msk [tilespmem:v44+s17+$0x0], $0xffff;
	[tilespmem:s18+$0xFFFFFE40] =	vst v18  }
0x547: {  	v46 =	vld.idx.msk [tilespmem:v46+s17+$0x0], $0xffff;
	v18 =	vadd.s32 s21, v11;
	[tilespmem:s18+$0xFFFFFE60] =	vst v60;
	v11 =	vadd.s32 s20, v11  }
0x548: {  	v13 =	vadd.s32 s24, v6;
	v19 =	vld.idx.msk [tilespmem:v19+s17+$0x0], $0xffff;
	[tilespmem:$0x1F750] =	vst v11  }
0x549: {  	v48 =	vadd.s32 s25, v12;
	v17 =	vld.idx.msk [tilespmem:v17+s17+$0x0], $0xffff;
	[tilespmem:s18+$0xFFFFFE90] =	vst v0  }
0x54a: {  	v21 =	vadd.s32 s14, v12;
	v16 =	vld.idx.msk [tilespmem:v16+s17+$0x0], $0xffff;
	[tilespmem:s18+$0xFFFFFEA0] =	vst v5  }
0x54b: {  	v42 =	vadd.s32 s25, v7;
	v15 =	vld.idx.msk [tilespmem:v15+s17+$0x0], $0xffff;
	[tilespmem:s18+$0xFFFFFEC0] =	vst v26  }
0x54c: {  	v39 =	vadd.s32 s24, v28;
	v14 =	vld.idx.msk [tilespmem:v14+s17+$0x0], $0xffff;
	[tilespmem:s18+$0xFFFFFED0] =	vst v27  }
0x54d: {  	v45 =	vadd.s32 s25, v10;
	v25 =	vld.idx.msk [tilespmem:v13+s17+$0x0], $0xffff;
	[tilespmem:s18+$0xFFFFFF00] =	vst v41  }
0x54e: {  	v40 =	vadd.s32 s24, v12;
	v48 =	vld.idx.msk [tilespmem:v48+s17+$0x0], $0xffff;
	[tilespmem:s18+$0xFFFFFF20] =	vst v43  }
0x54f: {  	v3 =	vld.idx.msk [tilespmem:v21+s17+$0x0], $0xffff;
	v4 =	vadd.s32 s22, v7;
	[tilespmem:s18+$0xFFFFFF30] =	vst v44  }
0x550: {  	v49 =	vadd.s32 s26, v8;
	v50 =	vadd.s32 s26, v7;
	v58 =	vadd.s32 s23, v7;
	v5 =	vld.idx.msk [tilespmem:v42+s17+$0x0], $0xffff;
	[tilespmem:s18+$0xFFFFFF50] =	vst v46  }
0x551: {  	v23 =	vadd.s32 s21, v7;
	v38 =	vadd.s32 s20, v7;
	v7 =	vmov v1;
	v1 =	vld.idx.msk [tilespmem:v39+s17+$0x0], $0xffff;
	[tilespmem:s18+$0x1F0] =	vst v19  }
0x552: {  	v27 =	vld.idx.msk [tilespmem:v45+s17+$0x0], $0xffff;
	[tilespmem:s18+$0xFFFFFE20] =	vst v17  }
0x553: {  	v52 =	vadd.s32 s26, v6;
	[tilespmem:s18+$0xFFFFFE80] =	vst v14;
	v14 =	vld.idx.msk [tilespmem:v40+s17+$0x0], $0xffff  }
0x554: {  	v53 =	vadd.s32 s26, v10;
	[tilespmem:s18+$0xFFFFFE30] =	vst v16;
	v4 =	vld.idx.msk [tilespmem:v4+s17+$0x0], $0xffff  }
0x555: {  	v55 =	vadd.s32 s26, v28;
	[tilespmem:s18+$0xFFFFFF10] =	vst v5;
	v5 =	vld.idx.msk [tilespmem:v49+s17+$0x0], $0xffff  }
0x556: {  	v57 =	vadd.s32 s23, v8;
	[tilespmem:s18+$0xFFFFFE50] =	vst v15;
	v49 =	vld.idx.msk [tilespmem:v50+s17+$0x0], $0xffff  }
0x557: {  	v61 =	vadd.s32 s23, v6;
	[tilespmem:s18+$0xFFFFFEB0] =	vst v25;
	v50 =	vld.idx.msk [tilespmem:v51+s17+$0x0], $0xffff  }
0x558: {  	[tilespmem:s18+$0xFFFFFF40] =	vst v27;
	v27 =	vld.idx.msk [tilespmem:v52+s17+$0x0], $0xffff  }
0x559: {  	v13 =	vadd.s32 s21, v6;
	[tilespmem:s18+$0xFFFFFF70] =	vst v48;
	v51 =	vld.idx.msk [tilespmem:v53+s17+$0x0], $0xffff  }
0x55a: {  	v47 =	vadd.s32 s25, v28;
	[tilespmem:s18+$0xFFFFFE70] =	vst v3;
	v52 =	vld.idx.msk [tilespmem:v55+s17+$0x0], $0xffff  }
0x55b: {  	v17 =	vadd.s32 s22, v28;
	[tilespmem:s18+$0xFFFFFEE0] =	vst v1;
	v53 =	vld.idx.msk [tilespmem:v57+s17+$0x0], $0xffff  }
0x55c: {  	v16 =	vadd.s32 s22, v12;
	v55 =	vld.idx.msk [tilespmem:v61+s17+$0x0], $0xffff;
	[tilespmem:s18+$0xFFFFFEF0] =	vst v14  }
0x55d: {  	v56 =	vadd.s32 s26, v12;
	v57 =	vld.idx.msk [tilespmem:v32+s17+$0x0], $0xffff;
	[tilespmem:s18+$0x90] =	vst v4  }
0x55e: {  	v15 =	vadd.s32 s21, v9;
	v61 =	vld.idx.msk [tilespmem:v13+s17+$0x0], $0xffff;
	[tilespmem:s18+$0xFFFFFF80] =	vst v5  }
0x55f: {  	v39 =	vadd.s32 s20, v10;
	v14 =	vld.idx.msk [tilespmem:v47+s17+$0x0], $0xffff;
	[tilespmem:s18+$0xFFFFFF90] =	vst v49  }
0x560: {  	v22 =	vadd.s32 s21, v8;
	v17 =	vld.idx.msk [tilespmem:v17+s17+$0x0], $0xffff;
	[tilespmem:s18+$0xFFFFFFA0] =	vst v50  }
0x561: {  	v16 =	vld.idx.msk [tilespmem:v16+s17+$0x0], $0xffff;
	[tilespmem:s18+$0xFFFFFFB0] =	vst v27  }
0x562: {  	v19 =	vadd.s32 s23, v28;
	v5 =	vld.idx.msk [tilespmem:v56+s17+$0x0], $0xffff;
	[tilespmem:s18+$0xFFFFFFC0] =	vst v51  }
0x563: {  	v54 =	vadd.s32 s26, v9;
	v13 =	vld.idx.msk [tilespmem:v15+s17+$0x0], $0xffff;
	[tilespmem:s18+$0xFFFFFFE0] =	vst v52  }
0x564: {  	v63 =	vadd.s32 s23, v9;
	v15 =	vld.idx.msk [tilespmem:v39+s17+$0x0], $0xffff;
	[tilespmem:s18+$0x0] =	vst v53  }
0x565: {  	v4 =	vld.idx.msk [tilespmem:v22+s17+$0x0], $0xffff;
	[tilespmem:s18+$0x30] =	vst v55  }
0x566: {  	v27 =	vld.idx.msk [tilespmem:v59+s17+$0x0], $0xffff;
	[tilespmem:s18+$0xA0] =	vst v57  }
0x567: {  	v29 =	vadd.s32 s22, v9;
	[tilespmem:s18+$0xFFFFFFF0] =	vst v5;
	v5 =	vld.idx.msk [tilespmem:v19+s17+$0x0], $0xffff  }
0x568: {  	v62 =	vadd.s32 s23, v10;
	[tilespmem:s18+$0xFFFFFF60] =	vst v14;
	v14 =	vld.idx.msk [tilespmem:v54+s17+$0x0], $0xffff  }
0x569: {  	v56 =	vld.idx.msk [tilespmem:v63+s17+$0x0], $0xffff;
	[tilespmem:s18+$0x130] =	vst v61  }
0x56a: {  	v31 =	vadd.s32 s22, v10;
	v59 =	vld.idx.msk [tilespmem:v23+s17+$0x0], $0xffff;
	[tilespmem:s18+$0xE0] =	vst v17  }
0x56b: {  	v63 =	vld [tilespmem:$0x1F750];
	[tilespmem:s18+$0xF0] =	vst v16  }
0x56c: {  	[tilespmem:s18+$0x60] =	vst v5;
	v5 =	vld.idx.msk [tilespmem:v29+s17+$0x0], $0xffff  }
0x56d: {  	v30 =	vadd.s32 s22, v6;
	[tilespmem:s18+$0xFFFFFFD0] =	vst v14;
	v14 =	vld.idx.msk [tilespmem:v62+s17+$0x0], $0xffff  }
0x56e: {  	v20 =	vadd.s32 s23, v12;
	v12 =	vadd.s32 s21, v12;
	v54 =	vld.idx.msk [tilespmem:v58+s17+$0x0], $0xffff;
	[tilespmem:s18+$0x150] =	vst v13  }
0x56f: {  	v58 =	vld.idx.msk [tilespmem:v31+s17+$0x0], $0xffff;
	[tilespmem:s18+$0x100] =	vst v4  }
0x570: {  	v21 =	vadd.s32 s22, v8;
	v17 =	vld.idx.msk [tilespmem:v38+s17+$0x0], $0xffff;
	[tilespmem:s18+$0x20] =	vst v27  }
0x571: {  	v60 =	vadd.s32 s20, v8;
	[tilespmem:s18+$0xD0] =	vst v5;
	v5 =	vld [tilespmem:$0x1F740]  }
0x572: {  	[tilespmem:s18+$0x40] =	vst v14;
	v14 =	vld.idx.msk [tilespmem:v30+s17+$0x0], $0xffff  }
0x573: {  	v37 =	vadd.s32 s21, v28;
	v4 =	vld.idx.msk [tilespmem:v12+s17+$0x0], $0xffff;
	[tilespmem:s18+$0x50] =	vst v56  }
0x574: {  	v19 =	vld.idx.msk [tilespmem:v20+s17+$0x0], $0xffff;
	[tilespmem:s18+$0x110] =	vst v59  }
0x575: {  	v3 =	vadd.s32 s20, v6;
	v20 =	vld.idx.msk [tilespmem:v21+s17+$0x0], $0xffff;
	[tilespmem:s18+$0x10] =	vst v54  }
0x576: {  	v40 =	vadd.s32 s20, v28;
	[tilespmem:s18+$0xC0] =	vst v58;
	v62 =	vld.idx.msk [tilespmem:v60+s17+$0x0], $0xffff  }
0x577: {  	[tilespmem:s18+$0xB0] =	vst v14;
	v14 =	vld.idx.msk [tilespmem:v18+s17+$0x0], $0xffff  }
0x578: {  	s19 =	sadd.s32 $0x40, s19;
	[tilespmem:s18+$0x170] =	vst v4;
	v18 =	vld.idx.msk [tilespmem:v37+s17+$0x0], $0xffff  }
0x579: {  	p0 =	slt.u32 s19, $0x1C0;
	v8 =	vmov v2;
	v2 =	vadd.s32 s20, v9;
	[tilespmem:s18+$0x70] =	vst v19;
	v5 =	vld.idx.msk [tilespmem:v5+s17+$0x0], $0xffff  }
.Ltmp1:
0x57a: {  	v16 =	vld.idx.msk [tilespmem:v3+s17+$0x0], $0xffff;
	[tilespmem:s18+$0x80] =	vst v20;
	(pc) =	sbr.rel @p0 .LBB2_5-.Ltmp1, $4  }
0x57b: {  	v13 =	vld.idx.msk [tilespmem:v40+s17+$0x0], $0xffff;
	[tilespmem:s18+$0x180] =	vst v62  }
0x57c: {  	v12 =	vld [tilespmem:$0x80F0];
	[tilespmem:s18+$0x120] =	vst v14  }
0x57d: {  	v19 =	vld.idx.msk [tilespmem:v63+s17+$0x0], $0xffff;
	[tilespmem:s18+$0x160] =	vst v18  }
0x57e: {  	v10 =	vmovc v34;
	v11 =	vmovc v24;
	v9 =	vmov v35;
	v28 =	vmov v36;
	v6 =	vmov v33;
	v14 =	vld.idx.msk [tilespmem:v2+s17+$0x0], $0xffff;
	[tilespmem:s18+$0x140] =	vst v5  }
0x57f: {  	s19 =	sadd.s32 $0x200, s14  }
0x580: {  	v1 =	vadd.s32 s19, v8  }
0x581: {  	v2 =	vadd.s32 s19, v7  }
0x582: {  	v3 =	vadd.s32 s19, v11  }
0x583: {  	v4 =	vadd.s32 s19, v6  }
0x584: {  	[tilespmem:s18+$0x190] =	vst v17;
	v5 =	vadd.s32 s19, v10  }
0x585: {  	[tilespmem:s18+$0x1B0] =	vst v16;
	v42 =	vadd.s32 s19, v9;
	v1 =	vld.idx.msk [tilespmem:v1+s17+$0x0], $0xffff  }
0x586: {  	[tilespmem:s18+$0x1C0] =	vst v15;
	s14 =	sadd.s32 $0x1C0, s19;
	v43 =	vadd.s32 s19, v28;
	v2 =	vld.idx.msk [tilespmem:v2+s17+$0x0], $0xffff  }
0x587: {  	[tilespmem:s18+$0x1E0] =	vst v13;
	v0 =	vadd.s32 s14, v12;
	v3 =	vld.idx.msk [tilespmem:v3+s17+$0x0], $0xffff  }
0x588: {  	s20 =	sadd.s32 $0x40, s19;
	v44 =	vadd.s32 s19, v12;
	[tilespmem:s18+$0x1A0] =	vst v19;
	v4 =	vld.idx.msk [tilespmem:v4+s17+$0x0], $0xffff  }
0x589: {  	s22 =	sadd.s32 $0x400, s18;
	v45 =	vadd.s32 s20, v8;
	[tilespmem:s18+$0x1D0] =	vst v14;
	v5 =	vld.idx.msk [tilespmem:v5+s17+$0x0], $0xffff  }
0x58a: {  	v46 =	vadd.s32 s20, v7;
	v16 =	vld.idx.msk [tilespmem:v42+s17+$0x0], $0xffff;
	[tilespmem:s22+$0xFFFFFE00] =	vst v1  }
0x58b: {  	v48 =	vadd.s32 s20, v6;
	v15 =	vld.idx.msk [tilespmem:v43+s17+$0x0], $0xffff;
	[tilespmem:s22+$0xFFFFFE10] =	vst v2  }
0x58c: {  	v49 =	vadd.s32 s20, v10;
	v0 =	vld.idx.msk [tilespmem:v0+s17+$0x0], $0xffff;
	[tilespmem:s22+$0xFFFFFE20] =	vst v3  }
0x58d: {  	v50 =	vadd.s32 s20, v9;
	v17 =	vld.idx.msk [tilespmem:v44+s17+$0x0], $0xffff;
	[tilespmem:s22+$0xFFFFFE30] =	vst v4  }
0x58e: {  	v51 =	vadd.s32 s20, v28;
	v14 =	vld.idx.msk [tilespmem:v45+s17+$0x0], $0xffff;
	[tilespmem:s22+$0xFFFFFE40] =	vst v5  }
0x58f: {  	s23 =	sadd.s32 $0x80, s19;
	v52 =	vadd.s32 s20, v12;
	v13 =	vld.idx.msk [tilespmem:v46+s17+$0x0], $0xffff;
	[tilespmem:s22+$0xFFFFFE50] =	vst v16  }
0x590: {  	v53 =	vadd.s32 s23, v8;
	v1 =	vld.idx.msk [tilespmem:v48+s17+$0x0], $0xffff;
	[tilespmem:s22+$0xFFFFFE60] =	vst v15  }
0x591: {  	v54 =	vadd.s32 s23, v7;
	v2 =	vld.idx.msk [tilespmem:v49+s17+$0x0], $0xffff;
	[tilespmem:s22+$0x1F0] =	vst v0  }
0x592: {  	v47 =	vadd.s32 s20, v11;
	v3 =	vld.idx.msk [tilespmem:v50+s17+$0x0], $0xffff;
	[tilespmem:s22+$0xFFFFFE70] =	vst v17  }
0x593: {  	v55 =	vadd.s32 s23, v11;
	v4 =	vld.idx.msk [tilespmem:v51+s17+$0x0], $0xffff;
	[tilespmem:s22+$0xFFFFFE80] =	vst v14  }
0x594: {  	s24 =	sadd.s32 $0xC0, s19;
	v56 =	vadd.s32 s23, v6;
	v5 =	vld.idx.msk [tilespmem:v52+s17+$0x0], $0xffff;
	[tilespmem:s22+$0xFFFFFE90] =	vst v13  }
0x595: {  	s25 =	sadd.s32 $0x100, s19;
	s26 =	sadd.s32 $0x140, s19;
	v57 =	vadd.s32 s23, v10;
	s19 =	sadd.s32 $0x180, s19;
	v16 =	vld.idx.msk [tilespmem:v53+s17+$0x0], $0xffff;
	[tilespmem:s22+$0xFFFFFEB0] =	vst v1  }
0x596: {  	v44 =	vadd.s32 s19, v11;
	v15 =	vld.idx.msk [tilespmem:v54+s17+$0x0], $0xffff;
	[tilespmem:s22+$0xFFFFFEC0] =	vst v2  }
0x597: {  	v45 =	vadd.s32 s19, v6;
	v0 =	vld.idx.msk [tilespmem:v47+s17+$0x0], $0xffff;
	[tilespmem:s22+$0xFFFFFED0] =	vst v3  }
0x598: {  	v46 =	vadd.s32 s19, v10;
	v17 =	vld.idx.msk [tilespmem:v55+s17+$0x0], $0xffff;
	[tilespmem:s22+$0xFFFFFEE0] =	vst v4  }
0x599: {  	v59 =	vadd.s32 s23, v28;
	v14 =	vld.idx.msk [tilespmem:v56+s17+$0x0], $0xffff;
	[tilespmem:s22+$0xFFFFFEF0] =	vst v5  }
0x59a: {  	v60 =	vadd.s32 s23, v12;
	v13 =	vld.idx.msk [tilespmem:v57+s17+$0x0], $0xffff;
	[tilespmem:s22+$0xFFFFFF00] =	vst v16  }
0x59b: {  	v61 =	vadd.s32 s24, v8;
	v50 =	vld.idx.msk [tilespmem:v44+s17+$0x0], $0xffff;
	[tilespmem:s22+$0xFFFFFF10] =	vst v15  }
0x59c: {  	v62 =	vadd.s32 s24, v7;
	v52 =	vld.idx.msk [tilespmem:v45+s17+$0x0], $0xffff;
	[tilespmem:s22+$0xFFFFFEA0] =	vst v0  }
0x59d: {  	v63 =	vadd.s32 s24, v11;
	v54 =	vld.idx.msk [tilespmem:v46+s17+$0x0], $0xffff;
	[tilespmem:s22+$0xFFFFFF20] =	vst v17  }
0x59e: {  	v20 =	vadd.s32 s24, v6;
	v1 =	vld.idx.msk [tilespmem:v59+s17+$0x0], $0xffff;
	[tilespmem:s22+$0xFFFFFF30] =	vst v14  }
0x59f: {  	v21 =	vadd.s32 s24, v10;
	v2 =	vld.idx.msk [tilespmem:v60+s17+$0x0], $0xffff;
	[tilespmem:s22+$0xFFFFFF40] =	vst v13  }
0x5a0: {  	v58 =	vadd.s32 s23, v9;
	v3 =	vld.idx.msk [tilespmem:v61+s17+$0x0], $0xffff;
	[tilespmem:s22+$0x120] =	vst v50  }
0x5a1: {  	v22 =	vadd.s32 s24, v9;
	v4 =	vld.idx.msk [tilespmem:v62+s17+$0x0], $0xffff;
	[tilespmem:s22+$0x130] =	vst v52  }
0x5a2: {  	v23 =	vadd.s32 s24, v28;
	v5 =	vld.idx.msk [tilespmem:v63+s17+$0x0], $0xffff;
	[tilespmem:s22+$0x140] =	vst v54  }
0x5a3: {  	v24 =	vadd.s32 s24, v12;
	v16 =	vld.idx.msk [tilespmem:v20+s17+$0x0], $0xffff;
	[tilespmem:s22+$0xFFFFFF60] =	vst v1  }
0x5a4: {  	v47 =	vadd.s32 s19, v9;
	v15 =	vld.idx.msk [tilespmem:v21+s17+$0x0], $0xffff;
	[tilespmem:s22+$0xFFFFFF70] =	vst v2  }
0x5a5: {  	v26 =	vadd.s32 s25, v7;
	v0 =	vld.idx.msk [tilespmem:v58+s17+$0x0], $0xffff;
	[tilespmem:s22+$0xFFFFFF80] =	vst v3  }
0x5a6: {  	v27 =	vadd.s32 s25, v11;
	v17 =	vld.idx.msk [tilespmem:v22+s17+$0x0], $0xffff;
	[tilespmem:s22+$0xFFFFFF90] =	vst v4  }
0x5a7: {  	v29 =	vadd.s32 s25, v6;
	v14 =	vld.idx.msk [tilespmem:v23+s17+$0x0], $0xffff;
	[tilespmem:s22+$0xFFFFFFA0] =	vst v5  }
0x5a8: {  	v30 =	vadd.s32 s25, v10;
	v13 =	vld.idx.msk [tilespmem:v24+s17+$0x0], $0xffff;
	[tilespmem:s22+$0xFFFFFFB0] =	vst v16  }
0x5a9: {  	v31 =	vadd.s32 s25, v9;
	v56 =	vld.idx.msk [tilespmem:v47+s17+$0x0], $0xffff;
	[tilespmem:s22+$0xFFFFFFC0] =	vst v15  }
0x5aa: {  	v32 =	vadd.s32 s25, v28;
	v1 =	vld.idx.msk [tilespmem:v26+s17+$0x0], $0xffff;
	[tilespmem:s22+$0xFFFFFF50] =	vst v0  }
0x5ab: {  	v33 =	vadd.s32 s25, v12;
	v2 =	vld.idx.msk [tilespmem:v27+s17+$0x0], $0xffff;
	[tilespmem:s22+$0xFFFFFFD0] =	vst v17  }
0x5ac: {  	v59 =	vadd.s32 s14, v9;
	v3 =	vld.idx.msk [tilespmem:v29+s17+$0x0], $0xffff;
	[tilespmem:s22+$0xFFFFFFE0] =	vst v14  }
0x5ad: {  	v60 =	vadd.s32 s14, v28;
	v4 =	vld.idx.msk [tilespmem:v30+s17+$0x0], $0xffff;
	[tilespmem:s22+$0xFFFFFFF0] =	vst v13  }
0x5ae: {  	v25 =	vadd.s32 s25, v8;
	v5 =	vld.idx.msk [tilespmem:v31+s17+$0x0], $0xffff;
	[tilespmem:s22+$0x150] =	vst v56  }
0x5af: {  	v34 =	vadd.s32 s26, v8;
	v16 =	vld.idx.msk [tilespmem:v32+s17+$0x0], $0xffff;
	[tilespmem:s22+$0x10] =	vst v1  }
0x5b0: {  	v35 =	vadd.s32 s26, v7;
	v15 =	vld.idx.msk [tilespmem:v33+s17+$0x0], $0xffff;
	[tilespmem:s22+$0x20] =	vst v2  }
0x5b1: {  	v36 =	vadd.s32 s26, v11;
	v62 =	vld.idx.msk [tilespmem:v59+s17+$0x0], $0xffff;
	[tilespmem:s22+$0x30] =	vst v3  }
0x5b2: {  	v58 =	vadd.s32 s14, v10;
	v63 =	vld.idx.msk [tilespmem:v60+s17+$0x0], $0xffff;
	[tilespmem:s22+$0x40] =	vst v4  }
0x5b3: {  	v38 =	vadd.s32 s26, v10;
	v0 =	vld.idx.msk [tilespmem:v25+s17+$0x0], $0xffff;
	[tilespmem:s22+$0x50] =	vst v5  }
0x5b4: {  	v39 =	vadd.s32 s26, v9;
	v17 =	vld.idx.msk [tilespmem:v34+s17+$0x0], $0xffff;
	[tilespmem:s22+$0x60] =	vst v16  }
0x5b5: {  	v40 =	vadd.s32 s26, v28;
	v14 =	vld.idx.msk [tilespmem:v35+s17+$0x0], $0xffff;
	[tilespmem:s22+$0x70] =	vst v15  }
0x5b6: {  	v41 =	vadd.s32 s26, v12;
	v13 =	vld.idx.msk [tilespmem:v36+s17+$0x0], $0xffff;
	[tilespmem:s22+$0x1D0] =	vst v62  }
0x5b7: {  	v42 =	vadd.s32 s19, v8;
	v61 =	vld.idx.msk [tilespmem:v58+s17+$0x0], $0xffff;
	[tilespmem:s22+$0x1E0] =	vst v63  }
0x5b8: {  	v43 =	vadd.s32 s19, v7;
	v1 =	vld.idx.msk [tilespmem:v38+s17+$0x0], $0xffff;
	[tilespmem:s22+$0x0] =	vst v0  }
0x5b9: {  	v37 =	vadd.s32 s26, v6;
	v2 =	vld.idx.msk [tilespmem:v39+s17+$0x0], $0xffff;
	[tilespmem:s22+$0x80] =	vst v17  }
0x5ba: {  	v49 =	vadd.s32 s19, v12;
	v3 =	vld.idx.msk [tilespmem:v40+s17+$0x0], $0xffff;
	[tilespmem:s22+$0x90] =	vst v14  }
0x5bb: {  	v51 =	vadd.s32 s14, v8;
	v4 =	vld.idx.msk [tilespmem:v41+s17+$0x0], $0xffff;
	[tilespmem:s22+$0xA0] =	vst v13  }
0x5bc: {  	v53 =	vadd.s32 s14, v7;
	v5 =	vld.idx.msk [tilespmem:v42+s17+$0x0], $0xffff;
	[tilespmem:s22+$0x1C0] =	vst v61  }
0x5bd: {  	v55 =	vadd.s32 s14, v11;
	v16 =	vld.idx.msk [tilespmem:v43+s17+$0x0], $0xffff;
	[tilespmem:s22+$0xC0] =	vst v1  }
0x5be: {  	v57 =	vadd.s32 s14, v6;
	v0 =	vld.idx.msk [tilespmem:v37+s17+$0x0], $0xffff;
	[tilespmem:s22+$0xD0] =	vst v2  }
0x5bf: {  	v48 =	vadd.s32 s19, v28;
	[tilespmem:s22+$0xE0] =	vst v3;
	v1 =	vld.idx.msk [tilespmem:v49+s17+$0x0], $0xffff  }
0x5c0: {  	[tilespmem:s22+$0xF0] =	vst v4;
	v2 =	vld.idx.msk [tilespmem:v51+s17+$0x0], $0xffff  }
0x5c1: {  	[tilespmem:s22+$0x100] =	vst v5;
	v3 =	vld.idx.msk [tilespmem:v53+s17+$0x0], $0xffff  }
0x5c2: {  	[tilespmem:s22+$0x110] =	vst v16;
	v4 =	vld.idx.msk [tilespmem:v55+s17+$0x0], $0xffff  }
0x5c3: {  	v5 =	vld.idx.msk [tilespmem:v57+s17+$0x0], $0xffff;
	[tilespmem:s22+$0xB0] =	vst v0  }
0x5c4: {  	v0 =	vld.idx.msk [tilespmem:v48+s17+$0x0], $0xffff;
	[tilespmem:s22+$0x170] =	vst v1  }
0x5c5: {  	[tilespmem:s22+$0x180] =	vst v2  }
0x5c6: {  	s5 =	sshll.u32 s5, $0x12;
	[tilespmem:s22+$0x190] =	vst v3  }
0x5c7: {  	s5 =	sor.u32 s6, s5;
	[tilespmem:s22+$0x1A0] =	vst v4  }
0x5c8: {  	s5 =	sshrl.u32 s5, $0x3;
	[tilespmem:s22+$0x1B0] =	vst v5  }
0x5c9: {  	s20 =	simm.s32 $0xA100;
	s19 =	sadd.s32 s2, s5;
	[tilespmem:s22+$0x160] =	vst v0  }
0x5ca: {  	[hbm4b:s19+s3] =	stream.linear.scatter [tilespmem:s20], [sflag:$0x2], $0x400, $0x38;
	[tilespmem:$0xC100] =	vst v63  }
0x5cb: {  	s21 =	sadd.s32 s5, s7  }
0x5cc: {  	[hbm4b:s21+s3] =	stream.linear.scatter [tilespmem:s28], [sflag:$0x2], $0x400, $0x38;
	[tilespmem:$0xC100] =	vst v63  }
0x5cd: {  	s22 =	sadd.s32 s5, s8  }
0x5ce: {  	[hbm4b:s22+s3] =	stream.linear.scatter [tilespmem:s29], [sflag:$0x2], $0x400, $0x38;
	[tilespmem:$0xC100] =	vst v63  }
0x5cf: {  	s23 =	sadd.s32 s5, s9  }
0x5d0: {  	[hbm4b:s23+s3] =	stream.linear.scatter [tilespmem:s30], [sflag:$0x2], $0x400, $0x38;
	[tilespmem:$0xC100] =	vst v63  }
0x5d1: {  	s15 =	sadd.s32 $0x1, s15;
	s24 =	sadd.s32 s5, s10  }
0x5d2: {  	[hbm4b:s24+s3] =	stream.linear.scatter [tilespmem:s31], [sflag:$0x2], $0x400, $0x38;
	[tilespmem:$0xC100] =	vst v63  }
0x5d3: {  	p0 =	sne.s32 s15, $0x64;
	s25 =	sadd.s32 s5, s11  }
0x5d4: {  	[hbm4b:s25+s3] =	stream.linear.scatter [tilespmem:s1], [sflag:$0x2], $0x400, $0x38;
	[tilespmem:$0xC100] =	vst v63  }
.Ltmp2:
0x5d5: {  	_ = 	snop;
	(pc) =	sbr.rel @p0 .LBB2_2-.Ltmp2, $4  }
0x5d6: {  	s26 =	sadd.s32 s5, s12  }
0x5d7: {  	[hbm4b:s26+s3] =	stream.linear.scatter [tilespmem:s0], [sflag:$0x2], $0x400, $0x38;
	[tilespmem:$0xC100] =	vst v63  }
0x5d8: {  	s5 =	sadd.s32 s5, s13  }
0x5d9: {  	[hbm4b:s5+s3] =	stream.linear.scatter [tilespmem:s4], [sflag:$0x2], $0x400, $0x38;
	[tilespmem:$0xC100] =	vst v63  }
0x5da: {  	s5 =	simm.s32 $0x1  }
0x5db: {  	_ =	swait.ge [sflag:s5], $0x400  }
0x5dc: {  	[sflag:s5] =	ssyncset.done $0x0  }
0x5dd: {  	[sflag:s5] =	ssyncadd.s32 $0xFFFFFC00  }
0x5de: {  	_ =	swait.ge [sflag:s5], $0x400  }
0x5df: {  	[sflag:s5] =	ssyncset.done $0x0  }
0x5e0: {  	[sflag:s5] =	ssyncadd.s32 $0xFFFFFC00  }
0x5e1: {  	_ =	swait.ge [sflag:s5], $0x400  }
0x5e2: {  	[sflag:s5] =	ssyncset.done $0x0  }
0x5e3: {  	[sflag:s5] =	ssyncadd.s32 $0xFFFFFC00  }
0x5e4: {  	_ =	swait.ge [sflag:s5], $0x400  }
0x5e5: {  	[sflag:s5] =	ssyncset.done $0x0  }
0x5e6: {  	[sflag:s5] =	ssyncadd.s32 $0xFFFFFC00  }
0x5e7: {  	_ =	swait.ge [sflag:s5], $0x400  }
0x5e8: {  	[sflag:s5] =	ssyncset.done $0x0  }
0x5e9: {  	[sflag:s5] =	ssyncadd.s32 $0xFFFFFC00  }
0x5ea: {  	_ =	swait.ge [sflag:s5], $0x400  }
0x5eb: {  	[sflag:s5] =	ssyncset.done $0x0  }
0x5ec: {  	[sflag:s5] =	ssyncadd.s32 $0xFFFFFC00  }
0x5ed: {  	_ =	swait.ge [sflag:s5], $0x400  }
0x5ee: {  	[sflag:s5] =	ssyncset.done $0x0  }
0x5ef: {  	[sflag:s5] =	ssyncadd.s32 $0xFFFFFC00  }
0x5f0: {  	_ =	swait.ge [sflag:s5], $0x400  }
0x5f1: {  	[sflag:s5] =	ssyncset.done $0x0  }
0x5f2: {  	s14 =	simm.s32 $0x2;
	[sflag:s5] =	ssyncadd.s32 $0xFFFFFC00  }
0x5f3: {  	_ =	swait.ge [sflag:s14], $0x400  }
0x5f4: {  	[sflag:s14] =	ssyncset.done $0x0  }
0x5f5: {  	[sflag:s14] =	ssyncadd.s32 $0xFFFFFC00  }
0x5f6: {  	_ =	swait.ge [sflag:s14], $0x400  }
0x5f7: {  	[sflag:s14] =	ssyncset.done $0x0  }
0x5f8: {  	[sflag:s14] =	ssyncadd.s32 $0xFFFFFC00  }
0x5f9: {  	_ =	swait.ge [sflag:s14], $0x400  }
0x5fa: {  	[sflag:s14] =	ssyncset.done $0x0  }
0x5fb: {  	[sflag:s14] =	ssyncadd.s32 $0xFFFFFC00  }
0x5fc: {  	_ =	swait.ge [sflag:s14], $0x400  }
0x5fd: {  	[sflag:s14] =	ssyncset.done $0x0  }
0x5fe: {  	[sflag:s14] =	ssyncadd.s32 $0xFFFFFC00  }
0x5ff: {  	_ =	swait.ge [sflag:s14], $0x400  }
0x600: {  	[sflag:s14] =	ssyncset.done $0x0  }
0x601: {  	[sflag:s14] =	ssyncadd.s32 $0xFFFFFC00  }
0x602: {  	_ =	swait.ge [sflag:s14], $0x400  }
0x603: {  	[sflag:s14] =	ssyncset.done $0x0  }
0x604: {  	[sflag:s14] =	ssyncadd.s32 $0xFFFFFC00  }
0x605: {  	_ =	swait.ge [sflag:s14], $0x400  }
0x606: {  	[sflag:s14] =	ssyncset.done $0x0  }
0x607: {  	[sflag:s14] =	ssyncadd.s32 $0xFFFFFC00  }
0x608: {  	_ =	swait.ge [sflag:s14], $0x400  }
0x609: {  	s15 =	rddreg [dreg:$0x6]  }
0x60a: {  	s26 =	rddreg [dreg:$0x5];
	s15 =	sadd.s32 $0x1, s15  }
0x60b: {  	p0 =	sne.s32 s15, s26  }
.Ltmp3:
0x60c: {  	_ = 	snop;
	(pc) =	sbr.rel @p0 .LBB2_1-.Ltmp3, $3  }
0x60d: {  	_ =	sdelay $0x1  }
0x60e: {  	[sflag:s14] =	ssyncset.done $0x0  }
0x60f: {  	[sflag:s14] =	ssyncadd.s32 $0xFFFFFC00  }
0x610: {  	_ =	sfence.sel $0x180000  }
0x611: {  	[bflag:$0x0] =	sbarrier.arrive $0xFFFF  }
0x612: {  	_ =	strace $0x90000047  }
0x613: {  	s0 =	stileid.u32;
	[bflag:$0x2] =	sbarrier.arrive $0xFFFF  }
0x614: {  	p0 =	sne.s32 s0, $0x0;
	s0 =	rddreg [dreg:$0x2]  }
0x615: {  	s0 =	sadd.s32 @!p0 $0x100000, s0  }
0x616: {  	[sflag:s0] =	ssyncadd.tile.s32 @!p0 $0x1;
	_ =	shalt  }
.Lfunc_end2:
_tile_overlayer_lowered:
.L_overlay_start_2:
0x617: {  	(tag) =	ssettag $0x2  }
0x618: {  	s0 =	rddreg [dreg:$0x0];
	s2 =	stileid.u32  }
0x619: {  	s1 =	rddreg [dreg:$0x1];
	p0 =	sne.s32 s2, $0x0  }
0x61a: {  	s3 =	rddreg [dreg:$0x2];
	[bflag:$0x3] =	sbarrier.arrive $0xFFFF;
	s2 =	simm.s32 @!p0 $0x1C03  }
0x61b: {  	[timem:s3], [sflag:s2] =	dma.local @!p0 [hbm:s0], s1  }
0x61c: {  	s0 =	simm.s32 @!p0 $0x3  }
0x61d: {  	_ =	swait.ge @!p0 [sflag:s0], s1  }
0x61e: {  	s1 =	ssub.s32 @!p0 $0x0, s1;
	[sflag:s0] =	ssyncset.done @!p0 $0x0  }
0x61f: {  	[sflag:s0] =	ssyncadd.s32 @!p0 s1  }
0x620: {  	[bflag:$0x3] =	sbarrier.arrive $0xFFFF  }
0x621: {  	_ =	shalt  }

</sc_bundles>
